<compile_context>
chip_gen: v7x
topology: tpu7x:2x2x1
jax: 0.10.2.dev20260603
libtpu: 0.0.44.dev20260713+nightly
codegen_flags: <defaults>
</compile_context>

<pallas_src>
import functools

import jax
import jax.numpy as jnp
from jax import lax
from jax.experimental import pallas as pl
from jax.experimental.pallas import tpu as pltpu
from jax.experimental.pallas import tpu_sc as plsc

N = 10000
NR = 10240
F = 64
E = 320000
CH = 128
NCH = 160
NCHD = NCH // 2
E_PAD = 16 * NCH * CH
RPS = NR // 16
NBUF = 8
FH = F // 2

_MESH = plsc.VectorSubcoreMesh(
    core_axis_name="c", subcore_axis_name="s", num_cores=2, num_subcores=16
)
_SC_PARAMS = pltpu.CompilerParams(use_tc_tiling_on_sc=False)



@functools.partial(
    pl.kernel,
    out_type=jax.ShapeDtypeStruct((2, NR, 16), jnp.float32),
    mesh=_MESH,
    scratch_types=[
        pltpu.VMEM((NCHD, CH), jnp.int32),
        pltpu.VMEM((CH, 16), jnp.float32),
        pltpu.VMEM_SHARED((NR, 16), jnp.float32),
    ],
    compiler_params=_SC_PARAMS,
)
def _deg_counts(dsts_hbm, zeros_hbm, ones_hbm, out_hbm, dst_v, ones_v, acc):
    c = lax.axis_index("c")
    s = lax.axis_index("s")
    pltpu.sync_copy(zeros_hbm.at[pl.ds(s * RPS, RPS)], acc.at[pl.ds(s * RPS, RPS)])
    pltpu.sync_copy(dsts_hbm.at[s, pl.ds(c * NCHD, NCHD)], dst_v)
    pltpu.sync_copy(ones_hbm, ones_v)
    plsc.subcore_barrier()

    @pl.loop(0, NCHD)
    def _(j):
        pltpu.sync_copy(ones_v, acc.at[dst_v.at[j]], add=True)

    plsc.subcore_barrier()
    pltpu.sync_copy(acc.at[pl.ds(s * RPS, RPS)], out_hbm.at[c, pl.ds(s * RPS, RPS)])


@functools.partial(
    pl.kernel,
    out_type=jax.ShapeDtypeStruct((NR, F), jnp.float32),
    mesh=_MESH,
    scratch_types=[
        pltpu.VMEM((NCH, CH), jnp.int32),
        pltpu.VMEM((NCH, CH), jnp.int32),
        [pltpu.VMEM((CH, FH), jnp.float32)] * NBUF,
        pltpu.VMEM_SHARED((NR, FH), jnp.float32),
        pltpu.VMEM_SHARED((NR, FH), jnp.float32),
        [pltpu.SemaphoreType.DMA] * NBUF,
        [pltpu.SemaphoreType.DMA] * NBUF,
    ],
    compiler_params=_SC_PARAMS,
)
def _agg_pass(z_hbm, srcs_hbm, dsts_hbm, out_hbm,
              src_v, dst_v, rows, acc, ztab, gsems, ssems):
    c = lax.axis_index("c")
    s = lax.axis_index("s")
    pro = [
        pltpu.async_copy(srcs_hbm.at[s], src_v, ssems[0]),
        pltpu.async_copy(dsts_hbm.at[s], dst_v, ssems[1]),
        pltpu.async_copy(z_hbm.at[pl.ds(s * RPS, RPS), pl.ds(c * FH, FH)],
                         acc.at[pl.ds(s * RPS, RPS)], ssems[2]),
        pltpu.async_copy(z_hbm.at[pl.ds(s * RPS, RPS), pl.ds(c * FH, FH)],
                         ztab.at[pl.ds(s * RPS, RPS)], ssems[3]),
    ]
    for cp in pro:
        cp.wait()
    plsc.subcore_barrier()

    for b in range(NBUF):
        pltpu.async_copy(ztab.at[src_v.at[b]], rows[b], gsems[b])

    @pl.loop(0, NCH, step=NBUF)
    def _(j):
        scat = []
        for b in range(NBUF):
            pltpu.make_async_copy(ztab.at[src_v.at[j + b]], rows[b], gsems[b]).wait()
            scat.append(pltpu.async_copy(rows[b], acc.at[dst_v.at[j + b]],
                                         ssems[b], add=True))
        for b in range(NBUF):
            scat[b].wait()

            @pl.when(j + NBUF + b < NCH)
            def _():
                pltpu.async_copy(ztab.at[src_v.at[j + NBUF + b]], rows[b], gsems[b])

    plsc.subcore_barrier()
    pltpu.sync_copy(acc.at[pl.ds(s * RPS, RPS)],
                    out_hbm.at[pl.ds(s * RPS, RPS), pl.ds(c * FH, FH)])



BLK = NR
GRID = NR // BLK

def _dinv(cnt):
    return lax.rsqrt(1.0 + cnt[0, :, :1] + cnt[1, :, :1])


def _body_a(cnt_ref, x_ref, w1_ref, z1_ref):
    d = _dinv(cnt_ref[...])
    t = jnp.dot(x_ref[...], w1_ref[...], preferred_element_type=jnp.float32)
    z1_ref[...] = d * t


def _body_b(cnt_ref, u_ref, b_ref, out_ref):
    d = _dinv(cnt_ref[...])
    h = jnp.maximum(d * u_ref[...] + b_ref[...], 0.0)
    out_ref[...] = d * h


def _body_c(cnt_ref, u_ref, w2_ref, b2_ref, w3_ref, out_ref):
    d = _dinv(cnt_ref[...])
    a2 = d * u_ref[...]
    h2 = jnp.maximum(
        jnp.dot(a2, w2_ref[...], preferred_element_type=jnp.float32) + b2_ref[...], 0.0)
    t3 = jnp.dot(h2, w3_ref[...], preferred_element_type=jnp.float32)
    out_ref[...] = d * t3


def _body_e(cnt_ref, u_ref, wmu_ref, bmu_ref, wls_ref, bls_ref,
            mu_ref, ls_ref):
    d = _dinv(cnt_ref[...])
    a4 = d * u_ref[...]
    mu_ref[...] = jnp.dot(a4, wmu_ref[...], preferred_element_type=jnp.float32) + bmu_ref[...]
    ls_ref[...] = jnp.dot(a4, wls_ref[...], preferred_element_type=jnp.float32) + bls_ref[...]


def _row_spec(width):
    return pl.BlockSpec((BLK, width), lambda i: (i, 0))


def _cnt_spec():
    return pl.BlockSpec((2, BLK, 16), lambda i: (0, i, 0))


def _full_spec(shape):
    nd = len(shape)
    return pl.BlockSpec(shape, lambda i: (0,) * nd)


def _tc_a(cnt, x, w1):
    return pl.pallas_call(
        _body_a,
        grid=(GRID,),
        in_specs=[_cnt_spec(), _row_spec(128), _full_spec((128, F))],
        out_specs=_row_spec(F),
        out_shape=jax.ShapeDtypeStruct((NR, F), jnp.float32),
    )(cnt, x, w1)


def _tc_b(cnt, u, b):
    return pl.pallas_call(
        _body_b,
        grid=(GRID,),
        in_specs=[_cnt_spec(), _row_spec(F), _full_spec((1, F))],
        out_specs=_row_spec(F),
        out_shape=jax.ShapeDtypeStruct((NR, F), jnp.float32),
    )(cnt, u, b)


def _tc_c(cnt, u, w2, b2, w3):
    return pl.pallas_call(
        _body_c,
        grid=(GRID,),
        in_specs=[_cnt_spec(), _row_spec(F), _full_spec((F, 128)),
                  _full_spec((1, 128)), _full_spec((128, F))],
        out_specs=_row_spec(F),
        out_shape=jax.ShapeDtypeStruct((NR, F), jnp.float32),
    )(cnt, u, w2, b2, w3)


def _tc_e(cnt, u, wmu, bmu, wls, bls):
    return pl.pallas_call(
        _body_e,
        grid=(GRID,),
        in_specs=[_cnt_spec(), _row_spec(F), _full_spec((F, 32)),
                  _full_spec((1, 32)), _full_spec((F, 32)), _full_spec((1, 32))],
        out_specs=[_row_spec(32), _row_spec(32)],
        out_shape=[jax.ShapeDtypeStruct((N, 32), jnp.float32),
                   jax.ShapeDtypeStruct((N, 32), jnp.float32)],
    )(cnt, u, wmu, bmu, wls, bls)



def kernel(x, edge_index, W1, b1, W2, b2, W3, b3, Wmu, bmu, Wls, bls):
    src = edge_index[0].astype(jnp.int32)
    dst = edge_index[1].astype(jnp.int32)
    pad = E_PAD - E
    srcs = jnp.concatenate([src, jnp.zeros((pad,), jnp.int32)]).reshape(16, NCH, CH)
    dsts = jnp.concatenate([dst, jnp.full((pad,), N, jnp.int32)]).reshape(16, NCH, CH)

    zeros16 = jnp.zeros((NR, 16), jnp.float32)
    ones_rows = jnp.ones((CH, 16), jnp.float32)
    cnt = _deg_counts(dsts, zeros16, ones_rows)

    z1 = _tc_a(cnt, x, W1)
    u1 = _agg_pass(z1, srcs, dsts)
    z2 = _tc_b(cnt, u1, b1.reshape(1, F))
    u2 = _agg_pass(z2, srcs, dsts)
    z3 = _tc_c(cnt, u2, W2, b2.reshape(1, 128), W3)
    u3 = _agg_pass(z3, srcs, dsts)
    z4 = _tc_b(cnt, u3, b3.reshape(1, F))
    u4 = _agg_pass(z4, srcs, dsts)
    mu, ls = _tc_e(cnt, u4, Wmu, bmu.reshape(1, 32), Wls, bls.reshape(1, 32))
    return (mu, ls)

# --- scband reference (transcript-rebuilt; emitter-appended) ---
"""Pipeline reference for scband-gcnencoder-33870112096801 (READ-ONLY COPY).

The authoritative reference and input builder live on the scoring server;
editing this copy changes nothing except your own understanding.
"""

import jax, jax.numpy as jnp
import numpy as np

N = 10000
E = 320000


def gcn_conv(x, src, dst, w, b, n):
    # PyG GCNConv with normalize=True, add_self_loops already applied to src/dst
    ew = jnp.ones(src.shape[0], dtype=x.dtype)
    deg = jax.ops.segment_sum(ew, dst, num_segments=n)
    dinv = jnp.where(deg > 0, jax.lax.rsqrt(deg), 0.0)
    norm = dinv[src] * dinv[dst]
    xw = x @ w
    msg = xw[src] * norm[:, None]
    out = jax.ops.segment_sum(msg, dst, num_segments=n)
    return out + b


def setup_inputs(seed: int = 0) -> dict:
    key = jax.random.key(seed)
    ks = jax.random.split(key, 12)
    x = jax.random.normal(ks[0], (N, 128), dtype=jnp.float32)
    edge_index = jax.random.randint(ks[1], (2, E), 0, N, dtype=jnp.int64)
    def glorot(k, fi, fo):
        lim = np.sqrt(6.0 / (fi + fo))
        return jax.random.uniform(k, (fi, fo), dtype=jnp.float32, minval=-lim, maxval=lim)
    return {
        "x": x,
        "edge_index": edge_index,
        "W1": glorot(ks[2], 128, 64), "b1": jnp.zeros((64,), jnp.float32),
        "W2": glorot(ks[3], 64, 128), "b2": jnp.zeros((128,), jnp.float32),
        "W3": glorot(ks[4], 128, 64), "b3": jnp.zeros((64,), jnp.float32),
        "Wmu": glorot(ks[5], 64, 32), "bmu": jnp.zeros((32,), jnp.float32),
        "Wls": glorot(ks[6], 64, 32), "bls": jnp.zeros((32,), jnp.float32),
    }


def reference(x, edge_index, W1, b1, W2, b2, W3, b3, Wmu, bmu, Wls, bls):
    loop = jnp.arange(N, dtype=edge_index.dtype)
    src = jnp.concatenate([edge_index[0], loop])
    dst = jnp.concatenate([edge_index[1], loop])
    h = jax.nn.relu(gcn_conv(x, src, dst, W1, b1, N))
    # dropout p=0.5 is identity in eval mode (training=False)
    h = jax.nn.relu(gcn_conv(h, src, dst, W2, b2, N))
    h = jax.nn.relu(gcn_conv(h, src, dst, W3, b3, N))
    mu = gcn_conv(h, src, dst, Wmu, bmu, N)
    logstd = gcn_conv(h, src, dst, Wls, bls, N)
    return (mu, logstd)

if __name__ == "__main__":
    import jax
    _d = setup_inputs()
    print(jax.jit(kernel)(*tuple(_d.values())))

</pallas_src>

<mosaic_0001>
#map = affine_map<(d0, d1) -> (0, 0)>
#map1 = affine_map<(d0, d1) -> (0, 0, 0)>
module attributes {stable_mosaic.version = 14 : i64} {
  func.func @_agg_pass(%arg0: i32, %arg1: i32, %arg2: memref<10240x64xf32, #tpu.memory_space<hbm>>, %arg3: memref<16x160x128xi32, #tpu.memory_space<hbm>>, %arg4: memref<16x160x128xi32, #tpu.memory_space<hbm>>, %arg5: memref<10240x64xf32, #tpu.memory_space<hbm>>, %arg6: memref<160x128xi32, #tpu.memory_space<vmem>>, %arg7: memref<160x128xi32, #tpu.memory_space<vmem>>, %arg8: memref<128x32xf32, #tpu.memory_space<vmem>>, %arg9: memref<128x32xf32, #tpu.memory_space<vmem>>, %arg10: memref<128x32xf32, #tpu.memory_space<vmem>>, %arg11: memref<128x32xf32, #tpu.memory_space<vmem>>, %arg12: memref<128x32xf32, #tpu.memory_space<vmem>>, %arg13: memref<128x32xf32, #tpu.memory_space<vmem>>, %arg14: memref<128x32xf32, #tpu.memory_space<vmem>>, %arg15: memref<128x32xf32, #tpu.memory_space<vmem>>, %arg16: memref<10240x32xf32, #tpu.memory_space<vmem_shared>>, %arg17: memref<10240x32xf32, #tpu.memory_space<vmem_shared>>, %arg18: memref<!tpu.dma_semaphore, #tpu.memory_space<semaphore_mem>>, %arg19: memref<!tpu.dma_semaphore, #tpu.memory_space<semaphore_mem>>, %arg20: memref<!tpu.dma_semaphore, #tpu.memory_space<semaphore_mem>>, %arg21: memref<!tpu.dma_semaphore, #tpu.memory_space<semaphore_mem>>, %arg22: memref<!tpu.dma_semaphore, #tpu.memory_space<semaphore_mem>>, %arg23: memref<!tpu.dma_semaphore, #tpu.memory_space<semaphore_mem>>, %arg24: memref<!tpu.dma_semaphore, #tpu.memory_space<semaphore_mem>>, %arg25: memref<!tpu.dma_semaphore, #tpu.memory_space<semaphore_mem>>, %arg26: memref<!tpu.dma_semaphore, #tpu.memory_space<semaphore_mem>>, %arg27: memref<!tpu.dma_semaphore, #tpu.memory_space<semaphore_mem>>, %arg28: memref<!tpu.dma_semaphore, #tpu.memory_space<semaphore_mem>>, %arg29: memref<!tpu.dma_semaphore, #tpu.memory_space<semaphore_mem>>, %arg30: memref<!tpu.dma_semaphore, #tpu.memory_space<semaphore_mem>>, %arg31: memref<!tpu.dma_semaphore, #tpu.memory_space<semaphore_mem>>, %arg32: memref<!tpu.dma_semaphore, #tpu.memory_space<semaphore_mem>>, %arg33: memref<!tpu.dma_semaphore, #tpu.memory_space<semaphore_mem>>) attributes {dimension_semantics = [#tpu.dimension_semantics<core_parallel>, #tpu.dimension_semantics<subcore_parallel>], iteration_bounds = array<i64: 2, 16>, scalar_prefetch = 0 : i64, scratch_operands = 28 : i64, tpu.core_type = #tpu.core_type<sc_vector_subcore>, window_params = [{transform_indices = #map}, {transform_indices = #map1}, {transform_indices = #map1}, {transform_indices = #map}]} {
    %dma_start3A = arith.constant 0 : i32
    %dma_start3A_0 = arith.constant 0 : i32
    %dma_start3A_1 = tpu.memref_slice %arg3[%arg1, %dma_start3A, %dma_start3A_0] : memref<16x160x128xi32, #tpu.memory_space<hbm>> -> memref<1x160x128xi32, #tpu.memory_space<hbm>>
    %dma_start3A_2 = tpu.memref_squeeze %dma_start3A_1 : memref<1x160x128xi32, #tpu.memory_space<hbm>> -> memref<160x128xi32, #tpu.memory_space<hbm>>
    %dma_start3A_3 = arith.constant 0 : i32
    %dma_start3A_4 = arith.constant 0 : i32
    %dma_start3A_5 = tpu.memref_slice %arg3[%arg1, %dma_start3A_3, %dma_start3A_4] : memref<16x160x128xi32, #tpu.memory_space<hbm>> -> memref<1x160x128xi32, #tpu.memory_space<hbm>>
    %dma_start3A_6 = tpu.memref_squeeze %dma_start3A_5 : memref<1x160x128xi32, #tpu.memory_space<hbm>> -> memref<160x128xi32, #tpu.memory_space<hbm>>
    tpu.enqueue_dma source(%dma_start3A_6 : memref<160x128xi32, #tpu.memory_space<hbm>>) target(%arg6 : memref<160x128xi32, #tpu.memory_space<vmem>>) target_semaphore(%arg26 : memref<!tpu.dma_semaphore, #tpu.memory_space<semaphore_mem>>)
    %dma_start3A_7 = arith.constant 0 : i32
    %dma_start3A_8 = arith.constant 0 : i32
    %dma_start3A_9 = tpu.memref_slice %arg4[%arg1, %dma_start3A_7, %dma_start3A_8] : memref<16x160x128xi32, #tpu.memory_space<hbm>> -> memref<1x160x128xi32, #tpu.memory_space<hbm>>
    %dma_start3A_10 = tpu.memref_squeeze %dma_start3A_9 : memref<1x160x128xi32, #tpu.memory_space<hbm>> -> memref<160x128xi32, #tpu.memory_space<hbm>>
    %dma_start3A_11 = arith.constant 0 : i32
    %dma_start3A_12 = arith.constant 0 : i32
    %dma_start3A_13 = tpu.memref_slice %arg4[%arg1, %dma_start3A_11, %dma_start3A_12] : memref<16x160x128xi32, #tpu.memory_space<hbm>> -> memref<1x160x128xi32, #tpu.memory_space<hbm>>
    %dma_start3A_14 = tpu.memref_squeeze %dma_start3A_13 : memref<1x160x128xi32, #tpu.memory_space<hbm>> -> memref<160x128xi32, #tpu.memory_space<hbm>>
    tpu.enqueue_dma source(%dma_start3A_14 : memref<160x128xi32, #tpu.memory_space<hbm>>) target(%arg7 : memref<160x128xi32, #tpu.memory_space<vmem>>) target_semaphore(%arg27 : memref<!tpu.dma_semaphore, #tpu.memory_space<semaphore_mem>>)
    %mul3A = arith.constant 640 : i32
    %mul3A_15 = arith.muli %arg1, %mul3A : i32
    %mul3A_16 = arith.constant 32 : i32
    %mul3A_17 = arith.muli %arg0, %mul3A_16 : i32
    %mul3A_18 = arith.constant 640 : i32
    %mul3A_19 = arith.muli %arg1, %mul3A_18 : i32
    %dma_start3A_20 = arith.constant 0 : i32
    %dma_start3A_21 = tpu.memref_slice %arg16[%mul3A_19, %dma_start3A_20] : memref<10240x32xf32, #tpu.memory_space<vmem_shared>> -> memref<640x32xf32, #tpu.memory_space<vmem_shared>>
    %dma_start3A_22 = tpu.memref_slice %arg2[%mul3A_15, %mul3A_17] : memref<10240x64xf32, #tpu.memory_space<hbm>> -> memref<640x32xf32, #tpu.memory_space<hbm>>
    tpu.enqueue_dma source(%dma_start3A_22 : memref<640x32xf32, #tpu.memory_space<hbm>>) target(%dma_start3A_21 : memref<640x32xf32, #tpu.memory_space<vmem_shared>>) target_semaphore(%arg28 : memref<!tpu.dma_semaphore, #tpu.memory_space<semaphore_mem>>)
    %mul3A_23 = arith.constant 640 : i32
    %mul3A_24 = arith.muli %arg1, %mul3A_23 : i32
    %mul3A_25 = arith.constant 32 : i32
    %mul3A_26 = arith.muli %arg0, %mul3A_25 : i32
    %mul3A_27 = arith.constant 640 : i32
    %mul3A_28 = arith.muli %arg1, %mul3A_27 : i32
    %dma_start3A_29 = arith.constant 0 : i32
    %dma_start3A_30 = tpu.memref_slice %arg17[%mul3A_28, %dma_start3A_29] : memref<10240x32xf32, #tpu.memory_space<vmem_shared>> -> memref<640x32xf32, #tpu.memory_space<vmem_shared>>
    %dma_start3A_31 = tpu.memref_slice %arg2[%mul3A_24, %mul3A_26] : memref<10240x64xf32, #tpu.memory_space<hbm>> -> memref<640x32xf32, #tpu.memory_space<hbm>>
    tpu.enqueue_dma source(%dma_start3A_31 : memref<640x32xf32, #tpu.memory_space<hbm>>) target(%dma_start3A_30 : memref<640x32xf32, #tpu.memory_space<vmem_shared>>) target_semaphore(%arg29 : memref<!tpu.dma_semaphore, #tpu.memory_space<semaphore_mem>>)
    %dma_wait3A = arith.constant 0 : i32
    %dma_wait3A_32 = arith.constant 0 : i32
    %dma_wait3A_33 = tpu.memref_slice %arg3[%arg1, %dma_wait3A, %dma_wait3A_32] : memref<16x160x128xi32, #tpu.memory_space<hbm>> -> memref<1x160x128xi32, #tpu.memory_space<hbm>>
    %dma_wait3A_34 = tpu.memref_squeeze %dma_wait3A_33 : memref<1x160x128xi32, #tpu.memory_space<hbm>> -> memref<160x128xi32, #tpu.memory_space<hbm>>
    %dma_wait3A_35 = arith.constant 0 : i32
    %dma_wait3A_36 = arith.constant 0 : i32
    %dma_wait3A_37 = tpu.memref_slice %arg3[%arg1, %dma_wait3A_35, %dma_wait3A_36] : memref<16x160x128xi32, #tpu.memory_space<hbm>> -> memref<1x160x128xi32, #tpu.memory_space<hbm>>
    %dma_wait3A_38 = tpu.memref_squeeze %dma_wait3A_37 : memref<1x160x128xi32, #tpu.memory_space<hbm>> -> memref<160x128xi32, #tpu.memory_space<hbm>>
    tpu.wait_dma2 semaphore(%arg26 : memref<!tpu.dma_semaphore, #tpu.memory_space<semaphore_mem>>) src(%dma_wait3A_38 : memref<160x128xi32, #tpu.memory_space<hbm>>) dst(%arg6 : memref<160x128xi32, #tpu.memory_space<vmem>>)
    %dma_wait3A_39 = arith.constant 0 : i32
    %dma_wait3A_40 = arith.constant 0 : i32
    %dma_wait3A_41 = tpu.memref_slice %arg4[%arg1, %dma_wait3A_39, %dma_wait3A_40] : memref<16x160x128xi32, #tpu.memory_space<hbm>> -> memref<1x160x128xi32, #tpu.memory_space<hbm>>
    %dma_wait3A_42 = tpu.memref_squeeze %dma_wait3A_41 : memref<1x160x128xi32, #tpu.memory_space<hbm>> -> memref<160x128xi32, #tpu.memory_space<hbm>>
    %dma_wait3A_43 = arith.constant 0 : i32
    %dma_wait3A_44 = arith.constant 0 : i32
    %dma_wait3A_45 = tpu.memref_slice %arg4[%arg1, %dma_wait3A_43, %dma_wait3A_44] : memref<16x160x128xi32, #tpu.memory_space<hbm>> -> memref<1x160x128xi32, #tpu.memory_space<hbm>>
    %dma_wait3A_46 = tpu.memref_squeeze %dma_wait3A_45 : memref<1x160x128xi32, #tpu.memory_space<hbm>> -> memref<160x128xi32, #tpu.memory_space<hbm>>
    tpu.wait_dma2 semaphore(%arg27 : memref<!tpu.dma_semaphore, #tpu.memory_space<semaphore_mem>>) src(%dma_wait3A_46 : memref<160x128xi32, #tpu.memory_space<hbm>>) dst(%arg7 : memref<160x128xi32, #tpu.memory_space<vmem>>)
    %dma_wait3A_47 = arith.constant 0 : i32
    %dma_wait3A_48 = tpu.memref_slice %arg16[%mul3A_19, %dma_wait3A_47] : memref<10240x32xf32, #tpu.memory_space<vmem_shared>> -> memref<640x32xf32, #tpu.memory_space<vmem_shared>>
    %dma_wait3A_49 = tpu.memref_slice %arg2[%mul3A_15, %mul3A_17] : memref<10240x64xf32, #tpu.memory_space<hbm>> -> memref<640x32xf32, #tpu.memory_space<hbm>>
    tpu.wait_dma2 semaphore(%arg28 : memref<!tpu.dma_semaphore, #tpu.memory_space<semaphore_mem>>) src(%dma_wait3A_49 : memref<640x32xf32, #tpu.memory_space<hbm>>) dst(%dma_wait3A_48 : memref<640x32xf32, #tpu.memory_space<vmem_shared>>)
    %dma_wait3A_50 = arith.constant 0 : i32
    %dma_wait3A_51 = tpu.memref_slice %arg17[%mul3A_28, %dma_wait3A_50] : memref<10240x32xf32, #tpu.memory_space<vmem_shared>> -> memref<640x32xf32, #tpu.memory_space<vmem_shared>>
    %dma_wait3A_52 = tpu.memref_slice %arg2[%mul3A_24, %mul3A_26] : memref<10240x64xf32, #tpu.memory_space<hbm>> -> memref<640x32xf32, #tpu.memory_space<hbm>>
    tpu.wait_dma2 semaphore(%arg29 : memref<!tpu.dma_semaphore, #tpu.memory_space<semaphore_mem>>) src(%dma_wait3A_52 : memref<640x32xf32, #tpu.memory_space<hbm>>) dst(%dma_wait3A_51 : memref<640x32xf32, #tpu.memory_space<vmem_shared>>)
    %barrier3A = arith.constant 0 : index
    tpu.barrier barrier_id(%barrier3A)
    %dma_start3A_53 = arith.constant 0 : i32
    %dma_start3A_54 = arith.constant 0 : i32
    %dma_start3A_55 = tpu.memref_slice %arg6[%dma_start3A_53, %dma_start3A_54] : memref<160x128xi32, #tpu.memory_space<vmem>> -> memref<1x128xi32, #tpu.memory_space<vmem>>
    %dma_start3A_56 = tpu.memref_squeeze %dma_start3A_55 : memref<1x128xi32, #tpu.memory_space<vmem>> -> memref<128xi32, #tpu.memory_space<vmem>>
    %dma_start3A_57 = arith.constant 0 : i32
    %dma_start3A_58 = arith.constant 0 : i32
    %dma_start3A_59 = tpu.memref_slice %arg17[%dma_start3A_57, %dma_start3A_58] : memref<10240x32xf32, #tpu.memory_space<vmem_shared>> -> memref<10240x32xf32, #tpu.memory_space<vmem_shared>>
    tpu.enqueue_indirect_dma source(%dma_start3A_59 : memref<10240x32xf32, #tpu.memory_space<vmem_shared>>) target(%arg8 : memref<128x32xf32, #tpu.memory_space<vmem>>) offsets(%dma_start3A_56 : memref<128xi32, #tpu.memory_space<vmem>>) semaphore(%arg18 : memref<!tpu.dma_semaphore, #tpu.memory_space<semaphore_mem>>)
    %dma_start3A_60 = arith.constant 1 : i32
    %dma_start3A_61 = arith.constant 0 : i32
    %dma_start3A_62 = tpu.memref_slice %arg6[%dma_start3A_60, %dma_start3A_61] : memref<160x128xi32, #tpu.memory_space<vmem>> -> memref<1x128xi32, #tpu.memory_space<vmem>>
    %dma_start3A_63 = tpu.memref_squeeze %dma_start3A_62 : memref<1x128xi32, #tpu.memory_space<vmem>> -> memref<128xi32, #tpu.memory_space<vmem>>
    %dma_start3A_64 = arith.constant 0 : i32
    %dma_start3A_65 = arith.constant 0 : i32
    %dma_start3A_66 = tpu.memref_slice %arg17[%dma_start3A_64, %dma_start3A_65] : memref<10240x32xf32, #tpu.memory_space<vmem_shared>> -> memref<10240x32xf32, #tpu.memory_space<vmem_shared>>
    tpu.enqueue_indirect_dma source(%dma_start3A_66 : memref<10240x32xf32, #tpu.memory_space<vmem_shared>>) target(%arg9 : memref<128x32xf32, #tpu.memory_space<vmem>>) offsets(%dma_start3A_63 : memref<128xi32, #tpu.memory_space<vmem>>) semaphore(%arg19 : memref<!tpu.dma_semaphore, #tpu.memory_space<semaphore_mem>>)
    %dma_start3A_67 = arith.constant 2 : i32
    %dma_start3A_68 = arith.constant 0 : i32
    %dma_start3A_69 = tpu.memref_slice %arg6[%dma_start3A_67, %dma_start3A_68] : memref<160x128xi32, #tpu.memory_space<vmem>> -> memref<1x128xi32, #tpu.memory_space<vmem>>
    %dma_start3A_70 = tpu.memref_squeeze %dma_start3A_69 : memref<1x128xi32, #tpu.memory_space<vmem>> -> memref<128xi32, #tpu.memory_space<vmem>>
    %dma_start3A_71 = arith.constant 0 : i32
    %dma_start3A_72 = arith.constant 0 : i32
    %dma_start3A_73 = tpu.memref_slice %arg17[%dma_start3A_71, %dma_start3A_72] : memref<10240x32xf32, #tpu.memory_space<vmem_shared>> -> memref<10240x32xf32, #tpu.memory_space<vmem_shared>>
    tpu.enqueue_indirect_dma source(%dma_start3A_73 : memref<10240x32xf32, #tpu.memory_space<vmem_shared>>) target(%arg10 : memref<128x32xf32, #tpu.memory_space<vmem>>) offsets(%dma_start3A_70 : memref<128xi32, #tpu.memory_space<vmem>>) semaphore(%arg20 : memref<!tpu.dma_semaphore, #tpu.memory_space<semaphore_mem>>)
    %dma_start3A_74 = arith.constant 3 : i32
    %dma_start3A_75 = arith.constant 0 : i32
    %dma_start3A_76 = tpu.memref_slice %arg6[%dma_start3A_74, %dma_start3A_75] : memref<160x128xi32, #tpu.memory_space<vmem>> -> memref<1x128xi32, #tpu.memory_space<vmem>>
    %dma_start3A_77 = tpu.memref_squeeze %dma_start3A_76 : memref<1x128xi32, #tpu.memory_space<vmem>> -> memref<128xi32, #tpu.memory_space<vmem>>
    %dma_start3A_78 = arith.constant 0 : i32
    %dma_start3A_79 = arith.constant 0 : i32
    %dma_start3A_80 = tpu.memref_slice %arg17[%dma_start3A_78, %dma_start3A_79] : memref<10240x32xf32, #tpu.memory_space<vmem_shared>> -> memref<10240x32xf32, #tpu.memory_space<vmem_shared>>
    tpu.enqueue_indirect_dma source(%dma_start3A_80 : memref<10240x32xf32, #tpu.memory_space<vmem_shared>>) target(%arg11 : memref<128x32xf32, #tpu.memory_space<vmem>>) offsets(%dma_start3A_77 : memref<128xi32, #tpu.memory_space<vmem>>) semaphore(%arg21 : memref<!tpu.dma_semaphore, #tpu.memory_space<semaphore_mem>>)
    %dma_start3A_81 = arith.constant 4 : i32
    %dma_start3A_82 = arith.constant 0 : i32
    %dma_start3A_83 = tpu.memref_slice %arg6[%dma_start3A_81, %dma_start3A_82] : memref<160x128xi32, #tpu.memory_space<vmem>> -> memref<1x128xi32, #tpu.memory_space<vmem>>
    %dma_start3A_84 = tpu.memref_squeeze %dma_start3A_83 : memref<1x128xi32, #tpu.memory_space<vmem>> -> memref<128xi32, #tpu.memory_space<vmem>>
    %dma_start3A_85 = arith.constant 0 : i32
    %dma_start3A_86 = arith.constant 0 : i32
    %dma_start3A_87 = tpu.memref_slice %arg17[%dma_start3A_85, %dma_start3A_86] : memref<10240x32xf32, #tpu.memory_space<vmem_shared>> -> memref<10240x32xf32, #tpu.memory_space<vmem_shared>>
    tpu.enqueue_indirect_dma source(%dma_start3A_87 : memref<10240x32xf32, #tpu.memory_space<vmem_shared>>) target(%arg12 : memref<128x32xf32, #tpu.memory_space<vmem>>) offsets(%dma_start3A_84 : memref<128xi32, #tpu.memory_space<vmem>>) semaphore(%arg22 : memref<!tpu.dma_semaphore, #tpu.memory_space<semaphore_mem>>)
    %dma_start3A_88 = arith.constant 5 : i32
    %dma_start3A_89 = arith.constant 0 : i32
    %dma_start3A_90 = tpu.memref_slice %arg6[%dma_start3A_88, %dma_start3A_89] : memref<160x128xi32, #tpu.memory_space<vmem>> -> memref<1x128xi32, #tpu.memory_space<vmem>>
    %dma_start3A_91 = tpu.memref_squeeze %dma_start3A_90 : memref<1x128xi32, #tpu.memory_space<vmem>> -> memref<128xi32, #tpu.memory_space<vmem>>
    %dma_start3A_92 = arith.constant 0 : i32
    %dma_start3A_93 = arith.constant 0 : i32
    %dma_start3A_94 = tpu.memref_slice %arg17[%dma_start3A_92, %dma_start3A_93] : memref<10240x32xf32, #tpu.memory_space<vmem_shared>> -> memref<10240x32xf32, #tpu.memory_space<vmem_shared>>
    tpu.enqueue_indirect_dma source(%dma_start3A_94 : memref<10240x32xf32, #tpu.memory_space<vmem_shared>>) target(%arg13 : memref<128x32xf32, #tpu.memory_space<vmem>>) offsets(%dma_start3A_91 : memref<128xi32, #tpu.memory_space<vmem>>) semaphore(%arg23 : memref<!tpu.dma_semaphore, #tpu.memory_space<semaphore_mem>>)
    %dma_start3A_95 = arith.constant 6 : i32
    %dma_start3A_96 = arith.constant 0 : i32
    %dma_start3A_97 = tpu.memref_slice %arg6[%dma_start3A_95, %dma_start3A_96] : memref<160x128xi32, #tpu.memory_space<vmem>> -> memref<1x128xi32, #tpu.memory_space<vmem>>
    %dma_start3A_98 = tpu.memref_squeeze %dma_start3A_97 : memref<1x128xi32, #tpu.memory_space<vmem>> -> memref<128xi32, #tpu.memory_space<vmem>>
    %dma_start3A_99 = arith.constant 0 : i32
    %dma_start3A_100 = arith.constant 0 : i32
    %dma_start3A_101 = tpu.memref_slice %arg17[%dma_start3A_99, %dma_start3A_100] : memref<10240x32xf32, #tpu.memory_space<vmem_shared>> -> memref<10240x32xf32, #tpu.memory_space<vmem_shared>>
    tpu.enqueue_indirect_dma source(%dma_start3A_101 : memref<10240x32xf32, #tpu.memory_space<vmem_shared>>) target(%arg14 : memref<128x32xf32, #tpu.memory_space<vmem>>) offsets(%dma_start3A_98 : memref<128xi32, #tpu.memory_space<vmem>>) semaphore(%arg24 : memref<!tpu.dma_semaphore, #tpu.memory_space<semaphore_mem>>)
    %dma_start3A_102 = arith.constant 7 : i32
    %dma_start3A_103 = arith.constant 0 : i32
    %dma_start3A_104 = tpu.memref_slice %arg6[%dma_start3A_102, %dma_start3A_103] : memref<160x128xi32, #tpu.memory_space<vmem>> -> memref<1x128xi32, #tpu.memory_space<vmem>>
    %dma_start3A_105 = tpu.memref_squeeze %dma_start3A_104 : memref<1x128xi32, #tpu.memory_space<vmem>> -> memref<128xi32, #tpu.memory_space<vmem>>
    %dma_start3A_106 = arith.constant 0 : i32
    %dma_start3A_107 = arith.constant 0 : i32
    %dma_start3A_108 = tpu.memref_slice %arg17[%dma_start3A_106, %dma_start3A_107] : memref<10240x32xf32, #tpu.memory_space<vmem_shared>> -> memref<10240x32xf32, #tpu.memory_space<vmem_shared>>
    tpu.enqueue_indirect_dma source(%dma_start3A_108 : memref<10240x32xf32, #tpu.memory_space<vmem_shared>>) target(%arg15 : memref<128x32xf32, #tpu.memory_space<vmem>>) offsets(%dma_start3A_105 : memref<128xi32, #tpu.memory_space<vmem>>) semaphore(%arg25 : memref<!tpu.dma_semaphore, #tpu.memory_space<semaphore_mem>>)
    %scan3A = arith.constant 0 : i32
    %scan3A_109 = arith.constant 20 : i32
    %scan3A_110 = arith.addi %scan3A, %scan3A_109 : i32
    %scan3A_111 = arith.constant 1 : i32
    scf.for %scan3A_120 = %scan3A to %scan3A_110 step %scan3A_111  : i32 {
      %mul3A_121 = arith.constant 8 : i32
      %mul3A_122 = arith.muli %scan3A_120, %mul3A_121 : i32
      %add3A = arith.constant 0 : i32
      %add3A_123 = arith.addi %add3A, %mul3A_122 : i32
      %add3A_124 = arith.constant 0 : i32
      %add3A_125 = arith.addi %add3A_123, %add3A_124 : i32
      %dma_wait3A_126 = arith.constant 0 : i32
      %dma_wait3A_127 = tpu.memref_slice %arg6[%add3A_125, %dma_wait3A_126] : memref<160x128xi32, #tpu.memory_space<vmem>> -> memref<1x128xi32, #tpu.memory_space<vmem>>
      %dma_wait3A_128 = tpu.memref_squeeze %dma_wait3A_127 : memref<1x128xi32, #tpu.memory_space<vmem>> -> memref<128xi32, #tpu.memory_space<vmem>>
      %dma_wait3A_129 = arith.constant 0 : i32
      %dma_wait3A_130 = arith.constant 0 : i32
      %dma_wait3A_131 = tpu.memref_slice %arg17[%dma_wait3A_129, %dma_wait3A_130] : memref<10240x32xf32, #tpu.memory_space<vmem_shared>> -> memref<10240x32xf32, #tpu.memory_space<vmem_shared>>
      tpu.wait_indirect_dma semaphore(%arg18 : memref<!tpu.dma_semaphore, #tpu.memory_space<semaphore_mem>>) src(%dma_wait3A_131 : memref<10240x32xf32, #tpu.memory_space<vmem_shared>>) dst(%arg8 : memref<128x32xf32, #tpu.memory_space<vmem>>)
      %add3A_132 = arith.constant 0 : i32
      %add3A_133 = arith.addi %add3A_123, %add3A_132 : i32
      %dma_start3A_134 = arith.constant 0 : i32
      %dma_start3A_135 = tpu.memref_slice %arg7[%add3A_133, %dma_start3A_134] : memref<160x128xi32, #tpu.memory_space<vmem>> -> memref<1x128xi32, #tpu.memory_space<vmem>>
      %dma_start3A_136 = tpu.memref_squeeze %dma_start3A_135 : memref<1x128xi32, #tpu.memory_space<vmem>> -> memref<128xi32, #tpu.memory_space<vmem>>
      %dma_start3A_137 = arith.constant 0 : i32
      %dma_start3A_138 = arith.constant 0 : i32
      %dma_start3A_139 = tpu.memref_slice %arg16[%dma_start3A_137, %dma_start3A_138] : memref<10240x32xf32, #tpu.memory_space<vmem_shared>> -> memref<10240x32xf32, #tpu.memory_space<vmem_shared>>
      tpu.enqueue_indirect_dma source(%arg8 : memref<128x32xf32, #tpu.memory_space<vmem>>) target(%dma_start3A_139 : memref<10240x32xf32, #tpu.memory_space<vmem_shared>>) offsets(%dma_start3A_136 : memref<128xi32, #tpu.memory_space<vmem>>) semaphore(%arg26 : memref<!tpu.dma_semaphore, #tpu.memory_space<semaphore_mem>>) {add = true}
      %add3A_140 = arith.constant 1 : i32
      %add3A_141 = arith.addi %add3A_123, %add3A_140 : i32
      %dma_wait3A_142 = arith.constant 0 : i32
      %dma_wait3A_143 = tpu.memref_slice %arg6[%add3A_141, %dma_wait3A_142] : memref<160x128xi32, #tpu.memory_space<vmem>> -> memref<1x128xi32, #tpu.memory_space<vmem>>
      %dma_wait3A_144 = tpu.memref_squeeze %dma_wait3A_143 : memref<1x128xi32, #tpu.memory_space<vmem>> -> memref<128xi32, #tpu.memory_space<vmem>>
      %dma_wait3A_145 = arith.constant 0 : i32
      %dma_wait3A_146 = arith.constant 0 : i32
      %dma_wait3A_147 = tpu.memref_slice %arg17[%dma_wait3A_145, %dma_wait3A_146] : memref<10240x32xf32, #tpu.memory_space<vmem_shared>> -> memref<10240x32xf32, #tpu.memory_space<vmem_shared>>
      tpu.wait_indirect_dma semaphore(%arg19 : memref<!tpu.dma_semaphore, #tpu.memory_space<semaphore_mem>>) src(%dma_wait3A_147 : memref<10240x32xf32, #tpu.memory_space<vmem_shared>>) dst(%arg9 : memref<128x32xf32, #tpu.memory_space<vmem>>)
      %add3A_148 = arith.constant 1 : i32
      %add3A_149 = arith.addi %add3A_123, %add3A_148 : i32
      %dma_start3A_150 = arith.constant 0 : i32
      %dma_start3A_151 = tpu.memref_slice %arg7[%add3A_149, %dma_start3A_150] : memref<160x128xi32, #tpu.memory_space<vmem>> -> memref<1x128xi32, #tpu.memory_space<vmem>>
      %dma_start3A_152 = tpu.memref_squeeze %dma_start3A_151 : memref<1x128xi32, #tpu.memory_space<vmem>> -> memref<128xi32, #tpu.memory_space<vmem>>
      %dma_start3A_153 = arith.constant 0 : i32
      %dma_start3A_154 = arith.constant 0 : i32
      %dma_start3A_155 = tpu.memref_slice %arg16[%dma_start3A_153, %dma_start3A_154] : memref<10240x32xf32, #tpu.memory_space<vmem_shared>> -> memref<10240x32xf32, #tpu.memory_space<vmem_shared>>
      tpu.enqueue_indirect_dma source(%arg9 : memref<128x32xf32, #tpu.memory_space<vmem>>) target(%dma_start3A_155 : memref<10240x32xf32, #tpu.memory_space<vmem_shared>>) offsets(%dma_start3A_152 : memref<128xi32, #tpu.memory_space<vmem>>) semaphore(%arg27 : memref<!tpu.dma_semaphore, #tpu.memory_space<semaphore_mem>>) {add = true}
      %add3A_156 = arith.constant 2 : i32
      %add3A_157 = arith.addi %add3A_123, %add3A_156 : i32
      %dma_wait3A_158 = arith.constant 0 : i32
      %dma_wait3A_159 = tpu.memref_slice %arg6[%add3A_157, %dma_wait3A_158] : memref<160x128xi32, #tpu.memory_space<vmem>> -> memref<1x128xi32, #tpu.memory_space<vmem>>
      %dma_wait3A_160 = tpu.memref_squeeze %dma_wait3A_159 : memref<1x128xi32, #tpu.memory_space<vmem>> -> memref<128xi32, #tpu.memory_space<vmem>>
      %dma_wait3A_161 = arith.constant 0 : i32
      %dma_wait3A_162 = arith.constant 0 : i32
      %dma_wait3A_163 = tpu.memref_slice %arg17[%dma_wait3A_161, %dma_wait3A_162] : memref<10240x32xf32, #tpu.memory_space<vmem_shared>> -> memref<10240x32xf32, #tpu.memory_space<vmem_shared>>
      tpu.wait_indirect_dma semaphore(%arg20 : memref<!tpu.dma_semaphore, #tpu.memory_space<semaphore_mem>>) src(%dma_wait3A_163 : memref<10240x32xf32, #tpu.memory_space<vmem_shared>>) dst(%arg10 : memref<128x32xf32, #tpu.memory_space<vmem>>)
      %add3A_164 = arith.constant 2 : i32
      %add3A_165 = arith.addi %add3A_123, %add3A_164 : i32
      %dma_start3A_166 = arith.constant 0 : i32
      %dma_start3A_167 = tpu.memref_slice %arg7[%add3A_165, %dma_start3A_166] : memref<160x128xi32, #tpu.memory_space<vmem>> -> memref<1x128xi32, #tpu.memory_space<vmem>>
      %dma_start3A_168 = tpu.memref_squeeze %dma_start3A_167 : memref<1x128xi32, #tpu.memory_space<vmem>> -> memref<128xi32, #tpu.memory_space<vmem>>
      %dma_start3A_169 = arith.constant 0 : i32
      %dma_start3A_170 = arith.constant 0 : i32
      %dma_start3A_171 = tpu.memref_slice %arg16[%dma_start3A_169, %dma_start3A_170] : memref<10240x32xf32, #tpu.memory_space<vmem_shared>> -> memref<10240x32xf32, #tpu.memory_space<vmem_shared>>
      tpu.enqueue_indirect_dma source(%arg10 : memref<128x32xf32, #tpu.memory_space<vmem>>) target(%dma_start3A_171 : memref<10240x32xf32, #tpu.memory_space<vmem_shared>>) offsets(%dma_start3A_168 : memref<128xi32, #tpu.memory_space<vmem>>) semaphore(%arg28 : memref<!tpu.dma_semaphore, #tpu.memory_space<semaphore_mem>>) {add = true}
      %add3A_172 = arith.constant 3 : i32
      %add3A_173 = arith.addi %add3A_123, %add3A_172 : i32
      %dma_wait3A_174 = arith.constant 0 : i32
      %dma_wait3A_175 = tpu.memref_slice %arg6[%add3A_173, %dma_wait3A_174] : memref<160x128xi32, #tpu.memory_space<vmem>> -> memref<1x128xi32, #tpu.memory_space<vmem>>
      %dma_wait3A_176 = tpu.memref_squeeze %dma_wait3A_175 : memref<1x128xi32, #tpu.memory_space<vmem>> -> memref<128xi32, #tpu.memory_space<vmem>>
      %dma_wait3A_177 = arith.constant 0 : i32
      %dma_wait3A_178 = arith.constant 0 : i32
      %dma_wait3A_179 = tpu.memref_slice %arg17[%dma_wait3A_177, %dma_wait3A_178] : memref<10240x32xf32, #tpu.memory_space<vmem_shared>> -> memref<10240x32xf32, #tpu.memory_space<vmem_shared>>
      tpu.wait_indirect_dma semaphore(%arg21 : memref<!tpu.dma_semaphore, #tpu.memory_space<semaphore_mem>>) src(%dma_wait3A_179 : memref<10240x32xf32, #tpu.memory_space<vmem_shared>>) dst(%arg11 : memref<128x32xf32, #tpu.memory_space<vmem>>)
      %add3A_180 = arith.constant 3 : i32
      %add3A_181 = arith.addi %add3A_123, %add3A_180 : i32
      %dma_start3A_182 = arith.constant 0 : i32
      %dma_start3A_183 = tpu.memref_slice %arg7[%add3A_181, %dma_start3A_182] : memref<160x128xi32, #tpu.memory_space<vmem>> -> memref<1x128xi32, #tpu.memory_space<vmem>>
      %dma_start3A_184 = tpu.memref_squeeze %dma_start3A_183 : memref<1x128xi32, #tpu.memory_space<vmem>> -> memref<128xi32, #tpu.memory_space<vmem>>
      %dma_start3A_185 = arith.constant 0 : i32
      %dma_start3A_186 = arith.constant 0 : i32
      %dma_start3A_187 = tpu.memref_slice %arg16[%dma_start3A_185, %dma_start3A_186] : memref<10240x32xf32, #tpu.memory_space<vmem_shared>> -> memref<10240x32xf32, #tpu.memory_space<vmem_shared>>
      tpu.enqueue_indirect_dma source(%arg11 : memref<128x32xf32, #tpu.memory_space<vmem>>) target(%dma_start3A_187 : memref<10240x32xf32, #tpu.memory_space<vmem_shared>>) offsets(%dma_start3A_184 : memref<128xi32, #tpu.memory_space<vmem>>) semaphore(%arg29 : memref<!tpu.dma_semaphore, #tpu.memory_space<semaphore_mem>>) {add = true}
      %add3A_188 = arith.constant 4 : i32
      %add3A_189 = arith.addi %add3A_123, %add3A_188 : i32
      %dma_wait3A_190 = arith.constant 0 : i32
      %dma_wait3A_191 = tpu.memref_slice %arg6[%add3A_189, %dma_wait3A_190] : memref<160x128xi32, #tpu.memory_space<vmem>> -> memref<1x128xi32, #tpu.memory_space<vmem>>
      %dma_wait3A_192 = tpu.memref_squeeze %dma_wait3A_191 : memref<1x128xi32, #tpu.memory_space<vmem>> -> memref<128xi32, #tpu.memory_space<vmem>>
      %dma_wait3A_193 = arith.constant 0 : i32
      %dma_wait3A_194 = arith.constant 0 : i32
      %dma_wait3A_195 = tpu.memref_slice %arg17[%dma_wait3A_193, %dma_wait3A_194] : memref<10240x32xf32, #tpu.memory_space<vmem_shared>> -> memref<10240x32xf32, #tpu.memory_space<vmem_shared>>
      tpu.wait_indirect_dma semaphore(%arg22 : memref<!tpu.dma_semaphore, #tpu.memory_space<semaphore_mem>>) src(%dma_wait3A_195 : memref<10240x32xf32, #tpu.memory_space<vmem_shared>>) dst(%arg12 : memref<128x32xf32, #tpu.memory_space<vmem>>)
      %add3A_196 = arith.constant 4 : i32
      %add3A_197 = arith.addi %add3A_123, %add3A_196 : i32
      %dma_start3A_198 = arith.constant 0 : i32
      %dma_start3A_199 = tpu.memref_slice %arg7[%add3A_197, %dma_start3A_198] : memref<160x128xi32, #tpu.memory_space<vmem>> -> memref<1x128xi32, #tpu.memory_space<vmem>>
      %dma_start3A_200 = tpu.memref_squeeze %dma_start3A_199 : memref<1x128xi32, #tpu.memory_space<vmem>> -> memref<128xi32, #tpu.memory_space<vmem>>
      %dma_start3A_201 = arith.constant 0 : i32
      %dma_start3A_202 = arith.constant 0 : i32
      %dma_start3A_203 = tpu.memref_slice %arg16[%dma_start3A_201, %dma_start3A_202] : memref<10240x32xf32, #tpu.memory_space<vmem_shared>> -> memref<10240x32xf32, #tpu.memory_space<vmem_shared>>
      tpu.enqueue_indirect_dma source(%arg12 : memref<128x32xf32, #tpu.memory_space<vmem>>) target(%dma_start3A_203 : memref<10240x32xf32, #tpu.memory_space<vmem_shared>>) offsets(%dma_start3A_200 : memref<128xi32, #tpu.memory_space<vmem>>) semaphore(%arg30 : memref<!tpu.dma_semaphore, #tpu.memory_space<semaphore_mem>>) {add = true}
      %add3A_204 = arith.constant 5 : i32
      %add3A_205 = arith.addi %add3A_123, %add3A_204 : i32
      %dma_wait3A_206 = arith.constant 0 : i32
      %dma_wait3A_207 = tpu.memref_slice %arg6[%add3A_205, %dma_wait3A_206] : memref<160x128xi32, #tpu.memory_space<vmem>> -> memref<1x128xi32, #tpu.memory_space<vmem>>
      %dma_wait3A_208 = tpu.memref_squeeze %dma_wait3A_207 : memref<1x128xi32, #tpu.memory_space<vmem>> -> memref<128xi32, #tpu.memory_space<vmem>>
      %dma_wait3A_209 = arith.constant 0 : i32
      %dma_wait3A_210 = arith.constant 0 : i32
      %dma_wait3A_211 = tpu.memref_slice %arg17[%dma_wait3A_209, %dma_wait3A_210] : memref<10240x32xf32, #tpu.memory_space<vmem_shared>> -> memref<10240x32xf32, #tpu.memory_space<vmem_shared>>
      tpu.wait_indirect_dma semaphore(%arg23 : memref<!tpu.dma_semaphore, #tpu.memory_space<semaphore_mem>>) src(%dma_wait3A_211 : memref<10240x32xf32, #tpu.memory_space<vmem_shared>>) dst(%arg13 : memref<128x32xf32, #tpu.memory_space<vmem>>)
      %add3A_212 = arith.constant 5 : i32
      %add3A_213 = arith.addi %add3A_123, %add3A_212 : i32
      %dma_start3A_214 = arith.constant 0 : i32
      %dma_start3A_215 = tpu.memref_slice %arg7[%add3A_213, %dma_start3A_214] : memref<160x128xi32, #tpu.memory_space<vmem>> -> memref<1x128xi32, #tpu.memory_space<vmem>>
      %dma_start3A_216 = tpu.memref_squeeze %dma_start3A_215 : memref<1x128xi32, #tpu.memory_space<vmem>> -> memref<128xi32, #tpu.memory_space<vmem>>
      %dma_start3A_217 = arith.constant 0 : i32
      %dma_start3A_218 = arith.constant 0 : i32
      %dma_start3A_219 = tpu.memref_slice %arg16[%dma_start3A_217, %dma_start3A_218] : memref<10240x32xf32, #tpu.memory_space<vmem_shared>> -> memref<10240x32xf32, #tpu.memory_space<vmem_shared>>
      tpu.enqueue_indirect_dma source(%arg13 : memref<128x32xf32, #tpu.memory_space<vmem>>) target(%dma_start3A_219 : memref<10240x32xf32, #tpu.memory_space<vmem_shared>>) offsets(%dma_start3A_216 : memref<128xi32, #tpu.memory_space<vmem>>) semaphore(%arg31 : memref<!tpu.dma_semaphore, #tpu.memory_space<semaphore_mem>>) {add = true}
      %add3A_220 = arith.constant 6 : i32
      %add3A_221 = arith.addi %add3A_123, %add3A_220 : i32
      %dma_wait3A_222 = arith.constant 0 : i32
      %dma_wait3A_223 = tpu.memref_slice %arg6[%add3A_221, %dma_wait3A_222] : memref<160x128xi32, #tpu.memory_space<vmem>> -> memref<1x128xi32, #tpu.memory_space<vmem>>
      %dma_wait3A_224 = tpu.memref_squeeze %dma_wait3A_223 : memref<1x128xi32, #tpu.memory_space<vmem>> -> memref<128xi32, #tpu.memory_space<vmem>>
      %dma_wait3A_225 = arith.constant 0 : i32
      %dma_wait3A_226 = arith.constant 0 : i32
      %dma_wait3A_227 = tpu.memref_slice %arg17[%dma_wait3A_225, %dma_wait3A_226] : memref<10240x32xf32, #tpu.memory_space<vmem_shared>> -> memref<10240x32xf32, #tpu.memory_space<vmem_shared>>
      tpu.wait_indirect_dma semaphore(%arg24 : memref<!tpu.dma_semaphore, #tpu.memory_space<semaphore_mem>>) src(%dma_wait3A_227 : memref<10240x32xf32, #tpu.memory_space<vmem_shared>>) dst(%arg14 : memref<128x32xf32, #tpu.memory_space<vmem>>)
      %add3A_228 = arith.constant 6 : i32
      %add3A_229 = arith.addi %add3A_123, %add3A_228 : i32
      %dma_start3A_230 = arith.constant 0 : i32
      %dma_start3A_231 = tpu.memref_slice %arg7[%add3A_229, %dma_start3A_230] : memref<160x128xi32, #tpu.memory_space<vmem>> -> memref<1x128xi32, #tpu.memory_space<vmem>>
      %dma_start3A_232 = tpu.memref_squeeze %dma_start3A_231 : memref<1x128xi32, #tpu.memory_space<vmem>> -> memref<128xi32, #tpu.memory_space<vmem>>
      %dma_start3A_233 = arith.constant 0 : i32
      %dma_start3A_234 = arith.constant 0 : i32
      %dma_start3A_235 = tpu.memref_slice %arg16[%dma_start3A_233, %dma_start3A_234] : memref<10240x32xf32, #tpu.memory_space<vmem_shared>> -> memref<10240x32xf32, #tpu.memory_space<vmem_shared>>
      tpu.enqueue_indirect_dma source(%arg14 : memref<128x32xf32, #tpu.memory_space<vmem>>) target(%dma_start3A_235 : memref<10240x32xf32, #tpu.memory_space<vmem_shared>>) offsets(%dma_start3A_232 : memref<128xi32, #tpu.memory_space<vmem>>) semaphore(%arg32 : memref<!tpu.dma_semaphore, #tpu.memory_space<semaphore_mem>>) {add = true}
      %add3A_236 = arith.constant 7 : i32
      %add3A_237 = arith.addi %add3A_123, %add3A_236 : i32
      %dma_wait3A_238 = arith.constant 0 : i32
      %dma_wait3A_239 = tpu.memref_slice %arg6[%add3A_237, %dma_wait3A_238] : memref<160x128xi32, #tpu.memory_space<vmem>> -> memref<1x128xi32, #tpu.memory_space<vmem>>
      %dma_wait3A_240 = tpu.memref_squeeze %dma_wait3A_239 : memref<1x128xi32, #tpu.memory_space<vmem>> -> memref<128xi32, #tpu.memory_space<vmem>>
      %dma_wait3A_241 = arith.constant 0 : i32
      %dma_wait3A_242 = arith.constant 0 : i32
      %dma_wait3A_243 = tpu.memref_slice %arg17[%dma_wait3A_241, %dma_wait3A_242] : memref<10240x32xf32, #tpu.memory_space<vmem_shared>> -> memref<10240x32xf32, #tpu.memory_space<vmem_shared>>
      tpu.wait_indirect_dma semaphore(%arg25 : memref<!tpu.dma_semaphore, #tpu.memory_space<semaphore_mem>>) src(%dma_wait3A_243 : memref<10240x32xf32, #tpu.memory_space<vmem_shared>>) dst(%arg15 : memref<128x32xf32, #tpu.memory_space<vmem>>)
      %add3A_244 = arith.constant 7 : i32
      %add3A_245 = arith.addi %add3A_123, %add3A_244 : i32
      %dma_start3A_246 = arith.constant 0 : i32
      %dma_start3A_247 = tpu.memref_slice %arg7[%add3A_245, %dma_start3A_246] : memref<160x128xi32, #tpu.memory_space<vmem>> -> memref<1x128xi32, #tpu.memory_space<vmem>>
      %dma_start3A_248 = tpu.memref_squeeze %dma_start3A_247 : memref<1x128xi32, #tpu.memory_space<vmem>> -> memref<128xi32, #tpu.memory_space<vmem>>
      %dma_start3A_249 = arith.constant 0 : i32
      %dma_start3A_250 = arith.constant 0 : i32
      %dma_start3A_251 = tpu.memref_slice %arg16[%dma_start3A_249, %dma_start3A_250] : memref<10240x32xf32, #tpu.memory_space<vmem_shared>> -> memref<10240x32xf32, #tpu.memory_space<vmem_shared>>
      tpu.enqueue_indirect_dma source(%arg15 : memref<128x32xf32, #tpu.memory_space<vmem>>) target(%dma_start3A_251 : memref<10240x32xf32, #tpu.memory_space<vmem_shared>>) offsets(%dma_start3A_248 : memref<128xi32, #tpu.memory_space<vmem>>) semaphore(%arg33 : memref<!tpu.dma_semaphore, #tpu.memory_space<semaphore_mem>>) {add = true}
      %dma_wait3A_252 = arith.constant 0 : i32
      %dma_wait3A_253 = tpu.memref_slice %arg7[%add3A_133, %dma_wait3A_252] : memref<160x128xi32, #tpu.memory_space<vmem>> -> memref<1x128xi32, #tpu.memory_space<vmem>>
      %dma_wait3A_254 = tpu.memref_squeeze %dma_wait3A_253 : memref<1x128xi32, #tpu.memory_space<vmem>> -> memref<128xi32, #tpu.memory_space<vmem>>
      %dma_wait3A_255 = arith.constant 0 : i32
      %dma_wait3A_256 = arith.constant 0 : i32
      %dma_wait3A_257 = tpu.memref_slice %arg16[%dma_wait3A_255, %dma_wait3A_256] : memref<10240x32xf32, #tpu.memory_space<vmem_shared>> -> memref<10240x32xf32, #tpu.memory_space<vmem_shared>>
      tpu.wait_indirect_dma semaphore(%arg26 : memref<!tpu.dma_semaphore, #tpu.memory_space<semaphore_mem>>) src(%arg8 : memref<128x32xf32, #tpu.memory_space<vmem>>) dst(%dma_wait3A_257 : memref<10240x32xf32, #tpu.memory_space<vmem_shared>>)
      %add3A_258 = arith.constant 8 : i32
      %add3A_259 = arith.addi %add3A_123, %add3A_258 : i32
      %add3A_260 = arith.constant 0 : i32
      %add3A_261 = arith.addi %add3A_259, %add3A_260 : i32
      %lt3A = arith.constant 160 : i32
      %lt3A_262 = arith.cmpi slt, %add3A_261, %lt3A : i32
      %convert_element_type3A = arith.extui %lt3A_262 : i1 to i32
      %cond3A = arith.constant 0 : i32
      %cond3A_263 = arith.cmpi ne, %convert_element_type3A, %cond3A : i32
      scf.if %cond3A_263 {
        %add3A_369 = arith.constant 8 : i32
        %add3A_370 = arith.addi %add3A_123, %add3A_369 : i32
        %add3A_371 = arith.constant 0 : i32
        %add3A_372 = arith.addi %add3A_370, %add3A_371 : i32
        %dma_start3A_373 = arith.constant 0 : i32
        %dma_start3A_374 = tpu.memref_slice %arg6[%add3A_372, %dma_start3A_373] : memref<160x128xi32, #tpu.memory_space<vmem>> -> memref<1x128xi32, #tpu.memory_space<vmem>>
        %dma_start3A_375 = tpu.memref_squeeze %dma_start3A_374 : memref<1x128xi32, #tpu.memory_space<vmem>> -> memref<128xi32, #tpu.memory_space<vmem>>
        %dma_start3A_376 = arith.constant 0 : i32
        %dma_start3A_377 = arith.constant 0 : i32
        %dma_start3A_378 = tpu.memref_slice %arg17[%dma_start3A_376, %dma_start3A_377] : memref<10240x32xf32, #tpu.memory_space<vmem_shared>> -> memref<10240x32xf32, #tpu.memory_space<vmem_shared>>
        tpu.enqueue_indirect_dma source(%dma_start3A_378 : memref<10240x32xf32, #tpu.memory_space<vmem_shared>>) target(%arg8 : memref<128x32xf32, #tpu.memory_space<vmem>>) offsets(%dma_start3A_375 : memref<128xi32, #tpu.memory_space<vmem>>) semaphore(%arg18 : memref<!tpu.dma_semaphore, #tpu.memory_space<semaphore_mem>>)
      } else {
      }
      %dma_wait3A_264 = arith.constant 0 : i32
      %dma_wait3A_265 = tpu.memref_slice %arg7[%add3A_149, %dma_wait3A_264] : memref<160x128xi32, #tpu.memory_space<vmem>> -> memref<1x128xi32, #tpu.memory_space<vmem>>
      %dma_wait3A_266 = tpu.memref_squeeze %dma_wait3A_265 : memref<1x128xi32, #tpu.memory_space<vmem>> -> memref<128xi32, #tpu.memory_space<vmem>>
      %dma_wait3A_267 = arith.constant 0 : i32
      %dma_wait3A_268 = arith.constant 0 : i32
      %dma_wait3A_269 = tpu.memref_slice %arg16[%dma_wait3A_267, %dma_wait3A_268] : memref<10240x32xf32, #tpu.memory_space<vmem_shared>> -> memref<10240x32xf32, #tpu.memory_space<vmem_shared>>
      tpu.wait_indirect_dma semaphore(%arg27 : memref<!tpu.dma_semaphore, #tpu.memory_space<semaphore_mem>>) src(%arg9 : memref<128x32xf32, #tpu.memory_space<vmem>>) dst(%dma_wait3A_269 : memref<10240x32xf32, #tpu.memory_space<vmem_shared>>)
      %add3A_270 = arith.constant 8 : i32
      %add3A_271 = arith.addi %add3A_123, %add3A_270 : i32
      %add3A_272 = arith.constant 1 : i32
      %add3A_273 = arith.addi %add3A_271, %add3A_272 : i32
      %lt3A_274 = arith.constant 160 : i32
      %lt3A_275 = arith.cmpi slt, %add3A_273, %lt3A_274 : i32
      %convert_element_type3A_276 = arith.extui %lt3A_275 : i1 to i32
      %cond3A_277 = arith.constant 0 : i32
      %cond3A_278 = arith.cmpi ne, %convert_element_type3A_276, %cond3A_277 : i32
      scf.if %cond3A_278 {
        %add3A_369 = arith.constant 8 : i32
        %add3A_370 = arith.addi %add3A_123, %add3A_369 : i32
        %add3A_371 = arith.constant 1 : i32
        %add3A_372 = arith.addi %add3A_370, %add3A_371 : i32
        %dma_start3A_373 = arith.constant 0 : i32
        %dma_start3A_374 = tpu.memref_slice %arg6[%add3A_372, %dma_start3A_373] : memref<160x128xi32, #tpu.memory_space<vmem>> -> memref<1x128xi32, #tpu.memory_space<vmem>>
        %dma_start3A_375 = tpu.memref_squeeze %dma_start3A_374 : memref<1x128xi32, #tpu.memory_space<vmem>> -> memref<128xi32, #tpu.memory_space<vmem>>
        %dma_start3A_376 = arith.constant 0 : i32
        %dma_start3A_377 = arith.constant 0 : i32
        %dma_start3A_378 = tpu.memref_slice %arg17[%dma_start3A_376, %dma_start3A_377] : memref<10240x32xf32, #tpu.memory_space<vmem_shared>> -> memref<10240x32xf32, #tpu.memory_space<vmem_shared>>
        tpu.enqueue_indirect_dma source(%dma_start3A_378 : memref<10240x32xf32, #tpu.memory_space<vmem_shared>>) target(%arg9 : memref<128x32xf32, #tpu.memory_space<vmem>>) offsets(%dma_start3A_375 : memref<128xi32, #tpu.memory_space<vmem>>) semaphore(%arg19 : memref<!tpu.dma_semaphore, #tpu.memory_space<semaphore_mem>>)
      } else {
      }
      %dma_wait3A_279 = arith.constant 0 : i32
      %dma_wait3A_280 = tpu.memref_slice %arg7[%add3A_165, %dma_wait3A_279] : memref<160x128xi32, #tpu.memory_space<vmem>> -> memref<1x128xi32, #tpu.memory_space<vmem>>
      %dma_wait3A_281 = tpu.memref_squeeze %dma_wait3A_280 : memref<1x128xi32, #tpu.memory_space<vmem>> -> memref<128xi32, #tpu.memory_space<vmem>>
      %dma_wait3A_282 = arith.constant 0 : i32
      %dma_wait3A_283 = arith.constant 0 : i32
      %dma_wait3A_284 = tpu.memref_slice %arg16[%dma_wait3A_282, %dma_wait3A_283] : memref<10240x32xf32, #tpu.memory_space<vmem_shared>> -> memref<10240x32xf32, #tpu.memory_space<vmem_shared>>
      tpu.wait_indirect_dma semaphore(%arg28 : memref<!tpu.dma_semaphore, #tpu.memory_space<semaphore_mem>>) src(%arg10 : memref<128x32xf32, #tpu.memory_space<vmem>>) dst(%dma_wait3A_284 : memref<10240x32xf32, #tpu.memory_space<vmem_shared>>)
      %add3A_285 = arith.constant 8 : i32
      %add3A_286 = arith.addi %add3A_123, %add3A_285 : i32
      %add3A_287 = arith.constant 2 : i32
      %add3A_288 = arith.addi %add3A_286, %add3A_287 : i32
      %lt3A_289 = arith.constant 160 : i32
      %lt3A_290 = arith.cmpi slt, %add3A_288, %lt3A_289 : i32
      %convert_element_type3A_291 = arith.extui %lt3A_290 : i1 to i32
      %cond3A_292 = arith.constant 0 : i32
      %cond3A_293 = arith.cmpi ne, %convert_element_type3A_291, %cond3A_292 : i32
      scf.if %cond3A_293 {
        %add3A_369 = arith.constant 8 : i32
        %add3A_370 = arith.addi %add3A_123, %add3A_369 : i32
        %add3A_371 = arith.constant 2 : i32
        %add3A_372 = arith.addi %add3A_370, %add3A_371 : i32
        %dma_start3A_373 = arith.constant 0 : i32
        %dma_start3A_374 = tpu.memref_slice %arg6[%add3A_372, %dma_start3A_373] : memref<160x128xi32, #tpu.memory_space<vmem>> -> memref<1x128xi32, #tpu.memory_space<vmem>>
        %dma_start3A_375 = tpu.memref_squeeze %dma_start3A_374 : memref<1x128xi32, #tpu.memory_space<vmem>> -> memref<128xi32, #tpu.memory_space<vmem>>
        %dma_start3A_376 = arith.constant 0 : i32
        %dma_start3A_377 = arith.constant 0 : i32
        %dma_start3A_378 = tpu.memref_slice %arg17[%dma_start3A_376, %dma_start3A_377] : memref<10240x32xf32, #tpu.memory_space<vmem_shared>> -> memref<10240x32xf32, #tpu.memory_space<vmem_shared>>
        tpu.enqueue_indirect_dma source(%dma_start3A_378 : memref<10240x32xf32, #tpu.memory_space<vmem_shared>>) target(%arg10 : memref<128x32xf32, #tpu.memory_space<vmem>>) offsets(%dma_start3A_375 : memref<128xi32, #tpu.memory_space<vmem>>) semaphore(%arg20 : memref<!tpu.dma_semaphore, #tpu.memory_space<semaphore_mem>>)
      } else {
      }
      %dma_wait3A_294 = arith.constant 0 : i32
      %dma_wait3A_295 = tpu.memref_slice %arg7[%add3A_181, %dma_wait3A_294] : memref<160x128xi32, #tpu.memory_space<vmem>> -> memref<1x128xi32, #tpu.memory_space<vmem>>
      %dma_wait3A_296 = tpu.memref_squeeze %dma_wait3A_295 : memref<1x128xi32, #tpu.memory_space<vmem>> -> memref<128xi32, #tpu.memory_space<vmem>>
      %dma_wait3A_297 = arith.constant 0 : i32
      %dma_wait3A_298 = arith.constant 0 : i32
      %dma_wait3A_299 = tpu.memref_slice %arg16[%dma_wait3A_297, %dma_wait3A_298] : memref<10240x32xf32, #tpu.memory_space<vmem_shared>> -> memref<10240x32xf32, #tpu.memory_space<vmem_shared>>
      tpu.wait_indirect_dma semaphore(%arg29 : memref<!tpu.dma_semaphore, #tpu.memory_space<semaphore_mem>>) src(%arg11 : memref<128x32xf32, #tpu.memory_space<vmem>>) dst(%dma_wait3A_299 : memref<10240x32xf32, #tpu.memory_space<vmem_shared>>)
      %add3A_300 = arith.constant 8 : i32
      %add3A_301 = arith.addi %add3A_123, %add3A_300 : i32
      %add3A_302 = arith.constant 3 : i32
      %add3A_303 = arith.addi %add3A_301, %add3A_302 : i32
      %lt3A_304 = arith.constant 160 : i32
      %lt3A_305 = arith.cmpi slt, %add3A_303, %lt3A_304 : i32
      %convert_element_type3A_306 = arith.extui %lt3A_305 : i1 to i32
      %cond3A_307 = arith.constant 0 : i32
      %cond3A_308 = arith.cmpi ne, %convert_element_type3A_306, %cond3A_307 : i32
      scf.if %cond3A_308 {
        %add3A_369 = arith.constant 8 : i32
        %add3A_370 = arith.addi %add3A_123, %add3A_369 : i32
        %add3A_371 = arith.constant 3 : i32
        %add3A_372 = arith.addi %add3A_370, %add3A_371 : i32
        %dma_start3A_373 = arith.constant 0 : i32
        %dma_start3A_374 = tpu.memref_slice %arg6[%add3A_372, %dma_start3A_373] : memref<160x128xi32, #tpu.memory_space<vmem>> -> memref<1x128xi32, #tpu.memory_space<vmem>>
        %dma_start3A_375 = tpu.memref_squeeze %dma_start3A_374 : memref<1x128xi32, #tpu.memory_space<vmem>> -> memref<128xi32, #tpu.memory_space<vmem>>
        %dma_start3A_376 = arith.constant 0 : i32
        %dma_start3A_377 = arith.constant 0 : i32
        %dma_start3A_378 = tpu.memref_slice %arg17[%dma_start3A_376, %dma_start3A_377] : memref<10240x32xf32, #tpu.memory_space<vmem_shared>> -> memref<10240x32xf32, #tpu.memory_space<vmem_shared>>
        tpu.enqueue_indirect_dma source(%dma_start3A_378 : memref<10240x32xf32, #tpu.memory_space<vmem_shared>>) target(%arg11 : memref<128x32xf32, #tpu.memory_space<vmem>>) offsets(%dma_start3A_375 : memref<128xi32, #tpu.memory_space<vmem>>) semaphore(%arg21 : memref<!tpu.dma_semaphore, #tpu.memory_space<semaphore_mem>>)
      } else {
      }
      %dma_wait3A_309 = arith.constant 0 : i32
      %dma_wait3A_310 = tpu.memref_slice %arg7[%add3A_197, %dma_wait3A_309] : memref<160x128xi32, #tpu.memory_space<vmem>> -> memref<1x128xi32, #tpu.memory_space<vmem>>
      %dma_wait3A_311 = tpu.memref_squeeze %dma_wait3A_310 : memref<1x128xi32, #tpu.memory_space<vmem>> -> memref<128xi32, #tpu.memory_space<vmem>>
      %dma_wait3A_312 = arith.constant 0 : i32
      %dma_wait3A_313 = arith.constant 0 : i32
      %dma_wait3A_314 = tpu.memref_slice %arg16[%dma_wait3A_312, %dma_wait3A_313] : memref<10240x32xf32, #tpu.memory_space<vmem_shared>> -> memref<10240x32xf32, #tpu.memory_space<vmem_shared>>
      tpu.wait_indirect_dma semaphore(%arg30 : memref<!tpu.dma_semaphore, #tpu.memory_space<semaphore_mem>>) src(%arg12 : memref<128x32xf32, #tpu.memory_space<vmem>>) dst(%dma_wait3A_314 : memref<10240x32xf32, #tpu.memory_space<vmem_shared>>)
      %add3A_315 = arith.constant 8 : i32
      %add3A_316 = arith.addi %add3A_123, %add3A_315 : i32
      %add3A_317 = arith.constant 4 : i32
      %add3A_318 = arith.addi %add3A_316, %add3A_317 : i32
      %lt3A_319 = arith.constant 160 : i32
      %lt3A_320 = arith.cmpi slt, %add3A_318, %lt3A_319 : i32
      %convert_element_type3A_321 = arith.extui %lt3A_320 : i1 to i32
      %cond3A_322 = arith.constant 0 : i32
      %cond3A_323 = arith.cmpi ne, %convert_element_type3A_321, %cond3A_322 : i32
      scf.if %cond3A_323 {
        %add3A_369 = arith.constant 8 : i32
        %add3A_370 = arith.addi %add3A_123, %add3A_369 : i32
        %add3A_371 = arith.constant 4 : i32
        %add3A_372 = arith.addi %add3A_370, %add3A_371 : i32
        %dma_start3A_373 = arith.constant 0 : i32
        %dma_start3A_374 = tpu.memref_slice %arg6[%add3A_372, %dma_start3A_373] : memref<160x128xi32, #tpu.memory_space<vmem>> -> memref<1x128xi32, #tpu.memory_space<vmem>>
        %dma_start3A_375 = tpu.memref_squeeze %dma_start3A_374 : memref<1x128xi32, #tpu.memory_space<vmem>> -> memref<128xi32, #tpu.memory_space<vmem>>
        %dma_start3A_376 = arith.constant 0 : i32
        %dma_start3A_377 = arith.constant 0 : i32
        %dma_start3A_378 = tpu.memref_slice %arg17[%dma_start3A_376, %dma_start3A_377] : memref<10240x32xf32, #tpu.memory_space<vmem_shared>> -> memref<10240x32xf32, #tpu.memory_space<vmem_shared>>
        tpu.enqueue_indirect_dma source(%dma_start3A_378 : memref<10240x32xf32, #tpu.memory_space<vmem_shared>>) target(%arg12 : memref<128x32xf32, #tpu.memory_space<vmem>>) offsets(%dma_start3A_375 : memref<128xi32, #tpu.memory_space<vmem>>) semaphore(%arg22 : memref<!tpu.dma_semaphore, #tpu.memory_space<semaphore_mem>>)
      } else {
      }
      %dma_wait3A_324 = arith.constant 0 : i32
      %dma_wait3A_325 = tpu.memref_slice %arg7[%add3A_213, %dma_wait3A_324] : memref<160x128xi32, #tpu.memory_space<vmem>> -> memref<1x128xi32, #tpu.memory_space<vmem>>
      %dma_wait3A_326 = tpu.memref_squeeze %dma_wait3A_325 : memref<1x128xi32, #tpu.memory_space<vmem>> -> memref<128xi32, #tpu.memory_space<vmem>>
      %dma_wait3A_327 = arith.constant 0 : i32
      %dma_wait3A_328 = arith.constant 0 : i32
      %dma_wait3A_329 = tpu.memref_slice %arg16[%dma_wait3A_327, %dma_wait3A_328] : memref<10240x32xf32, #tpu.memory_space<vmem_shared>> -> memref<10240x32xf32, #tpu.memory_space<vmem_shared>>
      tpu.wait_indirect_dma semaphore(%arg31 : memref<!tpu.dma_semaphore, #tpu.memory_space<semaphore_mem>>) src(%arg13 : memref<128x32xf32, #tpu.memory_space<vmem>>) dst(%dma_wait3A_329 : memref<10240x32xf32, #tpu.memory_space<vmem_shared>>)
      %add3A_330 = arith.constant 8 : i32
      %add3A_331 = arith.addi %add3A_123, %add3A_330 : i32
      %add3A_332 = arith.constant 5 : i32
      %add3A_333 = arith.addi %add3A_331, %add3A_332 : i32
      %lt3A_334 = arith.constant 160 : i32
      %lt3A_335 = arith.cmpi slt, %add3A_333, %lt3A_334 : i32
      %convert_element_type3A_336 = arith.extui %lt3A_335 : i1 to i32
      %cond3A_337 = arith.constant 0 : i32
      %cond3A_338 = arith.cmpi ne, %convert_element_type3A_336, %cond3A_337 : i32
      scf.if %cond3A_338 {
        %add3A_369 = arith.constant 8 : i32
        %add3A_370 = arith.addi %add3A_123, %add3A_369 : i32
        %add3A_371 = arith.constant 5 : i32
        %add3A_372 = arith.addi %add3A_370, %add3A_371 : i32
        %dma_start3A_373 = arith.constant 0 : i32
        %dma_start3A_374 = tpu.memref_slice %arg6[%add3A_372, %dma_start3A_373] : memref<160x128xi32, #tpu.memory_space<vmem>> -> memref<1x128xi32, #tpu.memory_space<vmem>>
        %dma_start3A_375 = tpu.memref_squeeze %dma_start3A_374 : memref<1x128xi32, #tpu.memory_space<vmem>> -> memref<128xi32, #tpu.memory_space<vmem>>
        %dma_start3A_376 = arith.constant 0 : i32
        %dma_start3A_377 = arith.constant 0 : i32
        %dma_start3A_378 = tpu.memref_slice %arg17[%dma_start3A_376, %dma_start3A_377] : memref<10240x32xf32, #tpu.memory_space<vmem_shared>> -> memref<10240x32xf32, #tpu.memory_space<vmem_shared>>
        tpu.enqueue_indirect_dma source(%dma_start3A_378 : memref<10240x32xf32, #tpu.memory_space<vmem_shared>>) target(%arg13 : memref<128x32xf32, #tpu.memory_space<vmem>>) offsets(%dma_start3A_375 : memref<128xi32, #tpu.memory_space<vmem>>) semaphore(%arg23 : memref<!tpu.dma_semaphore, #tpu.memory_space<semaphore_mem>>)
      } else {
      }
      %dma_wait3A_339 = arith.constant 0 : i32
      %dma_wait3A_340 = tpu.memref_slice %arg7[%add3A_229, %dma_wait3A_339] : memref<160x128xi32, #tpu.memory_space<vmem>> -> memref<1x128xi32, #tpu.memory_space<vmem>>
      %dma_wait3A_341 = tpu.memref_squeeze %dma_wait3A_340 : memref<1x128xi32, #tpu.memory_space<vmem>> -> memref<128xi32, #tpu.memory_space<vmem>>
      %dma_wait3A_342 = arith.constant 0 : i32
      %dma_wait3A_343 = arith.constant 0 : i32
      %dma_wait3A_344 = tpu.memref_slice %arg16[%dma_wait3A_342, %dma_wait3A_343] : memref<10240x32xf32, #tpu.memory_space<vmem_shared>> -> memref<10240x32xf32, #tpu.memory_space<vmem_shared>>
      tpu.wait_indirect_dma semaphore(%arg32 : memref<!tpu.dma_semaphore, #tpu.memory_space<semaphore_mem>>) src(%arg14 : memref<128x32xf32, #tpu.memory_space<vmem>>) dst(%dma_wait3A_344 : memref<10240x32xf32, #tpu.memory_space<vmem_shared>>)
      %add3A_345 = arith.constant 8 : i32
      %add3A_346 = arith.addi %add3A_123, %add3A_345 : i32
      %add3A_347 = arith.constant 6 : i32
      %add3A_348 = arith.addi %add3A_346, %add3A_347 : i32
      %lt3A_349 = arith.constant 160 : i32
      %lt3A_350 = arith.cmpi slt, %add3A_348, %lt3A_349 : i32
      %convert_element_type3A_351 = arith.extui %lt3A_350 : i1 to i32
      %cond3A_352 = arith.constant 0 : i32
      %cond3A_353 = arith.cmpi ne, %convert_element_type3A_351, %cond3A_352 : i32
      scf.if %cond3A_353 {
        %add3A_369 = arith.constant 8 : i32
        %add3A_370 = arith.addi %add3A_123, %add3A_369 : i32
        %add3A_371 = arith.constant 6 : i32
        %add3A_372 = arith.addi %add3A_370, %add3A_371 : i32
        %dma_start3A_373 = arith.constant 0 : i32
        %dma_start3A_374 = tpu.memref_slice %arg6[%add3A_372, %dma_start3A_373] : memref<160x128xi32, #tpu.memory_space<vmem>> -> memref<1x128xi32, #tpu.memory_space<vmem>>
        %dma_start3A_375 = tpu.memref_squeeze %dma_start3A_374 : memref<1x128xi32, #tpu.memory_space<vmem>> -> memref<128xi32, #tpu.memory_space<vmem>>
        %dma_start3A_376 = arith.constant 0 : i32
        %dma_start3A_377 = arith.constant 0 : i32
        %dma_start3A_378 = tpu.memref_slice %arg17[%dma_start3A_376, %dma_start3A_377] : memref<10240x32xf32, #tpu.memory_space<vmem_shared>> -> memref<10240x32xf32, #tpu.memory_space<vmem_shared>>
        tpu.enqueue_indirect_dma source(%dma_start3A_378 : memref<10240x32xf32, #tpu.memory_space<vmem_shared>>) target(%arg14 : memref<128x32xf32, #tpu.memory_space<vmem>>) offsets(%dma_start3A_375 : memref<128xi32, #tpu.memory_space<vmem>>) semaphore(%arg24 : memref<!tpu.dma_semaphore, #tpu.memory_space<semaphore_mem>>)
      } else {
      }
      %dma_wait3A_354 = arith.constant 0 : i32
      %dma_wait3A_355 = tpu.memref_slice %arg7[%add3A_245, %dma_wait3A_354] : memref<160x128xi32, #tpu.memory_space<vmem>> -> memref<1x128xi32, #tpu.memory_space<vmem>>
      %dma_wait3A_356 = tpu.memref_squeeze %dma_wait3A_355 : memref<1x128xi32, #tpu.memory_space<vmem>> -> memref<128xi32, #tpu.memory_space<vmem>>
      %dma_wait3A_357 = arith.constant 0 : i32
      %dma_wait3A_358 = arith.constant 0 : i32
      %dma_wait3A_359 = tpu.memref_slice %arg16[%dma_wait3A_357, %dma_wait3A_358] : memref<10240x32xf32, #tpu.memory_space<vmem_shared>> -> memref<10240x32xf32, #tpu.memory_space<vmem_shared>>
      tpu.wait_indirect_dma semaphore(%arg33 : memref<!tpu.dma_semaphore, #tpu.memory_space<semaphore_mem>>) src(%arg15 : memref<128x32xf32, #tpu.memory_space<vmem>>) dst(%dma_wait3A_359 : memref<10240x32xf32, #tpu.memory_space<vmem_shared>>)
      %add3A_360 = arith.constant 8 : i32
      %add3A_361 = arith.addi %add3A_123, %add3A_360 : i32
      %add3A_362 = arith.constant 7 : i32
      %add3A_363 = arith.addi %add3A_361, %add3A_362 : i32
      %lt3A_364 = arith.constant 160 : i32
      %lt3A_365 = arith.cmpi slt, %add3A_363, %lt3A_364 : i32
      %convert_element_type3A_366 = arith.extui %lt3A_365 : i1 to i32
      %cond3A_367 = arith.constant 0 : i32
      %cond3A_368 = arith.cmpi ne, %convert_element_type3A_366, %cond3A_367 : i32
      scf.if %cond3A_368 {
        %add3A_369 = arith.constant 8 : i32
        %add3A_370 = arith.addi %add3A_123, %add3A_369 : i32
        %add3A_371 = arith.constant 7 : i32
        %add3A_372 = arith.addi %add3A_370, %add3A_371 : i32
        %dma_start3A_373 = arith.constant 0 : i32
        %dma_start3A_374 = tpu.memref_slice %arg6[%add3A_372, %dma_start3A_373] : memref<160x128xi32, #tpu.memory_space<vmem>> -> memref<1x128xi32, #tpu.memory_space<vmem>>
        %dma_start3A_375 = tpu.memref_squeeze %dma_start3A_374 : memref<1x128xi32, #tpu.memory_space<vmem>> -> memref<128xi32, #tpu.memory_space<vmem>>
        %dma_start3A_376 = arith.constant 0 : i32
        %dma_start3A_377 = arith.constant 0 : i32
        %dma_start3A_378 = tpu.memref_slice %arg17[%dma_start3A_376, %dma_start3A_377] : memref<10240x32xf32, #tpu.memory_space<vmem_shared>> -> memref<10240x32xf32, #tpu.memory_space<vmem_shared>>
        tpu.enqueue_indirect_dma source(%dma_start3A_378 : memref<10240x32xf32, #tpu.memory_space<vmem_shared>>) target(%arg15 : memref<128x32xf32, #tpu.memory_space<vmem>>) offsets(%dma_start3A_375 : memref<128xi32, #tpu.memory_space<vmem>>) semaphore(%arg25 : memref<!tpu.dma_semaphore, #tpu.memory_space<semaphore_mem>>)
      } else {
      }
    }
    %scan3A_112 = arith.constant 20 : i32
    %barrier3A_113 = arith.constant 0 : index
    tpu.barrier barrier_id(%barrier3A_113)
    %mul3A_114 = arith.constant 640 : i32
    %mul3A_115 = arith.muli %arg1, %mul3A_114 : i32
    %mul3A_116 = arith.constant 640 : i32
    %mul3A_117 = arith.muli %arg1, %mul3A_116 : i32
    %mul3A_118 = arith.constant 32 : i32
    %mul3A_119 = arith.muli %arg0, %mul3A_118 : i32
    "tpu.region"() ({
      %run_scoped3A = tpu.sem_alloc : memref<!tpu.dma_semaphore, #tpu.memory_space<semaphore_mem>>
      %dma_start3A_120 = tpu.memref_slice %arg5[%mul3A_117, %mul3A_119] : memref<10240x64xf32, #tpu.memory_space<hbm>> -> memref<640x32xf32, #tpu.memory_space<hbm>>
      %dma_start3A_121 = arith.constant 0 : i32
      %dma_start3A_122 = tpu.memref_slice %arg16[%mul3A_115, %dma_start3A_121] : memref<10240x32xf32, #tpu.memory_space<vmem_shared>> -> memref<640x32xf32, #tpu.memory_space<vmem_shared>>
      tpu.enqueue_dma source(%dma_start3A_122 : memref<640x32xf32, #tpu.memory_space<vmem_shared>>) target(%dma_start3A_120 : memref<640x32xf32, #tpu.memory_space<hbm>>) target_semaphore(%run_scoped3A : memref<!tpu.dma_semaphore, #tpu.memory_space<semaphore_mem>>)
      %dma_wait3A_123 = tpu.memref_slice %arg5[%mul3A_117, %mul3A_119] : memref<10240x64xf32, #tpu.memory_space<hbm>> -> memref<640x32xf32, #tpu.memory_space<hbm>>
      %dma_wait3A_124 = arith.constant 0 : i32
      %dma_wait3A_125 = tpu.memref_slice %arg16[%mul3A_115, %dma_wait3A_124] : memref<10240x32xf32, #tpu.memory_space<vmem_shared>> -> memref<640x32xf32, #tpu.memory_space<vmem_shared>>
      tpu.wait_dma2 semaphore(%run_scoped3A : memref<!tpu.dma_semaphore, #tpu.memory_space<semaphore_mem>>) src(%dma_wait3A_125 : memref<640x32xf32, #tpu.memory_space<vmem_shared>>) dst(%dma_wait3A_123 : memref<640x32xf32, #tpu.memory_space<hbm>>)
      tpu.yield
    }) : () -> ()
    return
  }
}

#map = affine_map<(d0, d1) -> (0, 0)>
#map1 = affine_map<(d0, d1) -> (0, 0, 0)>
module attributes {stable_mosaic.version = 14 : i64} {
  func.func @_agg_pass(%arg0: i32, %arg1: i32, %arg2: memref<10240x64xf32, #tpu.memory_space<hbm>>, %arg3: memref<16x160x128xi32, #tpu.memory_space<hbm>>, %arg4: memref<16x160x128xi32, #tpu.memory_space<hbm>>, %arg5: memref<10240x64xf32, #tpu.memory_space<hbm>>, %arg6: memref<160x128xi32, #tpu.memory_space<vmem>>, %arg7: memref<160x128xi32, #tpu.memory_space<vmem>>, %arg8: memref<128x32xf32, #tpu.memory_space<vmem>>, %arg9: memref<128x32xf32, #tpu.memory_space<vmem>>, %arg10: memref<128x32xf32, #tpu.memory_space<vmem>>, %arg11: memref<128x32xf32, #tpu.memory_space<vmem>>, %arg12: memref<128x32xf32, #tpu.memory_space<vmem>>, %arg13: memref<128x32xf32, #tpu.memory_space<vmem>>, %arg14: memref<128x32xf32, #tpu.memory_space<vmem>>, %arg15: memref<128x32xf32, #tpu.memory_space<vmem>>, %arg16: memref<10240x32xf32, #tpu.memory_space<vmem_shared>>, %arg17: memref<10240x32xf32, #tpu.memory_space<vmem_shared>>, %arg18: memref<!tpu.dma_semaphore, #tpu.memory_space<semaphore_mem>>, %arg19: memref<!tpu.dma_semaphore, #tpu.memory_space<semaphore_mem>>, %arg20: memref<!tpu.dma_semaphore, #tpu.memory_space<semaphore_mem>>, %arg21: memref<!tpu.dma_semaphore, #tpu.memory_space<semaphore_mem>>, %arg22: memref<!tpu.dma_semaphore, #tpu.memory_space<semaphore_mem>>, %arg23: memref<!tpu.dma_semaphore, #tpu.memory_space<semaphore_mem>>, %arg24: memref<!tpu.dma_semaphore, #tpu.memory_space<semaphore_mem>>, %arg25: memref<!tpu.dma_semaphore, #tpu.memory_space<semaphore_mem>>, %arg26: memref<!tpu.dma_semaphore, #tpu.memory_space<semaphore_mem>>, %arg27: memref<!tpu.dma_semaphore, #tpu.memory_space<semaphore_mem>>, %arg28: memref<!tpu.dma_semaphore, #tpu.memory_space<semaphore_mem>>, %arg29: memref<!tpu.dma_semaphore, #tpu.memory_space<semaphore_mem>>, %arg30: memref<!tpu.dma_semaphore, #tpu.memory_space<semaphore_mem>>, %arg31: memref<!tpu.dma_semaphore, #tpu.memory_space<semaphore_mem>>, %arg32: memref<!tpu.dma_semaphore, #tpu.memory_space<semaphore_mem>>, %arg33: memref<!tpu.dma_semaphore, #tpu.memory_space<semaphore_mem>>) attributes {dimension_semantics = [#tpu.dimension_semantics<core_parallel>, #tpu.dimension_semantics<subcore_parallel>], iteration_bounds = array<i64: 2, 16>, scalar_prefetch = 0 : i64, scratch_operands = 28 : i64, tpu.core_type = #tpu.core_type<sc_vector_subcore>, window_params = [{transform_indices = #map}, {transform_indices = #map1}, {transform_indices = #map1}, {transform_indices = #map}]} {
    %dma_start3A = arith.constant 0 : i32
    %dma_start3A_0 = arith.constant 0 : i32
    %dma_start3A_1 = tpu.memref_slice %arg3[%arg1, %dma_start3A, %dma_start3A_0] : memref<16x160x128xi32, #tpu.memory_space<hbm>> -> memref<1x160x128xi32, #tpu.memory_space<hbm>>
    %dma_start3A_2 = tpu.memref_squeeze %dma_start3A_1 : memref<1x160x128xi32, #tpu.memory_space<hbm>> -> memref<160x128xi32, #tpu.memory_space<hbm>>
    %dma_start3A_3 = arith.constant 0 : i32
    %dma_start3A_4 = arith.constant 0 : i32
    %dma_start3A_5 = tpu.memref_slice %arg3[%arg1, %dma_start3A_3, %dma_start3A_4] : memref<16x160x128xi32, #tpu.memory_space<hbm>> -> memref<1x160x128xi32, #tpu.memory_space<hbm>>
    %dma_start3A_6 = tpu.memref_squeeze %dma_start3A_5 : memref<1x160x128xi32, #tpu.memory_space<hbm>> -> memref<160x128xi32, #tpu.memory_space<hbm>>
    tpu.enqueue_dma source(%dma_start3A_6 : memref<160x128xi32, #tpu.memory_space<hbm>>) target(%arg6 : memref<160x128xi32, #tpu.memory_space<vmem>>) target_semaphore(%arg26 : memref<!tpu.dma_semaphore, #tpu.memory_space<semaphore_mem>>)
    %dma_start3A_7 = arith.constant 0 : i32
    %dma_start3A_8 = arith.constant 0 : i32
    %dma_start3A_9 = tpu.memref_slice %arg4[%arg1, %dma_start3A_7, %dma_start3A_8] : memref<16x160x128xi32, #tpu.memory_space<hbm>> -> memref<1x160x128xi32, #tpu.memory_space<hbm>>
    %dma_start3A_10 = tpu.memref_squeeze %dma_start3A_9 : memref<1x160x128xi32, #tpu.memory_space<hbm>> -> memref<160x128xi32, #tpu.memory_space<hbm>>
    %dma_start3A_11 = arith.constant 0 : i32
    %dma_start3A_12 = arith.constant 0 : i32
    %dma_start3A_13 = tpu.memref_slice %arg4[%arg1, %dma_start3A_11, %dma_start3A_12] : memref<16x160x128xi32, #tpu.memory_space<hbm>> -> memref<1x160x128xi32, #tpu.memory_space<hbm>>
    %dma_start3A_14 = tpu.memref_squeeze %dma_start3A_13 : memref<1x160x128xi32, #tpu.memory_space<hbm>> -> memref<160x128xi32, #tpu.memory_space<hbm>>
    tpu.enqueue_dma source(%dma_start3A_14 : memref<160x128xi32, #tpu.memory_space<hbm>>) target(%arg7 : memref<160x128xi32, #tpu.memory_space<vmem>>) target_semaphore(%arg27 : memref<!tpu.dma_semaphore, #tpu.memory_space<semaphore_mem>>)
    %mul3A = arith.constant 640 : i32
    %mul3A_15 = arith.muli %arg1, %mul3A : i32
    %mul3A_16 = arith.constant 32 : i32
    %mul3A_17 = arith.muli %arg0, %mul3A_16 : i32
    %mul3A_18 = arith.constant 640 : i32
    %mul3A_19 = arith.muli %arg1, %mul3A_18 : i32
    %dma_start3A_20 = arith.constant 0 : i32
    %dma_start3A_21 = tpu.memref_slice %arg16[%mul3A_19, %dma_start3A_20] : memref<10240x32xf32, #tpu.memory_space<vmem_shared>> -> memref<640x32xf32, #tpu.memory_space<vmem_shared>>
    %dma_start3A_22 = tpu.memref_slice %arg2[%mul3A_15, %mul3A_17] : memref<10240x64xf32, #tpu.memory_space<hbm>> -> memref<640x32xf32, #tpu.memory_space<hbm>>
    tpu.enqueue_dma source(%dma_start3A_22 : memref<640x32xf32, #tpu.memory_space<hbm>>) target(%dma_start3A_21 : memref<640x32xf32, #tpu.memory_space<vmem_shared>>) target_semaphore(%arg28 : memref<!tpu.dma_semaphore, #tpu.memory_space<semaphore_mem>>)
    %mul3A_23 = arith.constant 640 : i32
    %mul3A_24 = arith.muli %arg1, %mul3A_23 : i32
    %mul3A_25 = arith.constant 32 : i32
    %mul3A_26 = arith.muli %arg0, %mul3A_25 : i32
    %mul3A_27 = arith.constant 640 : i32
    %mul3A_28 = arith.muli %arg1, %mul3A_27 : i32
    %dma_start3A_29 = arith.constant 0 : i32
    %dma_start3A_30 = tpu.memref_slice %arg17[%mul3A_28, %dma_start3A_29] : memref<10240x32xf32, #tpu.memory_space<vmem_shared>> -> memref<640x32xf32, #tpu.memory_space<vmem_shared>>
    %dma_start3A_31 = tpu.memref_slice %arg2[%mul3A_24, %mul3A_26] : memref<10240x64xf32, #tpu.memory_space<hbm>> -> memref<640x32xf32, #tpu.memory_space<hbm>>
    tpu.enqueue_dma source(%dma_start3A_31 : memref<640x32xf32, #tpu.memory_space<hbm>>) target(%dma_start3A_30 : memref<640x32xf32, #tpu.memory_space<vmem_shared>>) target_semaphore(%arg29 : memref<!tpu.dma_semaphore, #tpu.memory_space<semaphore_mem>>)
    %dma_wait3A = arith.constant 0 : i32
    %dma_wait3A_32 = arith.constant 0 : i32
    %dma_wait3A_33 = tpu.memref_slice %arg3[%arg1, %dma_wait3A, %dma_wait3A_32] : memref<16x160x128xi32, #tpu.memory_space<hbm>> -> memref<1x160x128xi32, #tpu.memory_space<hbm>>
    %dma_wait3A_34 = tpu.memref_squeeze %dma_wait3A_33 : memref<1x160x128xi32, #tpu.memory_space<hbm>> -> memref<160x128xi32, #tpu.memory_space<hbm>>
    %dma_wait3A_35 = arith.constant 0 : i32
    %dma_wait3A_36 = arith.constant 0 : i32
    %dma_wait3A_37 = tpu.memref_slice %arg3[%arg1, %dma_wait3A_35, %dma_wait3A_36] : memref<16x160x128xi32, #tpu.memory_space<hbm>> -> memref<1x160x128xi32, #tpu.memory_space<hbm>>
    %dma_wait3A_38 = tpu.memref_squeeze %dma_wait3A_37 : memref<1x160x128xi32, #tpu.memory_space<hbm>> -> memref<160x128xi32, #tpu.memory_space<hbm>>
    tpu.wait_dma2 semaphore(%arg26 : memref<!tpu.dma_semaphore, #tpu.memory_space<semaphore_mem>>) src(%dma_wait3A_38 : memref<160x128xi32, #tpu.memory_space<hbm>>) dst(%arg6 : memref<160x128xi32, #tpu.memory_space<vmem>>)
    %dma_wait3A_39 = arith.constant 0 : i32
    %dma_wait3A_40 = arith.constant 0 : i32
    %dma_wait3A_41 = tpu.memref_slice %arg4[%arg1, %dma_wait3A_39, %dma_wait3A_40] : memref<16x160x128xi32, #tpu.memory_space<hbm>> -> memref<1x160x128xi32, #tpu.memory_space<hbm>>
    %dma_wait3A_42 = tpu.memref_squeeze %dma_wait3A_41 : memref<1x160x128xi32, #tpu.memory_space<hbm>> -> memref<160x128xi32, #tpu.memory_space<hbm>>
    %dma_wait3A_43 = arith.constant 0 : i32
    %dma_wait3A_44 = arith.constant 0 : i32
    %dma_wait3A_45 = tpu.memref_slice %arg4[%arg1, %dma_wait3A_43, %dma_wait3A_44] : memref<16x160x128xi32, #tpu.memory_space<hbm>> -> memref<1x160x128xi32, #tpu.memory_space<hbm>>
    %dma_wait3A_46 = tpu.memref_squeeze %dma_wait3A_45 : memref<1x160x128xi32, #tpu.memory_space<hbm>> -> memref<160x128xi32, #tpu.memory_space<hbm>>
    tpu.wait_dma2 semaphore(%arg27 : memref<!tpu.dma_semaphore, #tpu.memory_space<semaphore_mem>>) src(%dma_wait3A_46 : memref<160x128xi32, #tpu.memory_space<hbm>>) dst(%arg7 : memref<160x128xi32, #tpu.memory_space<vmem>>)
    %dma_wait3A_47 = arith.constant 0 : i32
    %dma_wait3A_48 = tpu.memref_slice %arg16[%mul3A_19, %dma_wait3A_47] : memref<10240x32xf32, #tpu.memory_space<vmem_shared>> -> memref<640x32xf32, #tpu.memory_space<vmem_shared>>
    %dma_wait3A_49 = tpu.memref_slice %arg2[%mul3A_15, %mul3A_17] : memref<10240x64xf32, #tpu.memory_space<hbm>> -> memref<640x32xf32, #tpu.memory_space<hbm>>
    tpu.wait_dma2 semaphore(%arg28 : memref<!tpu.dma_semaphore, #tpu.memory_space<semaphore_mem>>) src(%dma_wait3A_49 : memref<640x32xf32, #tpu.memory_space<hbm>>) dst(%dma_wait3A_48 : memref<640x32xf32, #tpu.memory_space<vmem_shared>>)
    %dma_wait3A_50 = arith.constant 0 : i32
    %dma_wait3A_51 = tpu.memref_slice %arg17[%mul3A_28, %dma_wait3A_50] : memref<10240x32xf32, #tpu.memory_space<vmem_shared>> -> memref<640x32xf32, #tpu.memory_space<vmem_shared>>
    %dma_wait3A_52 = tpu.memref_slice %arg2[%mul3A_24, %mul3A_26] : memref<10240x64xf32, #tpu.memory_space<hbm>> -> memref<640x32xf32, #tpu.memory_space<hbm>>
    tpu.wait_dma2 semaphore(%arg29 : memref<!tpu.dma_semaphore, #tpu.memory_space<semaphore_mem>>) src(%dma_wait3A_52 : memref<640x32xf32, #tpu.memory_space<hbm>>) dst(%dma_wait3A_51 : memref<640x32xf32, #tpu.memory_space<vmem_shared>>)
    %barrier3A = arith.constant 0 : index
    tpu.barrier barrier_id(%barrier3A)
    %dma_start3A_53 = arith.constant 0 : i32
    %dma_start3A_54 = arith.constant 0 : i32
    %dma_start3A_55 = tpu.memref_slice %arg6[%dma_start3A_53, %dma_start3A_54] : memref<160x128xi32, #tpu.memory_space<vmem>> -> memref<1x128xi32, #tpu.memory_space<vmem>>
    %dma_start3A_56 = tpu.memref_squeeze %dma_start3A_55 : memref<1x128xi32, #tpu.memory_space<vmem>> -> memref<128xi32, #tpu.memory_space<vmem>>
    %dma_start3A_57 = arith.constant 0 : i32
    %dma_start3A_58 = arith.constant 0 : i32
    %dma_start3A_59 = tpu.memref_slice %arg17[%dma_start3A_57, %dma_start3A_58] : memref<10240x32xf32, #tpu.memory_space<vmem_shared>> -> memref<10240x32xf32, #tpu.memory_space<vmem_shared>>
    tpu.enqueue_indirect_dma source(%dma_start3A_59 : memref<10240x32xf32, #tpu.memory_space<vmem_shared>>) target(%arg8 : memref<128x32xf32, #tpu.memory_space<vmem>>) offsets(%dma_start3A_56 : memref<128xi32, #tpu.memory_space<vmem>>) semaphore(%arg18 : memref<!tpu.dma_semaphore, #tpu.memory_space<semaphore_mem>>)
    %dma_start3A_60 = arith.constant 1 : i32
    %dma_start3A_61 = arith.constant 0 : i32
    %dma_start3A_62 = tpu.memref_slice %arg6[%dma_start3A_60, %dma_start3A_61] : memref<160x128xi32, #tpu.memory_space<vmem>> -> memref<1x128xi32, #tpu.memory_space<vmem>>
    %dma_start3A_63 = tpu.memref_squeeze %dma_start3A_62 : memref<1x128xi32, #tpu.memory_space<vmem>> -> memref<128xi32, #tpu.memory_space<vmem>>
    %dma_start3A_64 = arith.constant 0 : i32
    %dma_start3A_65 = arith.constant 0 : i32
    %dma_start3A_66 = tpu.memref_slice %arg17[%dma_start3A_64, %dma_start3A_65] : memref<10240x32xf32, #tpu.memory_space<vmem_shared>> -> memref<10240x32xf32, #tpu.memory_space<vmem_shared>>
    tpu.enqueue_indirect_dma source(%dma_start3A_66 : memref<10240x32xf32, #tpu.memory_space<vmem_shared>>) target(%arg9 : memref<128x32xf32, #tpu.memory_space<vmem>>) offsets(%dma_start3A_63 : memref<128xi32, #tpu.memory_space<vmem>>) semaphore(%arg19 : memref<!tpu.dma_semaphore, #tpu.memory_space<semaphore_mem>>)
    %dma_start3A_67 = arith.constant 2 : i32
    %dma_start3A_68 = arith.constant 0 : i32
    %dma_start3A_69 = tpu.memref_slice %arg6[%dma_start3A_67, %dma_start3A_68] : memref<160x128xi32, #tpu.memory_space<vmem>> -> memref<1x128xi32, #tpu.memory_space<vmem>>
    %dma_start3A_70 = tpu.memref_squeeze %dma_start3A_69 : memref<1x128xi32, #tpu.memory_space<vmem>> -> memref<128xi32, #tpu.memory_space<vmem>>
    %dma_start3A_71 = arith.constant 0 : i32
    %dma_start3A_72 = arith.constant 0 : i32
    %dma_start3A_73 = tpu.memref_slice %arg17[%dma_start3A_71, %dma_start3A_72] : memref<10240x32xf32, #tpu.memory_space<vmem_shared>> -> memref<10240x32xf32, #tpu.memory_space<vmem_shared>>
    tpu.enqueue_indirect_dma source(%dma_start3A_73 : memref<10240x32xf32, #tpu.memory_space<vmem_shared>>) target(%arg10 : memref<128x32xf32, #tpu.memory_space<vmem>>) offsets(%dma_start3A_70 : memref<128xi32, #tpu.memory_space<vmem>>) semaphore(%arg20 : memref<!tpu.dma_semaphore, #tpu.memory_space<semaphore_mem>>)
    %dma_start3A_74 = arith.constant 3 : i32
    %dma_start3A_75 = arith.constant 0 : i32
    %dma_start3A_76 = tpu.memref_slice %arg6[%dma_start3A_74, %dma_start3A_75] : memref<160x128xi32, #tpu.memory_space<vmem>> -> memref<1x128xi32, #tpu.memory_space<vmem>>
    %dma_start3A_77 = tpu.memref_squeeze %dma_start3A_76 : memref<1x128xi32, #tpu.memory_space<vmem>> -> memref<128xi32, #tpu.memory_space<vmem>>
    %dma_start3A_78 = arith.constant 0 : i32
    %dma_start3A_79 = arith.constant 0 : i32
    %dma_start3A_80 = tpu.memref_slice %arg17[%dma_start3A_78, %dma_start3A_79] : memref<10240x32xf32, #tpu.memory_space<vmem_shared>> -> memref<10240x32xf32, #tpu.memory_space<vmem_shared>>
    tpu.enqueue_indirect_dma source(%dma_start3A_80 : memref<10240x32xf32, #tpu.memory_space<vmem_shared>>) target(%arg11 : memref<128x32xf32, #tpu.memory_space<vmem>>) offsets(%dma_start3A_77 : memref<128xi32, #tpu.memory_space<vmem>>) semaphore(%arg21 : memref<!tpu.dma_semaphore, #tpu.memory_space<semaphore_mem>>)
    %dma_start3A_81 = arith.constant 4 : i32
    %dma_start3A_82 = arith.constant 0 : i32
    %dma_start3A_83 = tpu.memref_slice %arg6[%dma_start3A_81, %dma_start3A_82] : memref<160x128xi32, #tpu.memory_space<vmem>> -> memref<1x128xi32, #tpu.memory_space<vmem>>
    %dma_start3A_84 = tpu.memref_squeeze %dma_start3A_83 : memref<1x128xi32, #tpu.memory_space<vmem>> -> memref<128xi32, #tpu.memory_space<vmem>>
    %dma_start3A_85 = arith.constant 0 : i32
    %dma_start3A_86 = arith.constant 0 : i32
    %dma_start3A_87 = tpu.memref_slice %arg17[%dma_start3A_85, %dma_start3A_86] : memref<10240x32xf32, #tpu.memory_space<vmem_shared>> -> memref<10240x32xf32, #tpu.memory_space<vmem_shared>>
    tpu.enqueue_indirect_dma source(%dma_start3A_87 : memref<10240x32xf32, #tpu.memory_space<vmem_shared>>) target(%arg12 : memref<128x32xf32, #tpu.memory_space<vmem>>) offsets(%dma_start3A_84 : memref<128xi32, #tpu.memory_space<vmem>>) semaphore(%arg22 : memref<!tpu.dma_semaphore, #tpu.memory_space<semaphore_mem>>)
    %dma_start3A_88 = arith.constant 5 : i32
    %dma_start3A_89 = arith.constant 0 : i32
    %dma_start3A_90 = tpu.memref_slice %arg6[%dma_start3A_88, %dma_start3A_89] : memref<160x128xi32, #tpu.memory_space<vmem>> -> memref<1x128xi32, #tpu.memory_space<vmem>>
    %dma_start3A_91 = tpu.memref_squeeze %dma_start3A_90 : memref<1x128xi32, #tpu.memory_space<vmem>> -> memref<128xi32, #tpu.memory_space<vmem>>
    %dma_start3A_92 = arith.constant 0 : i32
    %dma_start3A_93 = arith.constant 0 : i32
    %dma_start3A_94 = tpu.memref_slice %arg17[%dma_start3A_92, %dma_start3A_93] : memref<10240x32xf32, #tpu.memory_space<vmem_shared>> -> memref<10240x32xf32, #tpu.memory_space<vmem_shared>>
    tpu.enqueue_indirect_dma source(%dma_start3A_94 : memref<10240x32xf32, #tpu.memory_space<vmem_shared>>) target(%arg13 : memref<128x32xf32, #tpu.memory_space<vmem>>) offsets(%dma_start3A_91 : memref<128xi32, #tpu.memory_space<vmem>>) semaphore(%arg23 : memref<!tpu.dma_semaphore, #tpu.memory_space<semaphore_mem>>)
    %dma_start3A_95 = arith.constant 6 : i32
    %dma_start3A_96 = arith.constant 0 : i32
    %dma_start3A_97 = tpu.memref_slice %arg6[%dma_start3A_95, %dma_start3A_96] : memref<160x128xi32, #tpu.memory_space<vmem>> -> memref<1x128xi32, #tpu.memory_space<vmem>>
    %dma_start3A_98 = tpu.memref_squeeze %dma_start3A_97 : memref<1x128xi32, #tpu.memory_space<vmem>> -> memref<128xi32, #tpu.memory_space<vmem>>
    %dma_start3A_99 = arith.constant 0 : i32
    %dma_start3A_100 = arith.constant 0 : i32
    %dma_start3A_101 = tpu.memref_slice %arg17[%dma_start3A_99, %dma_start3A_100] : memref<10240x32xf32, #tpu.memory_space<vmem_shared>> -> memref<10240x32xf32, #tpu.memory_space<vmem_shared>>
    tpu.enqueue_indirect_dma source(%dma_start3A_101 : memref<10240x32xf32, #tpu.memory_space<vmem_shared>>) target(%arg14 : memref<128x32xf32, #tpu.memory_space<vmem>>) offsets(%dma_start3A_98 : memref<128xi32, #tpu.memory_space<vmem>>) semaphore(%arg24 : memref<!tpu.dma_semaphore, #tpu.memory_space<semaphore_mem>>)
    %dma_start3A_102 = arith.constant 7 : i32
    %dma_start3A_103 = arith.constant 0 : i32
    %dma_start3A_104 = tpu.memref_slice %arg6[%dma_start3A_102, %dma_start3A_103] : memref<160x128xi32, #tpu.memory_space<vmem>> -> memref<1x128xi32, #tpu.memory_space<vmem>>
    %dma_start3A_105 = tpu.memref_squeeze %dma_start3A_104 : memref<1x128xi32, #tpu.memory_space<vmem>> -> memref<128xi32, #tpu.memory_space<vmem>>
    %dma_start3A_106 = arith.constant 0 : i32
    %dma_start3A_107 = arith.constant 0 : i32
    %dma_start3A_108 = tpu.memref_slice %arg17[%dma_start3A_106, %dma_start3A_107] : memref<10240x32xf32, #tpu.memory_space<vmem_shared>> -> memref<10240x32xf32, #tpu.memory_space<vmem_shared>>
    tpu.enqueue_indirect_dma source(%dma_start3A_108 : memref<10240x32xf32, #tpu.memory_space<vmem_shared>>) target(%arg15 : memref<128x32xf32, #tpu.memory_space<vmem>>) offsets(%dma_start3A_105 : memref<128xi32, #tpu.memory_space<vmem>>) semaphore(%arg25 : memref<!tpu.dma_semaphore, #tpu.memory_space<semaphore_mem>>)
    %scan3A = arith.constant 0 : i32
    %scan3A_109 = arith.constant 20 : i32
    %scan3A_110 = arith.addi %scan3A, %scan3A_109 : i32
    %scan3A_111 = arith.constant 1 : i32
    scf.for %scan3A_120 = %scan3A to %scan3A_110 step %scan3A_111  : i32 {
      %mul3A_121 = arith.constant 8 : i32
      %mul3A_122 = arith.muli %scan3A_120, %mul3A_121 : i32
      %add3A = arith.constant 0 : i32
      %add3A_123 = arith.addi %add3A, %mul3A_122 : i32
      %add3A_124 = arith.constant 0 : i32
      %add3A_125 = arith.addi %add3A_123, %add3A_124 : i32
      %dma_wait3A_126 = arith.constant 0 : i32
      %dma_wait3A_127 = tpu.memref_slice %arg6[%add3A_125, %dma_wait3A_126] : memref<160x128xi32, #tpu.memory_space<vmem>> -> memref<1x128xi32, #tpu.memory_space<vmem>>
      %dma_wait3A_128 = tpu.memref_squeeze %dma_wait3A_127 : memref<1x128xi32, #tpu.memory_space<vmem>> -> memref<128xi32, #tpu.memory_space<vmem>>
      %dma_wait3A_129 = arith.constant 0 : i32
      %dma_wait3A_130 = arith.constant 0 : i32
      %dma_wait3A_131 = tpu.memref_slice %arg17[%dma_wait3A_129, %dma_wait3A_130] : memref<10240x32xf32, #tpu.memory_space<vmem_shared>> -> memref<10240x32xf32, #tpu.memory_space<vmem_shared>>
      tpu.wait_indirect_dma semaphore(%arg18 : memref<!tpu.dma_semaphore, #tpu.memory_space<semaphore_mem>>) src(%dma_wait3A_131 : memref<10240x32xf32, #tpu.memory_space<vmem_shared>>) dst(%arg8 : memref<128x32xf32, #tpu.memory_space<vmem>>)
      %add3A_132 = arith.constant 0 : i32
      %add3A_133 = arith.addi %add3A_123, %add3A_132 : i32
      %dma_start3A_134 = arith.constant 0 : i32
      %dma_start3A_135 = tpu.memref_slice %arg7[%add3A_133, %dma_start3A_134] : memref<160x128xi32, #tpu.memory_space<vmem>> -> memref<1x128xi32, #tpu.memory_space<vmem>>
      %dma_start3A_136 = tpu.memref_squeeze %dma_start3A_135 : memref<1x128xi32, #tpu.memory_space<vmem>> -> memref<128xi32, #tpu.memory_space<vmem>>
      %dma_start3A_137 = arith.constant 0 : i32
      %dma_start3A_138 = arith.constant 0 : i32
      %dma_start3A_139 = tpu.memref_slice %arg16[%dma_start3A_137, %dma_start3A_138] : memref<10240x32xf32, #tpu.memory_space<vmem_shared>> -> memref<10240x32xf32, #tpu.memory_space<vmem_shared>>
      tpu.enqueue_indirect_dma source(%arg8 : memref<128x32xf32, #tpu.memory_space<vmem>>) target(%dma_start3A_139 : memref<10240x32xf32, #tpu.memory_space<vmem_shared>>) offsets(%dma_start3A_136 : memref<128xi32, #tpu.memory_space<vmem>>) semaphore(%arg26 : memref<!tpu.dma_semaphore, #tpu.memory_space<semaphore_mem>>) {add = true}
      %add3A_140 = arith.constant 1 : i32
      %add3A_141 = arith.addi %add3A_123, %add3A_140 : i32
      %dma_wait3A_142 = arith.constant 0 : i32
      %dma_wait3A_143 = tpu.memref_slice %arg6[%add3A_141, %dma_wait3A_142] : memref<160x128xi32, #tpu.memory_space<vmem>> -> memref<1x128xi32, #tpu.memory_space<vmem>>
      %dma_wait3A_144 = tpu.memref_squeeze %dma_wait3A_143 : memref<1x128xi32, #tpu.memory_space<vmem>> -> memref<128xi32, #tpu.memory_space<vmem>>
      %dma_wait3A_145 = arith.constant 0 : i32
      %dma_wait3A_146 = arith.constant 0 : i32
      %dma_wait3A_147 = tpu.memref_slice %arg17[%dma_wait3A_145, %dma_wait3A_146] : memref<10240x32xf32, #tpu.memory_space<vmem_shared>> -> memref<10240x32xf32, #tpu.memory_space<vmem_shared>>
      tpu.wait_indirect_dma semaphore(%arg19 : memref<!tpu.dma_semaphore, #tpu.memory_space<semaphore_mem>>) src(%dma_wait3A_147 : memref<10240x32xf32, #tpu.memory_space<vmem_shared>>) dst(%arg9 : memref<128x32xf32, #tpu.memory_space<vmem>>)
      %add3A_148 = arith.constant 1 : i32
      %add3A_149 = arith.addi %add3A_123, %add3A_148 : i32
      %dma_start3A_150 = arith.constant 0 : i32
      %dma_start3A_151 = tpu.memref_slice %arg7[%add3A_149, %dma_start3A_150] : memref<160x128xi32, #tpu.memory_space<vmem>> -> memref<1x128xi32, #tpu.memory_space<vmem>>
      %dma_start3A_152 = tpu.memref_squeeze %dma_start3A_151 : memref<1x128xi32, #tpu.memory_space<vmem>> -> memref<128xi32, #tpu.memory_space<vmem>>
      %dma_start3A_153 = arith.constant 0 : i32
      %dma_start3A_154 = arith.constant 0 : i32
      %dma_start3A_155 = tpu.memref_slice %arg16[%dma_start3A_153, %dma_start3A_154] : memref<10240x32xf32, #tpu.memory_space<vmem_shared>> -> memref<10240x32xf32, #tpu.memory_space<vmem_shared>>
      tpu.enqueue_indirect_dma source(%arg9 : memref<128x32xf32, #tpu.memory_space<vmem>>) target(%dma_start3A_155 : memref<10240x32xf32, #tpu.memory_space<vmem_shared>>) offsets(%dma_start3A_152 : memref<128xi32, #tpu.memory_space<vmem>>) semaphore(%arg27 : memref<!tpu.dma_semaphore, #tpu.memory_space<semaphore_mem>>) {add = true}
      %add3A_156 = arith.constant 2 : i32
      %add3A_157 = arith.addi %add3A_123, %add3A_156 : i32
      %dma_wait3A_158 = arith.constant 0 : i32
      %dma_wait3A_159 = tpu.memref_slice %arg6[%add3A_157, %dma_wait3A_158] : memref<160x128xi32, #tpu.memory_space<vmem>> -> memref<1x128xi32, #tpu.memory_space<vmem>>
      %dma_wait3A_160 = tpu.memref_squeeze %dma_wait3A_159 : memref<1x128xi32, #tpu.memory_space<vmem>> -> memref<128xi32, #tpu.memory_space<vmem>>
      %dma_wait3A_161 = arith.constant 0 : i32
      %dma_wait3A_162 = arith.constant 0 : i32
      %dma_wait3A_163 = tpu.memref_slice %arg17[%dma_wait3A_161, %dma_wait3A_162] : memref<10240x32xf32, #tpu.memory_space<vmem_shared>> -> memref<10240x32xf32, #tpu.memory_space<vmem_shared>>
      tpu.wait_indirect_dma semaphore(%arg20 : memref<!tpu.dma_semaphore, #tpu.memory_space<semaphore_mem>>) src(%dma_wait3A_163 : memref<10240x32xf32, #tpu.memory_space<vmem_shared>>) dst(%arg10 : memref<128x32xf32, #tpu.memory_space<vmem>>)
      %add3A_164 = arith.constant 2 : i32
      %add3A_165 = arith.addi %add3A_123, %add3A_164 : i32
      %dma_start3A_166 = arith.constant 0 : i32
      %dma_start3A_167 = tpu.memref_slice %arg7[%add3A_165, %dma_start3A_166] : memref<160x128xi32, #tpu.memory_space<vmem>> -> memref<1x128xi32, #tpu.memory_space<vmem>>
      %dma_start3A_168 = tpu.memref_squeeze %dma_start3A_167 : memref<1x128xi32, #tpu.memory_space<vmem>> -> memref<128xi32, #tpu.memory_space<vmem>>
      %dma_start3A_169 = arith.constant 0 : i32
      %dma_start3A_170 = arith.constant 0 : i32
      %dma_start3A_171 = tpu.memref_slice %arg16[%dma_start3A_169, %dma_start3A_170] : memref<10240x32xf32, #tpu.memory_space<vmem_shared>> -> memref<10240x32xf32, #tpu.memory_space<vmem_shared>>
      tpu.enqueue_indirect_dma source(%arg10 : memref<128x32xf32, #tpu.memory_space<vmem>>) target(%dma_start3A_171 : memref<10240x32xf32, #tpu.memory_space<vmem_shared>>) offsets(%dma_start3A_168 : memref<128xi32, #tpu.memory_space<vmem>>) semaphore(%arg28 : memref<!tpu.dma_semaphore, #tpu.memory_space<semaphore_mem>>) {add = true}
      %add3A_172 = arith.constant 3 : i32
      %add3A_173 = arith.addi %add3A_123, %add3A_172 : i32
      %dma_wait3A_174 = arith.constant 0 : i32
      %dma_wait3A_175 = tpu.memref_slice %arg6[%add3A_173, %dma_wait3A_174] : memref<160x128xi32, #tpu.memory_space<vmem>> -> memref<1x128xi32, #tpu.memory_space<vmem>>
      %dma_wait3A_176 = tpu.memref_squeeze %dma_wait3A_175 : memref<1x128xi32, #tpu.memory_space<vmem>> -> memref<128xi32, #tpu.memory_space<vmem>>
      %dma_wait3A_177 = arith.constant 0 : i32
      %dma_wait3A_178 = arith.constant 0 : i32
      %dma_wait3A_179 = tpu.memref_slice %arg17[%dma_wait3A_177, %dma_wait3A_178] : memref<10240x32xf32, #tpu.memory_space<vmem_shared>> -> memref<10240x32xf32, #tpu.memory_space<vmem_shared>>
      tpu.wait_indirect_dma semaphore(%arg21 : memref<!tpu.dma_semaphore, #tpu.memory_space<semaphore_mem>>) src(%dma_wait3A_179 : memref<10240x32xf32, #tpu.memory_space<vmem_shared>>) dst(%arg11 : memref<128x32xf32, #tpu.memory_space<vmem>>)
      %add3A_180 = arith.constant 3 : i32
      %add3A_181 = arith.addi %add3A_123, %add3A_180 : i32
      %dma_start3A_182 = arith.constant 0 : i32
      %dma_start3A_183 = tpu.memref_slice %arg7[%add3A_181, %dma_start3A_182] : memref<160x128xi32, #tpu.memory_space<vmem>> -> memref<1x128xi32, #tpu.memory_space<vmem>>
      %dma_start3A_184 = tpu.memref_squeeze %dma_start3A_183 : memref<1x128xi32, #tpu.memory_space<vmem>> -> memref<128xi32, #tpu.memory_space<vmem>>
      %dma_start3A_185 = arith.constant 0 : i32
      %dma_start3A_186 = arith.constant 0 : i32
      %dma_start3A_187 = tpu.memref_slice %arg16[%dma_start3A_185, %dma_start3A_186] : memref<10240x32xf32, #tpu.memory_space<vmem_shared>> -> memref<10240x32xf32, #tpu.memory_space<vmem_shared>>
      tpu.enqueue_indirect_dma source(%arg11 : memref<128x32xf32, #tpu.memory_space<vmem>>) target(%dma_start3A_187 : memref<10240x32xf32, #tpu.memory_space<vmem_shared>>) offsets(%dma_start3A_184 : memref<128xi32, #tpu.memory_space<vmem>>) semaphore(%arg29 : memref<!tpu.dma_semaphore, #tpu.memory_space<semaphore_mem>>) {add = true}
      %add3A_188 = arith.constant 4 : i32
      %add3A_189 = arith.addi %add3A_123, %add3A_188 : i32
      %dma_wait3A_190 = arith.constant 0 : i32
      %dma_wait3A_191 = tpu.memref_slice %arg6[%add3A_189, %dma_wait3A_190] : memref<160x128xi32, #tpu.memory_space<vmem>> -> memref<1x128xi32, #tpu.memory_space<vmem>>
      %dma_wait3A_192 = tpu.memref_squeeze %dma_wait3A_191 : memref<1x128xi32, #tpu.memory_space<vmem>> -> memref<128xi32, #tpu.memory_space<vmem>>
      %dma_wait3A_193 = arith.constant 0 : i32
      %dma_wait3A_194 = arith.constant 0 : i32
      %dma_wait3A_195 = tpu.memref_slice %arg17[%dma_wait3A_193, %dma_wait3A_194] : memref<10240x32xf32, #tpu.memory_space<vmem_shared>> -> memref<10240x32xf32, #tpu.memory_space<vmem_shared>>
      tpu.wait_indirect_dma semaphore(%arg22 : memref<!tpu.dma_semaphore, #tpu.memory_space<semaphore_mem>>) src(%dma_wait3A_195 : memref<10240x32xf32, #tpu.memory_space<vmem_shared>>) dst(%arg12 : memref<128x32xf32, #tpu.memory_space<vmem>>)
      %add3A_196 = arith.constant 4 : i32
      %add3A_197 = arith.addi %add3A_123, %add3A_196 : i32
      %dma_start3A_198 = arith.constant 0 : i32
      %dma_start3A_199 = tpu.memref_slice %arg7[%add3A_197, %dma_start3A_198] : memref<160x128xi32, #tpu.memory_space<vmem>> -> memref<1x128xi32, #tpu.memory_space<vmem>>
      %dma_start3A_200 = tpu.memref_squeeze %dma_start3A_199 : memref<1x128xi32, #tpu.memory_space<vmem>> -> memref<128xi32, #tpu.memory_space<vmem>>
      %dma_start3A_201 = arith.constant 0 : i32
      %dma_start3A_202 = arith.constant 0 : i32
      %dma_start3A_203 = tpu.memref_slice %arg16[%dma_start3A_201, %dma_start3A_202] : memref<10240x32xf32, #tpu.memory_space<vmem_shared>> -> memref<10240x32xf32, #tpu.memory_space<vmem_shared>>
      tpu.enqueue_indirect_dma source(%arg12 : memref<128x32xf32, #tpu.memory_space<vmem>>) target(%dma_start3A_203 : memref<10240x32xf32, #tpu.memory_space<vmem_shared>>) offsets(%dma_start3A_200 : memref<128xi32, #tpu.memory_space<vmem>>) semaphore(%arg30 : memref<!tpu.dma_semaphore, #tpu.memory_space<semaphore_mem>>) {add = true}
      %add3A_204 = arith.constant 5 : i32
      %add3A_205 = arith.addi %add3A_123, %add3A_204 : i32
      %dma_wait3A_206 = arith.constant 0 : i32
      %dma_wait3A_207 = tpu.memref_slice %arg6[%add3A_205, %dma_wait3A_206] : memref<160x128xi32, #tpu.memory_space<vmem>> -> memref<1x128xi32, #tpu.memory_space<vmem>>
      %dma_wait3A_208 = tpu.memref_squeeze %dma_wait3A_207 : memref<1x128xi32, #tpu.memory_space<vmem>> -> memref<128xi32, #tpu.memory_space<vmem>>
      %dma_wait3A_209 = arith.constant 0 : i32
      %dma_wait3A_210 = arith.constant 0 : i32
      %dma_wait3A_211 = tpu.memref_slice %arg17[%dma_wait3A_209, %dma_wait3A_210] : memref<10240x32xf32, #tpu.memory_space<vmem_shared>> -> memref<10240x32xf32, #tpu.memory_space<vmem_shared>>
      tpu.wait_indirect_dma semaphore(%arg23 : memref<!tpu.dma_semaphore, #tpu.memory_space<semaphore_mem>>) src(%dma_wait3A_211 : memref<10240x32xf32, #tpu.memory_space<vmem_shared>>) dst(%arg13 : memref<128x32xf32, #tpu.memory_space<vmem>>)
      %add3A_212 = arith.constant 5 : i32
      %add3A_213 = arith.addi %add3A_123, %add3A_212 : i32
      %dma_start3A_214 = arith.constant 0 : i32
      %dma_start3A_215 = tpu.memref_slice %arg7[%add3A_213, %dma_start3A_214] : memref<160x128xi32, #tpu.memory_space<vmem>> -> memref<1x128xi32, #tpu.memory_space<vmem>>
      %dma_start3A_216 = tpu.memref_squeeze %dma_start3A_215 : memref<1x128xi32, #tpu.memory_space<vmem>> -> memref<128xi32, #tpu.memory_space<vmem>>
      %dma_start3A_217 = arith.constant 0 : i32
      %dma_start3A_218 = arith.constant 0 : i32
      %dma_start3A_219 = tpu.memref_slice %arg16[%dma_start3A_217, %dma_start3A_218] : memref<10240x32xf32, #tpu.memory_space<vmem_shared>> -> memref<10240x32xf32, #tpu.memory_space<vmem_shared>>
      tpu.enqueue_indirect_dma source(%arg13 : memref<128x32xf32, #tpu.memory_space<vmem>>) target(%dma_start3A_219 : memref<10240x32xf32, #tpu.memory_space<vmem_shared>>) offsets(%dma_start3A_216 : memref<128xi32, #tpu.memory_space<vmem>>) semaphore(%arg31 : memref<!tpu.dma_semaphore, #tpu.memory_space<semaphore_mem>>) {add = true}
      %add3A_220 = arith.constant 6 : i32
      %add3A_221 = arith.addi %add3A_123, %add3A_220 : i32
      %dma_wait3A_222 = arith.constant 0 : i32
      %dma_wait3A_223 = tpu.memref_slice %arg6[%add3A_221, %dma_wait3A_222] : memref<160x128xi32, #tpu.memory_space<vmem>> -> memref<1x128xi32, #tpu.memory_space<vmem>>
      %dma_wait3A_224 = tpu.memref_squeeze %dma_wait3A_223 : memref<1x128xi32, #tpu.memory_space<vmem>> -> memref<128xi32, #tpu.memory_space<vmem>>
      %dma_wait3A_225 = arith.constant 0 : i32
      %dma_wait3A_226 = arith.constant 0 : i32
      %dma_wait3A_227 = tpu.memref_slice %arg17[%dma_wait3A_225, %dma_wait3A_226] : memref<10240x32xf32, #tpu.memory_space<vmem_shared>> -> memref<10240x32xf32, #tpu.memory_space<vmem_shared>>
      tpu.wait_indirect_dma semaphore(%arg24 : memref<!tpu.dma_semaphore, #tpu.memory_space<semaphore_mem>>) src(%dma_wait3A_227 : memref<10240x32xf32, #tpu.memory_space<vmem_shared>>) dst(%arg14 : memref<128x32xf32, #tpu.memory_space<vmem>>)
      %add3A_228 = arith.constant 6 : i32
      %add3A_229 = arith.addi %add3A_123, %add3A_228 : i32
      %dma_start3A_230 = arith.constant 0 : i32
      %dma_start3A_231 = tpu.memref_slice %arg7[%add3A_229, %dma_start3A_230] : memref<160x128xi32, #tpu.memory_space<vmem>> -> memref<1x128xi32, #tpu.memory_space<vmem>>
      %dma_start3A_232 = tpu.memref_squeeze %dma_start3A_231 : memref<1x128xi32, #tpu.memory_space<vmem>> -> memref<128xi32, #tpu.memory_space<vmem>>
      %dma_start3A_233 = arith.constant 0 : i32
      %dma_start3A_234 = arith.constant 0 : i32
      %dma_start3A_235 = tpu.memref_slice %arg16[%dma_start3A_233, %dma_start3A_234] : memref<10240x32xf32, #tpu.memory_space<vmem_shared>> -> memref<10240x32xf32, #tpu.memory_space<vmem_shared>>
      tpu.enqueue_indirect_dma source(%arg14 : memref<128x32xf32, #tpu.memory_space<vmem>>) target(%dma_start3A_235 : memref<10240x32xf32, #tpu.memory_space<vmem_shared>>) offsets(%dma_start3A_232 : memref<128xi32, #tpu.memory_space<vmem>>) semaphore(%arg32 : memref<!tpu.dma_semaphore, #tpu.memory_space<semaphore_mem>>) {add = true}
      %add3A_236 = arith.constant 7 : i32
      %add3A_237 = arith.addi %add3A_123, %add3A_236 : i32
      %dma_wait3A_238 = arith.constant 0 : i32
      %dma_wait3A_239 = tpu.memref_slice %arg6[%add3A_237, %dma_wait3A_238] : memref<160x128xi32, #tpu.memory_space<vmem>> -> memref<1x128xi32, #tpu.memory_space<vmem>>
      %dma_wait3A_240 = tpu.memref_squeeze %dma_wait3A_239 : memref<1x128xi32, #tpu.memory_space<vmem>> -> memref<128xi32, #tpu.memory_space<vmem>>
      %dma_wait3A_241 = arith.constant 0 : i32
      %dma_wait3A_242 = arith.constant 0 : i32
      %dma_wait3A_243 = tpu.memref_slice %arg17[%dma_wait3A_241, %dma_wait3A_242] : memref<10240x32xf32, #tpu.memory_space<vmem_shared>> -> memref<10240x32xf32, #tpu.memory_space<vmem_shared>>
      tpu.wait_indirect_dma semaphore(%arg25 : memref<!tpu.dma_semaphore, #tpu.memory_space<semaphore_mem>>) src(%dma_wait3A_243 : memref<10240x32xf32, #tpu.memory_space<vmem_shared>>) dst(%arg15 : memref<128x32xf32, #tpu.memory_space<vmem>>)
      %add3A_244 = arith.constant 7 : i32
      %add3A_245 = arith.addi %add3A_123, %add3A_244 : i32
      %dma_start3A_246 = arith.constant 0 : i32
      %dma_start3A_247 = tpu.memref_slice %arg7[%add3A_245, %dma_start3A_246] : memref<160x128xi32, #tpu.memory_space<vmem>> -> memref<1x128xi32, #tpu.memory_space<vmem>>
      %dma_start3A_248 = tpu.memref_squeeze %dma_start3A_247 : memref<1x128xi32, #tpu.memory_space<vmem>> -> memref<128xi32, #tpu.memory_space<vmem>>
      %dma_start3A_249 = arith.constant 0 : i32
      %dma_start3A_250 = arith.constant 0 : i32
      %dma_start3A_251 = tpu.memref_slice %arg16[%dma_start3A_249, %dma_start3A_250] : memref<10240x32xf32, #tpu.memory_space<vmem_shared>> -> memref<10240x32xf32, #tpu.memory_space<vmem_shared>>
      tpu.enqueue_indirect_dma source(%arg15 : memref<128x32xf32, #tpu.memory_space<vmem>>) target(%dma_start3A_251 : memref<10240x32xf32, #tpu.memory_space<vmem_shared>>) offsets(%dma_start3A_248 : memref<128xi32, #tpu.memory_space<vmem>>) semaphore(%arg33 : memref<!tpu.dma_semaphore, #tpu.memory_space<semaphore_mem>>) {add = true}
      %dma_wait3A_252 = arith.constant 0 : i32
      %dma_wait3A_253 = tpu.memref_slice %arg7[%add3A_133, %dma_wait3A_252] : memref<160x128xi32, #tpu.memory_space<vmem>> -> memref<1x128xi32, #tpu.memory_space<vmem>>
      %dma_wait3A_254 = tpu.memref_squeeze %dma_wait3A_253 : memref<1x128xi32, #tpu.memory_space<vmem>> -> memref<128xi32, #tpu.memory_space<vmem>>
      %dma_wait3A_255 = arith.constant 0 : i32
      %dma_wait3A_256 = arith.constant 0 : i32
      %dma_wait3A_257 = tpu.memref_slice %arg16[%dma_wait3A_255, %dma_wait3A_256] : memref<10240x32xf32, #tpu.memory_space<vmem_shared>> -> memref<10240x32xf32, #tpu.memory_space<vmem_shared>>
      tpu.wait_indirect_dma semaphore(%arg26 : memref<!tpu.dma_semaphore, #tpu.memory_space<semaphore_mem>>) src(%arg8 : memref<128x32xf32, #tpu.memory_space<vmem>>) dst(%dma_wait3A_257 : memref<10240x32xf32, #tpu.memory_space<vmem_shared>>)
      %add3A_258 = arith.constant 8 : i32
      %add3A_259 = arith.addi %add3A_123, %add3A_258 : i32
      %add3A_260 = arith.constant 0 : i32
      %add3A_261 = arith.addi %add3A_259, %add3A_260 : i32
      %lt3A = arith.constant 160 : i32
      %lt3A_262 = arith.cmpi slt, %add3A_261, %lt3A : i32
      %convert_element_type3A = arith.extui %lt3A_262 : i1 to i32
      %cond3A = arith.constant 0 : i32
      %cond3A_263 = arith.cmpi ne, %convert_element_type3A, %cond3A : i32
      scf.if %cond3A_263 {
        %add3A_369 = arith.constant 8 : i32
        %add3A_370 = arith.addi %add3A_123, %add3A_369 : i32
        %add3A_371 = arith.constant 0 : i32
        %add3A_372 = arith.addi %add3A_370, %add3A_371 : i32
        %dma_start3A_373 = arith.constant 0 : i32
        %dma_start3A_374 = tpu.memref_slice %arg6[%add3A_372, %dma_start3A_373] : memref<160x128xi32, #tpu.memory_space<vmem>> -> memref<1x128xi32, #tpu.memory_space<vmem>>
        %dma_start3A_375 = tpu.memref_squeeze %dma_start3A_374 : memref<1x128xi32, #tpu.memory_space<vmem>> -> memref<128xi32, #tpu.memory_space<vmem>>
        %dma_start3A_376 = arith.constant 0 : i32
        %dma_start3A_377 = arith.constant 0 : i32
        %dma_start3A_378 = tpu.memref_slice %arg17[%dma_start3A_376, %dma_start3A_377] : memref<10240x32xf32, #tpu.memory_space<vmem_shared>> -> memref<10240x32xf32, #tpu.memory_space<vmem_shared>>
        tpu.enqueue_indirect_dma source(%dma_start3A_378 : memref<10240x32xf32, #tpu.memory_space<vmem_shared>>) target(%arg8 : memref<128x32xf32, #tpu.memory_space<vmem>>) offsets(%dma_start3A_375 : memref<128xi32, #tpu.memory_space<vmem>>) semaphore(%arg18 : memref<!tpu.dma_semaphore, #tpu.memory_space<semaphore_mem>>)
      } else {
      }
      %dma_wait3A_264 = arith.constant 0 : i32
      %dma_wait3A_265 = tpu.memref_slice %arg7[%add3A_149, %dma_wait3A_264] : memref<160x128xi32, #tpu.memory_space<vmem>> -> memref<1x128xi32, #tpu.memory_space<vmem>>
      %dma_wait3A_266 = tpu.memref_squeeze %dma_wait3A_265 : memref<1x128xi32, #tpu.memory_space<vmem>> -> memref<128xi32, #tpu.memory_space<vmem>>
      %dma_wait3A_267 = arith.constant 0 : i32
      %dma_wait3A_268 = arith.constant 0 : i32
      %dma_wait3A_269 = tpu.memref_slice %arg16[%dma_wait3A_267, %dma_wait3A_268] : memref<10240x32xf32, #tpu.memory_space<vmem_shared>> -> memref<10240x32xf32, #tpu.memory_space<vmem_shared>>
      tpu.wait_indirect_dma semaphore(%arg27 : memref<!tpu.dma_semaphore, #tpu.memory_space<semaphore_mem>>) src(%arg9 : memref<128x32xf32, #tpu.memory_space<vmem>>) dst(%dma_wait3A_269 : memref<10240x32xf32, #tpu.memory_space<vmem_shared>>)
      %add3A_270 = arith.constant 8 : i32
      %add3A_271 = arith.addi %add3A_123, %add3A_270 : i32
      %add3A_272 = arith.constant 1 : i32
      %add3A_273 = arith.addi %add3A_271, %add3A_272 : i32
      %lt3A_274 = arith.constant 160 : i32
      %lt3A_275 = arith.cmpi slt, %add3A_273, %lt3A_274 : i32
      %convert_element_type3A_276 = arith.extui %lt3A_275 : i1 to i32
      %cond3A_277 = arith.constant 0 : i32
      %cond3A_278 = arith.cmpi ne, %convert_element_type3A_276, %cond3A_277 : i32
      scf.if %cond3A_278 {
        %add3A_369 = arith.constant 8 : i32
        %add3A_370 = arith.addi %add3A_123, %add3A_369 : i32
        %add3A_371 = arith.constant 1 : i32
        %add3A_372 = arith.addi %add3A_370, %add3A_371 : i32
        %dma_start3A_373 = arith.constant 0 : i32
        %dma_start3A_374 = tpu.memref_slice %arg6[%add3A_372, %dma_start3A_373] : memref<160x128xi32, #tpu.memory_space<vmem>> -> memref<1x128xi32, #tpu.memory_space<vmem>>
        %dma_start3A_375 = tpu.memref_squeeze %dma_start3A_374 : memref<1x128xi32, #tpu.memory_space<vmem>> -> memref<128xi32, #tpu.memory_space<vmem>>
        %dma_start3A_376 = arith.constant 0 : i32
        %dma_start3A_377 = arith.constant 0 : i32
        %dma_start3A_378 = tpu.memref_slice %arg17[%dma_start3A_376, %dma_start3A_377] : memref<10240x32xf32, #tpu.memory_space<vmem_shared>> -> memref<10240x32xf32, #tpu.memory_space<vmem_shared>>
        tpu.enqueue_indirect_dma source(%dma_start3A_378 : memref<10240x32xf32, #tpu.memory_space<vmem_shared>>) target(%arg9 : memref<128x32xf32, #tpu.memory_space<vmem>>) offsets(%dma_start3A_375 : memref<128xi32, #tpu.memory_space<vmem>>) semaphore(%arg19 : memref<!tpu.dma_semaphore, #tpu.memory_space<semaphore_mem>>)
      } else {
      }
      %dma_wait3A_279 = arith.constant 0 : i32
      %dma_wait3A_280 = tpu.memref_slice %arg7[%add3A_165, %dma_wait3A_279] : memref<160x128xi32, #tpu.memory_space<vmem>> -> memref<1x128xi32, #tpu.memory_space<vmem>>
      %dma_wait3A_281 = tpu.memref_squeeze %dma_wait3A_280 : memref<1x128xi32, #tpu.memory_space<vmem>> -> memref<128xi32, #tpu.memory_space<vmem>>
      %dma_wait3A_282 = arith.constant 0 : i32
      %dma_wait3A_283 = arith.constant 0 : i32
      %dma_wait3A_284 = tpu.memref_slice %arg16[%dma_wait3A_282, %dma_wait3A_283] : memref<10240x32xf32, #tpu.memory_space<vmem_shared>> -> memref<10240x32xf32, #tpu.memory_space<vmem_shared>>
      tpu.wait_indirect_dma semaphore(%arg28 : memref<!tpu.dma_semaphore, #tpu.memory_space<semaphore_mem>>) src(%arg10 : memref<128x32xf32, #tpu.memory_space<vmem>>) dst(%dma_wait3A_284 : memref<10240x32xf32, #tpu.memory_space<vmem_shared>>)
      %add3A_285 = arith.constant 8 : i32
      %add3A_286 = arith.addi %add3A_123, %add3A_285 : i32
      %add3A_287 = arith.constant 2 : i32
      %add3A_288 = arith.addi %add3A_286, %add3A_287 : i32
      %lt3A_289 = arith.constant 160 : i32
      %lt3A_290 = arith.cmpi slt, %add3A_288, %lt3A_289 : i32
      %convert_element_type3A_291 = arith.extui %lt3A_290 : i1 to i32
      %cond3A_292 = arith.constant 0 : i32
      %cond3A_293 = arith.cmpi ne, %convert_element_type3A_291, %cond3A_292 : i32
      scf.if %cond3A_293 {
        %add3A_369 = arith.constant 8 : i32
        %add3A_370 = arith.addi %add3A_123, %add3A_369 : i32
        %add3A_371 = arith.constant 2 : i32
        %add3A_372 = arith.addi %add3A_370, %add3A_371 : i32
        %dma_start3A_373 = arith.constant 0 : i32
        %dma_start3A_374 = tpu.memref_slice %arg6[%add3A_372, %dma_start3A_373] : memref<160x128xi32, #tpu.memory_space<vmem>> -> memref<1x128xi32, #tpu.memory_space<vmem>>
        %dma_start3A_375 = tpu.memref_squeeze %dma_start3A_374 : memref<1x128xi32, #tpu.memory_space<vmem>> -> memref<128xi32, #tpu.memory_space<vmem>>
        %dma_start3A_376 = arith.constant 0 : i32
        %dma_start3A_377 = arith.constant 0 : i32
        %dma_start3A_378 = tpu.memref_slice %arg17[%dma_start3A_376, %dma_start3A_377] : memref<10240x32xf32, #tpu.memory_space<vmem_shared>> -> memref<10240x32xf32, #tpu.memory_space<vmem_shared>>
        tpu.enqueue_indirect_dma source(%dma_start3A_378 : memref<10240x32xf32, #tpu.memory_space<vmem_shared>>) target(%arg10 : memref<128x32xf32, #tpu.memory_space<vmem>>) offsets(%dma_start3A_375 : memref<128xi32, #tpu.memory_space<vmem>>) semaphore(%arg20 : memref<!tpu.dma_semaphore, #tpu.memory_space<semaphore_mem>>)
      } else {
      }
      %dma_wait3A_294 = arith.constant 0 : i32
      %dma_wait3A_295 = tpu.memref_slice %arg7[%add3A_181, %dma_wait3A_294] : memref<160x128xi32, #tpu.memory_space<vmem>> -> memref<1x128xi32, #tpu.memory_space<vmem>>
      %dma_wait3A_296 = tpu.memref_squeeze %dma_wait3A_295 : memref<1x128xi32, #tpu.memory_space<vmem>> -> memref<128xi32, #tpu.memory_space<vmem>>
      %dma_wait3A_297 = arith.constant 0 : i32
      %dma_wait3A_298 = arith.constant 0 : i32
      %dma_wait3A_299 = tpu.memref_slice %arg16[%dma_wait3A_297, %dma_wait3A_298] : memref<10240x32xf32, #tpu.memory_space<vmem_shared>> -> memref<10240x32xf32, #tpu.memory_space<vmem_shared>>
      tpu.wait_indirect_dma semaphore(%arg29 : memref<!tpu.dma_semaphore, #tpu.memory_space<semaphore_mem>>) src(%arg11 : memref<128x32xf32, #tpu.memory_space<vmem>>) dst(%dma_wait3A_299 : memref<10240x32xf32, #tpu.memory_space<vmem_shared>>)
      %add3A_300 = arith.constant 8 : i32
      %add3A_301 = arith.addi %add3A_123, %add3A_300 : i32
      %add3A_302 = arith.constant 3 : i32
      %add3A_303 = arith.addi %add3A_301, %add3A_302 : i32
      %lt3A_304 = arith.constant 160 : i32
      %lt3A_305 = arith.cmpi slt, %add3A_303, %lt3A_304 : i32
      %convert_element_type3A_306 = arith.extui %lt3A_305 : i1 to i32
      %cond3A_307 = arith.constant 0 : i32
      %cond3A_308 = arith.cmpi ne, %convert_element_type3A_306, %cond3A_307 : i32
      scf.if %cond3A_308 {
        %add3A_369 = arith.constant 8 : i32
        %add3A_370 = arith.addi %add3A_123, %add3A_369 : i32
        %add3A_371 = arith.constant 3 : i32
        %add3A_372 = arith.addi %add3A_370, %add3A_371 : i32
        %dma_start3A_373 = arith.constant 0 : i32
        %dma_start3A_374 = tpu.memref_slice %arg6[%add3A_372, %dma_start3A_373] : memref<160x128xi32, #tpu.memory_space<vmem>> -> memref<1x128xi32, #tpu.memory_space<vmem>>
        %dma_start3A_375 = tpu.memref_squeeze %dma_start3A_374 : memref<1x128xi32, #tpu.memory_space<vmem>> -> memref<128xi32, #tpu.memory_space<vmem>>
        %dma_start3A_376 = arith.constant 0 : i32
        %dma_start3A_377 = arith.constant 0 : i32
        %dma_start3A_378 = tpu.memref_slice %arg17[%dma_start3A_376, %dma_start3A_377] : memref<10240x32xf32, #tpu.memory_space<vmem_shared>> -> memref<10240x32xf32, #tpu.memory_space<vmem_shared>>
        tpu.enqueue_indirect_dma source(%dma_start3A_378 : memref<10240x32xf32, #tpu.memory_space<vmem_shared>>) target(%arg11 : memref<128x32xf32, #tpu.memory_space<vmem>>) offsets(%dma_start3A_375 : memref<128xi32, #tpu.memory_space<vmem>>) semaphore(%arg21 : memref<!tpu.dma_semaphore, #tpu.memory_space<semaphore_mem>>)
      } else {
      }
      %dma_wait3A_309 = arith.constant 0 : i32
      %dma_wait3A_310 = tpu.memref_slice %arg7[%add3A_197, %dma_wait3A_309] : memref<160x128xi32, #tpu.memory_space<vmem>> -> memref<1x128xi32, #tpu.memory_space<vmem>>
      %dma_wait3A_311 = tpu.memref_squeeze %dma_wait3A_310 : memref<1x128xi32, #tpu.memory_space<vmem>> -> memref<128xi32, #tpu.memory_space<vmem>>
      %dma_wait3A_312 = arith.constant 0 : i32
      %dma_wait3A_313 = arith.constant 0 : i32
      %dma_wait3A_314 = tpu.memref_slice %arg16[%dma_wait3A_312, %dma_wait3A_313] : memref<10240x32xf32, #tpu.memory_space<vmem_shared>> -> memref<10240x32xf32, #tpu.memory_space<vmem_shared>>
      tpu.wait_indirect_dma semaphore(%arg30 : memref<!tpu.dma_semaphore, #tpu.memory_space<semaphore_mem>>) src(%arg12 : memref<128x32xf32, #tpu.memory_space<vmem>>) dst(%dma_wait3A_314 : memref<10240x32xf32, #tpu.memory_space<vmem_shared>>)
      %add3A_315 = arith.constant 8 : i32
      %add3A_316 = arith.addi %add3A_123, %add3A_315 : i32
      %add3A_317 = arith.constant 4 : i32
      %add3A_318 = arith.addi %add3A_316, %add3A_317 : i32
      %lt3A_319 = arith.constant 160 : i32
      %lt3A_320 = arith.cmpi slt, %add3A_318, %lt3A_319 : i32
      %convert_element_type3A_321 = arith.extui %lt3A_320 : i1 to i32
      %cond3A_322 = arith.constant 0 : i32
      %cond3A_323 = arith.cmpi ne, %convert_element_type3A_321, %cond3A_322 : i32
      scf.if %cond3A_323 {
        %add3A_369 = arith.constant 8 : i32
        %add3A_370 = arith.addi %add3A_123, %add3A_369 : i32
        %add3A_371 = arith.constant 4 : i32
        %add3A_372 = arith.addi %add3A_370, %add3A_371 : i32
        %dma_start3A_373 = arith.constant 0 : i32
        %dma_start3A_374 = tpu.memref_slice %arg6[%add3A_372, %dma_start3A_373] : memref<160x128xi32, #tpu.memory_space<vmem>> -> memref<1x128xi32, #tpu.memory_space<vmem>>
        %dma_start3A_375 = tpu.memref_squeeze %dma_start3A_374 : memref<1x128xi32, #tpu.memory_space<vmem>> -> memref<128xi32, #tpu.memory_space<vmem>>
        %dma_start3A_376 = arith.constant 0 : i32
        %dma_start3A_377 = arith.constant 0 : i32
        %dma_start3A_378 = tpu.memref_slice %arg17[%dma_start3A_376, %dma_start3A_377] : memref<10240x32xf32, #tpu.memory_space<vmem_shared>> -> memref<10240x32xf32, #tpu.memory_space<vmem_shared>>
        tpu.enqueue_indirect_dma source(%dma_start3A_378 : memref<10240x32xf32, #tpu.memory_space<vmem_shared>>) target(%arg12 : memref<128x32xf32, #tpu.memory_space<vmem>>) offsets(%dma_start3A_375 : memref<128xi32, #tpu.memory_space<vmem>>) semaphore(%arg22 : memref<!tpu.dma_semaphore, #tpu.memory_space<semaphore_mem>>)
      } else {
      }
      %dma_wait3A_324 = arith.constant 0 : i32
      %dma_wait3A_325 = tpu.memref_slice %arg7[%add3A_213, %dma_wait3A_324] : memref<160x128xi32, #tpu.memory_space<vmem>> -> memref<1x128xi32, #tpu.memory_space<vmem>>
      %dma_wait3A_326 = tpu.memref_squeeze %dma_wait3A_325 : memref<1x128xi32, #tpu.memory_space<vmem>> -> memref<128xi32, #tpu.memory_space<vmem>>
      %dma_wait3A_327 = arith.constant 0 : i32
      %dma_wait3A_328 = arith.constant 0 : i32
      %dma_wait3A_329 = tpu.memref_slice %arg16[%dma_wait3A_327, %dma_wait3A_328] : memref<10240x32xf32, #tpu.memory_space<vmem_shared>> -> memref<10240x32xf32, #tpu.memory_space<vmem_shared>>
      tpu.wait_indirect_dma semaphore(%arg31 : memref<!tpu.dma_semaphore, #tpu.memory_space<semaphore_mem>>) src(%arg13 : memref<128x32xf32, #tpu.memory_space<vmem>>) dst(%dma_wait3A_329 : memref<10240x32xf32, #tpu.memory_space<vmem_shared>>)
      %add3A_330 = arith.constant 8 : i32
      %add3A_331 = arith.addi %add3A_123, %add3A_330 : i32
      %add3A_332 = arith.constant 5 : i32
      %add3A_333 = arith.addi %add3A_331, %add3A_332 : i32
      %lt3A_334 = arith.constant 160 : i32
      %lt3A_335 = arith.cmpi slt, %add3A_333, %lt3A_334 : i32
      %convert_element_type3A_336 = arith.extui %lt3A_335 : i1 to i32
      %cond3A_337 = arith.constant 0 : i32
      %cond3A_338 = arith.cmpi ne, %convert_element_type3A_336, %cond3A_337 : i32
      scf.if %cond3A_338 {
        %add3A_369 = arith.constant 8 : i32
        %add3A_370 = arith.addi %add3A_123, %add3A_369 : i32
        %add3A_371 = arith.constant 5 : i32
        %add3A_372 = arith.addi %add3A_370, %add3A_371 : i32
        %dma_start3A_373 = arith.constant 0 : i32
        %dma_start3A_374 = tpu.memref_slice %arg6[%add3A_372, %dma_start3A_373] : memref<160x128xi32, #tpu.memory_space<vmem>> -> memref<1x128xi32, #tpu.memory_space<vmem>>
        %dma_start3A_375 = tpu.memref_squeeze %dma_start3A_374 : memref<1x128xi32, #tpu.memory_space<vmem>> -> memref<128xi32, #tpu.memory_space<vmem>>
        %dma_start3A_376 = arith.constant 0 : i32
        %dma_start3A_377 = arith.constant 0 : i32
        %dma_start3A_378 = tpu.memref_slice %arg17[%dma_start3A_376, %dma_start3A_377] : memref<10240x32xf32, #tpu.memory_space<vmem_shared>> -> memref<10240x32xf32, #tpu.memory_space<vmem_shared>>
        tpu.enqueue_indirect_dma source(%dma_start3A_378 : memref<10240x32xf32, #tpu.memory_space<vmem_shared>>) target(%arg13 : memref<128x32xf32, #tpu.memory_space<vmem>>) offsets(%dma_start3A_375 : memref<128xi32, #tpu.memory_space<vmem>>) semaphore(%arg23 : memref<!tpu.dma_semaphore, #tpu.memory_space<semaphore_mem>>)
      } else {
      }
      %dma_wait3A_339 = arith.constant 0 : i32
      %dma_wait3A_340 = tpu.memref_slice %arg7[%add3A_229, %dma_wait3A_339] : memref<160x128xi32, #tpu.memory_space<vmem>> -> memref<1x128xi32, #tpu.memory_space<vmem>>
      %dma_wait3A_341 = tpu.memref_squeeze %dma_wait3A_340 : memref<1x128xi32, #tpu.memory_space<vmem>> -> memref<128xi32, #tpu.memory_space<vmem>>
      %dma_wait3A_342 = arith.constant 0 : i32
      %dma_wait3A_343 = arith.constant 0 : i32
      %dma_wait3A_344 = tpu.memref_slice %arg16[%dma_wait3A_342, %dma_wait3A_343] : memref<10240x32xf32, #tpu.memory_space<vmem_shared>> -> memref<10240x32xf32, #tpu.memory_space<vmem_shared>>
      tpu.wait_indirect_dma semaphore(%arg32 : memref<!tpu.dma_semaphore, #tpu.memory_space<semaphore_mem>>) src(%arg14 : memref<128x32xf32, #tpu.memory_space<vmem>>) dst(%dma_wait3A_344 : memref<10240x32xf32, #tpu.memory_space<vmem_shared>>)
      %add3A_345 = arith.constant 8 : i32
      %add3A_346 = arith.addi %add3A_123, %add3A_345 : i32
      %add3A_347 = arith.constant 6 : i32
      %add3A_348 = arith.addi %add3A_346, %add3A_347 : i32
      %lt3A_349 = arith.constant 160 : i32
      %lt3A_350 = arith.cmpi slt, %add3A_348, %lt3A_349 : i32
      %convert_element_type3A_351 = arith.extui %lt3A_350 : i1 to i32
      %cond3A_352 = arith.constant 0 : i32
      %cond3A_353 = arith.cmpi ne, %convert_element_type3A_351, %cond3A_352 : i32
      scf.if %cond3A_353 {
        %add3A_369 = arith.constant 8 : i32
        %add3A_370 = arith.addi %add3A_123, %add3A_369 : i32
        %add3A_371 = arith.constant 6 : i32
        %add3A_372 = arith.addi %add3A_370, %add3A_371 : i32
        %dma_start3A_373 = arith.constant 0 : i32
        %dma_start3A_374 = tpu.memref_slice %arg6[%add3A_372, %dma_start3A_373] : memref<160x128xi32, #tpu.memory_space<vmem>> -> memref<1x128xi32, #tpu.memory_space<vmem>>
        %dma_start3A_375 = tpu.memref_squeeze %dma_start3A_374 : memref<1x128xi32, #tpu.memory_space<vmem>> -> memref<128xi32, #tpu.memory_space<vmem>>
        %dma_start3A_376 = arith.constant 0 : i32
        %dma_start3A_377 = arith.constant 0 : i32
        %dma_start3A_378 = tpu.memref_slice %arg17[%dma_start3A_376, %dma_start3A_377] : memref<10240x32xf32, #tpu.memory_space<vmem_shared>> -> memref<10240x32xf32, #tpu.memory_space<vmem_shared>>
        tpu.enqueue_indirect_dma source(%dma_start3A_378 : memref<10240x32xf32, #tpu.memory_space<vmem_shared>>) target(%arg14 : memref<128x32xf32, #tpu.memory_space<vmem>>) offsets(%dma_start3A_375 : memref<128xi32, #tpu.memory_space<vmem>>) semaphore(%arg24 : memref<!tpu.dma_semaphore, #tpu.memory_space<semaphore_mem>>)
      } else {
      }
      %dma_wait3A_354 = arith.constant 0 : i32
      %dma_wait3A_355 = tpu.memref_slice %arg7[%add3A_245, %dma_wait3A_354] : memref<160x128xi32, #tpu.memory_space<vmem>> -> memref<1x128xi32, #tpu.memory_space<vmem>>
      %dma_wait3A_356 = tpu.memref_squeeze %dma_wait3A_355 : memref<1x128xi32, #tpu.memory_space<vmem>> -> memref<128xi32, #tpu.memory_space<vmem>>
      %dma_wait3A_357 = arith.constant 0 : i32
      %dma_wait3A_358 = arith.constant 0 : i32
      %dma_wait3A_359 = tpu.memref_slice %arg16[%dma_wait3A_357, %dma_wait3A_358] : memref<10240x32xf32, #tpu.memory_space<vmem_shared>> -> memref<10240x32xf32, #tpu.memory_space<vmem_shared>>
      tpu.wait_indirect_dma semaphore(%arg33 : memref<!tpu.dma_semaphore, #tpu.memory_space<semaphore_mem>>) src(%arg15 : memref<128x32xf32, #tpu.memory_space<vmem>>) dst(%dma_wait3A_359 : memref<10240x32xf32, #tpu.memory_space<vmem_shared>>)
      %add3A_360 = arith.constant 8 : i32
      %add3A_361 = arith.addi %add3A_123, %add3A_360 : i32
      %add3A_362 = arith.constant 7 : i32
      %add3A_363 = arith.addi %add3A_361, %add3A_362 : i32
      %lt3A_364 = arith.constant 160 : i32
      %lt3A_365 = arith.cmpi slt, %add3A_363, %lt3A_364 : i32
      %convert_element_type3A_366 = arith.extui %lt3A_365 : i1 to i32
      %cond3A_367 = arith.constant 0 : i32
      %cond3A_368 = arith.cmpi ne, %convert_element_type3A_366, %cond3A_367 : i32
      scf.if %cond3A_368 {
        %add3A_369 = arith.constant 8 : i32
        %add3A_370 = arith.addi %add3A_123, %add3A_369 : i32
        %add3A_371 = arith.constant 7 : i32
        %add3A_372 = arith.addi %add3A_370, %add3A_371 : i32
        %dma_start3A_373 = arith.constant 0 : i32
        %dma_start3A_374 = tpu.memref_slice %arg6[%add3A_372, %dma_start3A_373] : memref<160x128xi32, #tpu.memory_space<vmem>> -> memref<1x128xi32, #tpu.memory_space<vmem>>
        %dma_start3A_375 = tpu.memref_squeeze %dma_start3A_374 : memref<1x128xi32, #tpu.memory_space<vmem>> -> memref<128xi32, #tpu.memory_space<vmem>>
        %dma_start3A_376 = arith.constant 0 : i32
        %dma_start3A_377 = arith.constant 0 : i32
        %dma_start3A_378 = tpu.memref_slice %arg17[%dma_start3A_376, %dma_start3A_377] : memref<10240x32xf32, #tpu.memory_space<vmem_shared>> -> memref<10240x32xf32, #tpu.memory_space<vmem_shared>>
        tpu.enqueue_indirect_dma source(%dma_start3A_378 : memref<10240x32xf32, #tpu.memory_space<vmem_shared>>) target(%arg15 : memref<128x32xf32, #tpu.memory_space<vmem>>) offsets(%dma_start3A_375 : memref<128xi32, #tpu.memory_space<vmem>>) semaphore(%arg25 : memref<!tpu.dma_semaphore, #tpu.memory_space<semaphore_mem>>)
      } else {
      }
    }
    %scan3A_112 = arith.constant 20 : i32
    %barrier3A_113 = arith.constant 0 : index
    tpu.barrier barrier_id(%barrier3A_113)
    %mul3A_114 = arith.constant 640 : i32
    %mul3A_115 = arith.muli %arg1, %mul3A_114 : i32
    %mul3A_116 = arith.constant 640 : i32
    %mul3A_117 = arith.muli %arg1, %mul3A_116 : i32
    %mul3A_118 = arith.constant 32 : i32
    %mul3A_119 = arith.muli %arg0, %mul3A_118 : i32
    "tpu.region"() ({
      %run_scoped3A = tpu.sem_alloc : memref<!tpu.dma_semaphore, #tpu.memory_space<semaphore_mem>>
      %dma_start3A_120 = tpu.memref_slice %arg5[%mul3A_117, %mul3A_119] : memref<10240x64xf32, #tpu.memory_space<hbm>> -> memref<640x32xf32, #tpu.memory_space<hbm>>
      %dma_start3A_121 = arith.constant 0 : i32
      %dma_start3A_122 = tpu.memref_slice %arg16[%mul3A_115, %dma_start3A_121] : memref<10240x32xf32, #tpu.memory_space<vmem_shared>> -> memref<640x32xf32, #tpu.memory_space<vmem_shared>>
      tpu.enqueue_dma source(%dma_start3A_122 : memref<640x32xf32, #tpu.memory_space<vmem_shared>>) target(%dma_start3A_120 : memref<640x32xf32, #tpu.memory_space<hbm>>) target_semaphore(%run_scoped3A : memref<!tpu.dma_semaphore, #tpu.memory_space<semaphore_mem>>)
      %dma_wait3A_123 = tpu.memref_slice %arg5[%mul3A_117, %mul3A_119] : memref<10240x64xf32, #tpu.memory_space<hbm>> -> memref<640x32xf32, #tpu.memory_space<hbm>>
      %dma_wait3A_124 = arith.constant 0 : i32
      %dma_wait3A_125 = tpu.memref_slice %arg16[%mul3A_115, %dma_wait3A_124] : memref<10240x32xf32, #tpu.memory_space<vmem_shared>> -> memref<640x32xf32, #tpu.memory_space<vmem_shared>>
      tpu.wait_dma2 semaphore(%run_scoped3A : memref<!tpu.dma_semaphore, #tpu.memory_space<semaphore_mem>>) src(%dma_wait3A_125 : memref<640x32xf32, #tpu.memory_space<vmem_shared>>) dst(%dma_wait3A_123 : memref<640x32xf32, #tpu.memory_space<hbm>>)
      tpu.yield
    }) : () -> ()
    return
  }
}

#map = affine_map<(d0, d1) -> (0, 0, 0)>
#map1 = affine_map<(d0, d1) -> (0, 0)>
module attributes {stable_mosaic.version = 14 : i64} {
  func.func @_deg_counts(%arg0: i32, %arg1: i32, %arg2: memref<16x160x128xi32, #tpu.memory_space<hbm>>, %arg3: memref<10240x16xf32, #tpu.memory_space<hbm>>, %arg4: memref<128x16xf32, #tpu.memory_space<hbm>>, %arg5: memref<2x10240x16xf32, #tpu.memory_space<hbm>>, %arg6: memref<80x128xi32, #tpu.memory_space<vmem>>, %arg7: memref<128x16xf32, #tpu.memory_space<vmem>>, %arg8: memref<10240x16xf32, #tpu.memory_space<vmem_shared>>) attributes {dimension_semantics = [#tpu.dimension_semantics<core_parallel>, #tpu.dimension_semantics<subcore_parallel>], iteration_bounds = array<i64: 2, 16>, scalar_prefetch = 0 : i64, scratch_operands = 3 : i64, tpu.core_type = #tpu.core_type<sc_vector_subcore>, window_params = [{transform_indices = #map}, {transform_indices = #map1}, {transform_indices = #map1}, {transform_indices = #map}]} {
    %mul3A = arith.constant 640 : i32
    %mul3A_0 = arith.muli %arg1, %mul3A : i32
    %mul3A_1 = arith.constant 640 : i32
    %mul3A_2 = arith.muli %arg1, %mul3A_1 : i32
    "tpu.region"() ({
      %run_scoped3A = tpu.sem_alloc : memref<!tpu.dma_semaphore, #tpu.memory_space<semaphore_mem>>
      %dma_start3A = arith.constant 0 : i32
      %dma_start3A_14 = tpu.memref_slice %arg8[%mul3A_2, %dma_start3A] : memref<10240x16xf32, #tpu.memory_space<vmem_shared>> -> memref<640x16xf32, #tpu.memory_space<vmem_shared>>
      %dma_start3A_15 = arith.constant 0 : i32
      %dma_start3A_16 = tpu.memref_slice %arg3[%mul3A_0, %dma_start3A_15] : memref<10240x16xf32, #tpu.memory_space<hbm>> -> memref<640x16xf32, #tpu.memory_space<hbm>>
      tpu.enqueue_dma source(%dma_start3A_16 : memref<640x16xf32, #tpu.memory_space<hbm>>) target(%dma_start3A_14 : memref<640x16xf32, #tpu.memory_space<vmem_shared>>) target_semaphore(%run_scoped3A : memref<!tpu.dma_semaphore, #tpu.memory_space<semaphore_mem>>)
      %dma_wait3A = arith.constant 0 : i32
      %dma_wait3A_17 = tpu.memref_slice %arg8[%mul3A_2, %dma_wait3A] : memref<10240x16xf32, #tpu.memory_space<vmem_shared>> -> memref<640x16xf32, #tpu.memory_space<vmem_shared>>
      %dma_wait3A_18 = arith.constant 0 : i32
      %dma_wait3A_19 = tpu.memref_slice %arg3[%mul3A_0, %dma_wait3A_18] : memref<10240x16xf32, #tpu.memory_space<hbm>> -> memref<640x16xf32, #tpu.memory_space<hbm>>
      tpu.wait_dma2 semaphore(%run_scoped3A : memref<!tpu.dma_semaphore, #tpu.memory_space<semaphore_mem>>) src(%dma_wait3A_19 : memref<640x16xf32, #tpu.memory_space<hbm>>) dst(%dma_wait3A_17 : memref<640x16xf32, #tpu.memory_space<vmem_shared>>)
      tpu.yield
    }) : () -> ()
    %mul3A_3 = arith.constant 80 : i32
    %mul3A_4 = arith.muli %arg0, %mul3A_3 : i32
    "tpu.region"() ({
      %run_scoped3A = tpu.sem_alloc : memref<!tpu.dma_semaphore, #tpu.memory_space<semaphore_mem>>
      %dma_start3A = arith.constant 0 : i32
      %dma_start3A_14 = tpu.memref_slice %arg2[%arg1, %mul3A_4, %dma_start3A] : memref<16x160x128xi32, #tpu.memory_space<hbm>> -> memref<1x80x128xi32, #tpu.memory_space<hbm>>
      %dma_start3A_15 = tpu.memref_squeeze %dma_start3A_14 : memref<1x80x128xi32, #tpu.memory_space<hbm>> -> memref<80x128xi32, #tpu.memory_space<hbm>>
      %dma_start3A_16 = arith.constant 0 : i32
      %dma_start3A_17 = tpu.memref_slice %arg2[%arg1, %mul3A_4, %dma_start3A_16] : memref<16x160x128xi32, #tpu.memory_space<hbm>> -> memref<1x80x128xi32, #tpu.memory_space<hbm>>
      %dma_start3A_18 = tpu.memref_squeeze %dma_start3A_17 : memref<1x80x128xi32, #tpu.memory_space<hbm>> -> memref<80x128xi32, #tpu.memory_space<hbm>>
      tpu.enqueue_dma source(%dma_start3A_18 : memref<80x128xi32, #tpu.memory_space<hbm>>) target(%arg6 : memref<80x128xi32, #tpu.memory_space<vmem>>) target_semaphore(%run_scoped3A : memref<!tpu.dma_semaphore, #tpu.memory_space<semaphore_mem>>)
      %dma_wait3A = arith.constant 0 : i32
      %dma_wait3A_19 = tpu.memref_slice %arg2[%arg1, %mul3A_4, %dma_wait3A] : memref<16x160x128xi32, #tpu.memory_space<hbm>> -> memref<1x80x128xi32, #tpu.memory_space<hbm>>
      %dma_wait3A_20 = tpu.memref_squeeze %dma_wait3A_19 : memref<1x80x128xi32, #tpu.memory_space<hbm>> -> memref<80x128xi32, #tpu.memory_space<hbm>>
      %dma_wait3A_21 = arith.constant 0 : i32
      %dma_wait3A_22 = tpu.memref_slice %arg2[%arg1, %mul3A_4, %dma_wait3A_21] : memref<16x160x128xi32, #tpu.memory_space<hbm>> -> memref<1x80x128xi32, #tpu.memory_space<hbm>>
      %dma_wait3A_23 = tpu.memref_squeeze %dma_wait3A_22 : memref<1x80x128xi32, #tpu.memory_space<hbm>> -> memref<80x128xi32, #tpu.memory_space<hbm>>
      tpu.wait_dma2 semaphore(%run_scoped3A : memref<!tpu.dma_semaphore, #tpu.memory_space<semaphore_mem>>) src(%dma_wait3A_23 : memref<80x128xi32, #tpu.memory_space<hbm>>) dst(%arg6 : memref<80x128xi32, #tpu.memory_space<vmem>>)
      tpu.yield
    }) : () -> ()
    "tpu.region"() ({
      %run_scoped3A = tpu.sem_alloc : memref<!tpu.dma_semaphore, #tpu.memory_space<semaphore_mem>>
      tpu.enqueue_dma source(%arg4 : memref<128x16xf32, #tpu.memory_space<hbm>>) target(%arg7 : memref<128x16xf32, #tpu.memory_space<vmem>>) target_semaphore(%run_scoped3A : memref<!tpu.dma_semaphore, #tpu.memory_space<semaphore_mem>>)
      tpu.wait_dma2 semaphore(%run_scoped3A : memref<!tpu.dma_semaphore, #tpu.memory_space<semaphore_mem>>) src(%arg4 : memref<128x16xf32, #tpu.memory_space<hbm>>) dst(%arg7 : memref<128x16xf32, #tpu.memory_space<vmem>>)
      tpu.yield
    }) : () -> ()
    %barrier3A = arith.constant 0 : index
    tpu.barrier barrier_id(%barrier3A)
    %scan3A = arith.constant 0 : i32
    %scan3A_5 = arith.constant 80 : i32
    %scan3A_6 = arith.addi %scan3A, %scan3A_5 : i32
    %scan3A_7 = arith.constant 1 : i32
    scf.for %scan3A_14 = %scan3A to %scan3A_6 step %scan3A_7  : i32 {
      %mul3A_15 = arith.constant 1 : i32
      %mul3A_16 = arith.muli %scan3A_14, %mul3A_15 : i32
      %add3A = arith.constant 0 : i32
      %add3A_17 = arith.addi %add3A, %mul3A_16 : i32
      "tpu.region"() ({
        %run_scoped3A = tpu.sem_alloc : memref<!tpu.dma_semaphore, #tpu.memory_space<semaphore_mem>>
        %dma_start3A = arith.constant 0 : i32
        %dma_start3A_18 = tpu.memref_slice %arg6[%add3A_17, %dma_start3A] : memref<80x128xi32, #tpu.memory_space<vmem>> -> memref<1x128xi32, #tpu.memory_space<vmem>>
        %dma_start3A_19 = tpu.memref_squeeze %dma_start3A_18 : memref<1x128xi32, #tpu.memory_space<vmem>> -> memref<128xi32, #tpu.memory_space<vmem>>
        %dma_start3A_20 = arith.constant 0 : i32
        %dma_start3A_21 = arith.constant 0 : i32
        %dma_start3A_22 = tpu.memref_slice %arg8[%dma_start3A_20, %dma_start3A_21] : memref<10240x16xf32, #tpu.memory_space<vmem_shared>> -> memref<10240x16xf32, #tpu.memory_space<vmem_shared>>
        tpu.enqueue_indirect_dma source(%arg7 : memref<128x16xf32, #tpu.memory_space<vmem>>) target(%dma_start3A_22 : memref<10240x16xf32, #tpu.memory_space<vmem_shared>>) offsets(%dma_start3A_19 : memref<128xi32, #tpu.memory_space<vmem>>) semaphore(%run_scoped3A : memref<!tpu.dma_semaphore, #tpu.memory_space<semaphore_mem>>) {add = true}
        %dma_wait3A = arith.constant 0 : i32
        %dma_wait3A_23 = tpu.memref_slice %arg6[%add3A_17, %dma_wait3A] : memref<80x128xi32, #tpu.memory_space<vmem>> -> memref<1x128xi32, #tpu.memory_space<vmem>>
        %dma_wait3A_24 = tpu.memref_squeeze %dma_wait3A_23 : memref<1x128xi32, #tpu.memory_space<vmem>> -> memref<128xi32, #tpu.memory_space<vmem>>
        %dma_wait3A_25 = arith.constant 0 : i32
        %dma_wait3A_26 = arith.constant 0 : i32
        %dma_wait3A_27 = tpu.memref_slice %arg8[%dma_wait3A_25, %dma_wait3A_26] : memref<10240x16xf32, #tpu.memory_space<vmem_shared>> -> memref<10240x16xf32, #tpu.memory_space<vmem_shared>>
        tpu.wait_indirect_dma semaphore(%run_scoped3A : memref<!tpu.dma_semaphore, #tpu.memory_space<semaphore_mem>>) src(%arg7 : memref<128x16xf32, #tpu.memory_space<vmem>>) dst(%dma_wait3A_27 : memref<10240x16xf32, #tpu.memory_space<vmem_shared>>)
        tpu.yield
      }) : () -> ()
    }
    %scan3A_8 = arith.constant 80 : i32
    %barrier3A_9 = arith.constant 0 : index
    tpu.barrier barrier_id(%barrier3A_9)
    %mul3A_10 = arith.constant 640 : i32
    %mul3A_11 = arith.muli %arg1, %mul3A_10 : i32
    %mul3A_12 = arith.constant 640 : i32
    %mul3A_13 = arith.muli %arg1, %mul3A_12 : i32
    "tpu.region"() ({
      %run_scoped3A = tpu.sem_alloc : memref<!tpu.dma_semaphore, #tpu.memory_space<semaphore_mem>>
      %dma_start3A = arith.constant 0 : i32
      %dma_start3A_14 = tpu.memref_slice %arg5[%arg0, %mul3A_13, %dma_start3A] : memref<2x10240x16xf32, #tpu.memory_space<hbm>> -> memref<1x640x16xf32, #tpu.memory_space<hbm>>
      %dma_start3A_15 = tpu.memref_squeeze %dma_start3A_14 : memref<1x640x16xf32, #tpu.memory_space<hbm>> -> memref<640x16xf32, #tpu.memory_space<hbm>>
      %dma_start3A_16 = arith.constant 0 : i32
      %dma_start3A_17 = tpu.memref_slice %arg8[%mul3A_11, %dma_start3A_16] : memref<10240x16xf32, #tpu.memory_space<vmem_shared>> -> memref<640x16xf32, #tpu.memory_space<vmem_shared>>
      tpu.enqueue_dma source(%dma_start3A_17 : memref<640x16xf32, #tpu.memory_space<vmem_shared>>) target(%dma_start3A_15 : memref<640x16xf32, #tpu.memory_space<hbm>>) target_semaphore(%run_scoped3A : memref<!tpu.dma_semaphore, #tpu.memory_space<semaphore_mem>>)
      %dma_wait3A = arith.constant 0 : i32
      %dma_wait3A_18 = tpu.memref_slice %arg5[%arg0, %mul3A_13, %dma_wait3A] : memref<2x10240x16xf32, #tpu.memory_space<hbm>> -> memref<1x640x16xf32, #tpu.memory_space<hbm>>
      %dma_wait3A_19 = tpu.memref_squeeze %dma_wait3A_18 : memref<1x640x16xf32, #tpu.memory_space<hbm>> -> memref<640x16xf32, #tpu.memory_space<hbm>>
      %dma_wait3A_20 = arith.constant 0 : i32
      %dma_wait3A_21 = tpu.memref_slice %arg8[%mul3A_11, %dma_wait3A_20] : memref<10240x16xf32, #tpu.memory_space<vmem_shared>> -> memref<640x16xf32, #tpu.memory_space<vmem_shared>>
      tpu.wait_dma2 semaphore(%run_scoped3A : memref<!tpu.dma_semaphore, #tpu.memory_space<semaphore_mem>>) src(%dma_wait3A_21 : memref<640x16xf32, #tpu.memory_space<vmem_shared>>) dst(%dma_wait3A_19 : memref<640x16xf32, #tpu.memory_space<hbm>>)
      tpu.yield
    }) : () -> ()
    return
  }
}

#map = affine_map<(d0, d1) -> (0, 0)>
#map1 = affine_map<(d0, d1) -> (0, 0, 0)>
module attributes {stable_mosaic.version = 14 : i64} {
  func.func @_agg_pass(%arg0: i32, %arg1: i32, %arg2: memref<10240x64xf32, #tpu.memory_space<hbm>>, %arg3: memref<16x160x128xi32, #tpu.memory_space<hbm>>, %arg4: memref<16x160x128xi32, #tpu.memory_space<hbm>>, %arg5: memref<10240x64xf32, #tpu.memory_space<hbm>>, %arg6: memref<160x128xi32, #tpu.memory_space<vmem>>, %arg7: memref<160x128xi32, #tpu.memory_space<vmem>>, %arg8: memref<128x32xf32, #tpu.memory_space<vmem>>, %arg9: memref<128x32xf32, #tpu.memory_space<vmem>>, %arg10: memref<128x32xf32, #tpu.memory_space<vmem>>, %arg11: memref<128x32xf32, #tpu.memory_space<vmem>>, %arg12: memref<128x32xf32, #tpu.memory_space<vmem>>, %arg13: memref<128x32xf32, #tpu.memory_space<vmem>>, %arg14: memref<128x32xf32, #tpu.memory_space<vmem>>, %arg15: memref<128x32xf32, #tpu.memory_space<vmem>>, %arg16: memref<10240x32xf32, #tpu.memory_space<vmem_shared>>, %arg17: memref<10240x32xf32, #tpu.memory_space<vmem_shared>>, %arg18: memref<!tpu.dma_semaphore, #tpu.memory_space<semaphore_mem>>, %arg19: memref<!tpu.dma_semaphore, #tpu.memory_space<semaphore_mem>>, %arg20: memref<!tpu.dma_semaphore, #tpu.memory_space<semaphore_mem>>, %arg21: memref<!tpu.dma_semaphore, #tpu.memory_space<semaphore_mem>>, %arg22: memref<!tpu.dma_semaphore, #tpu.memory_space<semaphore_mem>>, %arg23: memref<!tpu.dma_semaphore, #tpu.memory_space<semaphore_mem>>, %arg24: memref<!tpu.dma_semaphore, #tpu.memory_space<semaphore_mem>>, %arg25: memref<!tpu.dma_semaphore, #tpu.memory_space<semaphore_mem>>, %arg26: memref<!tpu.dma_semaphore, #tpu.memory_space<semaphore_mem>>, %arg27: memref<!tpu.dma_semaphore, #tpu.memory_space<semaphore_mem>>, %arg28: memref<!tpu.dma_semaphore, #tpu.memory_space<semaphore_mem>>, %arg29: memref<!tpu.dma_semaphore, #tpu.memory_space<semaphore_mem>>, %arg30: memref<!tpu.dma_semaphore, #tpu.memory_space<semaphore_mem>>, %arg31: memref<!tpu.dma_semaphore, #tpu.memory_space<semaphore_mem>>, %arg32: memref<!tpu.dma_semaphore, #tpu.memory_space<semaphore_mem>>, %arg33: memref<!tpu.dma_semaphore, #tpu.memory_space<semaphore_mem>>) attributes {dimension_semantics = [#tpu.dimension_semantics<core_parallel>, #tpu.dimension_semantics<subcore_parallel>], iteration_bounds = array<i64: 2, 16>, scalar_prefetch = 0 : i64, scratch_operands = 28 : i64, tpu.core_type = #tpu.core_type<sc_vector_subcore>, window_params = [{transform_indices = #map}, {transform_indices = #map1}, {transform_indices = #map1}, {transform_indices = #map}]} {
    %dma_start3A = arith.constant 0 : i32
    %dma_start3A_0 = arith.constant 0 : i32
    %dma_start3A_1 = tpu.memref_slice %arg3[%arg1, %dma_start3A, %dma_start3A_0] : memref<16x160x128xi32, #tpu.memory_space<hbm>> -> memref<1x160x128xi32, #tpu.memory_space<hbm>>
    %dma_start3A_2 = tpu.memref_squeeze %dma_start3A_1 : memref<1x160x128xi32, #tpu.memory_space<hbm>> -> memref<160x128xi32, #tpu.memory_space<hbm>>
    %dma_start3A_3 = arith.constant 0 : i32
    %dma_start3A_4 = arith.constant 0 : i32
    %dma_start3A_5 = tpu.memref_slice %arg3[%arg1, %dma_start3A_3, %dma_start3A_4] : memref<16x160x128xi32, #tpu.memory_space<hbm>> -> memref<1x160x128xi32, #tpu.memory_space<hbm>>
    %dma_start3A_6 = tpu.memref_squeeze %dma_start3A_5 : memref<1x160x128xi32, #tpu.memory_space<hbm>> -> memref<160x128xi32, #tpu.memory_space<hbm>>
    tpu.enqueue_dma source(%dma_start3A_6 : memref<160x128xi32, #tpu.memory_space<hbm>>) target(%arg6 : memref<160x128xi32, #tpu.memory_space<vmem>>) target_semaphore(%arg26 : memref<!tpu.dma_semaphore, #tpu.memory_space<semaphore_mem>>)
    %dma_start3A_7 = arith.constant 0 : i32
    %dma_start3A_8 = arith.constant 0 : i32
    %dma_start3A_9 = tpu.memref_slice %arg4[%arg1, %dma_start3A_7, %dma_start3A_8] : memref<16x160x128xi32, #tpu.memory_space<hbm>> -> memref<1x160x128xi32, #tpu.memory_space<hbm>>
    %dma_start3A_10 = tpu.memref_squeeze %dma_start3A_9 : memref<1x160x128xi32, #tpu.memory_space<hbm>> -> memref<160x128xi32, #tpu.memory_space<hbm>>
    %dma_start3A_11 = arith.constant 0 : i32
    %dma_start3A_12 = arith.constant 0 : i32
    %dma_start3A_13 = tpu.memref_slice %arg4[%arg1, %dma_start3A_11, %dma_start3A_12] : memref<16x160x128xi32, #tpu.memory_space<hbm>> -> memref<1x160x128xi32, #tpu.memory_space<hbm>>
    %dma_start3A_14 = tpu.memref_squeeze %dma_start3A_13 : memref<1x160x128xi32, #tpu.memory_space<hbm>> -> memref<160x128xi32, #tpu.memory_space<hbm>>
    tpu.enqueue_dma source(%dma_start3A_14 : memref<160x128xi32, #tpu.memory_space<hbm>>) target(%arg7 : memref<160x128xi32, #tpu.memory_space<vmem>>) target_semaphore(%arg27 : memref<!tpu.dma_semaphore, #tpu.memory_space<semaphore_mem>>)
    %mul3A = arith.constant 640 : i32
    %mul3A_15 = arith.muli %arg1, %mul3A : i32
    %mul3A_16 = arith.constant 32 : i32
    %mul3A_17 = arith.muli %arg0, %mul3A_16 : i32
    %mul3A_18 = arith.constant 640 : i32
    %mul3A_19 = arith.muli %arg1, %mul3A_18 : i32
    %dma_start3A_20 = arith.constant 0 : i32
    %dma_start3A_21 = tpu.memref_slice %arg16[%mul3A_19, %dma_start3A_20] : memref<10240x32xf32, #tpu.memory_space<vmem_shared>> -> memref<640x32xf32, #tpu.memory_space<vmem_shared>>
    %dma_start3A_22 = tpu.memref_slice %arg2[%mul3A_15, %mul3A_17] : memref<10240x64xf32, #tpu.memory_space<hbm>> -> memref<640x32xf32, #tpu.memory_space<hbm>>
    tpu.enqueue_dma source(%dma_start3A_22 : memref<640x32xf32, #tpu.memory_space<hbm>>) target(%dma_start3A_21 : memref<640x32xf32, #tpu.memory_space<vmem_shared>>) target_semaphore(%arg28 : memref<!tpu.dma_semaphore, #tpu.memory_space<semaphore_mem>>)
    %mul3A_23 = arith.constant 640 : i32
    %mul3A_24 = arith.muli %arg1, %mul3A_23 : i32
    %mul3A_25 = arith.constant 32 : i32
    %mul3A_26 = arith.muli %arg0, %mul3A_25 : i32
    %mul3A_27 = arith.constant 640 : i32
    %mul3A_28 = arith.muli %arg1, %mul3A_27 : i32
    %dma_start3A_29 = arith.constant 0 : i32
    %dma_start3A_30 = tpu.memref_slice %arg17[%mul3A_28, %dma_start3A_29] : memref<10240x32xf32, #tpu.memory_space<vmem_shared>> -> memref<640x32xf32, #tpu.memory_space<vmem_shared>>
    %dma_start3A_31 = tpu.memref_slice %arg2[%mul3A_24, %mul3A_26] : memref<10240x64xf32, #tpu.memory_space<hbm>> -> memref<640x32xf32, #tpu.memory_space<hbm>>
    tpu.enqueue_dma source(%dma_start3A_31 : memref<640x32xf32, #tpu.memory_space<hbm>>) target(%dma_start3A_30 : memref<640x32xf32, #tpu.memory_space<vmem_shared>>) target_semaphore(%arg29 : memref<!tpu.dma_semaphore, #tpu.memory_space<semaphore_mem>>)
    %dma_wait3A = arith.constant 0 : i32
    %dma_wait3A_32 = arith.constant 0 : i32
    %dma_wait3A_33 = tpu.memref_slice %arg3[%arg1, %dma_wait3A, %dma_wait3A_32] : memref<16x160x128xi32, #tpu.memory_space<hbm>> -> memref<1x160x128xi32, #tpu.memory_space<hbm>>
    %dma_wait3A_34 = tpu.memref_squeeze %dma_wait3A_33 : memref<1x160x128xi32, #tpu.memory_space<hbm>> -> memref<160x128xi32, #tpu.memory_space<hbm>>
    %dma_wait3A_35 = arith.constant 0 : i32
    %dma_wait3A_36 = arith.constant 0 : i32
    %dma_wait3A_37 = tpu.memref_slice %arg3[%arg1, %dma_wait3A_35, %dma_wait3A_36] : memref<16x160x128xi32, #tpu.memory_space<hbm>> -> memref<1x160x128xi32, #tpu.memory_space<hbm>>
    %dma_wait3A_38 = tpu.memref_squeeze %dma_wait3A_37 : memref<1x160x128xi32, #tpu.memory_space<hbm>> -> memref<160x128xi32, #tpu.memory_space<hbm>>
    tpu.wait_dma2 semaphore(%arg26 : memref<!tpu.dma_semaphore, #tpu.memory_space<semaphore_mem>>) src(%dma_wait3A_38 : memref<160x128xi32, #tpu.memory_space<hbm>>) dst(%arg6 : memref<160x128xi32, #tpu.memory_space<vmem>>)
    %dma_wait3A_39 = arith.constant 0 : i32
    %dma_wait3A_40 = arith.constant 0 : i32
    %dma_wait3A_41 = tpu.memref_slice %arg4[%arg1, %dma_wait3A_39, %dma_wait3A_40] : memref<16x160x128xi32, #tpu.memory_space<hbm>> -> memref<1x160x128xi32, #tpu.memory_space<hbm>>
    %dma_wait3A_42 = tpu.memref_squeeze %dma_wait3A_41 : memref<1x160x128xi32, #tpu.memory_space<hbm>> -> memref<160x128xi32, #tpu.memory_space<hbm>>
    %dma_wait3A_43 = arith.constant 0 : i32
    %dma_wait3A_44 = arith.constant 0 : i32
    %dma_wait3A_45 = tpu.memref_slice %arg4[%arg1, %dma_wait3A_43, %dma_wait3A_44] : memref<16x160x128xi32, #tpu.memory_space<hbm>> -> memref<1x160x128xi32, #tpu.memory_space<hbm>>
    %dma_wait3A_46 = tpu.memref_squeeze %dma_wait3A_45 : memref<1x160x128xi32, #tpu.memory_space<hbm>> -> memref<160x128xi32, #tpu.memory_space<hbm>>
    tpu.wait_dma2 semaphore(%arg27 : memref<!tpu.dma_semaphore, #tpu.memory_space<semaphore_mem>>) src(%dma_wait3A_46 : memref<160x128xi32, #tpu.memory_space<hbm>>) dst(%arg7 : memref<160x128xi32, #tpu.memory_space<vmem>>)
    %dma_wait3A_47 = arith.constant 0 : i32
    %dma_wait3A_48 = tpu.memref_slice %arg16[%mul3A_19, %dma_wait3A_47] : memref<10240x32xf32, #tpu.memory_space<vmem_shared>> -> memref<640x32xf32, #tpu.memory_space<vmem_shared>>
    %dma_wait3A_49 = tpu.memref_slice %arg2[%mul3A_15, %mul3A_17] : memref<10240x64xf32, #tpu.memory_space<hbm>> -> memref<640x32xf32, #tpu.memory_space<hbm>>
    tpu.wait_dma2 semaphore(%arg28 : memref<!tpu.dma_semaphore, #tpu.memory_space<semaphore_mem>>) src(%dma_wait3A_49 : memref<640x32xf32, #tpu.memory_space<hbm>>) dst(%dma_wait3A_48 : memref<640x32xf32, #tpu.memory_space<vmem_shared>>)
    %dma_wait3A_50 = arith.constant 0 : i32
    %dma_wait3A_51 = tpu.memref_slice %arg17[%mul3A_28, %dma_wait3A_50] : memref<10240x32xf32, #tpu.memory_space<vmem_shared>> -> memref<640x32xf32, #tpu.memory_space<vmem_shared>>
    %dma_wait3A_52 = tpu.memref_slice %arg2[%mul3A_24, %mul3A_26] : memref<10240x64xf32, #tpu.memory_space<hbm>> -> memref<640x32xf32, #tpu.memory_space<hbm>>
    tpu.wait_dma2 semaphore(%arg29 : memref<!tpu.dma_semaphore, #tpu.memory_space<semaphore_mem>>) src(%dma_wait3A_52 : memref<640x32xf32, #tpu.memory_space<hbm>>) dst(%dma_wait3A_51 : memref<640x32xf32, #tpu.memory_space<vmem_shared>>)
    %barrier3A = arith.constant 0 : index
    tpu.barrier barrier_id(%barrier3A)
    %dma_start3A_53 = arith.constant 0 : i32
    %dma_start3A_54 = arith.constant 0 : i32
    %dma_start3A_55 = tpu.memref_slice %arg6[%dma_start3A_53, %dma_start3A_54] : memref<160x128xi32, #tpu.memory_space<vmem>> -> memref<1x128xi32, #tpu.memory_space<vmem>>
    %dma_start3A_56 = tpu.memref_squeeze %dma_start3A_55 : memref<1x128xi32, #tpu.memory_space<vmem>> -> memref<128xi32, #tpu.memory_space<vmem>>
    %dma_start3A_57 = arith.constant 0 : i32
    %dma_start3A_58 = arith.constant 0 : i32
    %dma_start3A_59 = tpu.memref_slice %arg17[%dma_start3A_57, %dma_start3A_58] : memref<10240x32xf32, #tpu.memory_space<vmem_shared>> -> memref<10240x32xf32, #tpu.memory_space<vmem_shared>>
    tpu.enqueue_indirect_dma source(%dma_start3A_59 : memref<10240x32xf32, #tpu.memory_space<vmem_shared>>) target(%arg8 : memref<128x32xf32, #tpu.memory_space<vmem>>) offsets(%dma_start3A_56 : memref<128xi32, #tpu.memory_space<vmem>>) semaphore(%arg18 : memref<!tpu.dma_semaphore, #tpu.memory_space<semaphore_mem>>)
    %dma_start3A_60 = arith.constant 1 : i32
    %dma_start3A_61 = arith.constant 0 : i32
    %dma_start3A_62 = tpu.memref_slice %arg6[%dma_start3A_60, %dma_start3A_61] : memref<160x128xi32, #tpu.memory_space<vmem>> -> memref<1x128xi32, #tpu.memory_space<vmem>>
    %dma_start3A_63 = tpu.memref_squeeze %dma_start3A_62 : memref<1x128xi32, #tpu.memory_space<vmem>> -> memref<128xi32, #tpu.memory_space<vmem>>
    %dma_start3A_64 = arith.constant 0 : i32
    %dma_start3A_65 = arith.constant 0 : i32
    %dma_start3A_66 = tpu.memref_slice %arg17[%dma_start3A_64, %dma_start3A_65] : memref<10240x32xf32, #tpu.memory_space<vmem_shared>> -> memref<10240x32xf32, #tpu.memory_space<vmem_shared>>
    tpu.enqueue_indirect_dma source(%dma_start3A_66 : memref<10240x32xf32, #tpu.memory_space<vmem_shared>>) target(%arg9 : memref<128x32xf32, #tpu.memory_space<vmem>>) offsets(%dma_start3A_63 : memref<128xi32, #tpu.memory_space<vmem>>) semaphore(%arg19 : memref<!tpu.dma_semaphore, #tpu.memory_space<semaphore_mem>>)
    %dma_start3A_67 = arith.constant 2 : i32
    %dma_start3A_68 = arith.constant 0 : i32
    %dma_start3A_69 = tpu.memref_slice %arg6[%dma_start3A_67, %dma_start3A_68] : memref<160x128xi32, #tpu.memory_space<vmem>> -> memref<1x128xi32, #tpu.memory_space<vmem>>
    %dma_start3A_70 = tpu.memref_squeeze %dma_start3A_69 : memref<1x128xi32, #tpu.memory_space<vmem>> -> memref<128xi32, #tpu.memory_space<vmem>>
    %dma_start3A_71 = arith.constant 0 : i32
    %dma_start3A_72 = arith.constant 0 : i32
    %dma_start3A_73 = tpu.memref_slice %arg17[%dma_start3A_71, %dma_start3A_72] : memref<10240x32xf32, #tpu.memory_space<vmem_shared>> -> memref<10240x32xf32, #tpu.memory_space<vmem_shared>>
    tpu.enqueue_indirect_dma source(%dma_start3A_73 : memref<10240x32xf32, #tpu.memory_space<vmem_shared>>) target(%arg10 : memref<128x32xf32, #tpu.memory_space<vmem>>) offsets(%dma_start3A_70 : memref<128xi32, #tpu.memory_space<vmem>>) semaphore(%arg20 : memref<!tpu.dma_semaphore, #tpu.memory_space<semaphore_mem>>)
    %dma_start3A_74 = arith.constant 3 : i32
    %dma_start3A_75 = arith.constant 0 : i32
    %dma_start3A_76 = tpu.memref_slice %arg6[%dma_start3A_74, %dma_start3A_75] : memref<160x128xi32, #tpu.memory_space<vmem>> -> memref<1x128xi32, #tpu.memory_space<vmem>>
    %dma_start3A_77 = tpu.memref_squeeze %dma_start3A_76 : memref<1x128xi32, #tpu.memory_space<vmem>> -> memref<128xi32, #tpu.memory_space<vmem>>
    %dma_start3A_78 = arith.constant 0 : i32
    %dma_start3A_79 = arith.constant 0 : i32
    %dma_start3A_80 = tpu.memref_slice %arg17[%dma_start3A_78, %dma_start3A_79] : memref<10240x32xf32, #tpu.memory_space<vmem_shared>> -> memref<10240x32xf32, #tpu.memory_space<vmem_shared>>
    tpu.enqueue_indirect_dma source(%dma_start3A_80 : memref<10240x32xf32, #tpu.memory_space<vmem_shared>>) target(%arg11 : memref<128x32xf32, #tpu.memory_space<vmem>>) offsets(%dma_start3A_77 : memref<128xi32, #tpu.memory_space<vmem>>) semaphore(%arg21 : memref<!tpu.dma_semaphore, #tpu.memory_space<semaphore_mem>>)
    %dma_start3A_81 = arith.constant 4 : i32
    %dma_start3A_82 = arith.constant 0 : i32
    %dma_start3A_83 = tpu.memref_slice %arg6[%dma_start3A_81, %dma_start3A_82] : memref<160x128xi32, #tpu.memory_space<vmem>> -> memref<1x128xi32, #tpu.memory_space<vmem>>
    %dma_start3A_84 = tpu.memref_squeeze %dma_start3A_83 : memref<1x128xi32, #tpu.memory_space<vmem>> -> memref<128xi32, #tpu.memory_space<vmem>>
    %dma_start3A_85 = arith.constant 0 : i32
    %dma_start3A_86 = arith.constant 0 : i32
    %dma_start3A_87 = tpu.memref_slice %arg17[%dma_start3A_85, %dma_start3A_86] : memref<10240x32xf32, #tpu.memory_space<vmem_shared>> -> memref<10240x32xf32, #tpu.memory_space<vmem_shared>>
    tpu.enqueue_indirect_dma source(%dma_start3A_87 : memref<10240x32xf32, #tpu.memory_space<vmem_shared>>) target(%arg12 : memref<128x32xf32, #tpu.memory_space<vmem>>) offsets(%dma_start3A_84 : memref<128xi32, #tpu.memory_space<vmem>>) semaphore(%arg22 : memref<!tpu.dma_semaphore, #tpu.memory_space<semaphore_mem>>)
    %dma_start3A_88 = arith.constant 5 : i32
    %dma_start3A_89 = arith.constant 0 : i32
    %dma_start3A_90 = tpu.memref_slice %arg6[%dma_start3A_88, %dma_start3A_89] : memref<160x128xi32, #tpu.memory_space<vmem>> -> memref<1x128xi32, #tpu.memory_space<vmem>>
    %dma_start3A_91 = tpu.memref_squeeze %dma_start3A_90 : memref<1x128xi32, #tpu.memory_space<vmem>> -> memref<128xi32, #tpu.memory_space<vmem>>
    %dma_start3A_92 = arith.constant 0 : i32
    %dma_start3A_93 = arith.constant 0 : i32
    %dma_start3A_94 = tpu.memref_slice %arg17[%dma_start3A_92, %dma_start3A_93] : memref<10240x32xf32, #tpu.memory_space<vmem_shared>> -> memref<10240x32xf32, #tpu.memory_space<vmem_shared>>
    tpu.enqueue_indirect_dma source(%dma_start3A_94 : memref<10240x32xf32, #tpu.memory_space<vmem_shared>>) target(%arg13 : memref<128x32xf32, #tpu.memory_space<vmem>>) offsets(%dma_start3A_91 : memref<128xi32, #tpu.memory_space<vmem>>) semaphore(%arg23 : memref<!tpu.dma_semaphore, #tpu.memory_space<semaphore_mem>>)
    %dma_start3A_95 = arith.constant 6 : i32
    %dma_start3A_96 = arith.constant 0 : i32
    %dma_start3A_97 = tpu.memref_slice %arg6[%dma_start3A_95, %dma_start3A_96] : memref<160x128xi32, #tpu.memory_space<vmem>> -> memref<1x128xi32, #tpu.memory_space<vmem>>
    %dma_start3A_98 = tpu.memref_squeeze %dma_start3A_97 : memref<1x128xi32, #tpu.memory_space<vmem>> -> memref<128xi32, #tpu.memory_space<vmem>>
    %dma_start3A_99 = arith.constant 0 : i32
    %dma_start3A_100 = arith.constant 0 : i32
    %dma_start3A_101 = tpu.memref_slice %arg17[%dma_start3A_99, %dma_start3A_100] : memref<10240x32xf32, #tpu.memory_space<vmem_shared>> -> memref<10240x32xf32, #tpu.memory_space<vmem_shared>>
    tpu.enqueue_indirect_dma source(%dma_start3A_101 : memref<10240x32xf32, #tpu.memory_space<vmem_shared>>) target(%arg14 : memref<128x32xf32, #tpu.memory_space<vmem>>) offsets(%dma_start3A_98 : memref<128xi32, #tpu.memory_space<vmem>>) semaphore(%arg24 : memref<!tpu.dma_semaphore, #tpu.memory_space<semaphore_mem>>)
    %dma_start3A_102 = arith.constant 7 : i32
    %dma_start3A_103 = arith.constant 0 : i32
    %dma_start3A_104 = tpu.memref_slice %arg6[%dma_start3A_102, %dma_start3A_103] : memref<160x128xi32, #tpu.memory_space<vmem>> -> memref<1x128xi32, #tpu.memory_space<vmem>>
    %dma_start3A_105 = tpu.memref_squeeze %dma_start3A_104 : memref<1x128xi32, #tpu.memory_space<vmem>> -> memref<128xi32, #tpu.memory_space<vmem>>
    %dma_start3A_106 = arith.constant 0 : i32
    %dma_start3A_107 = arith.constant 0 : i32
    %dma_start3A_108 = tpu.memref_slice %arg17[%dma_start3A_106, %dma_start3A_107] : memref<10240x32xf32, #tpu.memory_space<vmem_shared>> -> memref<10240x32xf32, #tpu.memory_space<vmem_shared>>
    tpu.enqueue_indirect_dma source(%dma_start3A_108 : memref<10240x32xf32, #tpu.memory_space<vmem_shared>>) target(%arg15 : memref<128x32xf32, #tpu.memory_space<vmem>>) offsets(%dma_start3A_105 : memref<128xi32, #tpu.memory_space<vmem>>) semaphore(%arg25 : memref<!tpu.dma_semaphore, #tpu.memory_space<semaphore_mem>>)
    %scan3A = arith.constant 0 : i32
    %scan3A_109 = arith.constant 20 : i32
    %scan3A_110 = arith.addi %scan3A, %scan3A_109 : i32
    %scan3A_111 = arith.constant 1 : i32
    scf.for %scan3A_120 = %scan3A to %scan3A_110 step %scan3A_111  : i32 {
      %mul3A_121 = arith.constant 8 : i32
      %mul3A_122 = arith.muli %scan3A_120, %mul3A_121 : i32
      %add3A = arith.constant 0 : i32
      %add3A_123 = arith.addi %add3A, %mul3A_122 : i32
      %add3A_124 = arith.constant 0 : i32
      %add3A_125 = arith.addi %add3A_123, %add3A_124 : i32
      %dma_wait3A_126 = arith.constant 0 : i32
      %dma_wait3A_127 = tpu.memref_slice %arg6[%add3A_125, %dma_wait3A_126] : memref<160x128xi32, #tpu.memory_space<vmem>> -> memref<1x128xi32, #tpu.memory_space<vmem>>
      %dma_wait3A_128 = tpu.memref_squeeze %dma_wait3A_127 : memref<1x128xi32, #tpu.memory_space<vmem>> -> memref<128xi32, #tpu.memory_space<vmem>>
      %dma_wait3A_129 = arith.constant 0 : i32
      %dma_wait3A_130 = arith.constant 0 : i32
      %dma_wait3A_131 = tpu.memref_slice %arg17[%dma_wait3A_129, %dma_wait3A_130] : memref<10240x32xf32, #tpu.memory_space<vmem_shared>> -> memref<10240x32xf32, #tpu.memory_space<vmem_shared>>
      tpu.wait_indirect_dma semaphore(%arg18 : memref<!tpu.dma_semaphore, #tpu.memory_space<semaphore_mem>>) src(%dma_wait3A_131 : memref<10240x32xf32, #tpu.memory_space<vmem_shared>>) dst(%arg8 : memref<128x32xf32, #tpu.memory_space<vmem>>)
      %add3A_132 = arith.constant 0 : i32
      %add3A_133 = arith.addi %add3A_123, %add3A_132 : i32
      %dma_start3A_134 = arith.constant 0 : i32
      %dma_start3A_135 = tpu.memref_slice %arg7[%add3A_133, %dma_start3A_134] : memref<160x128xi32, #tpu.memory_space<vmem>> -> memref<1x128xi32, #tpu.memory_space<vmem>>
      %dma_start3A_136 = tpu.memref_squeeze %dma_start3A_135 : memref<1x128xi32, #tpu.memory_space<vmem>> -> memref<128xi32, #tpu.memory_space<vmem>>
      %dma_start3A_137 = arith.constant 0 : i32
      %dma_start3A_138 = arith.constant 0 : i32
      %dma_start3A_139 = tpu.memref_slice %arg16[%dma_start3A_137, %dma_start3A_138] : memref<10240x32xf32, #tpu.memory_space<vmem_shared>> -> memref<10240x32xf32, #tpu.memory_space<vmem_shared>>
      tpu.enqueue_indirect_dma source(%arg8 : memref<128x32xf32, #tpu.memory_space<vmem>>) target(%dma_start3A_139 : memref<10240x32xf32, #tpu.memory_space<vmem_shared>>) offsets(%dma_start3A_136 : memref<128xi32, #tpu.memory_space<vmem>>) semaphore(%arg26 : memref<!tpu.dma_semaphore, #tpu.memory_space<semaphore_mem>>) {add = true}
      %add3A_140 = arith.constant 1 : i32
      %add3A_141 = arith.addi %add3A_123, %add3A_140 : i32
      %dma_wait3A_142 = arith.constant 0 : i32
      %dma_wait3A_143 = tpu.memref_slice %arg6[%add3A_141, %dma_wait3A_142] : memref<160x128xi32, #tpu.memory_space<vmem>> -> memref<1x128xi32, #tpu.memory_space<vmem>>
      %dma_wait3A_144 = tpu.memref_squeeze %dma_wait3A_143 : memref<1x128xi32, #tpu.memory_space<vmem>> -> memref<128xi32, #tpu.memory_space<vmem>>
      %dma_wait3A_145 = arith.constant 0 : i32
      %dma_wait3A_146 = arith.constant 0 : i32
      %dma_wait3A_147 = tpu.memref_slice %arg17[%dma_wait3A_145, %dma_wait3A_146] : memref<10240x32xf32, #tpu.memory_space<vmem_shared>> -> memref<10240x32xf32, #tpu.memory_space<vmem_shared>>
      tpu.wait_indirect_dma semaphore(%arg19 : memref<!tpu.dma_semaphore, #tpu.memory_space<semaphore_mem>>) src(%dma_wait3A_147 : memref<10240x32xf32, #tpu.memory_space<vmem_shared>>) dst(%arg9 : memref<128x32xf32, #tpu.memory_space<vmem>>)
      %add3A_148 = arith.constant 1 : i32
      %add3A_149 = arith.addi %add3A_123, %add3A_148 : i32
      %dma_start3A_150 = arith.constant 0 : i32
      %dma_start3A_151 = tpu.memref_slice %arg7[%add3A_149, %dma_start3A_150] : memref<160x128xi32, #tpu.memory_space<vmem>> -> memref<1x128xi32, #tpu.memory_space<vmem>>
      %dma_start3A_152 = tpu.memref_squeeze %dma_start3A_151 : memref<1x128xi32, #tpu.memory_space<vmem>> -> memref<128xi32, #tpu.memory_space<vmem>>
      %dma_start3A_153 = arith.constant 0 : i32
      %dma_start3A_154 = arith.constant 0 : i32
      %dma_start3A_155 = tpu.memref_slice %arg16[%dma_start3A_153, %dma_start3A_154] : memref<10240x32xf32, #tpu.memory_space<vmem_shared>> -> memref<10240x32xf32, #tpu.memory_space<vmem_shared>>
      tpu.enqueue_indirect_dma source(%arg9 : memref<128x32xf32, #tpu.memory_space<vmem>>) target(%dma_start3A_155 : memref<10240x32xf32, #tpu.memory_space<vmem_shared>>) offsets(%dma_start3A_152 : memref<128xi32, #tpu.memory_space<vmem>>) semaphore(%arg27 : memref<!tpu.dma_semaphore, #tpu.memory_space<semaphore_mem>>) {add = true}
      %add3A_156 = arith.constant 2 : i32
      %add3A_157 = arith.addi %add3A_123, %add3A_156 : i32
      %dma_wait3A_158 = arith.constant 0 : i32
      %dma_wait3A_159 = tpu.memref_slice %arg6[%add3A_157, %dma_wait3A_158] : memref<160x128xi32, #tpu.memory_space<vmem>> -> memref<1x128xi32, #tpu.memory_space<vmem>>
      %dma_wait3A_160 = tpu.memref_squeeze %dma_wait3A_159 : memref<1x128xi32, #tpu.memory_space<vmem>> -> memref<128xi32, #tpu.memory_space<vmem>>
      %dma_wait3A_161 = arith.constant 0 : i32
      %dma_wait3A_162 = arith.constant 0 : i32
      %dma_wait3A_163 = tpu.memref_slice %arg17[%dma_wait3A_161, %dma_wait3A_162] : memref<10240x32xf32, #tpu.memory_space<vmem_shared>> -> memref<10240x32xf32, #tpu.memory_space<vmem_shared>>
      tpu.wait_indirect_dma semaphore(%arg20 : memref<!tpu.dma_semaphore, #tpu.memory_space<semaphore_mem>>) src(%dma_wait3A_163 : memref<10240x32xf32, #tpu.memory_space<vmem_shared>>) dst(%arg10 : memref<128x32xf32, #tpu.memory_space<vmem>>)
      %add3A_164 = arith.constant 2 : i32
      %add3A_165 = arith.addi %add3A_123, %add3A_164 : i32
      %dma_start3A_166 = arith.constant 0 : i32
      %dma_start3A_167 = tpu.memref_slice %arg7[%add3A_165, %dma_start3A_166] : memref<160x128xi32, #tpu.memory_space<vmem>> -> memref<1x128xi32, #tpu.memory_space<vmem>>
      %dma_start3A_168 = tpu.memref_squeeze %dma_start3A_167 : memref<1x128xi32, #tpu.memory_space<vmem>> -> memref<128xi32, #tpu.memory_space<vmem>>
      %dma_start3A_169 = arith.constant 0 : i32
      %dma_start3A_170 = arith.constant 0 : i32
      %dma_start3A_171 = tpu.memref_slice %arg16[%dma_start3A_169, %dma_start3A_170] : memref<10240x32xf32, #tpu.memory_space<vmem_shared>> -> memref<10240x32xf32, #tpu.memory_space<vmem_shared>>
      tpu.enqueue_indirect_dma source(%arg10 : memref<128x32xf32, #tpu.memory_space<vmem>>) target(%dma_start3A_171 : memref<10240x32xf32, #tpu.memory_space<vmem_shared>>) offsets(%dma_start3A_168 : memref<128xi32, #tpu.memory_space<vmem>>) semaphore(%arg28 : memref<!tpu.dma_semaphore, #tpu.memory_space<semaphore_mem>>) {add = true}
      %add3A_172 = arith.constant 3 : i32
      %add3A_173 = arith.addi %add3A_123, %add3A_172 : i32
      %dma_wait3A_174 = arith.constant 0 : i32
      %dma_wait3A_175 = tpu.memref_slice %arg6[%add3A_173, %dma_wait3A_174] : memref<160x128xi32, #tpu.memory_space<vmem>> -> memref<1x128xi32, #tpu.memory_space<vmem>>
      %dma_wait3A_176 = tpu.memref_squeeze %dma_wait3A_175 : memref<1x128xi32, #tpu.memory_space<vmem>> -> memref<128xi32, #tpu.memory_space<vmem>>
      %dma_wait3A_177 = arith.constant 0 : i32
      %dma_wait3A_178 = arith.constant 0 : i32
      %dma_wait3A_179 = tpu.memref_slice %arg17[%dma_wait3A_177, %dma_wait3A_178] : memref<10240x32xf32, #tpu.memory_space<vmem_shared>> -> memref<10240x32xf32, #tpu.memory_space<vmem_shared>>
      tpu.wait_indirect_dma semaphore(%arg21 : memref<!tpu.dma_semaphore, #tpu.memory_space<semaphore_mem>>) src(%dma_wait3A_179 : memref<10240x32xf32, #tpu.memory_space<vmem_shared>>) dst(%arg11 : memref<128x32xf32, #tpu.memory_space<vmem>>)
      %add3A_180 = arith.constant 3 : i32
      %add3A_181 = arith.addi %add3A_123, %add3A_180 : i32
      %dma_start3A_182 = arith.constant 0 : i32
      %dma_start3A_183 = tpu.memref_slice %arg7[%add3A_181, %dma_start3A_182] : memref<160x128xi32, #tpu.memory_space<vmem>> -> memref<1x128xi32, #tpu.memory_space<vmem>>
      %dma_start3A_184 = tpu.memref_squeeze %dma_start3A_183 : memref<1x128xi32, #tpu.memory_space<vmem>> -> memref<128xi32, #tpu.memory_space<vmem>>
      %dma_start3A_185 = arith.constant 0 : i32
      %dma_start3A_186 = arith.constant 0 : i32
      %dma_start3A_187 = tpu.memref_slice %arg16[%dma_start3A_185, %dma_start3A_186] : memref<10240x32xf32, #tpu.memory_space<vmem_shared>> -> memref<10240x32xf32, #tpu.memory_space<vmem_shared>>
      tpu.enqueue_indirect_dma source(%arg11 : memref<128x32xf32, #tpu.memory_space<vmem>>) target(%dma_start3A_187 : memref<10240x32xf32, #tpu.memory_space<vmem_shared>>) offsets(%dma_start3A_184 : memref<128xi32, #tpu.memory_space<vmem>>) semaphore(%arg29 : memref<!tpu.dma_semaphore, #tpu.memory_space<semaphore_mem>>) {add = true}
      %add3A_188 = arith.constant 4 : i32
      %add3A_189 = arith.addi %add3A_123, %add3A_188 : i32
      %dma_wait3A_190 = arith.constant 0 : i32
      %dma_wait3A_191 = tpu.memref_slice %arg6[%add3A_189, %dma_wait3A_190] : memref<160x128xi32, #tpu.memory_space<vmem>> -> memref<1x128xi32, #tpu.memory_space<vmem>>
      %dma_wait3A_192 = tpu.memref_squeeze %dma_wait3A_191 : memref<1x128xi32, #tpu.memory_space<vmem>> -> memref<128xi32, #tpu.memory_space<vmem>>
      %dma_wait3A_193 = arith.constant 0 : i32
      %dma_wait3A_194 = arith.constant 0 : i32
      %dma_wait3A_195 = tpu.memref_slice %arg17[%dma_wait3A_193, %dma_wait3A_194] : memref<10240x32xf32, #tpu.memory_space<vmem_shared>> -> memref<10240x32xf32, #tpu.memory_space<vmem_shared>>
      tpu.wait_indirect_dma semaphore(%arg22 : memref<!tpu.dma_semaphore, #tpu.memory_space<semaphore_mem>>) src(%dma_wait3A_195 : memref<10240x32xf32, #tpu.memory_space<vmem_shared>>) dst(%arg12 : memref<128x32xf32, #tpu.memory_space<vmem>>)
      %add3A_196 = arith.constant 4 : i32
      %add3A_197 = arith.addi %add3A_123, %add3A_196 : i32
      %dma_start3A_198 = arith.constant 0 : i32
      %dma_start3A_199 = tpu.memref_slice %arg7[%add3A_197, %dma_start3A_198] : memref<160x128xi32, #tpu.memory_space<vmem>> -> memref<1x128xi32, #tpu.memory_space<vmem>>
      %dma_start3A_200 = tpu.memref_squeeze %dma_start3A_199 : memref<1x128xi32, #tpu.memory_space<vmem>> -> memref<128xi32, #tpu.memory_space<vmem>>
      %dma_start3A_201 = arith.constant 0 : i32
      %dma_start3A_202 = arith.constant 0 : i32
      %dma_start3A_203 = tpu.memref_slice %arg16[%dma_start3A_201, %dma_start3A_202] : memref<10240x32xf32, #tpu.memory_space<vmem_shared>> -> memref<10240x32xf32, #tpu.memory_space<vmem_shared>>
      tpu.enqueue_indirect_dma source(%arg12 : memref<128x32xf32, #tpu.memory_space<vmem>>) target(%dma_start3A_203 : memref<10240x32xf32, #tpu.memory_space<vmem_shared>>) offsets(%dma_start3A_200 : memref<128xi32, #tpu.memory_space<vmem>>) semaphore(%arg30 : memref<!tpu.dma_semaphore, #tpu.memory_space<semaphore_mem>>) {add = true}
      %add3A_204 = arith.constant 5 : i32
      %add3A_205 = arith.addi %add3A_123, %add3A_204 : i32
      %dma_wait3A_206 = arith.constant 0 : i32
      %dma_wait3A_207 = tpu.memref_slice %arg6[%add3A_205, %dma_wait3A_206] : memref<160x128xi32, #tpu.memory_space<vmem>> -> memref<1x128xi32, #tpu.memory_space<vmem>>
      %dma_wait3A_208 = tpu.memref_squeeze %dma_wait3A_207 : memref<1x128xi32, #tpu.memory_space<vmem>> -> memref<128xi32, #tpu.memory_space<vmem>>
      %dma_wait3A_209 = arith.constant 0 : i32
      %dma_wait3A_210 = arith.constant 0 : i32
      %dma_wait3A_211 = tpu.memref_slice %arg17[%dma_wait3A_209, %dma_wait3A_210] : memref<10240x32xf32, #tpu.memory_space<vmem_shared>> -> memref<10240x32xf32, #tpu.memory_space<vmem_shared>>
      tpu.wait_indirect_dma semaphore(%arg23 : memref<!tpu.dma_semaphore, #tpu.memory_space<semaphore_mem>>) src(%dma_wait3A_211 : memref<10240x32xf32, #tpu.memory_space<vmem_shared>>) dst(%arg13 : memref<128x32xf32, #tpu.memory_space<vmem>>)
      %add3A_212 = arith.constant 5 : i32
      %add3A_213 = arith.addi %add3A_123, %add3A_212 : i32
      %dma_start3A_214 = arith.constant 0 : i32
      %dma_start3A_215 = tpu.memref_slice %arg7[%add3A_213, %dma_start3A_214] : memref<160x128xi32, #tpu.memory_space<vmem>> -> memref<1x128xi32, #tpu.memory_space<vmem>>
      %dma_start3A_216 = tpu.memref_squeeze %dma_start3A_215 : memref<1x128xi32, #tpu.memory_space<vmem>> -> memref<128xi32, #tpu.memory_space<vmem>>
      %dma_start3A_217 = arith.constant 0 : i32
      %dma_start3A_218 = arith.constant 0 : i32
      %dma_start3A_219 = tpu.memref_slice %arg16[%dma_start3A_217, %dma_start3A_218] : memref<10240x32xf32, #tpu.memory_space<vmem_shared>> -> memref<10240x32xf32, #tpu.memory_space<vmem_shared>>
      tpu.enqueue_indirect_dma source(%arg13 : memref<128x32xf32, #tpu.memory_space<vmem>>) target(%dma_start3A_219 : memref<10240x32xf32, #tpu.memory_space<vmem_shared>>) offsets(%dma_start3A_216 : memref<128xi32, #tpu.memory_space<vmem>>) semaphore(%arg31 : memref<!tpu.dma_semaphore, #tpu.memory_space<semaphore_mem>>) {add = true}
      %add3A_220 = arith.constant 6 : i32
      %add3A_221 = arith.addi %add3A_123, %add3A_220 : i32
      %dma_wait3A_222 = arith.constant 0 : i32
      %dma_wait3A_223 = tpu.memref_slice %arg6[%add3A_221, %dma_wait3A_222] : memref<160x128xi32, #tpu.memory_space<vmem>> -> memref<1x128xi32, #tpu.memory_space<vmem>>
      %dma_wait3A_224 = tpu.memref_squeeze %dma_wait3A_223 : memref<1x128xi32, #tpu.memory_space<vmem>> -> memref<128xi32, #tpu.memory_space<vmem>>
      %dma_wait3A_225 = arith.constant 0 : i32
      %dma_wait3A_226 = arith.constant 0 : i32
      %dma_wait3A_227 = tpu.memref_slice %arg17[%dma_wait3A_225, %dma_wait3A_226] : memref<10240x32xf32, #tpu.memory_space<vmem_shared>> -> memref<10240x32xf32, #tpu.memory_space<vmem_shared>>
      tpu.wait_indirect_dma semaphore(%arg24 : memref<!tpu.dma_semaphore, #tpu.memory_space<semaphore_mem>>) src(%dma_wait3A_227 : memref<10240x32xf32, #tpu.memory_space<vmem_shared>>) dst(%arg14 : memref<128x32xf32, #tpu.memory_space<vmem>>)
      %add3A_228 = arith.constant 6 : i32
      %add3A_229 = arith.addi %add3A_123, %add3A_228 : i32
      %dma_start3A_230 = arith.constant 0 : i32
      %dma_start3A_231 = tpu.memref_slice %arg7[%add3A_229, %dma_start3A_230] : memref<160x128xi32, #tpu.memory_space<vmem>> -> memref<1x128xi32, #tpu.memory_space<vmem>>
      %dma_start3A_232 = tpu.memref_squeeze %dma_start3A_231 : memref<1x128xi32, #tpu.memory_space<vmem>> -> memref<128xi32, #tpu.memory_space<vmem>>
      %dma_start3A_233 = arith.constant 0 : i32
      %dma_start3A_234 = arith.constant 0 : i32
      %dma_start3A_235 = tpu.memref_slice %arg16[%dma_start3A_233, %dma_start3A_234] : memref<10240x32xf32, #tpu.memory_space<vmem_shared>> -> memref<10240x32xf32, #tpu.memory_space<vmem_shared>>
      tpu.enqueue_indirect_dma source(%arg14 : memref<128x32xf32, #tpu.memory_space<vmem>>) target(%dma_start3A_235 : memref<10240x32xf32, #tpu.memory_space<vmem_shared>>) offsets(%dma_start3A_232 : memref<128xi32, #tpu.memory_space<vmem>>) semaphore(%arg32 : memref<!tpu.dma_semaphore, #tpu.memory_space<semaphore_mem>>) {add = true}
      %add3A_236 = arith.constant 7 : i32
      %add3A_237 = arith.addi %add3A_123, %add3A_236 : i32
      %dma_wait3A_238 = arith.constant 0 : i32
      %dma_wait3A_239 = tpu.memref_slice %arg6[%add3A_237, %dma_wait3A_238] : memref<160x128xi32, #tpu.memory_space<vmem>> -> memref<1x128xi32, #tpu.memory_space<vmem>>
      %dma_wait3A_240 = tpu.memref_squeeze %dma_wait3A_239 : memref<1x128xi32, #tpu.memory_space<vmem>> -> memref<128xi32, #tpu.memory_space<vmem>>
      %dma_wait3A_241 = arith.constant 0 : i32
      %dma_wait3A_242 = arith.constant 0 : i32
      %dma_wait3A_243 = tpu.memref_slice %arg17[%dma_wait3A_241, %dma_wait3A_242] : memref<10240x32xf32, #tpu.memory_space<vmem_shared>> -> memref<10240x32xf32, #tpu.memory_space<vmem_shared>>
      tpu.wait_indirect_dma semaphore(%arg25 : memref<!tpu.dma_semaphore, #tpu.memory_space<semaphore_mem>>) src(%dma_wait3A_243 : memref<10240x32xf32, #tpu.memory_space<vmem_shared>>) dst(%arg15 : memref<128x32xf32, #tpu.memory_space<vmem>>)
      %add3A_244 = arith.constant 7 : i32
      %add3A_245 = arith.addi %add3A_123, %add3A_244 : i32
      %dma_start3A_246 = arith.constant 0 : i32
      %dma_start3A_247 = tpu.memref_slice %arg7[%add3A_245, %dma_start3A_246] : memref<160x128xi32, #tpu.memory_space<vmem>> -> memref<1x128xi32, #tpu.memory_space<vmem>>
      %dma_start3A_248 = tpu.memref_squeeze %dma_start3A_247 : memref<1x128xi32, #tpu.memory_space<vmem>> -> memref<128xi32, #tpu.memory_space<vmem>>
      %dma_start3A_249 = arith.constant 0 : i32
      %dma_start3A_250 = arith.constant 0 : i32
      %dma_start3A_251 = tpu.memref_slice %arg16[%dma_start3A_249, %dma_start3A_250] : memref<10240x32xf32, #tpu.memory_space<vmem_shared>> -> memref<10240x32xf32, #tpu.memory_space<vmem_shared>>
      tpu.enqueue_indirect_dma source(%arg15 : memref<128x32xf32, #tpu.memory_space<vmem>>) target(%dma_start3A_251 : memref<10240x32xf32, #tpu.memory_space<vmem_shared>>) offsets(%dma_start3A_248 : memref<128xi32, #tpu.memory_space<vmem>>) semaphore(%arg33 : memref<!tpu.dma_semaphore, #tpu.memory_space<semaphore_mem>>) {add = true}
      %dma_wait3A_252 = arith.constant 0 : i32
      %dma_wait3A_253 = tpu.memref_slice %arg7[%add3A_133, %dma_wait3A_252] : memref<160x128xi32, #tpu.memory_space<vmem>> -> memref<1x128xi32, #tpu.memory_space<vmem>>
      %dma_wait3A_254 = tpu.memref_squeeze %dma_wait3A_253 : memref<1x128xi32, #tpu.memory_space<vmem>> -> memref<128xi32, #tpu.memory_space<vmem>>
      %dma_wait3A_255 = arith.constant 0 : i32
      %dma_wait3A_256 = arith.constant 0 : i32
      %dma_wait3A_257 = tpu.memref_slice %arg16[%dma_wait3A_255, %dma_wait3A_256] : memref<10240x32xf32, #tpu.memory_space<vmem_shared>> -> memref<10240x32xf32, #tpu.memory_space<vmem_shared>>
      tpu.wait_indirect_dma semaphore(%arg26 : memref<!tpu.dma_semaphore, #tpu.memory_space<semaphore_mem>>) src(%arg8 : memref<128x32xf32, #tpu.memory_space<vmem>>) dst(%dma_wait3A_257 : memref<10240x32xf32, #tpu.memory_space<vmem_shared>>)
      %add3A_258 = arith.constant 8 : i32
      %add3A_259 = arith.addi %add3A_123, %add3A_258 : i32
      %add3A_260 = arith.constant 0 : i32
      %add3A_261 = arith.addi %add3A_259, %add3A_260 : i32
      %lt3A = arith.constant 160 : i32
      %lt3A_262 = arith.cmpi slt, %add3A_261, %lt3A : i32
      %convert_element_type3A = arith.extui %lt3A_262 : i1 to i32
      %cond3A = arith.constant 0 : i32
      %cond3A_263 = arith.cmpi ne, %convert_element_type3A, %cond3A : i32
      scf.if %cond3A_263 {
        %add3A_369 = arith.constant 8 : i32
        %add3A_370 = arith.addi %add3A_123, %add3A_369 : i32
        %add3A_371 = arith.constant 0 : i32
        %add3A_372 = arith.addi %add3A_370, %add3A_371 : i32
        %dma_start3A_373 = arith.constant 0 : i32
        %dma_start3A_374 = tpu.memref_slice %arg6[%add3A_372, %dma_start3A_373] : memref<160x128xi32, #tpu.memory_space<vmem>> -> memref<1x128xi32, #tpu.memory_space<vmem>>
        %dma_start3A_375 = tpu.memref_squeeze %dma_start3A_374 : memref<1x128xi32, #tpu.memory_space<vmem>> -> memref<128xi32, #tpu.memory_space<vmem>>
        %dma_start3A_376 = arith.constant 0 : i32
        %dma_start3A_377 = arith.constant 0 : i32
        %dma_start3A_378 = tpu.memref_slice %arg17[%dma_start3A_376, %dma_start3A_377] : memref<10240x32xf32, #tpu.memory_space<vmem_shared>> -> memref<10240x32xf32, #tpu.memory_space<vmem_shared>>
        tpu.enqueue_indirect_dma source(%dma_start3A_378 : memref<10240x32xf32, #tpu.memory_space<vmem_shared>>) target(%arg8 : memref<128x32xf32, #tpu.memory_space<vmem>>) offsets(%dma_start3A_375 : memref<128xi32, #tpu.memory_space<vmem>>) semaphore(%arg18 : memref<!tpu.dma_semaphore, #tpu.memory_space<semaphore_mem>>)
      } else {
      }
      %dma_wait3A_264 = arith.constant 0 : i32
      %dma_wait3A_265 = tpu.memref_slice %arg7[%add3A_149, %dma_wait3A_264] : memref<160x128xi32, #tpu.memory_space<vmem>> -> memref<1x128xi32, #tpu.memory_space<vmem>>
      %dma_wait3A_266 = tpu.memref_squeeze %dma_wait3A_265 : memref<1x128xi32, #tpu.memory_space<vmem>> -> memref<128xi32, #tpu.memory_space<vmem>>
      %dma_wait3A_267 = arith.constant 0 : i32
      %dma_wait3A_268 = arith.constant 0 : i32
      %dma_wait3A_269 = tpu.memref_slice %arg16[%dma_wait3A_267, %dma_wait3A_268] : memref<10240x32xf32, #tpu.memory_space<vmem_shared>> -> memref<10240x32xf32, #tpu.memory_space<vmem_shared>>
      tpu.wait_indirect_dma semaphore(%arg27 : memref<!tpu.dma_semaphore, #tpu.memory_space<semaphore_mem>>) src(%arg9 : memref<128x32xf32, #tpu.memory_space<vmem>>) dst(%dma_wait3A_269 : memref<10240x32xf32, #tpu.memory_space<vmem_shared>>)
      %add3A_270 = arith.constant 8 : i32
      %add3A_271 = arith.addi %add3A_123, %add3A_270 : i32
      %add3A_272 = arith.constant 1 : i32
      %add3A_273 = arith.addi %add3A_271, %add3A_272 : i32
      %lt3A_274 = arith.constant 160 : i32
      %lt3A_275 = arith.cmpi slt, %add3A_273, %lt3A_274 : i32
      %convert_element_type3A_276 = arith.extui %lt3A_275 : i1 to i32
      %cond3A_277 = arith.constant 0 : i32
      %cond3A_278 = arith.cmpi ne, %convert_element_type3A_276, %cond3A_277 : i32
      scf.if %cond3A_278 {
        %add3A_369 = arith.constant 8 : i32
        %add3A_370 = arith.addi %add3A_123, %add3A_369 : i32
        %add3A_371 = arith.constant 1 : i32
        %add3A_372 = arith.addi %add3A_370, %add3A_371 : i32
        %dma_start3A_373 = arith.constant 0 : i32
        %dma_start3A_374 = tpu.memref_slice %arg6[%add3A_372, %dma_start3A_373] : memref<160x128xi32, #tpu.memory_space<vmem>> -> memref<1x128xi32, #tpu.memory_space<vmem>>
        %dma_start3A_375 = tpu.memref_squeeze %dma_start3A_374 : memref<1x128xi32, #tpu.memory_space<vmem>> -> memref<128xi32, #tpu.memory_space<vmem>>
        %dma_start3A_376 = arith.constant 0 : i32
        %dma_start3A_377 = arith.constant 0 : i32
        %dma_start3A_378 = tpu.memref_slice %arg17[%dma_start3A_376, %dma_start3A_377] : memref<10240x32xf32, #tpu.memory_space<vmem_shared>> -> memref<10240x32xf32, #tpu.memory_space<vmem_shared>>
        tpu.enqueue_indirect_dma source(%dma_start3A_378 : memref<10240x32xf32, #tpu.memory_space<vmem_shared>>) target(%arg9 : memref<128x32xf32, #tpu.memory_space<vmem>>) offsets(%dma_start3A_375 : memref<128xi32, #tpu.memory_space<vmem>>) semaphore(%arg19 : memref<!tpu.dma_semaphore, #tpu.memory_space<semaphore_mem>>)
      } else {
      }
      %dma_wait3A_279 = arith.constant 0 : i32
      %dma_wait3A_280 = tpu.memref_slice %arg7[%add3A_165, %dma_wait3A_279] : memref<160x128xi32, #tpu.memory_space<vmem>> -> memref<1x128xi32, #tpu.memory_space<vmem>>
      %dma_wait3A_281 = tpu.memref_squeeze %dma_wait3A_280 : memref<1x128xi32, #tpu.memory_space<vmem>> -> memref<128xi32, #tpu.memory_space<vmem>>
      %dma_wait3A_282 = arith.constant 0 : i32
      %dma_wait3A_283 = arith.constant 0 : i32
      %dma_wait3A_284 = tpu.memref_slice %arg16[%dma_wait3A_282, %dma_wait3A_283] : memref<10240x32xf32, #tpu.memory_space<vmem_shared>> -> memref<10240x32xf32, #tpu.memory_space<vmem_shared>>
      tpu.wait_indirect_dma semaphore(%arg28 : memref<!tpu.dma_semaphore, #tpu.memory_space<semaphore_mem>>) src(%arg10 : memref<128x32xf32, #tpu.memory_space<vmem>>) dst(%dma_wait3A_284 : memref<10240x32xf32, #tpu.memory_space<vmem_shared>>)
      %add3A_285 = arith.constant 8 : i32
      %add3A_286 = arith.addi %add3A_123, %add3A_285 : i32
      %add3A_287 = arith.constant 2 : i32
      %add3A_288 = arith.addi %add3A_286, %add3A_287 : i32
      %lt3A_289 = arith.constant 160 : i32
      %lt3A_290 = arith.cmpi slt, %add3A_288, %lt3A_289 : i32
      %convert_element_type3A_291 = arith.extui %lt3A_290 : i1 to i32
      %cond3A_292 = arith.constant 0 : i32
      %cond3A_293 = arith.cmpi ne, %convert_element_type3A_291, %cond3A_292 : i32
      scf.if %cond3A_293 {
        %add3A_369 = arith.constant 8 : i32
        %add3A_370 = arith.addi %add3A_123, %add3A_369 : i32
        %add3A_371 = arith.constant 2 : i32
        %add3A_372 = arith.addi %add3A_370, %add3A_371 : i32
        %dma_start3A_373 = arith.constant 0 : i32
        %dma_start3A_374 = tpu.memref_slice %arg6[%add3A_372, %dma_start3A_373] : memref<160x128xi32, #tpu.memory_space<vmem>> -> memref<1x128xi32, #tpu.memory_space<vmem>>
        %dma_start3A_375 = tpu.memref_squeeze %dma_start3A_374 : memref<1x128xi32, #tpu.memory_space<vmem>> -> memref<128xi32, #tpu.memory_space<vmem>>
        %dma_start3A_376 = arith.constant 0 : i32
        %dma_start3A_377 = arith.constant 0 : i32
        %dma_start3A_378 = tpu.memref_slice %arg17[%dma_start3A_376, %dma_start3A_377] : memref<10240x32xf32, #tpu.memory_space<vmem_shared>> -> memref<10240x32xf32, #tpu.memory_space<vmem_shared>>
        tpu.enqueue_indirect_dma source(%dma_start3A_378 : memref<10240x32xf32, #tpu.memory_space<vmem_shared>>) target(%arg10 : memref<128x32xf32, #tpu.memory_space<vmem>>) offsets(%dma_start3A_375 : memref<128xi32, #tpu.memory_space<vmem>>) semaphore(%arg20 : memref<!tpu.dma_semaphore, #tpu.memory_space<semaphore_mem>>)
      } else {
      }
      %dma_wait3A_294 = arith.constant 0 : i32
      %dma_wait3A_295 = tpu.memref_slice %arg7[%add3A_181, %dma_wait3A_294] : memref<160x128xi32, #tpu.memory_space<vmem>> -> memref<1x128xi32, #tpu.memory_space<vmem>>
      %dma_wait3A_296 = tpu.memref_squeeze %dma_wait3A_295 : memref<1x128xi32, #tpu.memory_space<vmem>> -> memref<128xi32, #tpu.memory_space<vmem>>
      %dma_wait3A_297 = arith.constant 0 : i32
      %dma_wait3A_298 = arith.constant 0 : i32
      %dma_wait3A_299 = tpu.memref_slice %arg16[%dma_wait3A_297, %dma_wait3A_298] : memref<10240x32xf32, #tpu.memory_space<vmem_shared>> -> memref<10240x32xf32, #tpu.memory_space<vmem_shared>>
      tpu.wait_indirect_dma semaphore(%arg29 : memref<!tpu.dma_semaphore, #tpu.memory_space<semaphore_mem>>) src(%arg11 : memref<128x32xf32, #tpu.memory_space<vmem>>) dst(%dma_wait3A_299 : memref<10240x32xf32, #tpu.memory_space<vmem_shared>>)
      %add3A_300 = arith.constant 8 : i32
      %add3A_301 = arith.addi %add3A_123, %add3A_300 : i32
      %add3A_302 = arith.constant 3 : i32
      %add3A_303 = arith.addi %add3A_301, %add3A_302 : i32
      %lt3A_304 = arith.constant 160 : i32
      %lt3A_305 = arith.cmpi slt, %add3A_303, %lt3A_304 : i32
      %convert_element_type3A_306 = arith.extui %lt3A_305 : i1 to i32
      %cond3A_307 = arith.constant 0 : i32
      %cond3A_308 = arith.cmpi ne, %convert_element_type3A_306, %cond3A_307 : i32
      scf.if %cond3A_308 {
        %add3A_369 = arith.constant 8 : i32
        %add3A_370 = arith.addi %add3A_123, %add3A_369 : i32
        %add3A_371 = arith.constant 3 : i32
        %add3A_372 = arith.addi %add3A_370, %add3A_371 : i32
        %dma_start3A_373 = arith.constant 0 : i32
        %dma_start3A_374 = tpu.memref_slice %arg6[%add3A_372, %dma_start3A_373] : memref<160x128xi32, #tpu.memory_space<vmem>> -> memref<1x128xi32, #tpu.memory_space<vmem>>
        %dma_start3A_375 = tpu.memref_squeeze %dma_start3A_374 : memref<1x128xi32, #tpu.memory_space<vmem>> -> memref<128xi32, #tpu.memory_space<vmem>>
        %dma_start3A_376 = arith.constant 0 : i32
        %dma_start3A_377 = arith.constant 0 : i32
        %dma_start3A_378 = tpu.memref_slice %arg17[%dma_start3A_376, %dma_start3A_377] : memref<10240x32xf32, #tpu.memory_space<vmem_shared>> -> memref<10240x32xf32, #tpu.memory_space<vmem_shared>>
        tpu.enqueue_indirect_dma source(%dma_start3A_378 : memref<10240x32xf32, #tpu.memory_space<vmem_shared>>) target(%arg11 : memref<128x32xf32, #tpu.memory_space<vmem>>) offsets(%dma_start3A_375 : memref<128xi32, #tpu.memory_space<vmem>>) semaphore(%arg21 : memref<!tpu.dma_semaphore, #tpu.memory_space<semaphore_mem>>)
      } else {
      }
      %dma_wait3A_309 = arith.constant 0 : i32
      %dma_wait3A_310 = tpu.memref_slice %arg7[%add3A_197, %dma_wait3A_309] : memref<160x128xi32, #tpu.memory_space<vmem>> -> memref<1x128xi32, #tpu.memory_space<vmem>>
      %dma_wait3A_311 = tpu.memref_squeeze %dma_wait3A_310 : memref<1x128xi32, #tpu.memory_space<vmem>> -> memref<128xi32, #tpu.memory_space<vmem>>
      %dma_wait3A_312 = arith.constant 0 : i32
      %dma_wait3A_313 = arith.constant 0 : i32
      %dma_wait3A_314 = tpu.memref_slice %arg16[%dma_wait3A_312, %dma_wait3A_313] : memref<10240x32xf32, #tpu.memory_space<vmem_shared>> -> memref<10240x32xf32, #tpu.memory_space<vmem_shared>>
      tpu.wait_indirect_dma semaphore(%arg30 : memref<!tpu.dma_semaphore, #tpu.memory_space<semaphore_mem>>) src(%arg12 : memref<128x32xf32, #tpu.memory_space<vmem>>) dst(%dma_wait3A_314 : memref<10240x32xf32, #tpu.memory_space<vmem_shared>>)
      %add3A_315 = arith.constant 8 : i32
      %add3A_316 = arith.addi %add3A_123, %add3A_315 : i32
      %add3A_317 = arith.constant 4 : i32
      %add3A_318 = arith.addi %add3A_316, %add3A_317 : i32
      %lt3A_319 = arith.constant 160 : i32
      %lt3A_320 = arith.cmpi slt, %add3A_318, %lt3A_319 : i32
      %convert_element_type3A_321 = arith.extui %lt3A_320 : i1 to i32
      %cond3A_322 = arith.constant 0 : i32
      %cond3A_323 = arith.cmpi ne, %convert_element_type3A_321, %cond3A_322 : i32
      scf.if %cond3A_323 {
        %add3A_369 = arith.constant 8 : i32
        %add3A_370 = arith.addi %add3A_123, %add3A_369 : i32
        %add3A_371 = arith.constant 4 : i32
        %add3A_372 = arith.addi %add3A_370, %add3A_371 : i32
        %dma_start3A_373 = arith.constant 0 : i32
        %dma_start3A_374 = tpu.memref_slice %arg6[%add3A_372, %dma_start3A_373] : memref<160x128xi32, #tpu.memory_space<vmem>> -> memref<1x128xi32, #tpu.memory_space<vmem>>
        %dma_start3A_375 = tpu.memref_squeeze %dma_start3A_374 : memref<1x128xi32, #tpu.memory_space<vmem>> -> memref<128xi32, #tpu.memory_space<vmem>>
        %dma_start3A_376 = arith.constant 0 : i32
        %dma_start3A_377 = arith.constant 0 : i32
        %dma_start3A_378 = tpu.memref_slice %arg17[%dma_start3A_376, %dma_start3A_377] : memref<10240x32xf32, #tpu.memory_space<vmem_shared>> -> memref<10240x32xf32, #tpu.memory_space<vmem_shared>>
        tpu.enqueue_indirect_dma source(%dma_start3A_378 : memref<10240x32xf32, #tpu.memory_space<vmem_shared>>) target(%arg12 : memref<128x32xf32, #tpu.memory_space<vmem>>) offsets(%dma_start3A_375 : memref<128xi32, #tpu.memory_space<vmem>>) semaphore(%arg22 : memref<!tpu.dma_semaphore, #tpu.memory_space<semaphore_mem>>)
      } else {
      }
      %dma_wait3A_324 = arith.constant 0 : i32
      %dma_wait3A_325 = tpu.memref_slice %arg7[%add3A_213, %dma_wait3A_324] : memref<160x128xi32, #tpu.memory_space<vmem>> -> memref<1x128xi32, #tpu.memory_space<vmem>>
      %dma_wait3A_326 = tpu.memref_squeeze %dma_wait3A_325 : memref<1x128xi32, #tpu.memory_space<vmem>> -> memref<128xi32, #tpu.memory_space<vmem>>
      %dma_wait3A_327 = arith.constant 0 : i32
      %dma_wait3A_328 = arith.constant 0 : i32
      %dma_wait3A_329 = tpu.memref_slice %arg16[%dma_wait3A_327, %dma_wait3A_328] : memref<10240x32xf32, #tpu.memory_space<vmem_shared>> -> memref<10240x32xf32, #tpu.memory_space<vmem_shared>>
      tpu.wait_indirect_dma semaphore(%arg31 : memref<!tpu.dma_semaphore, #tpu.memory_space<semaphore_mem>>) src(%arg13 : memref<128x32xf32, #tpu.memory_space<vmem>>) dst(%dma_wait3A_329 : memref<10240x32xf32, #tpu.memory_space<vmem_shared>>)
      %add3A_330 = arith.constant 8 : i32
      %add3A_331 = arith.addi %add3A_123, %add3A_330 : i32
      %add3A_332 = arith.constant 5 : i32
      %add3A_333 = arith.addi %add3A_331, %add3A_332 : i32
      %lt3A_334 = arith.constant 160 : i32
      %lt3A_335 = arith.cmpi slt, %add3A_333, %lt3A_334 : i32
      %convert_element_type3A_336 = arith.extui %lt3A_335 : i1 to i32
      %cond3A_337 = arith.constant 0 : i32
      %cond3A_338 = arith.cmpi ne, %convert_element_type3A_336, %cond3A_337 : i32
      scf.if %cond3A_338 {
        %add3A_369 = arith.constant 8 : i32
        %add3A_370 = arith.addi %add3A_123, %add3A_369 : i32
        %add3A_371 = arith.constant 5 : i32
        %add3A_372 = arith.addi %add3A_370, %add3A_371 : i32
        %dma_start3A_373 = arith.constant 0 : i32
        %dma_start3A_374 = tpu.memref_slice %arg6[%add3A_372, %dma_start3A_373] : memref<160x128xi32, #tpu.memory_space<vmem>> -> memref<1x128xi32, #tpu.memory_space<vmem>>
        %dma_start3A_375 = tpu.memref_squeeze %dma_start3A_374 : memref<1x128xi32, #tpu.memory_space<vmem>> -> memref<128xi32, #tpu.memory_space<vmem>>
        %dma_start3A_376 = arith.constant 0 : i32
        %dma_start3A_377 = arith.constant 0 : i32
        %dma_start3A_378 = tpu.memref_slice %arg17[%dma_start3A_376, %dma_start3A_377] : memref<10240x32xf32, #tpu.memory_space<vmem_shared>> -> memref<10240x32xf32, #tpu.memory_space<vmem_shared>>
        tpu.enqueue_indirect_dma source(%dma_start3A_378 : memref<10240x32xf32, #tpu.memory_space<vmem_shared>>) target(%arg13 : memref<128x32xf32, #tpu.memory_space<vmem>>) offsets(%dma_start3A_375 : memref<128xi32, #tpu.memory_space<vmem>>) semaphore(%arg23 : memref<!tpu.dma_semaphore, #tpu.memory_space<semaphore_mem>>)
      } else {
      }
      %dma_wait3A_339 = arith.constant 0 : i32
      %dma_wait3A_340 = tpu.memref_slice %arg7[%add3A_229, %dma_wait3A_339] : memref<160x128xi32, #tpu.memory_space<vmem>> -> memref<1x128xi32, #tpu.memory_space<vmem>>
      %dma_wait3A_341 = tpu.memref_squeeze %dma_wait3A_340 : memref<1x128xi32, #tpu.memory_space<vmem>> -> memref<128xi32, #tpu.memory_space<vmem>>
      %dma_wait3A_342 = arith.constant 0 : i32
      %dma_wait3A_343 = arith.constant 0 : i32
      %dma_wait3A_344 = tpu.memref_slice %arg16[%dma_wait3A_342, %dma_wait3A_343] : memref<10240x32xf32, #tpu.memory_space<vmem_shared>> -> memref<10240x32xf32, #tpu.memory_space<vmem_shared>>
      tpu.wait_indirect_dma semaphore(%arg32 : memref<!tpu.dma_semaphore, #tpu.memory_space<semaphore_mem>>) src(%arg14 : memref<128x32xf32, #tpu.memory_space<vmem>>) dst(%dma_wait3A_344 : memref<10240x32xf32, #tpu.memory_space<vmem_shared>>)
      %add3A_345 = arith.constant 8 : i32
      %add3A_346 = arith.addi %add3A_123, %add3A_345 : i32
      %add3A_347 = arith.constant 6 : i32
      %add3A_348 = arith.addi %add3A_346, %add3A_347 : i32
      %lt3A_349 = arith.constant 160 : i32
      %lt3A_350 = arith.cmpi slt, %add3A_348, %lt3A_349 : i32
      %convert_element_type3A_351 = arith.extui %lt3A_350 : i1 to i32
      %cond3A_352 = arith.constant 0 : i32
      %cond3A_353 = arith.cmpi ne, %convert_element_type3A_351, %cond3A_352 : i32
      scf.if %cond3A_353 {
        %add3A_369 = arith.constant 8 : i32
        %add3A_370 = arith.addi %add3A_123, %add3A_369 : i32
        %add3A_371 = arith.constant 6 : i32
        %add3A_372 = arith.addi %add3A_370, %add3A_371 : i32
        %dma_start3A_373 = arith.constant 0 : i32
        %dma_start3A_374 = tpu.memref_slice %arg6[%add3A_372, %dma_start3A_373] : memref<160x128xi32, #tpu.memory_space<vmem>> -> memref<1x128xi32, #tpu.memory_space<vmem>>
        %dma_start3A_375 = tpu.memref_squeeze %dma_start3A_374 : memref<1x128xi32, #tpu.memory_space<vmem>> -> memref<128xi32, #tpu.memory_space<vmem>>
        %dma_start3A_376 = arith.constant 0 : i32
        %dma_start3A_377 = arith.constant 0 : i32
        %dma_start3A_378 = tpu.memref_slice %arg17[%dma_start3A_376, %dma_start3A_377] : memref<10240x32xf32, #tpu.memory_space<vmem_shared>> -> memref<10240x32xf32, #tpu.memory_space<vmem_shared>>
        tpu.enqueue_indirect_dma source(%dma_start3A_378 : memref<10240x32xf32, #tpu.memory_space<vmem_shared>>) target(%arg14 : memref<128x32xf32, #tpu.memory_space<vmem>>) offsets(%dma_start3A_375 : memref<128xi32, #tpu.memory_space<vmem>>) semaphore(%arg24 : memref<!tpu.dma_semaphore, #tpu.memory_space<semaphore_mem>>)
      } else {
      }
      %dma_wait3A_354 = arith.constant 0 : i32
      %dma_wait3A_355 = tpu.memref_slice %arg7[%add3A_245, %dma_wait3A_354] : memref<160x128xi32, #tpu.memory_space<vmem>> -> memref<1x128xi32, #tpu.memory_space<vmem>>
      %dma_wait3A_356 = tpu.memref_squeeze %dma_wait3A_355 : memref<1x128xi32, #tpu.memory_space<vmem>> -> memref<128xi32, #tpu.memory_space<vmem>>
      %dma_wait3A_357 = arith.constant 0 : i32
      %dma_wait3A_358 = arith.constant 0 : i32
      %dma_wait3A_359 = tpu.memref_slice %arg16[%dma_wait3A_357, %dma_wait3A_358] : memref<10240x32xf32, #tpu.memory_space<vmem_shared>> -> memref<10240x32xf32, #tpu.memory_space<vmem_shared>>
      tpu.wait_indirect_dma semaphore(%arg33 : memref<!tpu.dma_semaphore, #tpu.memory_space<semaphore_mem>>) src(%arg15 : memref<128x32xf32, #tpu.memory_space<vmem>>) dst(%dma_wait3A_359 : memref<10240x32xf32, #tpu.memory_space<vmem_shared>>)
      %add3A_360 = arith.constant 8 : i32
      %add3A_361 = arith.addi %add3A_123, %add3A_360 : i32
      %add3A_362 = arith.constant 7 : i32
      %add3A_363 = arith.addi %add3A_361, %add3A_362 : i32
      %lt3A_364 = arith.constant 160 : i32
      %lt3A_365 = arith.cmpi slt, %add3A_363, %lt3A_364 : i32
      %convert_element_type3A_366 = arith.extui %lt3A_365 : i1 to i32
      %cond3A_367 = arith.constant 0 : i32
      %cond3A_368 = arith.cmpi ne, %convert_element_type3A_366, %cond3A_367 : i32
      scf.if %cond3A_368 {
        %add3A_369 = arith.constant 8 : i32
        %add3A_370 = arith.addi %add3A_123, %add3A_369 : i32
        %add3A_371 = arith.constant 7 : i32
        %add3A_372 = arith.addi %add3A_370, %add3A_371 : i32
        %dma_start3A_373 = arith.constant 0 : i32
        %dma_start3A_374 = tpu.memref_slice %arg6[%add3A_372, %dma_start3A_373] : memref<160x128xi32, #tpu.memory_space<vmem>> -> memref<1x128xi32, #tpu.memory_space<vmem>>
        %dma_start3A_375 = tpu.memref_squeeze %dma_start3A_374 : memref<1x128xi32, #tpu.memory_space<vmem>> -> memref<128xi32, #tpu.memory_space<vmem>>
        %dma_start3A_376 = arith.constant 0 : i32
        %dma_start3A_377 = arith.constant 0 : i32
        %dma_start3A_378 = tpu.memref_slice %arg17[%dma_start3A_376, %dma_start3A_377] : memref<10240x32xf32, #tpu.memory_space<vmem_shared>> -> memref<10240x32xf32, #tpu.memory_space<vmem_shared>>
        tpu.enqueue_indirect_dma source(%dma_start3A_378 : memref<10240x32xf32, #tpu.memory_space<vmem_shared>>) target(%arg15 : memref<128x32xf32, #tpu.memory_space<vmem>>) offsets(%dma_start3A_375 : memref<128xi32, #tpu.memory_space<vmem>>) semaphore(%arg25 : memref<!tpu.dma_semaphore, #tpu.memory_space<semaphore_mem>>)
      } else {
      }
    }
    %scan3A_112 = arith.constant 20 : i32
    %barrier3A_113 = arith.constant 0 : index
    tpu.barrier barrier_id(%barrier3A_113)
    %mul3A_114 = arith.constant 640 : i32
    %mul3A_115 = arith.muli %arg1, %mul3A_114 : i32
    %mul3A_116 = arith.constant 640 : i32
    %mul3A_117 = arith.muli %arg1, %mul3A_116 : i32
    %mul3A_118 = arith.constant 32 : i32
    %mul3A_119 = arith.muli %arg0, %mul3A_118 : i32
    "tpu.region"() ({
      %run_scoped3A = tpu.sem_alloc : memref<!tpu.dma_semaphore, #tpu.memory_space<semaphore_mem>>
      %dma_start3A_120 = tpu.memref_slice %arg5[%mul3A_117, %mul3A_119] : memref<10240x64xf32, #tpu.memory_space<hbm>> -> memref<640x32xf32, #tpu.memory_space<hbm>>
      %dma_start3A_121 = arith.constant 0 : i32
      %dma_start3A_122 = tpu.memref_slice %arg16[%mul3A_115, %dma_start3A_121] : memref<10240x32xf32, #tpu.memory_space<vmem_shared>> -> memref<640x32xf32, #tpu.memory_space<vmem_shared>>
      tpu.enqueue_dma source(%dma_start3A_122 : memref<640x32xf32, #tpu.memory_space<vmem_shared>>) target(%dma_start3A_120 : memref<640x32xf32, #tpu.memory_space<hbm>>) target_semaphore(%run_scoped3A : memref<!tpu.dma_semaphore, #tpu.memory_space<semaphore_mem>>)
      %dma_wait3A_123 = tpu.memref_slice %arg5[%mul3A_117, %mul3A_119] : memref<10240x64xf32, #tpu.memory_space<hbm>> -> memref<640x32xf32, #tpu.memory_space<hbm>>
      %dma_wait3A_124 = arith.constant 0 : i32
      %dma_wait3A_125 = tpu.memref_slice %arg16[%mul3A_115, %dma_wait3A_124] : memref<10240x32xf32, #tpu.memory_space<vmem_shared>> -> memref<640x32xf32, #tpu.memory_space<vmem_shared>>
      tpu.wait_dma2 semaphore(%run_scoped3A : memref<!tpu.dma_semaphore, #tpu.memory_space<semaphore_mem>>) src(%dma_wait3A_125 : memref<640x32xf32, #tpu.memory_space<vmem_shared>>) dst(%dma_wait3A_123 : memref<640x32xf32, #tpu.memory_space<hbm>>)
      tpu.yield
    }) : () -> ()
    return
  }
}

#map = affine_map<(d0, d1) -> (0, 0)>
#map1 = affine_map<(d0, d1) -> (0, 0, 0)>
module attributes {stable_mosaic.version = 14 : i64} {
  func.func @_agg_pass(%arg0: i32, %arg1: i32, %arg2: memref<10240x64xf32, #tpu.memory_space<hbm>>, %arg3: memref<16x160x128xi32, #tpu.memory_space<hbm>>, %arg4: memref<16x160x128xi32, #tpu.memory_space<hbm>>, %arg5: memref<10240x64xf32, #tpu.memory_space<hbm>>, %arg6: memref<160x128xi32, #tpu.memory_space<vmem>>, %arg7: memref<160x128xi32, #tpu.memory_space<vmem>>, %arg8: memref<128x32xf32, #tpu.memory_space<vmem>>, %arg9: memref<128x32xf32, #tpu.memory_space<vmem>>, %arg10: memref<128x32xf32, #tpu.memory_space<vmem>>, %arg11: memref<128x32xf32, #tpu.memory_space<vmem>>, %arg12: memref<128x32xf32, #tpu.memory_space<vmem>>, %arg13: memref<128x32xf32, #tpu.memory_space<vmem>>, %arg14: memref<128x32xf32, #tpu.memory_space<vmem>>, %arg15: memref<128x32xf32, #tpu.memory_space<vmem>>, %arg16: memref<10240x32xf32, #tpu.memory_space<vmem_shared>>, %arg17: memref<10240x32xf32, #tpu.memory_space<vmem_shared>>, %arg18: memref<!tpu.dma_semaphore, #tpu.memory_space<semaphore_mem>>, %arg19: memref<!tpu.dma_semaphore, #tpu.memory_space<semaphore_mem>>, %arg20: memref<!tpu.dma_semaphore, #tpu.memory_space<semaphore_mem>>, %arg21: memref<!tpu.dma_semaphore, #tpu.memory_space<semaphore_mem>>, %arg22: memref<!tpu.dma_semaphore, #tpu.memory_space<semaphore_mem>>, %arg23: memref<!tpu.dma_semaphore, #tpu.memory_space<semaphore_mem>>, %arg24: memref<!tpu.dma_semaphore, #tpu.memory_space<semaphore_mem>>, %arg25: memref<!tpu.dma_semaphore, #tpu.memory_space<semaphore_mem>>, %arg26: memref<!tpu.dma_semaphore, #tpu.memory_space<semaphore_mem>>, %arg27: memref<!tpu.dma_semaphore, #tpu.memory_space<semaphore_mem>>, %arg28: memref<!tpu.dma_semaphore, #tpu.memory_space<semaphore_mem>>, %arg29: memref<!tpu.dma_semaphore, #tpu.memory_space<semaphore_mem>>, %arg30: memref<!tpu.dma_semaphore, #tpu.memory_space<semaphore_mem>>, %arg31: memref<!tpu.dma_semaphore, #tpu.memory_space<semaphore_mem>>, %arg32: memref<!tpu.dma_semaphore, #tpu.memory_space<semaphore_mem>>, %arg33: memref<!tpu.dma_semaphore, #tpu.memory_space<semaphore_mem>>) attributes {dimension_semantics = [#tpu.dimension_semantics<core_parallel>, #tpu.dimension_semantics<subcore_parallel>], iteration_bounds = array<i64: 2, 16>, scalar_prefetch = 0 : i64, scratch_operands = 28 : i64, tpu.core_type = #tpu.core_type<sc_vector_subcore>, window_params = [{transform_indices = #map}, {transform_indices = #map1}, {transform_indices = #map1}, {transform_indices = #map}]} {
    %dma_start3A = arith.constant 0 : i32
    %dma_start3A_0 = arith.constant 0 : i32
    %dma_start3A_1 = tpu.memref_slice %arg3[%arg1, %dma_start3A, %dma_start3A_0] : memref<16x160x128xi32, #tpu.memory_space<hbm>> -> memref<1x160x128xi32, #tpu.memory_space<hbm>>
    %dma_start3A_2 = tpu.memref_squeeze %dma_start3A_1 : memref<1x160x128xi32, #tpu.memory_space<hbm>> -> memref<160x128xi32, #tpu.memory_space<hbm>>
    %dma_start3A_3 = arith.constant 0 : i32
    %dma_start3A_4 = arith.constant 0 : i32
    %dma_start3A_5 = tpu.memref_slice %arg3[%arg1, %dma_start3A_3, %dma_start3A_4] : memref<16x160x128xi32, #tpu.memory_space<hbm>> -> memref<1x160x128xi32, #tpu.memory_space<hbm>>
    %dma_start3A_6 = tpu.memref_squeeze %dma_start3A_5 : memref<1x160x128xi32, #tpu.memory_space<hbm>> -> memref<160x128xi32, #tpu.memory_space<hbm>>
    tpu.enqueue_dma source(%dma_start3A_6 : memref<160x128xi32, #tpu.memory_space<hbm>>) target(%arg6 : memref<160x128xi32, #tpu.memory_space<vmem>>) target_semaphore(%arg26 : memref<!tpu.dma_semaphore, #tpu.memory_space<semaphore_mem>>)
    %dma_start3A_7 = arith.constant 0 : i32
    %dma_start3A_8 = arith.constant 0 : i32
    %dma_start3A_9 = tpu.memref_slice %arg4[%arg1, %dma_start3A_7, %dma_start3A_8] : memref<16x160x128xi32, #tpu.memory_space<hbm>> -> memref<1x160x128xi32, #tpu.memory_space<hbm>>
    %dma_start3A_10 = tpu.memref_squeeze %dma_start3A_9 : memref<1x160x128xi32, #tpu.memory_space<hbm>> -> memref<160x128xi32, #tpu.memory_space<hbm>>
    %dma_start3A_11 = arith.constant 0 : i32
    %dma_start3A_12 = arith.constant 0 : i32
    %dma_start3A_13 = tpu.memref_slice %arg4[%arg1, %dma_start3A_11, %dma_start3A_12] : memref<16x160x128xi32, #tpu.memory_space<hbm>> -> memref<1x160x128xi32, #tpu.memory_space<hbm>>
    %dma_start3A_14 = tpu.memref_squeeze %dma_start3A_13 : memref<1x160x128xi32, #tpu.memory_space<hbm>> -> memref<160x128xi32, #tpu.memory_space<hbm>>
    tpu.enqueue_dma source(%dma_start3A_14 : memref<160x128xi32, #tpu.memory_space<hbm>>) target(%arg7 : memref<160x128xi32, #tpu.memory_space<vmem>>) target_semaphore(%arg27 : memref<!tpu.dma_semaphore, #tpu.memory_space<semaphore_mem>>)
    %mul3A = arith.constant 640 : i32
    %mul3A_15 = arith.muli %arg1, %mul3A : i32
    %mul3A_16 = arith.constant 32 : i32
    %mul3A_17 = arith.muli %arg0, %mul3A_16 : i32
    %mul3A_18 = arith.constant 640 : i32
    %mul3A_19 = arith.muli %arg1, %mul3A_18 : i32
    %dma_start3A_20 = arith.constant 0 : i32
    %dma_start3A_21 = tpu.memref_slice %arg16[%mul3A_19, %dma_start3A_20] : memref<10240x32xf32, #tpu.memory_space<vmem_shared>> -> memref<640x32xf32, #tpu.memory_space<vmem_shared>>
    %dma_start3A_22 = tpu.memref_slice %arg2[%mul3A_15, %mul3A_17] : memref<10240x64xf32, #tpu.memory_space<hbm>> -> memref<640x32xf32, #tpu.memory_space<hbm>>
    tpu.enqueue_dma source(%dma_start3A_22 : memref<640x32xf32, #tpu.memory_space<hbm>>) target(%dma_start3A_21 : memref<640x32xf32, #tpu.memory_space<vmem_shared>>) target_semaphore(%arg28 : memref<!tpu.dma_semaphore, #tpu.memory_space<semaphore_mem>>)
    %mul3A_23 = arith.constant 640 : i32
    %mul3A_24 = arith.muli %arg1, %mul3A_23 : i32
    %mul3A_25 = arith.constant 32 : i32
    %mul3A_26 = arith.muli %arg0, %mul3A_25 : i32
    %mul3A_27 = arith.constant 640 : i32
    %mul3A_28 = arith.muli %arg1, %mul3A_27 : i32
    %dma_start3A_29 = arith.constant 0 : i32
    %dma_start3A_30 = tpu.memref_slice %arg17[%mul3A_28, %dma_start3A_29] : memref<10240x32xf32, #tpu.memory_space<vmem_shared>> -> memref<640x32xf32, #tpu.memory_space<vmem_shared>>
    %dma_start3A_31 = tpu.memref_slice %arg2[%mul3A_24, %mul3A_26] : memref<10240x64xf32, #tpu.memory_space<hbm>> -> memref<640x32xf32, #tpu.memory_space<hbm>>
    tpu.enqueue_dma source(%dma_start3A_31 : memref<640x32xf32, #tpu.memory_space<hbm>>) target(%dma_start3A_30 : memref<640x32xf32, #tpu.memory_space<vmem_shared>>) target_semaphore(%arg29 : memref<!tpu.dma_semaphore, #tpu.memory_space<semaphore_mem>>)
    %dma_wait3A = arith.constant 0 : i32
    %dma_wait3A_32 = arith.constant 0 : i32
    %dma_wait3A_33 = tpu.memref_slice %arg3[%arg1, %dma_wait3A, %dma_wait3A_32] : memref<16x160x128xi32, #tpu.memory_space<hbm>> -> memref<1x160x128xi32, #tpu.memory_space<hbm>>
    %dma_wait3A_34 = tpu.memref_squeeze %dma_wait3A_33 : memref<1x160x128xi32, #tpu.memory_space<hbm>> -> memref<160x128xi32, #tpu.memory_space<hbm>>
    %dma_wait3A_35 = arith.constant 0 : i32
    %dma_wait3A_36 = arith.constant 0 : i32
    %dma_wait3A_37 = tpu.memref_slice %arg3[%arg1, %dma_wait3A_35, %dma_wait3A_36] : memref<16x160x128xi32, #tpu.memory_space<hbm>> -> memref<1x160x128xi32, #tpu.memory_space<hbm>>
    %dma_wait3A_38 = tpu.memref_squeeze %dma_wait3A_37 : memref<1x160x128xi32, #tpu.memory_space<hbm>> -> memref<160x128xi32, #tpu.memory_space<hbm>>
    tpu.wait_dma2 semaphore(%arg26 : memref<!tpu.dma_semaphore, #tpu.memory_space<semaphore_mem>>) src(%dma_wait3A_38 : memref<160x128xi32, #tpu.memory_space<hbm>>) dst(%arg6 : memref<160x128xi32, #tpu.memory_space<vmem>>)
    %dma_wait3A_39 = arith.constant 0 : i32
    %dma_wait3A_40 = arith.constant 0 : i32
    %dma_wait3A_41 = tpu.memref_slice %arg4[%arg1, %dma_wait3A_39, %dma_wait3A_40] : memref<16x160x128xi32, #tpu.memory_space<hbm>> -> memref<1x160x128xi32, #tpu.memory_space<hbm>>
    %dma_wait3A_42 = tpu.memref_squeeze %dma_wait3A_41 : memref<1x160x128xi32, #tpu.memory_space<hbm>> -> memref<160x128xi32, #tpu.memory_space<hbm>>
    %dma_wait3A_43 = arith.constant 0 : i32
    %dma_wait3A_44 = arith.constant 0 : i32
    %dma_wait3A_45 = tpu.memref_slice %arg4[%arg1, %dma_wait3A_43, %dma_wait3A_44] : memref<16x160x128xi32, #tpu.memory_space<hbm>> -> memref<1x160x128xi32, #tpu.memory_space<hbm>>
    %dma_wait3A_46 = tpu.memref_squeeze %dma_wait3A_45 : memref<1x160x128xi32, #tpu.memory_space<hbm>> -> memref<160x128xi32, #tpu.memory_space<hbm>>
    tpu.wait_dma2 semaphore(%arg27 : memref<!tpu.dma_semaphore, #tpu.memory_space<semaphore_mem>>) src(%dma_wait3A_46 : memref<160x128xi32, #tpu.memory_space<hbm>>) dst(%arg7 : memref<160x128xi32, #tpu.memory_space<vmem>>)
    %dma_wait3A_47 = arith.constant 0 : i32
    %dma_wait3A_48 = tpu.memref_slice %arg16[%mul3A_19, %dma_wait3A_47] : memref<10240x32xf32, #tpu.memory_space<vmem_shared>> -> memref<640x32xf32, #tpu.memory_space<vmem_shared>>
    %dma_wait3A_49 = tpu.memref_slice %arg2[%mul3A_15, %mul3A_17] : memref<10240x64xf32, #tpu.memory_space<hbm>> -> memref<640x32xf32, #tpu.memory_space<hbm>>
    tpu.wait_dma2 semaphore(%arg28 : memref<!tpu.dma_semaphore, #tpu.memory_space<semaphore_mem>>) src(%dma_wait3A_49 : memref<640x32xf32, #tpu.memory_space<hbm>>) dst(%dma_wait3A_48 : memref<640x32xf32, #tpu.memory_space<vmem_shared>>)
    %dma_wait3A_50 = arith.constant 0 : i32
    %dma_wait3A_51 = tpu.memref_slice %arg17[%mul3A_28, %dma_wait3A_50] : memref<10240x32xf32, #tpu.memory_space<vmem_shared>> -> memref<640x32xf32, #tpu.memory_space<vmem_shared>>
    %dma_wait3A_52 = tpu.memref_slice %arg2[%mul3A_24, %mul3A_26] : memref<10240x64xf32, #tpu.memory_space<hbm>> -> memref<640x32xf32, #tpu.memory_space<hbm>>
    tpu.wait_dma2 semaphore(%arg29 : memref<!tpu.dma_semaphore, #tpu.memory_space<semaphore_mem>>) src(%dma_wait3A_52 : memref<640x32xf32, #tpu.memory_space<hbm>>) dst(%dma_wait3A_51 : memref<640x32xf32, #tpu.memory_space<vmem_shared>>)
    %barrier3A = arith.constant 0 : index
    tpu.barrier barrier_id(%barrier3A)
    %dma_start3A_53 = arith.constant 0 : i32
    %dma_start3A_54 = arith.constant 0 : i32
    %dma_start3A_55 = tpu.memref_slice %arg6[%dma_start3A_53, %dma_start3A_54] : memref<160x128xi32, #tpu.memory_space<vmem>> -> memref<1x128xi32, #tpu.memory_space<vmem>>
    %dma_start3A_56 = tpu.memref_squeeze %dma_start3A_55 : memref<1x128xi32, #tpu.memory_space<vmem>> -> memref<128xi32, #tpu.memory_space<vmem>>
    %dma_start3A_57 = arith.constant 0 : i32
    %dma_start3A_58 = arith.constant 0 : i32
    %dma_start3A_59 = tpu.memref_slice %arg17[%dma_start3A_57, %dma_start3A_58] : memref<10240x32xf32, #tpu.memory_space<vmem_shared>> -> memref<10240x32xf32, #tpu.memory_space<vmem_shared>>
    tpu.enqueue_indirect_dma source(%dma_start3A_59 : memref<10240x32xf32, #tpu.memory_space<vmem_shared>>) target(%arg8 : memref<128x32xf32, #tpu.memory_space<vmem>>) offsets(%dma_start3A_56 : memref<128xi32, #tpu.memory_space<vmem>>) semaphore(%arg18 : memref<!tpu.dma_semaphore, #tpu.memory_space<semaphore_mem>>)
    %dma_start3A_60 = arith.constant 1 : i32
    %dma_start3A_61 = arith.constant 0 : i32
    %dma_start3A_62 = tpu.memref_slice %arg6[%dma_start3A_60, %dma_start3A_61] : memref<160x128xi32, #tpu.memory_space<vmem>> -> memref<1x128xi32, #tpu.memory_space<vmem>>
    %dma_start3A_63 = tpu.memref_squeeze %dma_start3A_62 : memref<1x128xi32, #tpu.memory_space<vmem>> -> memref<128xi32, #tpu.memory_space<vmem>>
    %dma_start3A_64 = arith.constant 0 : i32
    %dma_start3A_65 = arith.constant 0 : i32
    %dma_start3A_66 = tpu.memref_slice %arg17[%dma_start3A_64, %dma_start3A_65] : memref<10240x32xf32, #tpu.memory_space<vmem_shared>> -> memref<10240x32xf32, #tpu.memory_space<vmem_shared>>
    tpu.enqueue_indirect_dma source(%dma_start3A_66 : memref<10240x32xf32, #tpu.memory_space<vmem_shared>>) target(%arg9 : memref<128x32xf32, #tpu.memory_space<vmem>>) offsets(%dma_start3A_63 : memref<128xi32, #tpu.memory_space<vmem>>) semaphore(%arg19 : memref<!tpu.dma_semaphore, #tpu.memory_space<semaphore_mem>>)
    %dma_start3A_67 = arith.constant 2 : i32
    %dma_start3A_68 = arith.constant 0 : i32
    %dma_start3A_69 = tpu.memref_slice %arg6[%dma_start3A_67, %dma_start3A_68] : memref<160x128xi32, #tpu.memory_space<vmem>> -> memref<1x128xi32, #tpu.memory_space<vmem>>
    %dma_start3A_70 = tpu.memref_squeeze %dma_start3A_69 : memref<1x128xi32, #tpu.memory_space<vmem>> -> memref<128xi32, #tpu.memory_space<vmem>>
    %dma_start3A_71 = arith.constant 0 : i32
    %dma_start3A_72 = arith.constant 0 : i32
    %dma_start3A_73 = tpu.memref_slice %arg17[%dma_start3A_71, %dma_start3A_72] : memref<10240x32xf32, #tpu.memory_space<vmem_shared>> -> memref<10240x32xf32, #tpu.memory_space<vmem_shared>>
    tpu.enqueue_indirect_dma source(%dma_start3A_73 : memref<10240x32xf32, #tpu.memory_space<vmem_shared>>) target(%arg10 : memref<128x32xf32, #tpu.memory_space<vmem>>) offsets(%dma_start3A_70 : memref<128xi32, #tpu.memory_space<vmem>>) semaphore(%arg20 : memref<!tpu.dma_semaphore, #tpu.memory_space<semaphore_mem>>)
    %dma_start3A_74 = arith.constant 3 : i32
    %dma_start3A_75 = arith.constant 0 : i32
    %dma_start3A_76 = tpu.memref_slice %arg6[%dma_start3A_74, %dma_start3A_75] : memref<160x128xi32, #tpu.memory_space<vmem>> -> memref<1x128xi32, #tpu.memory_space<vmem>>
    %dma_start3A_77 = tpu.memref_squeeze %dma_start3A_76 : memref<1x128xi32, #tpu.memory_space<vmem>> -> memref<128xi32, #tpu.memory_space<vmem>>
    %dma_start3A_78 = arith.constant 0 : i32
    %dma_start3A_79 = arith.constant 0 : i32
    %dma_start3A_80 = tpu.memref_slice %arg17[%dma_start3A_78, %dma_start3A_79] : memref<10240x32xf32, #tpu.memory_space<vmem_shared>> -> memref<10240x32xf32, #tpu.memory_space<vmem_shared>>
    tpu.enqueue_indirect_dma source(%dma_start3A_80 : memref<10240x32xf32, #tpu.memory_space<vmem_shared>>) target(%arg11 : memref<128x32xf32, #tpu.memory_space<vmem>>) offsets(%dma_start3A_77 : memref<128xi32, #tpu.memory_space<vmem>>) semaphore(%arg21 : memref<!tpu.dma_semaphore, #tpu.memory_space<semaphore_mem>>)
    %dma_start3A_81 = arith.constant 4 : i32
    %dma_start3A_82 = arith.constant 0 : i32
    %dma_start3A_83 = tpu.memref_slice %arg6[%dma_start3A_81, %dma_start3A_82] : memref<160x128xi32, #tpu.memory_space<vmem>> -> memref<1x128xi32, #tpu.memory_space<vmem>>
    %dma_start3A_84 = tpu.memref_squeeze %dma_start3A_83 : memref<1x128xi32, #tpu.memory_space<vmem>> -> memref<128xi32, #tpu.memory_space<vmem>>
    %dma_start3A_85 = arith.constant 0 : i32
    %dma_start3A_86 = arith.constant 0 : i32
    %dma_start3A_87 = tpu.memref_slice %arg17[%dma_start3A_85, %dma_start3A_86] : memref<10240x32xf32, #tpu.memory_space<vmem_shared>> -> memref<10240x32xf32, #tpu.memory_space<vmem_shared>>
    tpu.enqueue_indirect_dma source(%dma_start3A_87 : memref<10240x32xf32, #tpu.memory_space<vmem_shared>>) target(%arg12 : memref<128x32xf32, #tpu.memory_space<vmem>>) offsets(%dma_start3A_84 : memref<128xi32, #tpu.memory_space<vmem>>) semaphore(%arg22 : memref<!tpu.dma_semaphore, #tpu.memory_space<semaphore_mem>>)
    %dma_start3A_88 = arith.constant 5 : i32
    %dma_start3A_89 = arith.constant 0 : i32
    %dma_start3A_90 = tpu.memref_slice %arg6[%dma_start3A_88, %dma_start3A_89] : memref<160x128xi32, #tpu.memory_space<vmem>> -> memref<1x128xi32, #tpu.memory_space<vmem>>
    %dma_start3A_91 = tpu.memref_squeeze %dma_start3A_90 : memref<1x128xi32, #tpu.memory_space<vmem>> -> memref<128xi32, #tpu.memory_space<vmem>>
    %dma_start3A_92 = arith.constant 0 : i32
    %dma_start3A_93 = arith.constant 0 : i32
    %dma_start3A_94 = tpu.memref_slice %arg17[%dma_start3A_92, %dma_start3A_93] : memref<10240x32xf32, #tpu.memory_space<vmem_shared>> -> memref<10240x32xf32, #tpu.memory_space<vmem_shared>>
    tpu.enqueue_indirect_dma source(%dma_start3A_94 : memref<10240x32xf32, #tpu.memory_space<vmem_shared>>) target(%arg13 : memref<128x32xf32, #tpu.memory_space<vmem>>) offsets(%dma_start3A_91 : memref<128xi32, #tpu.memory_space<vmem>>) semaphore(%arg23 : memref<!tpu.dma_semaphore, #tpu.memory_space<semaphore_mem>>)
    %dma_start3A_95 = arith.constant 6 : i32
    %dma_start3A_96 = arith.constant 0 : i32
    %dma_start3A_97 = tpu.memref_slice %arg6[%dma_start3A_95, %dma_start3A_96] : memref<160x128xi32, #tpu.memory_space<vmem>> -> memref<1x128xi32, #tpu.memory_space<vmem>>
    %dma_start3A_98 = tpu.memref_squeeze %dma_start3A_97 : memref<1x128xi32, #tpu.memory_space<vmem>> -> memref<128xi32, #tpu.memory_space<vmem>>
    %dma_start3A_99 = arith.constant 0 : i32
    %dma_start3A_100 = arith.constant 0 : i32
    %dma_start3A_101 = tpu.memref_slice %arg17[%dma_start3A_99, %dma_start3A_100] : memref<10240x32xf32, #tpu.memory_space<vmem_shared>> -> memref<10240x32xf32, #tpu.memory_space<vmem_shared>>
    tpu.enqueue_indirect_dma source(%dma_start3A_101 : memref<10240x32xf32, #tpu.memory_space<vmem_shared>>) target(%arg14 : memref<128x32xf32, #tpu.memory_space<vmem>>) offsets(%dma_start3A_98 : memref<128xi32, #tpu.memory_space<vmem>>) semaphore(%arg24 : memref<!tpu.dma_semaphore, #tpu.memory_space<semaphore_mem>>)
    %dma_start3A_102 = arith.constant 7 : i32
    %dma_start3A_103 = arith.constant 0 : i32
    %dma_start3A_104 = tpu.memref_slice %arg6[%dma_start3A_102, %dma_start3A_103] : memref<160x128xi32, #tpu.memory_space<vmem>> -> memref<1x128xi32, #tpu.memory_space<vmem>>
    %dma_start3A_105 = tpu.memref_squeeze %dma_start3A_104 : memref<1x128xi32, #tpu.memory_space<vmem>> -> memref<128xi32, #tpu.memory_space<vmem>>
    %dma_start3A_106 = arith.constant 0 : i32
    %dma_start3A_107 = arith.constant 0 : i32
    %dma_start3A_108 = tpu.memref_slice %arg17[%dma_start3A_106, %dma_start3A_107] : memref<10240x32xf32, #tpu.memory_space<vmem_shared>> -> memref<10240x32xf32, #tpu.memory_space<vmem_shared>>
    tpu.enqueue_indirect_dma source(%dma_start3A_108 : memref<10240x32xf32, #tpu.memory_space<vmem_shared>>) target(%arg15 : memref<128x32xf32, #tpu.memory_space<vmem>>) offsets(%dma_start3A_105 : memref<128xi32, #tpu.memory_space<vmem>>) semaphore(%arg25 : memref<!tpu.dma_semaphore, #tpu.memory_space<semaphore_mem>>)
    %scan3A = arith.constant 0 : i32
    %scan3A_109 = arith.constant 20 : i32
    %scan3A_110 = arith.addi %scan3A, %scan3A_109 : i32
    %scan3A_111 = arith.constant 1 : i32
    scf.for %scan3A_120 = %scan3A to %scan3A_110 step %scan3A_111  : i32 {
      %mul3A_121 = arith.constant 8 : i32
      %mul3A_122 = arith.muli %scan3A_120, %mul3A_121 : i32
      %add3A = arith.constant 0 : i32
      %add3A_123 = arith.addi %add3A, %mul3A_122 : i32
      %add3A_124 = arith.constant 0 : i32
      %add3A_125 = arith.addi %add3A_123, %add3A_124 : i32
      %dma_wait3A_126 = arith.constant 0 : i32
      %dma_wait3A_127 = tpu.memref_slice %arg6[%add3A_125, %dma_wait3A_126] : memref<160x128xi32, #tpu.memory_space<vmem>> -> memref<1x128xi32, #tpu.memory_space<vmem>>
      %dma_wait3A_128 = tpu.memref_squeeze %dma_wait3A_127 : memref<1x128xi32, #tpu.memory_space<vmem>> -> memref<128xi32, #tpu.memory_space<vmem>>
      %dma_wait3A_129 = arith.constant 0 : i32
      %dma_wait3A_130 = arith.constant 0 : i32
      %dma_wait3A_131 = tpu.memref_slice %arg17[%dma_wait3A_129, %dma_wait3A_130] : memref<10240x32xf32, #tpu.memory_space<vmem_shared>> -> memref<10240x32xf32, #tpu.memory_space<vmem_shared>>
      tpu.wait_indirect_dma semaphore(%arg18 : memref<!tpu.dma_semaphore, #tpu.memory_space<semaphore_mem>>) src(%dma_wait3A_131 : memref<10240x32xf32, #tpu.memory_space<vmem_shared>>) dst(%arg8 : memref<128x32xf32, #tpu.memory_space<vmem>>)
      %add3A_132 = arith.constant 0 : i32
      %add3A_133 = arith.addi %add3A_123, %add3A_132 : i32
      %dma_start3A_134 = arith.constant 0 : i32
      %dma_start3A_135 = tpu.memref_slice %arg7[%add3A_133, %dma_start3A_134] : memref<160x128xi32, #tpu.memory_space<vmem>> -> memref<1x128xi32, #tpu.memory_space<vmem>>
      %dma_start3A_136 = tpu.memref_squeeze %dma_start3A_135 : memref<1x128xi32, #tpu.memory_space<vmem>> -> memref<128xi32, #tpu.memory_space<vmem>>
      %dma_start3A_137 = arith.constant 0 : i32
      %dma_start3A_138 = arith.constant 0 : i32
      %dma_start3A_139 = tpu.memref_slice %arg16[%dma_start3A_137, %dma_start3A_138] : memref<10240x32xf32, #tpu.memory_space<vmem_shared>> -> memref<10240x32xf32, #tpu.memory_space<vmem_shared>>
      tpu.enqueue_indirect_dma source(%arg8 : memref<128x32xf32, #tpu.memory_space<vmem>>) target(%dma_start3A_139 : memref<10240x32xf32, #tpu.memory_space<vmem_shared>>) offsets(%dma_start3A_136 : memref<128xi32, #tpu.memory_space<vmem>>) semaphore(%arg26 : memref<!tpu.dma_semaphore, #tpu.memory_space<semaphore_mem>>) {add = true}
      %add3A_140 = arith.constant 1 : i32
      %add3A_141 = arith.addi %add3A_123, %add3A_140 : i32
      %dma_wait3A_142 = arith.constant 0 : i32
      %dma_wait3A_143 = tpu.memref_slice %arg6[%add3A_141, %dma_wait3A_142] : memref<160x128xi32, #tpu.memory_space<vmem>> -> memref<1x128xi32, #tpu.memory_space<vmem>>
      %dma_wait3A_144 = tpu.memref_squeeze %dma_wait3A_143 : memref<1x128xi32, #tpu.memory_space<vmem>> -> memref<128xi32, #tpu.memory_space<vmem>>
      %dma_wait3A_145 = arith.constant 0 : i32
      %dma_wait3A_146 = arith.constant 0 : i32
      %dma_wait3A_147 = tpu.memref_slice %arg17[%dma_wait3A_145, %dma_wait3A_146] : memref<10240x32xf32, #tpu.memory_space<vmem_shared>> -> memref<10240x32xf32, #tpu.memory_space<vmem_shared>>
      tpu.wait_indirect_dma semaphore(%arg19 : memref<!tpu.dma_semaphore, #tpu.memory_space<semaphore_mem>>) src(%dma_wait3A_147 : memref<10240x32xf32, #tpu.memory_space<vmem_shared>>) dst(%arg9 : memref<128x32xf32, #tpu.memory_space<vmem>>)
      %add3A_148 = arith.constant 1 : i32
      %add3A_149 = arith.addi %add3A_123, %add3A_148 : i32
      %dma_start3A_150 = arith.constant 0 : i32
      %dma_start3A_151 = tpu.memref_slice %arg7[%add3A_149, %dma_start3A_150] : memref<160x128xi32, #tpu.memory_space<vmem>> -> memref<1x128xi32, #tpu.memory_space<vmem>>
      %dma_start3A_152 = tpu.memref_squeeze %dma_start3A_151 : memref<1x128xi32, #tpu.memory_space<vmem>> -> memref<128xi32, #tpu.memory_space<vmem>>
      %dma_start3A_153 = arith.constant 0 : i32
      %dma_start3A_154 = arith.constant 0 : i32
      %dma_start3A_155 = tpu.memref_slice %arg16[%dma_start3A_153, %dma_start3A_154] : memref<10240x32xf32, #tpu.memory_space<vmem_shared>> -> memref<10240x32xf32, #tpu.memory_space<vmem_shared>>
      tpu.enqueue_indirect_dma source(%arg9 : memref<128x32xf32, #tpu.memory_space<vmem>>) target(%dma_start3A_155 : memref<10240x32xf32, #tpu.memory_space<vmem_shared>>) offsets(%dma_start3A_152 : memref<128xi32, #tpu.memory_space<vmem>>) semaphore(%arg27 : memref<!tpu.dma_semaphore, #tpu.memory_space<semaphore_mem>>) {add = true}
      %add3A_156 = arith.constant 2 : i32
      %add3A_157 = arith.addi %add3A_123, %add3A_156 : i32
      %dma_wait3A_158 = arith.constant 0 : i32
      %dma_wait3A_159 = tpu.memref_slice %arg6[%add3A_157, %dma_wait3A_158] : memref<160x128xi32, #tpu.memory_space<vmem>> -> memref<1x128xi32, #tpu.memory_space<vmem>>
      %dma_wait3A_160 = tpu.memref_squeeze %dma_wait3A_159 : memref<1x128xi32, #tpu.memory_space<vmem>> -> memref<128xi32, #tpu.memory_space<vmem>>
      %dma_wait3A_161 = arith.constant 0 : i32
      %dma_wait3A_162 = arith.constant 0 : i32
      %dma_wait3A_163 = tpu.memref_slice %arg17[%dma_wait3A_161, %dma_wait3A_162] : memref<10240x32xf32, #tpu.memory_space<vmem_shared>> -> memref<10240x32xf32, #tpu.memory_space<vmem_shared>>
      tpu.wait_indirect_dma semaphore(%arg20 : memref<!tpu.dma_semaphore, #tpu.memory_space<semaphore_mem>>) src(%dma_wait3A_163 : memref<10240x32xf32, #tpu.memory_space<vmem_shared>>) dst(%arg10 : memref<128x32xf32, #tpu.memory_space<vmem>>)
      %add3A_164 = arith.constant 2 : i32
      %add3A_165 = arith.addi %add3A_123, %add3A_164 : i32
      %dma_start3A_166 = arith.constant 0 : i32
      %dma_start3A_167 = tpu.memref_slice %arg7[%add3A_165, %dma_start3A_166] : memref<160x128xi32, #tpu.memory_space<vmem>> -> memref<1x128xi32, #tpu.memory_space<vmem>>
      %dma_start3A_168 = tpu.memref_squeeze %dma_start3A_167 : memref<1x128xi32, #tpu.memory_space<vmem>> -> memref<128xi32, #tpu.memory_space<vmem>>
      %dma_start3A_169 = arith.constant 0 : i32
      %dma_start3A_170 = arith.constant 0 : i32
      %dma_start3A_171 = tpu.memref_slice %arg16[%dma_start3A_169, %dma_start3A_170] : memref<10240x32xf32, #tpu.memory_space<vmem_shared>> -> memref<10240x32xf32, #tpu.memory_space<vmem_shared>>
      tpu.enqueue_indirect_dma source(%arg10 : memref<128x32xf32, #tpu.memory_space<vmem>>) target(%dma_start3A_171 : memref<10240x32xf32, #tpu.memory_space<vmem_shared>>) offsets(%dma_start3A_168 : memref<128xi32, #tpu.memory_space<vmem>>) semaphore(%arg28 : memref<!tpu.dma_semaphore, #tpu.memory_space<semaphore_mem>>) {add = true}
      %add3A_172 = arith.constant 3 : i32
      %add3A_173 = arith.addi %add3A_123, %add3A_172 : i32
      %dma_wait3A_174 = arith.constant 0 : i32
      %dma_wait3A_175 = tpu.memref_slice %arg6[%add3A_173, %dma_wait3A_174] : memref<160x128xi32, #tpu.memory_space<vmem>> -> memref<1x128xi32, #tpu.memory_space<vmem>>
      %dma_wait3A_176 = tpu.memref_squeeze %dma_wait3A_175 : memref<1x128xi32, #tpu.memory_space<vmem>> -> memref<128xi32, #tpu.memory_space<vmem>>
      %dma_wait3A_177 = arith.constant 0 : i32
      %dma_wait3A_178 = arith.constant 0 : i32
      %dma_wait3A_179 = tpu.memref_slice %arg17[%dma_wait3A_177, %dma_wait3A_178] : memref<10240x32xf32, #tpu.memory_space<vmem_shared>> -> memref<10240x32xf32, #tpu.memory_space<vmem_shared>>
      tpu.wait_indirect_dma semaphore(%arg21 : memref<!tpu.dma_semaphore, #tpu.memory_space<semaphore_mem>>) src(%dma_wait3A_179 : memref<10240x32xf32, #tpu.memory_space<vmem_shared>>) dst(%arg11 : memref<128x32xf32, #tpu.memory_space<vmem>>)
      %add3A_180 = arith.constant 3 : i32
      %add3A_181 = arith.addi %add3A_123, %add3A_180 : i32
      %dma_start3A_182 = arith.constant 0 : i32
      %dma_start3A_183 = tpu.memref_slice %arg7[%add3A_181, %dma_start3A_182] : memref<160x128xi32, #tpu.memory_space<vmem>> -> memref<1x128xi32, #tpu.memory_space<vmem>>
      %dma_start3A_184 = tpu.memref_squeeze %dma_start3A_183 : memref<1x128xi32, #tpu.memory_space<vmem>> -> memref<128xi32, #tpu.memory_space<vmem>>
      %dma_start3A_185 = arith.constant 0 : i32
      %dma_start3A_186 = arith.constant 0 : i32
      %dma_start3A_187 = tpu.memref_slice %arg16[%dma_start3A_185, %dma_start3A_186] : memref<10240x32xf32, #tpu.memory_space<vmem_shared>> -> memref<10240x32xf32, #tpu.memory_space<vmem_shared>>
      tpu.enqueue_indirect_dma source(%arg11 : memref<128x32xf32, #tpu.memory_space<vmem>>) target(%dma_start3A_187 : memref<10240x32xf32, #tpu.memory_space<vmem_shared>>) offsets(%dma_start3A_184 : memref<128xi32, #tpu.memory_space<vmem>>) semaphore(%arg29 : memref<!tpu.dma_semaphore, #tpu.memory_space<semaphore_mem>>) {add = true}
      %add3A_188 = arith.constant 4 : i32
      %add3A_189 = arith.addi %add3A_123, %add3A_188 : i32
      %dma_wait3A_190 = arith.constant 0 : i32
      %dma_wait3A_191 = tpu.memref_slice %arg6[%add3A_189, %dma_wait3A_190] : memref<160x128xi32, #tpu.memory_space<vmem>> -> memref<1x128xi32, #tpu.memory_space<vmem>>
      %dma_wait3A_192 = tpu.memref_squeeze %dma_wait3A_191 : memref<1x128xi32, #tpu.memory_space<vmem>> -> memref<128xi32, #tpu.memory_space<vmem>>
      %dma_wait3A_193 = arith.constant 0 : i32
      %dma_wait3A_194 = arith.constant 0 : i32
      %dma_wait3A_195 = tpu.memref_slice %arg17[%dma_wait3A_193, %dma_wait3A_194] : memref<10240x32xf32, #tpu.memory_space<vmem_shared>> -> memref<10240x32xf32, #tpu.memory_space<vmem_shared>>
      tpu.wait_indirect_dma semaphore(%arg22 : memref<!tpu.dma_semaphore, #tpu.memory_space<semaphore_mem>>) src(%dma_wait3A_195 : memref<10240x32xf32, #tpu.memory_space<vmem_shared>>) dst(%arg12 : memref<128x32xf32, #tpu.memory_space<vmem>>)
      %add3A_196 = arith.constant 4 : i32
      %add3A_197 = arith.addi %add3A_123, %add3A_196 : i32
      %dma_start3A_198 = arith.constant 0 : i32
      %dma_start3A_199 = tpu.memref_slice %arg7[%add3A_197, %dma_start3A_198] : memref<160x128xi32, #tpu.memory_space<vmem>> -> memref<1x128xi32, #tpu.memory_space<vmem>>
      %dma_start3A_200 = tpu.memref_squeeze %dma_start3A_199 : memref<1x128xi32, #tpu.memory_space<vmem>> -> memref<128xi32, #tpu.memory_space<vmem>>
      %dma_start3A_201 = arith.constant 0 : i32
      %dma_start3A_202 = arith.constant 0 : i32
      %dma_start3A_203 = tpu.memref_slice %arg16[%dma_start3A_201, %dma_start3A_202] : memref<10240x32xf32, #tpu.memory_space<vmem_shared>> -> memref<10240x32xf32, #tpu.memory_space<vmem_shared>>
      tpu.enqueue_indirect_dma source(%arg12 : memref<128x32xf32, #tpu.memory_space<vmem>>) target(%dma_start3A_203 : memref<10240x32xf32, #tpu.memory_space<vmem_shared>>) offsets(%dma_start3A_200 : memref<128xi32, #tpu.memory_space<vmem>>) semaphore(%arg30 : memref<!tpu.dma_semaphore, #tpu.memory_space<semaphore_mem>>) {add = true}
      %add3A_204 = arith.constant 5 : i32
      %add3A_205 = arith.addi %add3A_123, %add3A_204 : i32
      %dma_wait3A_206 = arith.constant 0 : i32
      %dma_wait3A_207 = tpu.memref_slice %arg6[%add3A_205, %dma_wait3A_206] : memref<160x128xi32, #tpu.memory_space<vmem>> -> memref<1x128xi32, #tpu.memory_space<vmem>>
      %dma_wait3A_208 = tpu.memref_squeeze %dma_wait3A_207 : memref<1x128xi32, #tpu.memory_space<vmem>> -> memref<128xi32, #tpu.memory_space<vmem>>
      %dma_wait3A_209 = arith.constant 0 : i32
      %dma_wait3A_210 = arith.constant 0 : i32
      %dma_wait3A_211 = tpu.memref_slice %arg17[%dma_wait3A_209, %dma_wait3A_210] : memref<10240x32xf32, #tpu.memory_space<vmem_shared>> -> memref<10240x32xf32, #tpu.memory_space<vmem_shared>>
      tpu.wait_indirect_dma semaphore(%arg23 : memref<!tpu.dma_semaphore, #tpu.memory_space<semaphore_mem>>) src(%dma_wait3A_211 : memref<10240x32xf32, #tpu.memory_space<vmem_shared>>) dst(%arg13 : memref<128x32xf32, #tpu.memory_space<vmem>>)
      %add3A_212 = arith.constant 5 : i32
      %add3A_213 = arith.addi %add3A_123, %add3A_212 : i32
      %dma_start3A_214 = arith.constant 0 : i32
      %dma_start3A_215 = tpu.memref_slice %arg7[%add3A_213, %dma_start3A_214] : memref<160x128xi32, #tpu.memory_space<vmem>> -> memref<1x128xi32, #tpu.memory_space<vmem>>
      %dma_start3A_216 = tpu.memref_squeeze %dma_start3A_215 : memref<1x128xi32, #tpu.memory_space<vmem>> -> memref<128xi32, #tpu.memory_space<vmem>>
      %dma_start3A_217 = arith.constant 0 : i32
      %dma_start3A_218 = arith.constant 0 : i32
      %dma_start3A_219 = tpu.memref_slice %arg16[%dma_start3A_217, %dma_start3A_218] : memref<10240x32xf32, #tpu.memory_space<vmem_shared>> -> memref<10240x32xf32, #tpu.memory_space<vmem_shared>>
      tpu.enqueue_indirect_dma source(%arg13 : memref<128x32xf32, #tpu.memory_space<vmem>>) target(%dma_start3A_219 : memref<10240x32xf32, #tpu.memory_space<vmem_shared>>) offsets(%dma_start3A_216 : memref<128xi32, #tpu.memory_space<vmem>>) semaphore(%arg31 : memref<!tpu.dma_semaphore, #tpu.memory_space<semaphore_mem>>) {add = true}
      %add3A_220 = arith.constant 6 : i32
      %add3A_221 = arith.addi %add3A_123, %add3A_220 : i32
      %dma_wait3A_222 = arith.constant 0 : i32
      %dma_wait3A_223 = tpu.memref_slice %arg6[%add3A_221, %dma_wait3A_222] : memref<160x128xi32, #tpu.memory_space<vmem>> -> memref<1x128xi32, #tpu.memory_space<vmem>>
      %dma_wait3A_224 = tpu.memref_squeeze %dma_wait3A_223 : memref<1x128xi32, #tpu.memory_space<vmem>> -> memref<128xi32, #tpu.memory_space<vmem>>
      %dma_wait3A_225 = arith.constant 0 : i32
      %dma_wait3A_226 = arith.constant 0 : i32
      %dma_wait3A_227 = tpu.memref_slice %arg17[%dma_wait3A_225, %dma_wait3A_226] : memref<10240x32xf32, #tpu.memory_space<vmem_shared>> -> memref<10240x32xf32, #tpu.memory_space<vmem_shared>>
      tpu.wait_indirect_dma semaphore(%arg24 : memref<!tpu.dma_semaphore, #tpu.memory_space<semaphore_mem>>) src(%dma_wait3A_227 : memref<10240x32xf32, #tpu.memory_space<vmem_shared>>) dst(%arg14 : memref<128x32xf32, #tpu.memory_space<vmem>>)
      %add3A_228 = arith.constant 6 : i32
      %add3A_229 = arith.addi %add3A_123, %add3A_228 : i32
      %dma_start3A_230 = arith.constant 0 : i32
      %dma_start3A_231 = tpu.memref_slice %arg7[%add3A_229, %dma_start3A_230] : memref<160x128xi32, #tpu.memory_space<vmem>> -> memref<1x128xi32, #tpu.memory_space<vmem>>
      %dma_start3A_232 = tpu.memref_squeeze %dma_start3A_231 : memref<1x128xi32, #tpu.memory_space<vmem>> -> memref<128xi32, #tpu.memory_space<vmem>>
      %dma_start3A_233 = arith.constant 0 : i32
      %dma_start3A_234 = arith.constant 0 : i32
      %dma_start3A_235 = tpu.memref_slice %arg16[%dma_start3A_233, %dma_start3A_234] : memref<10240x32xf32, #tpu.memory_space<vmem_shared>> -> memref<10240x32xf32, #tpu.memory_space<vmem_shared>>
      tpu.enqueue_indirect_dma source(%arg14 : memref<128x32xf32, #tpu.memory_space<vmem>>) target(%dma_start3A_235 : memref<10240x32xf32, #tpu.memory_space<vmem_shared>>) offsets(%dma_start3A_232 : memref<128xi32, #tpu.memory_space<vmem>>) semaphore(%arg32 : memref<!tpu.dma_semaphore, #tpu.memory_space<semaphore_mem>>) {add = true}
      %add3A_236 = arith.constant 7 : i32
      %add3A_237 = arith.addi %add3A_123, %add3A_236 : i32
      %dma_wait3A_238 = arith.constant 0 : i32
      %dma_wait3A_239 = tpu.memref_slice %arg6[%add3A_237, %dma_wait3A_238] : memref<160x128xi32, #tpu.memory_space<vmem>> -> memref<1x128xi32, #tpu.memory_space<vmem>>
      %dma_wait3A_240 = tpu.memref_squeeze %dma_wait3A_239 : memref<1x128xi32, #tpu.memory_space<vmem>> -> memref<128xi32, #tpu.memory_space<vmem>>
      %dma_wait3A_241 = arith.constant 0 : i32
      %dma_wait3A_242 = arith.constant 0 : i32
      %dma_wait3A_243 = tpu.memref_slice %arg17[%dma_wait3A_241, %dma_wait3A_242] : memref<10240x32xf32, #tpu.memory_space<vmem_shared>> -> memref<10240x32xf32, #tpu.memory_space<vmem_shared>>
      tpu.wait_indirect_dma semaphore(%arg25 : memref<!tpu.dma_semaphore, #tpu.memory_space<semaphore_mem>>) src(%dma_wait3A_243 : memref<10240x32xf32, #tpu.memory_space<vmem_shared>>) dst(%arg15 : memref<128x32xf32, #tpu.memory_space<vmem>>)
      %add3A_244 = arith.constant 7 : i32
      %add3A_245 = arith.addi %add3A_123, %add3A_244 : i32
      %dma_start3A_246 = arith.constant 0 : i32
      %dma_start3A_247 = tpu.memref_slice %arg7[%add3A_245, %dma_start3A_246] : memref<160x128xi32, #tpu.memory_space<vmem>> -> memref<1x128xi32, #tpu.memory_space<vmem>>
      %dma_start3A_248 = tpu.memref_squeeze %dma_start3A_247 : memref<1x128xi32, #tpu.memory_space<vmem>> -> memref<128xi32, #tpu.memory_space<vmem>>
      %dma_start3A_249 = arith.constant 0 : i32
      %dma_start3A_250 = arith.constant 0 : i32
      %dma_start3A_251 = tpu.memref_slice %arg16[%dma_start3A_249, %dma_start3A_250] : memref<10240x32xf32, #tpu.memory_space<vmem_shared>> -> memref<10240x32xf32, #tpu.memory_space<vmem_shared>>
      tpu.enqueue_indirect_dma source(%arg15 : memref<128x32xf32, #tpu.memory_space<vmem>>) target(%dma_start3A_251 : memref<10240x32xf32, #tpu.memory_space<vmem_shared>>) offsets(%dma_start3A_248 : memref<128xi32, #tpu.memory_space<vmem>>) semaphore(%arg33 : memref<!tpu.dma_semaphore, #tpu.memory_space<semaphore_mem>>) {add = true}
      %dma_wait3A_252 = arith.constant 0 : i32
      %dma_wait3A_253 = tpu.memref_slice %arg7[%add3A_133, %dma_wait3A_252] : memref<160x128xi32, #tpu.memory_space<vmem>> -> memref<1x128xi32, #tpu.memory_space<vmem>>
      %dma_wait3A_254 = tpu.memref_squeeze %dma_wait3A_253 : memref<1x128xi32, #tpu.memory_space<vmem>> -> memref<128xi32, #tpu.memory_space<vmem>>
      %dma_wait3A_255 = arith.constant 0 : i32
      %dma_wait3A_256 = arith.constant 0 : i32
      %dma_wait3A_257 = tpu.memref_slice %arg16[%dma_wait3A_255, %dma_wait3A_256] : memref<10240x32xf32, #tpu.memory_space<vmem_shared>> -> memref<10240x32xf32, #tpu.memory_space<vmem_shared>>
      tpu.wait_indirect_dma semaphore(%arg26 : memref<!tpu.dma_semaphore, #tpu.memory_space<semaphore_mem>>) src(%arg8 : memref<128x32xf32, #tpu.memory_space<vmem>>) dst(%dma_wait3A_257 : memref<10240x32xf32, #tpu.memory_space<vmem_shared>>)
      %add3A_258 = arith.constant 8 : i32
      %add3A_259 = arith.addi %add3A_123, %add3A_258 : i32
      %add3A_260 = arith.constant 0 : i32
      %add3A_261 = arith.addi %add3A_259, %add3A_260 : i32
      %lt3A = arith.constant 160 : i32
      %lt3A_262 = arith.cmpi slt, %add3A_261, %lt3A : i32
      %convert_element_type3A = arith.extui %lt3A_262 : i1 to i32
      %cond3A = arith.constant 0 : i32
      %cond3A_263 = arith.cmpi ne, %convert_element_type3A, %cond3A : i32
      scf.if %cond3A_263 {
        %add3A_369 = arith.constant 8 : i32
        %add3A_370 = arith.addi %add3A_123, %add3A_369 : i32
        %add3A_371 = arith.constant 0 : i32
        %add3A_372 = arith.addi %add3A_370, %add3A_371 : i32
        %dma_start3A_373 = arith.constant 0 : i32
        %dma_start3A_374 = tpu.memref_slice %arg6[%add3A_372, %dma_start3A_373] : memref<160x128xi32, #tpu.memory_space<vmem>> -> memref<1x128xi32, #tpu.memory_space<vmem>>
        %dma_start3A_375 = tpu.memref_squeeze %dma_start3A_374 : memref<1x128xi32, #tpu.memory_space<vmem>> -> memref<128xi32, #tpu.memory_space<vmem>>
        %dma_start3A_376 = arith.constant 0 : i32
        %dma_start3A_377 = arith.constant 0 : i32
        %dma_start3A_378 = tpu.memref_slice %arg17[%dma_start3A_376, %dma_start3A_377] : memref<10240x32xf32, #tpu.memory_space<vmem_shared>> -> memref<10240x32xf32, #tpu.memory_space<vmem_shared>>
        tpu.enqueue_indirect_dma source(%dma_start3A_378 : memref<10240x32xf32, #tpu.memory_space<vmem_shared>>) target(%arg8 : memref<128x32xf32, #tpu.memory_space<vmem>>) offsets(%dma_start3A_375 : memref<128xi32, #tpu.memory_space<vmem>>) semaphore(%arg18 : memref<!tpu.dma_semaphore, #tpu.memory_space<semaphore_mem>>)
      } else {
      }
      %dma_wait3A_264 = arith.constant 0 : i32
      %dma_wait3A_265 = tpu.memref_slice %arg7[%add3A_149, %dma_wait3A_264] : memref<160x128xi32, #tpu.memory_space<vmem>> -> memref<1x128xi32, #tpu.memory_space<vmem>>
      %dma_wait3A_266 = tpu.memref_squeeze %dma_wait3A_265 : memref<1x128xi32, #tpu.memory_space<vmem>> -> memref<128xi32, #tpu.memory_space<vmem>>
      %dma_wait3A_267 = arith.constant 0 : i32
      %dma_wait3A_268 = arith.constant 0 : i32
      %dma_wait3A_269 = tpu.memref_slice %arg16[%dma_wait3A_267, %dma_wait3A_268] : memref<10240x32xf32, #tpu.memory_space<vmem_shared>> -> memref<10240x32xf32, #tpu.memory_space<vmem_shared>>
      tpu.wait_indirect_dma semaphore(%arg27 : memref<!tpu.dma_semaphore, #tpu.memory_space<semaphore_mem>>) src(%arg9 : memref<128x32xf32, #tpu.memory_space<vmem>>) dst(%dma_wait3A_269 : memref<10240x32xf32, #tpu.memory_space<vmem_shared>>)
      %add3A_270 = arith.constant 8 : i32
      %add3A_271 = arith.addi %add3A_123, %add3A_270 : i32
      %add3A_272 = arith.constant 1 : i32
      %add3A_273 = arith.addi %add3A_271, %add3A_272 : i32
      %lt3A_274 = arith.constant 160 : i32
      %lt3A_275 = arith.cmpi slt, %add3A_273, %lt3A_274 : i32
      %convert_element_type3A_276 = arith.extui %lt3A_275 : i1 to i32
      %cond3A_277 = arith.constant 0 : i32
      %cond3A_278 = arith.cmpi ne, %convert_element_type3A_276, %cond3A_277 : i32
      scf.if %cond3A_278 {
        %add3A_369 = arith.constant 8 : i32
        %add3A_370 = arith.addi %add3A_123, %add3A_369 : i32
        %add3A_371 = arith.constant 1 : i32
        %add3A_372 = arith.addi %add3A_370, %add3A_371 : i32
        %dma_start3A_373 = arith.constant 0 : i32
        %dma_start3A_374 = tpu.memref_slice %arg6[%add3A_372, %dma_start3A_373] : memref<160x128xi32, #tpu.memory_space<vmem>> -> memref<1x128xi32, #tpu.memory_space<vmem>>
        %dma_start3A_375 = tpu.memref_squeeze %dma_start3A_374 : memref<1x128xi32, #tpu.memory_space<vmem>> -> memref<128xi32, #tpu.memory_space<vmem>>
        %dma_start3A_376 = arith.constant 0 : i32
        %dma_start3A_377 = arith.constant 0 : i32
        %dma_start3A_378 = tpu.memref_slice %arg17[%dma_start3A_376, %dma_start3A_377] : memref<10240x32xf32, #tpu.memory_space<vmem_shared>> -> memref<10240x32xf32, #tpu.memory_space<vmem_shared>>
        tpu.enqueue_indirect_dma source(%dma_start3A_378 : memref<10240x32xf32, #tpu.memory_space<vmem_shared>>) target(%arg9 : memref<128x32xf32, #tpu.memory_space<vmem>>) offsets(%dma_start3A_375 : memref<128xi32, #tpu.memory_space<vmem>>) semaphore(%arg19 : memref<!tpu.dma_semaphore, #tpu.memory_space<semaphore_mem>>)
      } else {
      }
      %dma_wait3A_279 = arith.constant 0 : i32
      %dma_wait3A_280 = tpu.memref_slice %arg7[%add3A_165, %dma_wait3A_279] : memref<160x128xi32, #tpu.memory_space<vmem>> -> memref<1x128xi32, #tpu.memory_space<vmem>>
      %dma_wait3A_281 = tpu.memref_squeeze %dma_wait3A_280 : memref<1x128xi32, #tpu.memory_space<vmem>> -> memref<128xi32, #tpu.memory_space<vmem>>
      %dma_wait3A_282 = arith.constant 0 : i32
      %dma_wait3A_283 = arith.constant 0 : i32
      %dma_wait3A_284 = tpu.memref_slice %arg16[%dma_wait3A_282, %dma_wait3A_283] : memref<10240x32xf32, #tpu.memory_space<vmem_shared>> -> memref<10240x32xf32, #tpu.memory_space<vmem_shared>>
      tpu.wait_indirect_dma semaphore(%arg28 : memref<!tpu.dma_semaphore, #tpu.memory_space<semaphore_mem>>) src(%arg10 : memref<128x32xf32, #tpu.memory_space<vmem>>) dst(%dma_wait3A_284 : memref<10240x32xf32, #tpu.memory_space<vmem_shared>>)
      %add3A_285 = arith.constant 8 : i32
      %add3A_286 = arith.addi %add3A_123, %add3A_285 : i32
      %add3A_287 = arith.constant 2 : i32
      %add3A_288 = arith.addi %add3A_286, %add3A_287 : i32
      %lt3A_289 = arith.constant 160 : i32
      %lt3A_290 = arith.cmpi slt, %add3A_288, %lt3A_289 : i32
      %convert_element_type3A_291 = arith.extui %lt3A_290 : i1 to i32
      %cond3A_292 = arith.constant 0 : i32
      %cond3A_293 = arith.cmpi ne, %convert_element_type3A_291, %cond3A_292 : i32
      scf.if %cond3A_293 {
        %add3A_369 = arith.constant 8 : i32
        %add3A_370 = arith.addi %add3A_123, %add3A_369 : i32
        %add3A_371 = arith.constant 2 : i32
        %add3A_372 = arith.addi %add3A_370, %add3A_371 : i32
        %dma_start3A_373 = arith.constant 0 : i32
        %dma_start3A_374 = tpu.memref_slice %arg6[%add3A_372, %dma_start3A_373] : memref<160x128xi32, #tpu.memory_space<vmem>> -> memref<1x128xi32, #tpu.memory_space<vmem>>
        %dma_start3A_375 = tpu.memref_squeeze %dma_start3A_374 : memref<1x128xi32, #tpu.memory_space<vmem>> -> memref<128xi32, #tpu.memory_space<vmem>>
        %dma_start3A_376 = arith.constant 0 : i32
        %dma_start3A_377 = arith.constant 0 : i32
        %dma_start3A_378 = tpu.memref_slice %arg17[%dma_start3A_376, %dma_start3A_377] : memref<10240x32xf32, #tpu.memory_space<vmem_shared>> -> memref<10240x32xf32, #tpu.memory_space<vmem_shared>>
        tpu.enqueue_indirect_dma source(%dma_start3A_378 : memref<10240x32xf32, #tpu.memory_space<vmem_shared>>) target(%arg10 : memref<128x32xf32, #tpu.memory_space<vmem>>) offsets(%dma_start3A_375 : memref<128xi32, #tpu.memory_space<vmem>>) semaphore(%arg20 : memref<!tpu.dma_semaphore, #tpu.memory_space<semaphore_mem>>)
      } else {
      }
      %dma_wait3A_294 = arith.constant 0 : i32
      %dma_wait3A_295 = tpu.memref_slice %arg7[%add3A_181, %dma_wait3A_294] : memref<160x128xi32, #tpu.memory_space<vmem>> -> memref<1x128xi32, #tpu.memory_space<vmem>>
      %dma_wait3A_296 = tpu.memref_squeeze %dma_wait3A_295 : memref<1x128xi32, #tpu.memory_space<vmem>> -> memref<128xi32, #tpu.memory_space<vmem>>
      %dma_wait3A_297 = arith.constant 0 : i32
      %dma_wait3A_298 = arith.constant 0 : i32
      %dma_wait3A_299 = tpu.memref_slice %arg16[%dma_wait3A_297, %dma_wait3A_298] : memref<10240x32xf32, #tpu.memory_space<vmem_shared>> -> memref<10240x32xf32, #tpu.memory_space<vmem_shared>>
      tpu.wait_indirect_dma semaphore(%arg29 : memref<!tpu.dma_semaphore, #tpu.memory_space<semaphore_mem>>) src(%arg11 : memref<128x32xf32, #tpu.memory_space<vmem>>) dst(%dma_wait3A_299 : memref<10240x32xf32, #tpu.memory_space<vmem_shared>>)
      %add3A_300 = arith.constant 8 : i32
      %add3A_301 = arith.addi %add3A_123, %add3A_300 : i32
      %add3A_302 = arith.constant 3 : i32
      %add3A_303 = arith.addi %add3A_301, %add3A_302 : i32
      %lt3A_304 = arith.constant 160 : i32
      %lt3A_305 = arith.cmpi slt, %add3A_303, %lt3A_304 : i32
      %convert_element_type3A_306 = arith.extui %lt3A_305 : i1 to i32
      %cond3A_307 = arith.constant 0 : i32
      %cond3A_308 = arith.cmpi ne, %convert_element_type3A_306, %cond3A_307 : i32
      scf.if %cond3A_308 {
        %add3A_369 = arith.constant 8 : i32
        %add3A_370 = arith.addi %add3A_123, %add3A_369 : i32
        %add3A_371 = arith.constant 3 : i32
        %add3A_372 = arith.addi %add3A_370, %add3A_371 : i32
        %dma_start3A_373 = arith.constant 0 : i32
        %dma_start3A_374 = tpu.memref_slice %arg6[%add3A_372, %dma_start3A_373] : memref<160x128xi32, #tpu.memory_space<vmem>> -> memref<1x128xi32, #tpu.memory_space<vmem>>
        %dma_start3A_375 = tpu.memref_squeeze %dma_start3A_374 : memref<1x128xi32, #tpu.memory_space<vmem>> -> memref<128xi32, #tpu.memory_space<vmem>>
        %dma_start3A_376 = arith.constant 0 : i32
        %dma_start3A_377 = arith.constant 0 : i32
        %dma_start3A_378 = tpu.memref_slice %arg17[%dma_start3A_376, %dma_start3A_377] : memref<10240x32xf32, #tpu.memory_space<vmem_shared>> -> memref<10240x32xf32, #tpu.memory_space<vmem_shared>>
        tpu.enqueue_indirect_dma source(%dma_start3A_378 : memref<10240x32xf32, #tpu.memory_space<vmem_shared>>) target(%arg11 : memref<128x32xf32, #tpu.memory_space<vmem>>) offsets(%dma_start3A_375 : memref<128xi32, #tpu.memory_space<vmem>>) semaphore(%arg21 : memref<!tpu.dma_semaphore, #tpu.memory_space<semaphore_mem>>)
      } else {
      }
      %dma_wait3A_309 = arith.constant 0 : i32
      %dma_wait3A_310 = tpu.memref_slice %arg7[%add3A_197, %dma_wait3A_309] : memref<160x128xi32, #tpu.memory_space<vmem>> -> memref<1x128xi32, #tpu.memory_space<vmem>>
      %dma_wait3A_311 = tpu.memref_squeeze %dma_wait3A_310 : memref<1x128xi32, #tpu.memory_space<vmem>> -> memref<128xi32, #tpu.memory_space<vmem>>
      %dma_wait3A_312 = arith.constant 0 : i32
      %dma_wait3A_313 = arith.constant 0 : i32
      %dma_wait3A_314 = tpu.memref_slice %arg16[%dma_wait3A_312, %dma_wait3A_313] : memref<10240x32xf32, #tpu.memory_space<vmem_shared>> -> memref<10240x32xf32, #tpu.memory_space<vmem_shared>>
      tpu.wait_indirect_dma semaphore(%arg30 : memref<!tpu.dma_semaphore, #tpu.memory_space<semaphore_mem>>) src(%arg12 : memref<128x32xf32, #tpu.memory_space<vmem>>) dst(%dma_wait3A_314 : memref<10240x32xf32, #tpu.memory_space<vmem_shared>>)
      %add3A_315 = arith.constant 8 : i32
      %add3A_316 = arith.addi %add3A_123, %add3A_315 : i32
      %add3A_317 = arith.constant 4 : i32
      %add3A_318 = arith.addi %add3A_316, %add3A_317 : i32
      %lt3A_319 = arith.constant 160 : i32
      %lt3A_320 = arith.cmpi slt, %add3A_318, %lt3A_319 : i32
      %convert_element_type3A_321 = arith.extui %lt3A_320 : i1 to i32
      %cond3A_322 = arith.constant 0 : i32
      %cond3A_323 = arith.cmpi ne, %convert_element_type3A_321, %cond3A_322 : i32
      scf.if %cond3A_323 {
        %add3A_369 = arith.constant 8 : i32
        %add3A_370 = arith.addi %add3A_123, %add3A_369 : i32
        %add3A_371 = arith.constant 4 : i32
        %add3A_372 = arith.addi %add3A_370, %add3A_371 : i32
        %dma_start3A_373 = arith.constant 0 : i32
        %dma_start3A_374 = tpu.memref_slice %arg6[%add3A_372, %dma_start3A_373] : memref<160x128xi32, #tpu.memory_space<vmem>> -> memref<1x128xi32, #tpu.memory_space<vmem>>
        %dma_start3A_375 = tpu.memref_squeeze %dma_start3A_374 : memref<1x128xi32, #tpu.memory_space<vmem>> -> memref<128xi32, #tpu.memory_space<vmem>>
        %dma_start3A_376 = arith.constant 0 : i32
        %dma_start3A_377 = arith.constant 0 : i32
        %dma_start3A_378 = tpu.memref_slice %arg17[%dma_start3A_376, %dma_start3A_377] : memref<10240x32xf32, #tpu.memory_space<vmem_shared>> -> memref<10240x32xf32, #tpu.memory_space<vmem_shared>>
        tpu.enqueue_indirect_dma source(%dma_start3A_378 : memref<10240x32xf32, #tpu.memory_space<vmem_shared>>) target(%arg12 : memref<128x32xf32, #tpu.memory_space<vmem>>) offsets(%dma_start3A_375 : memref<128xi32, #tpu.memory_space<vmem>>) semaphore(%arg22 : memref<!tpu.dma_semaphore, #tpu.memory_space<semaphore_mem>>)
      } else {
      }
      %dma_wait3A_324 = arith.constant 0 : i32
      %dma_wait3A_325 = tpu.memref_slice %arg7[%add3A_213, %dma_wait3A_324] : memref<160x128xi32, #tpu.memory_space<vmem>> -> memref<1x128xi32, #tpu.memory_space<vmem>>
      %dma_wait3A_326 = tpu.memref_squeeze %dma_wait3A_325 : memref<1x128xi32, #tpu.memory_space<vmem>> -> memref<128xi32, #tpu.memory_space<vmem>>
      %dma_wait3A_327 = arith.constant 0 : i32
      %dma_wait3A_328 = arith.constant 0 : i32
      %dma_wait3A_329 = tpu.memref_slice %arg16[%dma_wait3A_327, %dma_wait3A_328] : memref<10240x32xf32, #tpu.memory_space<vmem_shared>> -> memref<10240x32xf32, #tpu.memory_space<vmem_shared>>
      tpu.wait_indirect_dma semaphore(%arg31 : memref<!tpu.dma_semaphore, #tpu.memory_space<semaphore_mem>>) src(%arg13 : memref<128x32xf32, #tpu.memory_space<vmem>>) dst(%dma_wait3A_329 : memref<10240x32xf32, #tpu.memory_space<vmem_shared>>)
      %add3A_330 = arith.constant 8 : i32
      %add3A_331 = arith.addi %add3A_123, %add3A_330 : i32
      %add3A_332 = arith.constant 5 : i32
      %add3A_333 = arith.addi %add3A_331, %add3A_332 : i32
      %lt3A_334 = arith.constant 160 : i32
      %lt3A_335 = arith.cmpi slt, %add3A_333, %lt3A_334 : i32
      %convert_element_type3A_336 = arith.extui %lt3A_335 : i1 to i32
      %cond3A_337 = arith.constant 0 : i32
      %cond3A_338 = arith.cmpi ne, %convert_element_type3A_336, %cond3A_337 : i32
      scf.if %cond3A_338 {
        %add3A_369 = arith.constant 8 : i32
        %add3A_370 = arith.addi %add3A_123, %add3A_369 : i32
        %add3A_371 = arith.constant 5 : i32
        %add3A_372 = arith.addi %add3A_370, %add3A_371 : i32
        %dma_start3A_373 = arith.constant 0 : i32
        %dma_start3A_374 = tpu.memref_slice %arg6[%add3A_372, %dma_start3A_373] : memref<160x128xi32, #tpu.memory_space<vmem>> -> memref<1x128xi32, #tpu.memory_space<vmem>>
        %dma_start3A_375 = tpu.memref_squeeze %dma_start3A_374 : memref<1x128xi32, #tpu.memory_space<vmem>> -> memref<128xi32, #tpu.memory_space<vmem>>
        %dma_start3A_376 = arith.constant 0 : i32
        %dma_start3A_377 = arith.constant 0 : i32
        %dma_start3A_378 = tpu.memref_slice %arg17[%dma_start3A_376, %dma_start3A_377] : memref<10240x32xf32, #tpu.memory_space<vmem_shared>> -> memref<10240x32xf32, #tpu.memory_space<vmem_shared>>
        tpu.enqueue_indirect_dma source(%dma_start3A_378 : memref<10240x32xf32, #tpu.memory_space<vmem_shared>>) target(%arg13 : memref<128x32xf32, #tpu.memory_space<vmem>>) offsets(%dma_start3A_375 : memref<128xi32, #tpu.memory_space<vmem>>) semaphore(%arg23 : memref<!tpu.dma_semaphore, #tpu.memory_space<semaphore_mem>>)
      } else {
      }
      %dma_wait3A_339 = arith.constant 0 : i32
      %dma_wait3A_340 = tpu.memref_slice %arg7[%add3A_229, %dma_wait3A_339] : memref<160x128xi32, #tpu.memory_space<vmem>> -> memref<1x128xi32, #tpu.memory_space<vmem>>
      %dma_wait3A_341 = tpu.memref_squeeze %dma_wait3A_340 : memref<1x128xi32, #tpu.memory_space<vmem>> -> memref<128xi32, #tpu.memory_space<vmem>>
      %dma_wait3A_342 = arith.constant 0 : i32
      %dma_wait3A_343 = arith.constant 0 : i32
      %dma_wait3A_344 = tpu.memref_slice %arg16[%dma_wait3A_342, %dma_wait3A_343] : memref<10240x32xf32, #tpu.memory_space<vmem_shared>> -> memref<10240x32xf32, #tpu.memory_space<vmem_shared>>
      tpu.wait_indirect_dma semaphore(%arg32 : memref<!tpu.dma_semaphore, #tpu.memory_space<semaphore_mem>>) src(%arg14 : memref<128x32xf32, #tpu.memory_space<vmem>>) dst(%dma_wait3A_344 : memref<10240x32xf32, #tpu.memory_space<vmem_shared>>)
      %add3A_345 = arith.constant 8 : i32
      %add3A_346 = arith.addi %add3A_123, %add3A_345 : i32
      %add3A_347 = arith.constant 6 : i32
      %add3A_348 = arith.addi %add3A_346, %add3A_347 : i32
      %lt3A_349 = arith.constant 160 : i32
      %lt3A_350 = arith.cmpi slt, %add3A_348, %lt3A_349 : i32
      %convert_element_type3A_351 = arith.extui %lt3A_350 : i1 to i32
      %cond3A_352 = arith.constant 0 : i32
      %cond3A_353 = arith.cmpi ne, %convert_element_type3A_351, %cond3A_352 : i32
      scf.if %cond3A_353 {
        %add3A_369 = arith.constant 8 : i32
        %add3A_370 = arith.addi %add3A_123, %add3A_369 : i32
        %add3A_371 = arith.constant 6 : i32
        %add3A_372 = arith.addi %add3A_370, %add3A_371 : i32
        %dma_start3A_373 = arith.constant 0 : i32
        %dma_start3A_374 = tpu.memref_slice %arg6[%add3A_372, %dma_start3A_373] : memref<160x128xi32, #tpu.memory_space<vmem>> -> memref<1x128xi32, #tpu.memory_space<vmem>>
        %dma_start3A_375 = tpu.memref_squeeze %dma_start3A_374 : memref<1x128xi32, #tpu.memory_space<vmem>> -> memref<128xi32, #tpu.memory_space<vmem>>
        %dma_start3A_376 = arith.constant 0 : i32
        %dma_start3A_377 = arith.constant 0 : i32
        %dma_start3A_378 = tpu.memref_slice %arg17[%dma_start3A_376, %dma_start3A_377] : memref<10240x32xf32, #tpu.memory_space<vmem_shared>> -> memref<10240x32xf32, #tpu.memory_space<vmem_shared>>
        tpu.enqueue_indirect_dma source(%dma_start3A_378 : memref<10240x32xf32, #tpu.memory_space<vmem_shared>>) target(%arg14 : memref<128x32xf32, #tpu.memory_space<vmem>>) offsets(%dma_start3A_375 : memref<128xi32, #tpu.memory_space<vmem>>) semaphore(%arg24 : memref<!tpu.dma_semaphore, #tpu.memory_space<semaphore_mem>>)
      } else {
      }
      %dma_wait3A_354 = arith.constant 0 : i32
      %dma_wait3A_355 = tpu.memref_slice %arg7[%add3A_245, %dma_wait3A_354] : memref<160x128xi32, #tpu.memory_space<vmem>> -> memref<1x128xi32, #tpu.memory_space<vmem>>
      %dma_wait3A_356 = tpu.memref_squeeze %dma_wait3A_355 : memref<1x128xi32, #tpu.memory_space<vmem>> -> memref<128xi32, #tpu.memory_space<vmem>>
      %dma_wait3A_357 = arith.constant 0 : i32
      %dma_wait3A_358 = arith.constant 0 : i32
      %dma_wait3A_359 = tpu.memref_slice %arg16[%dma_wait3A_357, %dma_wait3A_358] : memref<10240x32xf32, #tpu.memory_space<vmem_shared>> -> memref<10240x32xf32, #tpu.memory_space<vmem_shared>>
      tpu.wait_indirect_dma semaphore(%arg33 : memref<!tpu.dma_semaphore, #tpu.memory_space<semaphore_mem>>) src(%arg15 : memref<128x32xf32, #tpu.memory_space<vmem>>) dst(%dma_wait3A_359 : memref<10240x32xf32, #tpu.memory_space<vmem_shared>>)
      %add3A_360 = arith.constant 8 : i32
      %add3A_361 = arith.addi %add3A_123, %add3A_360 : i32
      %add3A_362 = arith.constant 7 : i32
      %add3A_363 = arith.addi %add3A_361, %add3A_362 : i32
      %lt3A_364 = arith.constant 160 : i32
      %lt3A_365 = arith.cmpi slt, %add3A_363, %lt3A_364 : i32
      %convert_element_type3A_366 = arith.extui %lt3A_365 : i1 to i32
      %cond3A_367 = arith.constant 0 : i32
      %cond3A_368 = arith.cmpi ne, %convert_element_type3A_366, %cond3A_367 : i32
      scf.if %cond3A_368 {
        %add3A_369 = arith.constant 8 : i32
        %add3A_370 = arith.addi %add3A_123, %add3A_369 : i32
        %add3A_371 = arith.constant 7 : i32
        %add3A_372 = arith.addi %add3A_370, %add3A_371 : i32
        %dma_start3A_373 = arith.constant 0 : i32
        %dma_start3A_374 = tpu.memref_slice %arg6[%add3A_372, %dma_start3A_373] : memref<160x128xi32, #tpu.memory_space<vmem>> -> memref<1x128xi32, #tpu.memory_space<vmem>>
        %dma_start3A_375 = tpu.memref_squeeze %dma_start3A_374 : memref<1x128xi32, #tpu.memory_space<vmem>> -> memref<128xi32, #tpu.memory_space<vmem>>
        %dma_start3A_376 = arith.constant 0 : i32
        %dma_start3A_377 = arith.constant 0 : i32
        %dma_start3A_378 = tpu.memref_slice %arg17[%dma_start3A_376, %dma_start3A_377] : memref<10240x32xf32, #tpu.memory_space<vmem_shared>> -> memref<10240x32xf32, #tpu.memory_space<vmem_shared>>
        tpu.enqueue_indirect_dma source(%dma_start3A_378 : memref<10240x32xf32, #tpu.memory_space<vmem_shared>>) target(%arg15 : memref<128x32xf32, #tpu.memory_space<vmem>>) offsets(%dma_start3A_375 : memref<128xi32, #tpu.memory_space<vmem>>) semaphore(%arg25 : memref<!tpu.dma_semaphore, #tpu.memory_space<semaphore_mem>>)
      } else {
      }
    }
    %scan3A_112 = arith.constant 20 : i32
    %barrier3A_113 = arith.constant 0 : index
    tpu.barrier barrier_id(%barrier3A_113)
    %mul3A_114 = arith.constant 640 : i32
    %mul3A_115 = arith.muli %arg1, %mul3A_114 : i32
    %mul3A_116 = arith.constant 640 : i32
    %mul3A_117 = arith.muli %arg1, %mul3A_116 : i32
    %mul3A_118 = arith.constant 32 : i32
    %mul3A_119 = arith.muli %arg0, %mul3A_118 : i32
    "tpu.region"() ({
      %run_scoped3A = tpu.sem_alloc : memref<!tpu.dma_semaphore, #tpu.memory_space<semaphore_mem>>
      %dma_start3A_120 = tpu.memref_slice %arg5[%mul3A_117, %mul3A_119] : memref<10240x64xf32, #tpu.memory_space<hbm>> -> memref<640x32xf32, #tpu.memory_space<hbm>>
      %dma_start3A_121 = arith.constant 0 : i32
      %dma_start3A_122 = tpu.memref_slice %arg16[%mul3A_115, %dma_start3A_121] : memref<10240x32xf32, #tpu.memory_space<vmem_shared>> -> memref<640x32xf32, #tpu.memory_space<vmem_shared>>
      tpu.enqueue_dma source(%dma_start3A_122 : memref<640x32xf32, #tpu.memory_space<vmem_shared>>) target(%dma_start3A_120 : memref<640x32xf32, #tpu.memory_space<hbm>>) target_semaphore(%run_scoped3A : memref<!tpu.dma_semaphore, #tpu.memory_space<semaphore_mem>>)
      %dma_wait3A_123 = tpu.memref_slice %arg5[%mul3A_117, %mul3A_119] : memref<10240x64xf32, #tpu.memory_space<hbm>> -> memref<640x32xf32, #tpu.memory_space<hbm>>
      %dma_wait3A_124 = arith.constant 0 : i32
      %dma_wait3A_125 = tpu.memref_slice %arg16[%mul3A_115, %dma_wait3A_124] : memref<10240x32xf32, #tpu.memory_space<vmem_shared>> -> memref<640x32xf32, #tpu.memory_space<vmem_shared>>
      tpu.wait_dma2 semaphore(%run_scoped3A : memref<!tpu.dma_semaphore, #tpu.memory_space<semaphore_mem>>) src(%dma_wait3A_125 : memref<640x32xf32, #tpu.memory_space<vmem_shared>>) dst(%dma_wait3A_123 : memref<640x32xf32, #tpu.memory_space<hbm>>)
      tpu.yield
    }) : () -> ()
    return
  }
}

module attributes {stable_mosaic.version = 14 : i64} {
  func.func @_body_a(%arg0: i32, %arg1: memref<2x10240x16xf32, #tpu.memory_space<vmem>>, %arg2: memref<10240x128xf32, #tpu.memory_space<vmem>>, %arg3: memref<128x64xf32, #tpu.memory_space<vmem>>, %arg4: memref<10240x64xf32, #tpu.memory_space<vmem>>) attributes {dimension_semantics = [#tpu.dimension_semantics<arbitrary>], iteration_bounds = array<i64: 1>, scalar_prefetch = 0 : i64, scratch_operands = 0 : i64, tpu.core_type = #tpu.core_type<tc>, window_params = [{transform_indices = @transform_0, window_bounds = array<i64: 2, 10240, 16>}, {transform_indices = @transform_1, window_bounds = array<i64: 10240, 128>}, {pipeline_mode = #tpu.pipeline_mode<synchronous>, transform_indices = @transform_2, window_bounds = array<i64: 128, 64>}, {transform_indices = @transform_3, window_bounds = array<i64: 10240, 64>}]} {
    %get3A = arith.constant 0 : index
    %get3A_0 = arith.constant 0 : index
    %get3A_1 = arith.constant 0 : index
    %get3A_2 = vector.load %arg1[%get3A, %get3A_0, %get3A_1] : memref<2x10240x16xf32, #tpu.memory_space<vmem>>, vector<2x10240x16xf32>
    %slice3A = vector.extract_strided_slice %get3A_2 {offsets = [0, 0, 0], sizes = [1, 10240, 1], strides = [1, 1, 1]} : vector<2x10240x16xf32> to vector<1x10240x1xf32>
    %squeeze3A = vector.shape_cast %slice3A : vector<1x10240x1xf32> to vector<10240x1xf32>
    %add3A = arith.constant 1.000000e+00 : f32
    %add3A_3 = vector.broadcast %add3A : f32 to vector<10240x1xf32>
    %add3A_4 = arith.addf %add3A_3, %squeeze3A : vector<10240x1xf32>
    %slice3A_5 = vector.extract_strided_slice %get3A_2 {offsets = [1, 0, 0], sizes = [1, 10240, 1], strides = [1, 1, 1]} : vector<2x10240x16xf32> to vector<1x10240x1xf32>
    %squeeze3A_6 = vector.shape_cast %slice3A_5 : vector<1x10240x1xf32> to vector<10240x1xf32>
    %add3A_7 = arith.addf %add3A_4, %squeeze3A_6 : vector<10240x1xf32>
    %rsqrt3A = math.rsqrt %add3A_7 : vector<10240x1xf32>
    %get3A_8 = arith.constant 0 : index
    %get3A_9 = arith.constant 0 : index
    %get3A_10 = vector.load %arg2[%get3A_8, %get3A_9] : memref<10240x128xf32, #tpu.memory_space<vmem>>, vector<10240x128xf32>
    %get3A_11 = arith.constant 0 : index
    %get3A_12 = arith.constant 0 : index
    %get3A_13 = vector.load %arg3[%get3A_11, %get3A_12] : memref<128x64xf32, #tpu.memory_space<vmem>>, vector<128x64xf32>
    %dot_general3A = arith.constant dense<0.000000e+00> : vector<10240x64xf32>
    %dot_general3A_14 = tpu.matmul %get3A_10, %get3A_13, %dot_general3A {dimension_numbers = #tpu.dot_dimension_numbers<[1], [0], [0], [1], [0, 0, 1, 1], [], []>, transpose_lhs_hint = false} : vector<10240x128xf32>, vector<128x64xf32>, vector<10240x64xf32> -> vector<10240x64xf32>
    %mul3A = vector.broadcast %rsqrt3A : vector<10240x1xf32> to vector<10240x64xf32>
    %mul3A_15 = arith.mulf %mul3A, %dot_general3A_14 : vector<10240x64xf32>
    %swap3A = arith.constant 0 : index
    %swap3A_16 = arith.constant 0 : index
    %swap3A_17 = vector.load %arg4[%swap3A, %swap3A_16] : memref<10240x64xf32, #tpu.memory_space<vmem>>, vector<10240x64xf32>
    tpu.vector_store %arg4[%swap3A, %swap3A_16], %mul3A_15 {strides = array<i32>} : memref<10240x64xf32, #tpu.memory_space<vmem>>, vector<10240x64xf32>,
    return
  }
  func.func @transform_0(%arg0: i32) -> (i32, i32, i32) {
    %c0_i32 = arith.constant 0 : i32
    %c0_i32_0 = arith.constant 0 : i32
    %c0_i32_1 = arith.constant 0 : i32
    return %c0_i32, %arg0, %c0_i32_0 : i32, i32, i32
  }
  func.func @transform_1(%arg0: i32) -> (i32, i32) {
    %c0_i32 = arith.constant 0 : i32
    %c0_i32_0 = arith.constant 0 : i32
    return %arg0, %c0_i32 : i32, i32
  }
  func.func @transform_2(%arg0: i32) -> (i32, i32) {
    %c0_i32 = arith.constant 0 : i32
    %c0_i32_0 = arith.constant 0 : i32
    %c0_i32_1 = arith.constant 0 : i32
    return %c0_i32, %c0_i32_0 : i32, i32
  }
  func.func @transform_3(%arg0: i32) -> (i32, i32) {
    %c0_i32 = arith.constant 0 : i32
    %c0_i32_0 = arith.constant 0 : i32
    return %arg0, %c0_i32 : i32, i32
  }
}

module attributes {stable_mosaic.version = 14 : i64} {
  func.func @_body_b(%arg0: i32, %arg1: memref<2x10240x16xf32, #tpu.memory_space<vmem>>, %arg2: memref<10240x64xf32, #tpu.memory_space<vmem>>, %arg3: memref<1x64xf32, #tpu.memory_space<vmem>>, %arg4: memref<10240x64xf32, #tpu.memory_space<vmem>>) attributes {dimension_semantics = [#tpu.dimension_semantics<arbitrary>], iteration_bounds = array<i64: 1>, scalar_prefetch = 0 : i64, scratch_operands = 0 : i64, tpu.core_type = #tpu.core_type<tc>, window_params = [{transform_indices = @transform_0, window_bounds = array<i64: 2, 10240, 16>}, {transform_indices = @transform_1, window_bounds = array<i64: 10240, 64>}, {pipeline_mode = #tpu.pipeline_mode<synchronous>, transform_indices = @transform_2, window_bounds = array<i64: 1, 64>}, {transform_indices = @transform_3, window_bounds = array<i64: 10240, 64>}]} {
    %get3A = arith.constant 0 : index
    %get3A_0 = arith.constant 0 : index
    %get3A_1 = arith.constant 0 : index
    %get3A_2 = vector.load %arg1[%get3A, %get3A_0, %get3A_1] : memref<2x10240x16xf32, #tpu.memory_space<vmem>>, vector<2x10240x16xf32>
    %slice3A = vector.extract_strided_slice %get3A_2 {offsets = [0, 0, 0], sizes = [1, 10240, 1], strides = [1, 1, 1]} : vector<2x10240x16xf32> to vector<1x10240x1xf32>
    %squeeze3A = vector.shape_cast %slice3A : vector<1x10240x1xf32> to vector<10240x1xf32>
    %add3A = arith.constant 1.000000e+00 : f32
    %add3A_3 = vector.broadcast %add3A : f32 to vector<10240x1xf32>
    %add3A_4 = arith.addf %add3A_3, %squeeze3A : vector<10240x1xf32>
    %slice3A_5 = vector.extract_strided_slice %get3A_2 {offsets = [1, 0, 0], sizes = [1, 10240, 1], strides = [1, 1, 1]} : vector<2x10240x16xf32> to vector<1x10240x1xf32>
    %squeeze3A_6 = vector.shape_cast %slice3A_5 : vector<1x10240x1xf32> to vector<10240x1xf32>
    %add3A_7 = arith.addf %add3A_4, %squeeze3A_6 : vector<10240x1xf32>
    %rsqrt3A = math.rsqrt %add3A_7 : vector<10240x1xf32>
    %get3A_8 = arith.constant 0 : index
    %get3A_9 = arith.constant 0 : index
    %get3A_10 = vector.load %arg2[%get3A_8, %get3A_9] : memref<10240x64xf32, #tpu.memory_space<vmem>>, vector<10240x64xf32>
    %mul3A = vector.broadcast %rsqrt3A : vector<10240x1xf32> to vector<10240x64xf32>
    %mul3A_11 = arith.mulf %mul3A, %get3A_10 : vector<10240x64xf32>
    %get3A_12 = arith.constant 0 : index
    %get3A_13 = arith.constant 0 : index
    %get3A_14 = vector.load %arg3[%get3A_12, %get3A_13] : memref<1x64xf32, #tpu.memory_space<vmem>>, vector<1x64xf32>
    %add3A_15 = vector.broadcast %get3A_14 : vector<1x64xf32> to vector<10240x64xf32>
    %add3A_16 = arith.addf %mul3A_11, %add3A_15 : vector<10240x64xf32>
    %max3A = arith.constant 0.000000e+00 : f32
    %max3A_17 = vector.broadcast %max3A : f32 to vector<10240x64xf32>
    %max3A_18 = arith.maximumf %add3A_16, %max3A_17 : vector<10240x64xf32>
    %mul3A_19 = vector.broadcast %rsqrt3A : vector<10240x1xf32> to vector<10240x64xf32>
    %mul3A_20 = arith.mulf %mul3A_19, %max3A_18 : vector<10240x64xf32>
    %swap3A = arith.constant 0 : index
    %swap3A_21 = arith.constant 0 : index
    %swap3A_22 = vector.load %arg4[%swap3A, %swap3A_21] : memref<10240x64xf32, #tpu.memory_space<vmem>>, vector<10240x64xf32>
    tpu.vector_store %arg4[%swap3A, %swap3A_21], %mul3A_20 {strides = array<i32>} : memref<10240x64xf32, #tpu.memory_space<vmem>>, vector<10240x64xf32>,
    return
  }
  func.func @transform_0(%arg0: i32) -> (i32, i32, i32) {
    %c0_i32 = arith.constant 0 : i32
    %c0_i32_0 = arith.constant 0 : i32
    %c0_i32_1 = arith.constant 0 : i32
    return %c0_i32, %arg0, %c0_i32_0 : i32, i32, i32
  }
  func.func @transform_1(%arg0: i32) -> (i32, i32) {
    %c0_i32 = arith.constant 0 : i32
    %c0_i32_0 = arith.constant 0 : i32
    return %arg0, %c0_i32 : i32, i32
  }
  func.func @transform_2(%arg0: i32) -> (i32, i32) {
    %c0_i32 = arith.constant 0 : i32
    %c0_i32_0 = arith.constant 0 : i32
    %c0_i32_1 = arith.constant 0 : i32
    return %c0_i32, %c0_i32_0 : i32, i32
  }
  func.func @transform_3(%arg0: i32) -> (i32, i32) {
    %c0_i32 = arith.constant 0 : i32
    %c0_i32_0 = arith.constant 0 : i32
    return %arg0, %c0_i32 : i32, i32
  }
}

module attributes {stable_mosaic.version = 14 : i64} {
  func.func @_body_c(%arg0: i32, %arg1: memref<2x10240x16xf32, #tpu.memory_space<vmem>>, %arg2: memref<10240x64xf32, #tpu.memory_space<vmem>>, %arg3: memref<64x128xf32, #tpu.memory_space<vmem>>, %arg4: memref<1x128xf32, #tpu.memory_space<vmem>>, %arg5: memref<128x64xf32, #tpu.memory_space<vmem>>, %arg6: memref<10240x64xf32, #tpu.memory_space<vmem>>) attributes {dimension_semantics = [#tpu.dimension_semantics<arbitrary>], iteration_bounds = array<i64: 1>, scalar_prefetch = 0 : i64, scratch_operands = 0 : i64, tpu.core_type = #tpu.core_type<tc>, window_params = [{transform_indices = @transform_0, window_bounds = array<i64: 2, 10240, 16>}, {transform_indices = @transform_1, window_bounds = array<i64: 10240, 64>}, {pipeline_mode = #tpu.pipeline_mode<synchronous>, transform_indices = @transform_2, window_bounds = array<i64: 64, 128>}, {pipeline_mode = #tpu.pipeline_mode<synchronous>, transform_indices = @transform_3, window_bounds = array<i64: 1, 128>}, {pipeline_mode = #tpu.pipeline_mode<synchronous>, transform_indices = @transform_4, window_bounds = array<i64: 128, 64>}, {transform_indices = @transform_5, window_bounds = array<i64: 10240, 64>}]} {
    %get3A = arith.constant 0 : index
    %get3A_0 = arith.constant 0 : index
    %get3A_1 = arith.constant 0 : index
    %get3A_2 = vector.load %arg1[%get3A, %get3A_0, %get3A_1] : memref<2x10240x16xf32, #tpu.memory_space<vmem>>, vector<2x10240x16xf32>
    %slice3A = vector.extract_strided_slice %get3A_2 {offsets = [0, 0, 0], sizes = [1, 10240, 1], strides = [1, 1, 1]} : vector<2x10240x16xf32> to vector<1x10240x1xf32>
    %squeeze3A = vector.shape_cast %slice3A : vector<1x10240x1xf32> to vector<10240x1xf32>
    %add3A = arith.constant 1.000000e+00 : f32
    %add3A_3 = vector.broadcast %add3A : f32 to vector<10240x1xf32>
    %add3A_4 = arith.addf %add3A_3, %squeeze3A : vector<10240x1xf32>
    %slice3A_5 = vector.extract_strided_slice %get3A_2 {offsets = [1, 0, 0], sizes = [1, 10240, 1], strides = [1, 1, 1]} : vector<2x10240x16xf32> to vector<1x10240x1xf32>
    %squeeze3A_6 = vector.shape_cast %slice3A_5 : vector<1x10240x1xf32> to vector<10240x1xf32>
    %add3A_7 = arith.addf %add3A_4, %squeeze3A_6 : vector<10240x1xf32>
    %rsqrt3A = math.rsqrt %add3A_7 : vector<10240x1xf32>
    %get3A_8 = arith.constant 0 : index
    %get3A_9 = arith.constant 0 : index
    %get3A_10 = vector.load %arg2[%get3A_8, %get3A_9] : memref<10240x64xf32, #tpu.memory_space<vmem>>, vector<10240x64xf32>
    %mul3A = vector.broadcast %rsqrt3A : vector<10240x1xf32> to vector<10240x64xf32>
    %mul3A_11 = arith.mulf %mul3A, %get3A_10 : vector<10240x64xf32>
    %get3A_12 = arith.constant 0 : index
    %get3A_13 = arith.constant 0 : index
    %get3A_14 = vector.load %arg3[%get3A_12, %get3A_13] : memref<64x128xf32, #tpu.memory_space<vmem>>, vector<64x128xf32>
    %dot_general3A = arith.constant dense<0.000000e+00> : vector<10240x128xf32>
    %dot_general3A_15 = tpu.matmul %mul3A_11, %get3A_14, %dot_general3A {dimension_numbers = #tpu.dot_dimension_numbers<[1], [0], [0], [1], [0, 0, 1, 1], [], []>, transpose_lhs_hint = false} : vector<10240x64xf32>, vector<64x128xf32>, vector<10240x128xf32> -> vector<10240x128xf32>
    %get3A_16 = arith.constant 0 : index
    %get3A_17 = arith.constant 0 : index
    %get3A_18 = vector.load %arg4[%get3A_16, %get3A_17] : memref<1x128xf32, #tpu.memory_space<vmem>>, vector<1x128xf32>
    %add3A_19 = vector.broadcast %get3A_18 : vector<1x128xf32> to vector<10240x128xf32>
    %add3A_20 = arith.addf %dot_general3A_15, %add3A_19 : vector<10240x128xf32>
    %max3A = arith.constant 0.000000e+00 : f32
    %max3A_21 = vector.broadcast %max3A : f32 to vector<10240x128xf32>
    %max3A_22 = arith.maximumf %add3A_20, %max3A_21 : vector<10240x128xf32>
    %get3A_23 = arith.constant 0 : index
    %get3A_24 = arith.constant 0 : index
    %get3A_25 = vector.load %arg5[%get3A_23, %get3A_24] : memref<128x64xf32, #tpu.memory_space<vmem>>, vector<128x64xf32>
    %dot_general3A_26 = arith.constant dense<0.000000e+00> : vector<10240x64xf32>
    %dot_general3A_27 = tpu.matmul %max3A_22, %get3A_25, %dot_general3A_26 {dimension_numbers = #tpu.dot_dimension_numbers<[1], [0], [0], [1], [0, 0, 1, 1], [], []>, transpose_lhs_hint = false} : vector<10240x128xf32>, vector<128x64xf32>, vector<10240x64xf32> -> vector<10240x64xf32>
    %mul3A_28 = vector.broadcast %rsqrt3A : vector<10240x1xf32> to vector<10240x64xf32>
    %mul3A_29 = arith.mulf %mul3A_28, %dot_general3A_27 : vector<10240x64xf32>
    %swap3A = arith.constant 0 : index
    %swap3A_30 = arith.constant 0 : index
    %swap3A_31 = vector.load %arg6[%swap3A, %swap3A_30] : memref<10240x64xf32, #tpu.memory_space<vmem>>, vector<10240x64xf32>
    tpu.vector_store %arg6[%swap3A, %swap3A_30], %mul3A_29 {strides = array<i32>} : memref<10240x64xf32, #tpu.memory_space<vmem>>, vector<10240x64xf32>,
    return
  }
  func.func @transform_0(%arg0: i32) -> (i32, i32, i32) {
    %c0_i32 = arith.constant 0 : i32
    %c0_i32_0 = arith.constant 0 : i32
    %c0_i32_1 = arith.constant 0 : i32
    return %c0_i32, %arg0, %c0_i32_0 : i32, i32, i32
  }
  func.func @transform_1(%arg0: i32) -> (i32, i32) {
    %c0_i32 = arith.constant 0 : i32
    %c0_i32_0 = arith.constant 0 : i32
    return %arg0, %c0_i32 : i32, i32
  }
  func.func @transform_2(%arg0: i32) -> (i32, i32) {
    %c0_i32 = arith.constant 0 : i32
    %c0_i32_0 = arith.constant 0 : i32
    %c0_i32_1 = arith.constant 0 : i32
    return %c0_i32, %c0_i32_0 : i32, i32
  }
  func.func @transform_3(%arg0: i32) -> (i32, i32) {
    %c0_i32 = arith.constant 0 : i32
    %c0_i32_0 = arith.constant 0 : i32
    %c0_i32_1 = arith.constant 0 : i32
    return %c0_i32, %c0_i32_0 : i32, i32
  }
  func.func @transform_4(%arg0: i32) -> (i32, i32) {
    %c0_i32 = arith.constant 0 : i32
    %c0_i32_0 = arith.constant 0 : i32
    %c0_i32_1 = arith.constant 0 : i32
    return %c0_i32, %c0_i32_0 : i32, i32
  }
  func.func @transform_5(%arg0: i32) -> (i32, i32) {
    %c0_i32 = arith.constant 0 : i32
    %c0_i32_0 = arith.constant 0 : i32
    return %arg0, %c0_i32 : i32, i32
  }
}

module attributes {stable_mosaic.version = 14 : i64} {
  func.func @_body_e(%arg0: i32, %arg1: memref<2x10240x16xf32, #tpu.memory_space<vmem>>, %arg2: memref<10240x64xf32, #tpu.memory_space<vmem>>, %arg3: memref<64x32xf32, #tpu.memory_space<vmem>>, %arg4: memref<1x32xf32, #tpu.memory_space<vmem>>, %arg5: memref<64x32xf32, #tpu.memory_space<vmem>>, %arg6: memref<1x32xf32, #tpu.memory_space<vmem>>, %arg7: memref<10240x32xf32, #tpu.memory_space<vmem>>, %arg8: memref<10240x32xf32, #tpu.memory_space<vmem>>) attributes {dimension_semantics = [#tpu.dimension_semantics<arbitrary>], iteration_bounds = array<i64: 1>, scalar_prefetch = 0 : i64, scratch_operands = 0 : i64, tpu.core_type = #tpu.core_type<tc>, window_params = [{transform_indices = @transform_0, window_bounds = array<i64: 2, 10240, 16>}, {transform_indices = @transform_1, window_bounds = array<i64: 10240, 64>}, {pipeline_mode = #tpu.pipeline_mode<synchronous>, transform_indices = @transform_2, window_bounds = array<i64: 64, 32>}, {pipeline_mode = #tpu.pipeline_mode<synchronous>, transform_indices = @transform_3, window_bounds = array<i64: 1, 32>}, {pipeline_mode = #tpu.pipeline_mode<synchronous>, transform_indices = @transform_4, window_bounds = array<i64: 64, 32>}, {pipeline_mode = #tpu.pipeline_mode<synchronous>, transform_indices = @transform_5, window_bounds = array<i64: 1, 32>}, {transform_indices = @transform_6, window_bounds = array<i64: 10240, 32>}, {transform_indices = @transform_7, window_bounds = array<i64: 10240, 32>}]} {
    %get3A = arith.constant 0 : index
    %get3A_0 = arith.constant 0 : index
    %get3A_1 = arith.constant 0 : index
    %get3A_2 = vector.load %arg1[%get3A, %get3A_0, %get3A_1] : memref<2x10240x16xf32, #tpu.memory_space<vmem>>, vector<2x10240x16xf32>
    %slice3A = vector.extract_strided_slice %get3A_2 {offsets = [0, 0, 0], sizes = [1, 10240, 1], strides = [1, 1, 1]} : vector<2x10240x16xf32> to vector<1x10240x1xf32>
    %squeeze3A = vector.shape_cast %slice3A : vector<1x10240x1xf32> to vector<10240x1xf32>
    %add3A = arith.constant 1.000000e+00 : f32
    %add3A_3 = vector.broadcast %add3A : f32 to vector<10240x1xf32>
    %add3A_4 = arith.addf %add3A_3, %squeeze3A : vector<10240x1xf32>
    %slice3A_5 = vector.extract_strided_slice %get3A_2 {offsets = [1, 0, 0], sizes = [1, 10240, 1], strides = [1, 1, 1]} : vector<2x10240x16xf32> to vector<1x10240x1xf32>
    %squeeze3A_6 = vector.shape_cast %slice3A_5 : vector<1x10240x1xf32> to vector<10240x1xf32>
    %add3A_7 = arith.addf %add3A_4, %squeeze3A_6 : vector<10240x1xf32>
    %rsqrt3A = math.rsqrt %add3A_7 : vector<10240x1xf32>
    %get3A_8 = arith.constant 0 : index
    %get3A_9 = arith.constant 0 : index
    %get3A_10 = vector.load %arg2[%get3A_8, %get3A_9] : memref<10240x64xf32, #tpu.memory_space<vmem>>, vector<10240x64xf32>
    %mul3A = vector.broadcast %rsqrt3A : vector<10240x1xf32> to vector<10240x64xf32>
    %mul3A_11 = arith.mulf %mul3A, %get3A_10 : vector<10240x64xf32>
    %get3A_12 = arith.constant 0 : index
    %get3A_13 = arith.constant 0 : index
    %get3A_14 = vector.load %arg3[%get3A_12, %get3A_13] : memref<64x32xf32, #tpu.memory_space<vmem>>, vector<64x32xf32>
    %dot_general3A = arith.constant dense<0.000000e+00> : vector<10240x32xf32>
    %dot_general3A_15 = tpu.matmul %mul3A_11, %get3A_14, %dot_general3A {dimension_numbers = #tpu.dot_dimension_numbers<[1], [0], [0], [1], [0, 0, 1, 1], [], []>, transpose_lhs_hint = false} : vector<10240x64xf32>, vector<64x32xf32>, vector<10240x32xf32> -> vector<10240x32xf32>
    %get3A_16 = arith.constant 0 : index
    %get3A_17 = arith.constant 0 : index
    %get3A_18 = vector.load %arg4[%get3A_16, %get3A_17] : memref<1x32xf32, #tpu.memory_space<vmem>>, vector<1x32xf32>
    %add3A_19 = vector.broadcast %get3A_18 : vector<1x32xf32> to vector<10240x32xf32>
    %add3A_20 = arith.addf %dot_general3A_15, %add3A_19 : vector<10240x32xf32>
    %swap3A = arith.constant 0 : index
    %swap3A_21 = arith.constant 0 : index
    %swap3A_22 = vector.load %arg7[%swap3A, %swap3A_21] : memref<10240x32xf32, #tpu.memory_space<vmem>>, vector<10240x32xf32>
    tpu.vector_store %arg7[%swap3A, %swap3A_21], %add3A_20 {strides = array<i32>} : memref<10240x32xf32, #tpu.memory_space<vmem>>, vector<10240x32xf32>,
    %get3A_23 = arith.constant 0 : index
    %get3A_24 = arith.constant 0 : index
    %get3A_25 = vector.load %arg5[%get3A_23, %get3A_24] : memref<64x32xf32, #tpu.memory_space<vmem>>, vector<64x32xf32>
    %dot_general3A_26 = arith.constant dense<0.000000e+00> : vector<10240x32xf32>
    %dot_general3A_27 = tpu.matmul %mul3A_11, %get3A_25, %dot_general3A_26 {dimension_numbers = #tpu.dot_dimension_numbers<[1], [0], [0], [1], [0, 0, 1, 1], [], []>, transpose_lhs_hint = false} : vector<10240x64xf32>, vector<64x32xf32>, vector<10240x32xf32> -> vector<10240x32xf32>
    %get3A_28 = arith.constant 0 : index
    %get3A_29 = arith.constant 0 : index
    %get3A_30 = vector.load %arg6[%get3A_28, %get3A_29] : memref<1x32xf32, #tpu.memory_space<vmem>>, vector<1x32xf32>
    %add3A_31 = vector.broadcast %get3A_30 : vector<1x32xf32> to vector<10240x32xf32>
    %add3A_32 = arith.addf %dot_general3A_27, %add3A_31 : vector<10240x32xf32>
    %swap3A_33 = arith.constant 0 : index
    %swap3A_34 = arith.constant 0 : index
    %swap3A_35 = vector.load %arg8[%swap3A_33, %swap3A_34] : memref<10240x32xf32, #tpu.memory_space<vmem>>, vector<10240x32xf32>
    tpu.vector_store %arg8[%swap3A_33, %swap3A_34], %add3A_32 {strides = array<i32>} : memref<10240x32xf32, #tpu.memory_space<vmem>>, vector<10240x32xf32>,
    return
  }
  func.func @transform_0(%arg0: i32) -> (i32, i32, i32) {
    %c0_i32 = arith.constant 0 : i32
    %c0_i32_0 = arith.constant 0 : i32
    %c0_i32_1 = arith.constant 0 : i32
    return %c0_i32, %arg0, %c0_i32_0 : i32, i32, i32
  }
  func.func @transform_1(%arg0: i32) -> (i32, i32) {
    %c0_i32 = arith.constant 0 : i32
    %c0_i32_0 = arith.constant 0 : i32
    return %arg0, %c0_i32 : i32, i32
  }
  func.func @transform_2(%arg0: i32) -> (i32, i32) {
    %c0_i32 = arith.constant 0 : i32
    %c0_i32_0 = arith.constant 0 : i32
    %c0_i32_1 = arith.constant 0 : i32
    return %c0_i32, %c0_i32_0 : i32, i32
  }
  func.func @transform_3(%arg0: i32) -> (i32, i32) {
    %c0_i32 = arith.constant 0 : i32
    %c0_i32_0 = arith.constant 0 : i32
    %c0_i32_1 = arith.constant 0 : i32
    return %c0_i32, %c0_i32_0 : i32, i32
  }
  func.func @transform_4(%arg0: i32) -> (i32, i32) {
    %c0_i32 = arith.constant 0 : i32
    %c0_i32_0 = arith.constant 0 : i32
    %c0_i32_1 = arith.constant 0 : i32
    return %c0_i32, %c0_i32_0 : i32, i32
  }
  func.func @transform_5(%arg0: i32) -> (i32, i32) {
    %c0_i32 = arith.constant 0 : i32
    %c0_i32_0 = arith.constant 0 : i32
    %c0_i32_1 = arith.constant 0 : i32
    return %c0_i32, %c0_i32_0 : i32, i32
  }
  func.func @transform_6(%arg0: i32) -> (i32, i32) {
    %c0_i32 = arith.constant 0 : i32
    %c0_i32_0 = arith.constant 0 : i32
    return %arg0, %c0_i32 : i32, i32
  }
  func.func @transform_7(%arg0: i32) -> (i32, i32) {
    %c0_i32 = arith.constant 0 : i32
    %c0_i32_0 = arith.constant 0 : i32
    return %arg0, %c0_i32 : i32, i32
  }
}

</mosaic_0001>

<sc_bundles>
// kernel: kernel.12.cloned.1.call-start
scs
__scs_entry_jumppad:
0x0: {  	(pc) =	sbr.rel $0x88, $3  }
0x1: {  	(tag) =	ssettag $0x0;
	lr =	simm.s32 $0x1  }
0x2: {  	[smem:$0x3F95] =	sst lr;
	_ =	strace $0xD0000000  }
0x3: {  	_ = 	snop  }
0x4: {  	_ = 	snop  }
0x5: {  	_ = 	snop  }
0x6: {  	_ = 	snop  }
0x7: {  	_ = 	snop  }
__scs_overlays_trampoline_lowered:
0x8: {  	[smem:$0x3FA4] =	sst s0  }
0x9: {  	[smem:$0x3FA5] =	sst s1  }
0xa: {  	[smem:$0x3FA6] =	sst s2  }
0xb: {  	[smem:$0x3FA7] =	sst s3  }
0xc: {  	[smem:$0x3FA8] =	sst s4  }
0xd: {  	[smem:$0x3FA9] =	sst s5  }
0xe: {  	[smem:$0x3FAA] =	sst s6  }
0xf: {  	[smem:$0x3FAB] =	sst s7  }
0x10: {  	[smem:$0x3FAC] =	sst s8  }
0x11: {  	[smem:$0x3FAD] =	sst s9;
	s0 =	simm.s32 @!p0 $0x0  }
0x12: {  	s1 =	sld [smem:$0x3F93];
	s0 =	simm.s32 @p0 $0x1  }
0x13: {  	[smem:$0x3FAE] =	sst s0;
	s0 =	simm.s32 @!p1 $0x0  }
0x14: {  	s2 =	sld [smem:$0x3F92];
	s0 =	simm.s32 @p1 $0x1  }
0x15: {  	[smem:$0x3FAF] =	sst s0;
	s0 =	simm.s32 @!p2 $0x0  }
0x16: {  	s3 =	sld [smem:$0x3FDB];
	s0 =	simm.s32 @p2 $0x1  }
0x17: {  	s4 =	simm.s32 $0x1BF5;
	[smem:$0x3FB1] =	sst s0  }
0x18: {  	s0 =	sld [smem:$0x3F94];
	_ =	swait.ge [sflag:s4], $0x0  }
0x19: {  	s7 =	sld [smem:$0x3F95]  }
0x1a: {  	s8 =	sadd.s32 $0xFFFFE003, lr  }
0x1b: {  	s9 =	sadd.s32 $0xFFFFFEF7, lr;
	s5 =	simm.s32 $0xFFFFFFFF;
	p2 =	slt.u32 s8, $0xFFFFF086  }
0x1c: {  	p1 =	slt.u32 s9, $0xF7A;
	s5 =	simm.s32 @!p2 $0x0  }
0x1d: {  	s5 =	simm.s32 @p1 $0x1;
	p0 =	seq.s32 s7, s2  }
0x1e: {  	s7 =	smul.u32 @!p0 $0xF7A, s2;
	p2 =	seq.s32 @!p0 s5, $0x0  }
0x1f: {  	s9 =	smul.u32 $0xF7A, s1;
	s8 =	simm.s32 @!p0 $0x1BF5;
	p2 =	por !p2, p0  }
0x20: {  	[sflag:s8] =	ssyncset.s32 @!p0 $0xFFFFF086;
	s6 =	sadd.s32 @!p0 s3, s7;
	s7 =	simm.s32 @!p0 $0x108  }
0x21: {  	s3 =	sadd.s32 s3, s9;
	s6 =	sadd.s32 @!p0 $0x88, s6;
	s7 =	simm.s32 @p2 $0x1082  }
0x22: {  	[simem:s7], [sflag:s8] =	dma.local @!p0 [hbm:s6], $0xF7A  }
0x23: {  	s9 =	sor.u32 $0xD0000000, s2;
	s6 =	simm.s32 $0x108;
	_ =	swait.ge @!p0 [sflag:s8], $0x0  }
0x24: {  	s3 =	sadd.s32 $0x88, s3;
	s6 =	simm.s32 @!p1 $0x1082;
	[sflag:s4] =	ssyncset.s32 $0xFFFFF086  }
0x25: {  	[simem:s6], [sflag:s4] =	dma.local [hbm:s3], $0xF7A  }
0x26: {  	[smem:$0x3F95] =	sst s1;
	(tag) =	ssettag s2;
	_ =	strace s9  }
0x27: {  	s1 =	sld [smem:$0x3FA5]  }
0x28: {  	s2 =	sld [smem:$0x3FA6]  }
0x29: {  	s4 =	sld [smem:$0x3FA8]  }
0x2a: {  	p0 =	seq.s32 s5, $0x0;
	s5 =	sld [smem:$0x3FA9]  }
0x2b: {  	s6 =	sld [smem:$0x3FAA]  }
0x2c: {  	s7 =	sld [smem:$0x3FAB]  }
0x2d: {  	s3 =	simm.s32 $0x108;
	s8 =	sld [smem:$0x3FAC]  }
0x2e: {  	s3 =	simm.s32 @!p0 $0x1082;
	s9 =	sld [smem:$0x3FAD]  }
0x2f: {  	lr =	sadd.s32 s0, s3;
	s0 =	sld [smem:$0x3FA4]  }
0x30: {  	s3 =	sld [smem:$0x3FA7]  }
0x31: {  	[smem:$0x3FB0] =	sst s10  }
0x32: {  	s10 =	sld [smem:$0x3FAE];
	_ =	sdelay $0x3  }
0x33: {  	p0 =	seq.s32 s10, $0x1;
	s10 =	sld [smem:$0x3FB0];
	_ =	sdelay $0x3  }
0x34: {  	[smem:$0x3FB0] =	sst s10  }
0x35: {  	s10 =	sld [smem:$0x3FAF];
	_ =	sdelay $0x3  }
0x36: {  	p1 =	seq.s32 s10, $0x1;
	s10 =	sld [smem:$0x3FB0];
	_ =	sdelay $0x3  }
0x37: {  	[smem:$0x3FB0] =	sst s10  }
0x38: {  	s10 =	sld [smem:$0x3FB1]  }
0x39: {  	_ = 	snop;
	(pc) =	sbr.ind lr, $3  }
0x3a: {  	_ = 	snop  }
0x3b: {  	_ = 	snop  }
0x3c: {  	p2 =	seq.s32 s10, $0x1;
	s10 =	sld [smem:$0x3FB0]  }
0x3d: {  	_ =	shalt  }
0x3e: {  	_ =	shalt  }
0x3f: {  	_ =	shalt  }
0x40: {  	_ =	shalt  }
0x41: {  	_ =	shalt  }
0x42: {  	_ =	shalt  }
0x43: {  	_ =	shalt  }
0x44: {  	_ =	shalt  }
0x45: {  	_ =	shalt  }
0x46: {  	_ =	shalt  }
0x47: {  	_ =	shalt  }
0x48: {  	_ =	shalt  }
0x49: {  	_ =	shalt  }
0x4a: {  	_ =	shalt  }
0x4b: {  	_ =	shalt  }
0x4c: {  	_ =	shalt  }
0x4d: {  	_ =	shalt  }
0x4e: {  	_ =	shalt  }
0x4f: {  	_ =	shalt  }
0x50: {  	_ =	shalt  }
0x51: {  	_ =	shalt  }
0x52: {  	_ =	shalt  }
0x53: {  	_ =	shalt  }
0x54: {  	_ =	shalt  }
0x55: {  	_ =	shalt  }
0x56: {  	_ =	shalt  }
0x57: {  	_ =	shalt  }
0x58: {  	_ =	shalt  }
0x59: {  	_ =	shalt  }
0x5a: {  	_ =	shalt  }
0x5b: {  	_ =	shalt  }
0x5c: {  	_ =	shalt  }
0x5d: {  	_ =	shalt  }
0x5e: {  	_ =	shalt  }
0x5f: {  	_ =	shalt  }
0x60: {  	_ =	shalt  }
0x61: {  	_ =	shalt  }
0x62: {  	_ =	shalt  }
0x63: {  	_ =	shalt  }
0x64: {  	_ =	shalt  }
0x65: {  	_ =	shalt  }
0x66: {  	_ =	shalt  }
0x67: {  	_ =	shalt  }
0x68: {  	_ =	shalt  }
0x69: {  	_ =	shalt  }
0x6a: {  	_ =	shalt  }
0x6b: {  	_ =	shalt  }
0x6c: {  	_ =	shalt  }
0x6d: {  	_ =	shalt  }
0x6e: {  	_ =	shalt  }
0x6f: {  	_ =	shalt  }
0x70: {  	_ =	shalt  }
0x71: {  	_ =	shalt  }
0x72: {  	_ =	shalt  }
0x73: {  	_ =	shalt  }
0x74: {  	_ =	shalt  }
0x75: {  	_ =	shalt  }
0x76: {  	_ =	shalt  }
0x77: {  	_ =	shalt  }
0x78: {  	_ =	shalt  }
0x79: {  	_ =	shalt  }
0x7a: {  	_ =	shalt  }
0x7b: {  	_ =	shalt  }
0x7c: {  	_ =	shalt  }
0x7d: {  	_ =	shalt  }
0x7e: {  	_ =	shalt  }
0x7f: {  	_ =	shalt  }
0x80: {  	_ =	shalt  }
0x81: {  	_ =	shalt  }
0x82: {  	_ =	shalt  }
0x83: {  	_ =	shalt  }
0x84: {  	_ =	shalt  }
0x85: {  	_ =	shalt  }
0x86: {  	_ =	shalt  }
0x87: {  	_ =	shalt  }
.Lfunc_end0:
.L_simem_size_0:
called_computation_lowered:
.L_overlay_start_0:
0x88: {  	s2 =	sld [smem:$0x3FD9]  }
0x89: {  	s3 =	sld [smem:$0x3FFE];
	_ =	sdelay $0x1  }
0x8a: {  	s1 =	srdreg.scid  }
0x8b: {  	s0 =	sand.u32 $0x1, s1  }
0x8c: {  	s14 =	sshll.u32 s0, $0xA;
	s2 =	sadd.s32 s3, s2  }
0x8d: {  	s2 =	sadd.s32 s2, s14  }
0x8e: {  	[smem:$0x3FBC] =	sst s2  }
0x8f: {  	_ = 	snop  }
0x90: {  	s2 =	sld [smem:$0x3FD0];
	_ =	sdelay $0x2  }
0x91: {  	s15 =	simm.s32 $0xA;
	s4 =	simm.s32 $0x10  }
0x92: {  	[smem:s4], [sflag:s15] =	dma.local [hbm:s2], $0x1  }
0x93: {  	_ =	swait.eq [sflag:s15], $0x1  }
0x94: {  	[sflag:s15] =	ssyncset.done $0x0  }
0x95: {  	s16 =	sld [smem:$0x10];
	[sflag:s15] =	ssyncadd.s32 $0xFFFFFFFF  }
0x96: {  	s17 =	sld [smem:$0x11];
	(tm) =	ssettm $0x1  }
0x97: {  	s18 =	sld [smem:$0x3FFB];
	_ =	sdelay $0x3  }
0x98: {  	_ =	strace s18  }
0x99: {  	s4 =	sld [smem:$0x3FFC];
	_ =	sdelay $0x3  }
0x9a: {  	_ =	strace s4  }
0x9b: {  	s4 =	sld [smem:$0x3FFD];
	_ =	sdelay $0x3  }
0x9c: {  	_ =	strace s4  }
0x9d: {  	_ =	strace $0x8FFFFFFF  }
0x9e: {  	s19 =	sld [smem:$0x3FDB];
	_ =	sdelay $0x1  }
0x9f: {  	s5 =	simm.s32 $_scs_section_size  }
0xa0: {  	s6 =	simm.s32 $_size__tile_overlayer_lowered;
	s7 =	simm.s32 $_tile_overlayer_lowered  }
0xa1: {  	s22 =	simm.s32 $0x1BFF;
	s21 =	sshll.u32 s7, $0x1;
	s4 =	sadd.s32 s5, s19  }
0xa2: {  	s8 =	simm.s32 $0x0;
	s20 =	sshll.u32 s6, $0x1;
	s6 =	sadd.s32 s21, s4  }
0xa3: {  	[timem:s8], [sflag:s22] =	dma.local [hbm:s6], s20  }
0xa4: {  	_ =	swait.ge [sflag:s22], s20  }
0xa5: {  	s5 =	ssub.s32 $0x0, s20;
	[sflag:s22] =	ssyncset.done $0x0  }
0xa6: {  	[sflag:s22] =	ssyncadd.s32 s5;
	_ =	sdelay $0x1  }
0xa7: {  	s23 =	simm.s32 $0x1B8B  }
0xa8: {  	_ =	swait.ge [sflag:s23], $0x1  }
0xa9: {  	[sflag:s23] =	ssyncset.done $0x0  }
0xaa: {  	s25 =	simm.s32 $0x1B8E;
	s24 =	sld [smem:$0x3FFE];
	[sflag:s23] =	ssyncadd.s32 $0xFFFFFFFF  }
0xab: {  	s26 =	simm.s32 $execute0_lowered;
	[smem:$0x3FD2] =	sst s25  }
0xac: {  	s6 =	sshll.u32 s26, $0x1;
	_ =	strace $0x80000046;
	[dreg:$0x1] =	wrdreg $0xFFFFFFFF  }
0xad: {  	s28 =	simm.s32 $_size_execute0_lowered;
	s4 =	sadd.s32 s4, s6;
	[dreg:$0x0] =	wrdreg $0x0  }
0xae: {  	s6 =	sshll.u32 s28, $0x1;
	[dreg:$0x2] =	wrdreg s4  }
0xaf: {  	[dreg:$0x3] =	wrdreg s6  }
0xb0: {  	[dreg:$0x4] =	wrdreg $0xC0  }
0xb1: {  	_ =	task [dreg:s8], $0x5FFFF  }
0xb2: {  	[dreg:$0x1] =	wrdreg $0xFFFFFFFF  }
0xb3: {  	[dreg:$0x0] =	wrdreg $0x60  }
0xb4: {  	[dreg:$0x2] =	wrdreg s24  }
0xb5: {  	[dreg:$0x3] =	wrdreg s17  }
0xb6: {  	[dreg:$0x4] =	wrdreg s16  }
0xb7: {  	[dreg:$0x5] =	wrdreg $0x30000  }
0xb8: {  	[dreg:$0x6] =	wrdreg $0x9  }
0xb9: {  	_ =	task.clear_ibuf [dreg:s8], $0x7FFFF;
	_ =	strace $0x90000046  }
0xba: {  	s29 =	simm.s32 $0x9;
	_ =	strace $0x80000048  }
0xbb: {  	_ =	swait.ge [sflag:s29], $0x1  }
0xbc: {  	[sflag:s29] =	ssyncadd.s32 $0xFFFFFFFF  }
0xbd: {  	_ =	strace $0x90000048  }
0xbe: {  	_ =	sfence  }
0xbf: {  	s30 =	sld [smem:$0x0];
	_ =	sdelay $0x2  }
0xc0: {  	s31 =	sshll.u32 s1, $0xD;
	s1 =	sshrl.u32 s1, $0x2  }
0xc1: {  	s3 =	sand.u32 $0x4000, s31;
	s1 =	sadd.s32 s1, s30  }
0xc2: {  	s0 =	sor.u32 s3, s0;
	s1 =	sshll.u32 s1, $0x11  }
0xc3: {  	s0 =	sor.u32 s1, s0  }
0xc4: {  	s0 =	sadd.s32 $0x8F2B, s0  }
0xc5: {  	[sflag:s0] =	ssyncadd.remote.s32 $0x1  }
0xc6: {  	_ =	sfence.sel $0xFFFF  }
0xc7: {  	[dreg:$0x0] =	wrdreg $0xFFFFFFFF;
	(pc) =	sbr.abs _section_cstart, $3  }
0xc8: {  	[dreg:$0x1] =	wrdreg $0xFFFFFFFF  }
0xc9: {  	_ =	task.clear_ibuf [dreg:s8], $0x2FFFF;
	_ =	strace $0x9FFFFFFF  }
0xca: {  	(tm) =	ssettm $0x7FFFFFFF  }
0xcb: {  	_ =	shalt  }
tec
execute0_lowered:
.L_overlay_start_1:
0x0: {  	(tag) =	ssettag $0x1  }
0x1: {  	s5 =	rddreg [dreg:$0x0]  }
0x2: {  	s6 =	rddreg [dreg:$0x1]  }
0x3: {  	s1 =	srdreg.scid;
	s2 =	rddreg [dreg:$0x2]  }
0x4: {  	s0 =	stileid.u32;
	s3 =	rddreg [dreg:$0x3];
	s4 =	simm.s32 $0x0  }
0x5: {  	s12 =	simm.s32 $0x2800;
	s13 =	simm.s32 $0x80;
	s8 =	smul.u32 $0x5000, s0  }
0x6: {  	s7 =	sand.u32 $0x1, s1;
	s1 =	rddreg [dreg:$0x4];
	s10 =	smul.u32 $0x2800, s0  }
0x7: {  	s14 =	simm.s32 $0x0;
	[smem:$0x7FF] =	sst s4;
	s9 =	smul.u32 $0x2800, s7  }
0x8: {  	s31 =	sshll.u32 s0, $0x6;
	s11 =	smul.u32 $0x28000, s7;
	s7 =	ssub.s32 $0x2, s7  }
0x9: {  	_ =	strace $0x80000047;
	s29 =	sshrl.u32 s7, $0x1;
	s30 =	sshrl.u32 s10, $0x3  }
0xa: {  	s8 =	sadd.s32 s9, s8;
	s28 =	sadd.s32 s10, s11;
	s11 =	ssub.s32 s7, s29  }
0xb: {  	s10 =	sadd.s32 s10, s3;
	s8 =	sshrl.u32 s8, $0x3;
	s9 =	sshrl.u32 s28, $0x3  }
0xc: {  	s10 =	sshrl.u32 s10, $0x3;
	s8 =	sadd.s32 s8, s5;
	s9 =	sadd.s32 s9, s5  }
0xd: {  	s5 =	sadd.s32 s6, s30;
	s6 =	sor.u32 $0x1C01, s31;
	s7 =	sadd.s32 $0x2C00, s8  }
0xe: {  	s8 =	sadd.s32 $0xCC00, s9;
	s9 =	smax.u32 s11, $0x1;
	s11 =	simm.s32 $0x1  }
.LBB2_1:
0xf: {  	[spmem:s10], [sflag:s6] =	dma.local [hbm:s5], $0x500  }
0x10: {  	_ =	swait.ge [sflag:s11], $0x500  }
0x11: {  	[sflag:s11] =	ssyncset.done $0x0  }
0x12: {  	[sflag:s11] =	ssyncadd.s32 $0xFFFFFB00  }
0x13: {  	[tilespmem:s4], [sflag:$0x1] =	stream.linear.gather [hbm4b:s7+s4], $0x2800, $0x38;
	[tilespmem:$0x5800] =	vst v63  }
0x14: {  	_ =	swait.ge [sflag:s11], $0x2800  }
0x15: {  	[sflag:s11] =	ssyncset.done $0x0  }
0x16: {  	[sflag:s11] =	ssyncadd.s32 $0xFFFFD800  }
0x17: {  	[tilespmem:s12], [sflag:$0x1] =	stream.linear.gather [hbm4b:s2+s4], $0x800, $0x38;
	[tilespmem:$0x5800] =	vst v63  }
0x18: {  	_ =	swait.ge [sflag:s11], $0x800  }
0x19: {  	[sflag:s11] =	ssyncset.done $0x0  }
0x1a: {  	[sflag:s11] =	ssyncadd.s32 $0xFFFFF800  }
0x1b: {  	s15 =	simm.s32 $0x0;
	[bflag:$0x0] =	sbarrier.arrive $0xFFFF  }
0x1c: {  	[spmem:s3] =	stream.indirect.scatter.add.f32 [tilespmem:s12], [sflag:$0x1], $0x10, s15, s13, $0xb8;
	[tilespmem:$0x5800] =	vst v63  }
0x1d: {  	_ =	swait.ge [sflag:s11], $0x800  }
0x1e: {  	s15 =	simm.s32 $0x200;
	[sflag:s11] =	ssyncset.done $0x0  }
.LBB2_2:
0x1f: {  	s16 =	sshra.s32 s15, $0x2;
	[sflag:s11] =	ssyncadd.s32 $0xFFFFF800;
	p0 =	sne.s32 s15, $0x9E00  }
0x20: {  	[spmem:s3] =	stream.indirect.scatter.add.f32 [tilespmem:s12], [sflag:$0x1], $0x10, s16, s13, $0xb8;
	[tilespmem:$0x5800] =	vst v63  }
.Ltmp0:
0x21: {  	_ = 	snop;
	(pc) =	sbr.rel @p0 .LBB2_2-.Ltmp0, $4  }
0x22: {  	_ = 	snop  }
0x23: {  	s15 =	sadd.s32 $0x200, s15  }
0x24: {  	_ =	swait.ge [sflag:s11], $0x800  }
0x25: {  	[sflag:s11] =	ssyncset.done $0x0  }
0x26: {  	s14 =	sadd.s32 $0x1, s14  }
0x27: {  	[sflag:s11] =	ssyncadd.s32 $0xFFFFF800;
	p0 =	sne.s32 s14, s9  }
.Ltmp1:
0x28: {  	[bflag:$0x0] =	sbarrier.arrive $0xFFFF;
	(pc) =	sbr.rel @p0 .LBB2_1-.Ltmp1, $4  }
0x29: {  	[hbm:s8], [sflag:s6] =	dma.local [spmem:s10], $0x500  }
0x2a: {  	_ =	swait.ge [sflag:s11], $0x500  }
0x2b: {  	[sflag:s11] =	ssyncset.done $0x0  }
0x2c: {  	[sflag:s11] =	ssyncadd.s32 $0xFFFFFB00  }
0x2d: {  	_ =	sfence.sel $0x180000  }
0x2e: {  	[bflag:$0x0] =	sbarrier.arrive $0xFFFF  }
0x2f: {  	p0 =	sne.s32 s0, $0x0;
	_ =	strace $0x90000047  }
0x30: {  	s0 =	sadd.s32 @!p0 $0x100000, s1;
	[bflag:$0x2] =	sbarrier.arrive $0xFFFF  }
0x31: {  	[sflag:s0] =	ssyncadd.tile.s32 @!p0 $0x1;
	_ =	shalt  }
.Lfunc_end2:
_tile_overlayer_lowered:
.L_overlay_start_2:
0x32: {  	(tag) =	ssettag $0x2  }
0x33: {  	s0 =	rddreg [dreg:$0x0];
	s2 =	stileid.u32  }
0x34: {  	s1 =	rddreg [dreg:$0x1];
	p0 =	sne.s32 s2, $0x0  }
0x35: {  	s3 =	rddreg [dreg:$0x2];
	[bflag:$0x3] =	sbarrier.arrive $0xFFFF;
	s2 =	simm.s32 @!p0 $0x1C01  }
0x36: {  	[timem:s3], [sflag:s2] =	dma.local @!p0 [hbm:s0], s1  }
0x37: {  	s0 =	simm.s32 @!p0 $0x1  }
0x38: {  	_ =	swait.ge @!p0 [sflag:s0], s1  }
0x39: {  	s1 =	ssub.s32 @!p0 $0x0, s1;
	[sflag:s0] =	ssyncset.done @!p0 $0x0  }
0x3a: {  	[sflag:s0] =	ssyncadd.s32 @!p0 s1  }
0x3b: {  	[bflag:$0x3] =	sbarrier.arrive $0xFFFF  }
0x3c: {  	_ =	shalt  }

// kernel: kernel.15.cloned.1.call-start
scs
__scs_entry_jumppad:
0x0: {  	(pc) =	sbr.rel $0x88, $3  }
0x1: {  	(tag) =	ssettag $0x0;
	lr =	simm.s32 $0x1  }
0x2: {  	[smem:$0x3F95] =	sst lr;
	_ =	strace $0xD0000000  }
0x3: {  	_ = 	snop  }
0x4: {  	_ = 	snop  }
0x5: {  	_ = 	snop  }
0x6: {  	_ = 	snop  }
0x7: {  	_ = 	snop  }
__scs_overlays_trampoline_lowered:
0x8: {  	[smem:$0x3FA4] =	sst s0  }
0x9: {  	[smem:$0x3FA5] =	sst s1  }
0xa: {  	[smem:$0x3FA6] =	sst s2  }
0xb: {  	[smem:$0x3FA7] =	sst s3  }
0xc: {  	[smem:$0x3FA8] =	sst s4  }
0xd: {  	[smem:$0x3FA9] =	sst s5  }
0xe: {  	[smem:$0x3FAA] =	sst s6  }
0xf: {  	[smem:$0x3FAB] =	sst s7  }
0x10: {  	[smem:$0x3FAC] =	sst s8  }
0x11: {  	[smem:$0x3FAD] =	sst s9;
	s0 =	simm.s32 @!p0 $0x0  }
0x12: {  	s1 =	sld [smem:$0x3F93];
	s0 =	simm.s32 @p0 $0x1  }
0x13: {  	[smem:$0x3FAE] =	sst s0;
	s0 =	simm.s32 @!p1 $0x0  }
0x14: {  	s2 =	sld [smem:$0x3F92];
	s0 =	simm.s32 @p1 $0x1  }
0x15: {  	[smem:$0x3FAF] =	sst s0;
	s0 =	simm.s32 @!p2 $0x0  }
0x16: {  	s3 =	sld [smem:$0x3FDB];
	s0 =	simm.s32 @p2 $0x1  }
0x17: {  	s4 =	simm.s32 $0x1BF5;
	[smem:$0x3FB1] =	sst s0  }
0x18: {  	s0 =	sld [smem:$0x3F94];
	_ =	swait.ge [sflag:s4], $0x0  }
0x19: {  	s7 =	sld [smem:$0x3F95]  }
0x1a: {  	s8 =	sadd.s32 $0xFFFFE003, lr  }
0x1b: {  	s9 =	sadd.s32 $0xFFFFFEF7, lr;
	s5 =	simm.s32 $0xFFFFFFFF;
	p2 =	slt.u32 s8, $0xFFFFF086  }
0x1c: {  	p1 =	slt.u32 s9, $0xF7A;
	s5 =	simm.s32 @!p2 $0x0  }
0x1d: {  	s5 =	simm.s32 @p1 $0x1;
	p0 =	seq.s32 s7, s2  }
0x1e: {  	s7 =	smul.u32 @!p0 $0xF7A, s2;
	p2 =	seq.s32 @!p0 s5, $0x0  }
0x1f: {  	s9 =	smul.u32 $0xF7A, s1;
	s8 =	simm.s32 @!p0 $0x1BF5;
	p2 =	por !p2, p0  }
0x20: {  	[sflag:s8] =	ssyncset.s32 @!p0 $0xFFFFF086;
	s6 =	sadd.s32 @!p0 s3, s7;
	s7 =	simm.s32 @!p0 $0x108  }
0x21: {  	s3 =	sadd.s32 s3, s9;
	s6 =	sadd.s32 @!p0 $0x88, s6;
	s7 =	simm.s32 @p2 $0x1082  }
0x22: {  	[simem:s7], [sflag:s8] =	dma.local @!p0 [hbm:s6], $0xF7A  }
0x23: {  	s9 =	sor.u32 $0xD0000000, s2;
	s6 =	simm.s32 $0x108;
	_ =	swait.ge @!p0 [sflag:s8], $0x0  }
0x24: {  	s3 =	sadd.s32 $0x88, s3;
	s6 =	simm.s32 @!p1 $0x1082;
	[sflag:s4] =	ssyncset.s32 $0xFFFFF086  }
0x25: {  	[simem:s6], [sflag:s4] =	dma.local [hbm:s3], $0xF7A  }
0x26: {  	[smem:$0x3F95] =	sst s1;
	(tag) =	ssettag s2;
	_ =	strace s9  }
0x27: {  	s1 =	sld [smem:$0x3FA5]  }
0x28: {  	s2 =	sld [smem:$0x3FA6]  }
0x29: {  	s4 =	sld [smem:$0x3FA8]  }
0x2a: {  	p0 =	seq.s32 s5, $0x0;
	s5 =	sld [smem:$0x3FA9]  }
0x2b: {  	s6 =	sld [smem:$0x3FAA]  }
0x2c: {  	s7 =	sld [smem:$0x3FAB]  }
0x2d: {  	s3 =	simm.s32 $0x108;
	s8 =	sld [smem:$0x3FAC]  }
0x2e: {  	s3 =	simm.s32 @!p0 $0x1082;
	s9 =	sld [smem:$0x3FAD]  }
0x2f: {  	lr =	sadd.s32 s0, s3;
	s0 =	sld [smem:$0x3FA4]  }
0x30: {  	s3 =	sld [smem:$0x3FA7]  }
0x31: {  	[smem:$0x3FB0] =	sst s10  }
0x32: {  	s10 =	sld [smem:$0x3FAE];
	_ =	sdelay $0x3  }
0x33: {  	p0 =	seq.s32 s10, $0x1;
	s10 =	sld [smem:$0x3FB0];
	_ =	sdelay $0x3  }
0x34: {  	[smem:$0x3FB0] =	sst s10  }
0x35: {  	s10 =	sld [smem:$0x3FAF];
	_ =	sdelay $0x3  }
0x36: {  	p1 =	seq.s32 s10, $0x1;
	s10 =	sld [smem:$0x3FB0];
	_ =	sdelay $0x3  }
0x37: {  	[smem:$0x3FB0] =	sst s10  }
0x38: {  	s10 =	sld [smem:$0x3FB1]  }
0x39: {  	_ = 	snop;
	(pc) =	sbr.ind lr, $3  }
0x3a: {  	_ = 	snop  }
0x3b: {  	_ = 	snop  }
0x3c: {  	p2 =	seq.s32 s10, $0x1;
	s10 =	sld [smem:$0x3FB0]  }
0x3d: {  	_ =	shalt  }
0x3e: {  	_ =	shalt  }
0x3f: {  	_ =	shalt  }
0x40: {  	_ =	shalt  }
0x41: {  	_ =	shalt  }
0x42: {  	_ =	shalt  }
0x43: {  	_ =	shalt  }
0x44: {  	_ =	shalt  }
0x45: {  	_ =	shalt  }
0x46: {  	_ =	shalt  }
0x47: {  	_ =	shalt  }
0x48: {  	_ =	shalt  }
0x49: {  	_ =	shalt  }
0x4a: {  	_ =	shalt  }
0x4b: {  	_ =	shalt  }
0x4c: {  	_ =	shalt  }
0x4d: {  	_ =	shalt  }
0x4e: {  	_ =	shalt  }
0x4f: {  	_ =	shalt  }
0x50: {  	_ =	shalt  }
0x51: {  	_ =	shalt  }
0x52: {  	_ =	shalt  }
0x53: {  	_ =	shalt  }
0x54: {  	_ =	shalt  }
0x55: {  	_ =	shalt  }
0x56: {  	_ =	shalt  }
0x57: {  	_ =	shalt  }
0x58: {  	_ =	shalt  }
0x59: {  	_ =	shalt  }
0x5a: {  	_ =	shalt  }
0x5b: {  	_ =	shalt  }
0x5c: {  	_ =	shalt  }
0x5d: {  	_ =	shalt  }
0x5e: {  	_ =	shalt  }
0x5f: {  	_ =	shalt  }
0x60: {  	_ =	shalt  }
0x61: {  	_ =	shalt  }
0x62: {  	_ =	shalt  }
0x63: {  	_ =	shalt  }
0x64: {  	_ =	shalt  }
0x65: {  	_ =	shalt  }
0x66: {  	_ =	shalt  }
0x67: {  	_ =	shalt  }
0x68: {  	_ =	shalt  }
0x69: {  	_ =	shalt  }
0x6a: {  	_ =	shalt  }
0x6b: {  	_ =	shalt  }
0x6c: {  	_ =	shalt  }
0x6d: {  	_ =	shalt  }
0x6e: {  	_ =	shalt  }
0x6f: {  	_ =	shalt  }
0x70: {  	_ =	shalt  }
0x71: {  	_ =	shalt  }
0x72: {  	_ =	shalt  }
0x73: {  	_ =	shalt  }
0x74: {  	_ =	shalt  }
0x75: {  	_ =	shalt  }
0x76: {  	_ =	shalt  }
0x77: {  	_ =	shalt  }
0x78: {  	_ =	shalt  }
0x79: {  	_ =	shalt  }
0x7a: {  	_ =	shalt  }
0x7b: {  	_ =	shalt  }
0x7c: {  	_ =	shalt  }
0x7d: {  	_ =	shalt  }
0x7e: {  	_ =	shalt  }
0x7f: {  	_ =	shalt  }
0x80: {  	_ =	shalt  }
0x81: {  	_ =	shalt  }
0x82: {  	_ =	shalt  }
0x83: {  	_ =	shalt  }
0x84: {  	_ =	shalt  }
0x85: {  	_ =	shalt  }
0x86: {  	_ =	shalt  }
0x87: {  	_ =	shalt  }
.Lfunc_end0:
.L_simem_size_0:
called_computation.1_lowered:
.L_overlay_start_0:
0x88: {  	s2 =	sld [smem:$0x3FD9]  }
0x89: {  	s3 =	sld [smem:$0x3FFE];
	_ =	sdelay $0x1  }
0x8a: {  	s1 =	srdreg.scid  }
0x8b: {  	s0 =	sand.u32 $0x1, s1  }
0x8c: {  	s16 =	sshll.u32 s0, $0xA;
	s2 =	sadd.s32 s3, s2  }
0x8d: {  	s2 =	sadd.s32 s2, s16  }
0x8e: {  	[smem:$0x3FBC] =	sst s2  }
0x8f: {  	_ = 	snop  }
0x90: {  	(tm) =	ssettm $0x1  }
0x91: {  	s17 =	sld [smem:$0x3FFB];
	_ =	sdelay $0x3  }
0x92: {  	_ =	strace s17  }
0x93: {  	s2 =	sld [smem:$0x3FFC];
	_ =	sdelay $0x3  }
0x94: {  	_ =	strace s2  }
0x95: {  	s2 =	sld [smem:$0x3FFD];
	_ =	sdelay $0x3  }
0x96: {  	_ =	strace s2  }
0x97: {  	_ =	strace $0x8FFFFFFF  }
0x98: {  	s18 =	sld [smem:$0x3FDB];
	_ =	sdelay $0x1  }
0x99: {  	s19 =	simm.s32 $_scs_section_size  }
0x9a: {  	s4 =	simm.s32 $_size__tile_overlayer_lowered;
	s5 =	simm.s32 $_tile_overlayer_lowered  }
0x9b: {  	s22 =	simm.s32 $0x1BFF;
	s21 =	sshll.u32 s5, $0x1;
	s2 =	sadd.s32 s19, s18  }
0x9c: {  	s6 =	simm.s32 $0x0;
	s20 =	sshll.u32 s4, $0x1;
	s4 =	sadd.s32 s21, s2  }
0x9d: {  	[timem:s6], [sflag:s22] =	dma.local [hbm:s4], s20  }
0x9e: {  	_ =	swait.ge [sflag:s22], s20  }
0x9f: {  	s3 =	ssub.s32 $0x0, s20;
	[sflag:s22] =	ssyncset.done $0x0  }
0xa0: {  	[sflag:s22] =	ssyncadd.s32 s3;
	_ =	sdelay $0x1  }
0xa1: {  	s23 =	simm.s32 $0x1B8B  }
0xa2: {  	_ =	swait.ge [sflag:s23], $0x1  }
0xa3: {  	[sflag:s23] =	ssyncset.done $0x0  }
0xa4: {  	s25 =	simm.s32 $0x1B8E;
	s24 =	sld [smem:$0x3FFE];
	[sflag:s23] =	ssyncadd.s32 $0xFFFFFFFF  }
0xa5: {  	s26 =	simm.s32 $execute0_lowered;
	[smem:$0x3FD2] =	sst s25  }
0xa6: {  	s4 =	sshll.u32 s26, $0x1;
	_ =	strace $0x80000049;
	[dreg:$0x1] =	wrdreg $0xFFFFFFFF  }
0xa7: {  	s28 =	simm.s32 $_size_execute0_lowered;
	s2 =	sadd.s32 s2, s4;
	[dreg:$0x0] =	wrdreg $0x0  }
0xa8: {  	s4 =	sshll.u32 s28, $0x1;
	[dreg:$0x2] =	wrdreg s2  }
0xa9: {  	[dreg:$0x3] =	wrdreg s4  }
0xaa: {  	[dreg:$0x4] =	wrdreg $0xC0  }
0xab: {  	_ =	task [dreg:s6], $0x5FFFF  }
0xac: {  	[dreg:$0x1] =	wrdreg $0xFFFFFFFF  }
0xad: {  	[dreg:$0x0] =	wrdreg $0x60  }
0xae: {  	[dreg:$0x2] =	wrdreg s24  }
0xaf: {  	[dreg:$0x3] =	wrdreg $0x120000  }
0xb0: {  	[dreg:$0x4] =	wrdreg $0x170000  }
0xb1: {  	[dreg:$0x5] =	wrdreg $0x9  }
0xb2: {  	_ =	task.clear_ibuf [dreg:s6], $0x6FFFF;
	_ =	strace $0x90000049  }
0xb3: {  	s29 =	simm.s32 $0x9;
	_ =	strace $0x8000004B  }
0xb4: {  	_ =	swait.ge [sflag:s29], $0x1  }
0xb5: {  	[sflag:s29] =	ssyncadd.s32 $0xFFFFFFFF  }
0xb6: {  	_ =	strace $0x9000004B  }
0xb7: {  	_ =	sfence  }
0xb8: {  	s30 =	sld [smem:$0x0];
	_ =	sdelay $0x2  }
0xb9: {  	s31 =	sshll.u32 s1, $0xD;
	s1 =	sshrl.u32 s1, $0x2  }
0xba: {  	s3 =	sand.u32 $0x4000, s31;
	s1 =	sadd.s32 s1, s30  }
0xbb: {  	s0 =	sor.u32 s3, s0;
	s1 =	sshll.u32 s1, $0x11  }
0xbc: {  	s0 =	sor.u32 s1, s0  }
0xbd: {  	s0 =	sadd.s32 $0x8F2B, s0  }
0xbe: {  	[sflag:s0] =	ssyncadd.remote.s32 $0x1  }
0xbf: {  	_ =	sfence.sel $0xFFFF  }
0xc0: {  	[dreg:$0x0] =	wrdreg $0xFFFFFFFF;
	(pc) =	sbr.abs _section_cstart, $3  }
0xc1: {  	[dreg:$0x1] =	wrdreg $0xFFFFFFFF  }
0xc2: {  	_ =	task.clear_ibuf [dreg:s6], $0x2FFFF;
	_ =	strace $0x9FFFFFFF  }
0xc3: {  	(tm) =	ssettm $0x7FFFFFFF  }
tec
execute0_lowered:
.L_overlay_start_1:
0x0: {  	(tag) =	ssettag $0x1  }
0x1: {  	s0 =	rddreg [dreg:$0x0]  }
0x2: {  	s2 =	rddreg [dreg:$0x1]  }
0x3: {  	s3 =	rddreg [dreg:$0x2]  }
0x4: {  	s8 =	stileid.u32;
	s5 =	simm.s32 $0x0;
	s4 =	srdreg.scid  }
0x5: {  	s14 =	simm.s32 $0x1;
	s15 =	simm.s32 $0x4;
	s28 =	simm.s32 $0xC000  }
0x6: {  	s30 =	simm.s32 $0xD000;
	s12 =	simm.s32 $0xF000;
	s29 =	simm.s32 $0x10000  }
0x7: {  	s31 =	simm.s32 $0x3;
	s9 =	simm.s32 $0x7;
	s10 =	simm.s32 $0xD  }
0x8: {  	s11 =	simm.s32 $0xE;
	s13 =	simm.s32 $0x0;
	s1 =	smul.u32 $0xA00, s8  }
0x9: {  	[smem:$0x7FF] =	sst s5;
	s4 =	sand.u32 $0x1, s4;
	s16 =	smul.u32 $0xA000, s8  }
0xa: {  	s7 =	smul.u32 $0x5000, s8;
	s20 =	sshll.u32 s8, $0x6;
	_ =	strace $0x8000004A  }
0xb: {  	s6 =	sshll.u32 s4, $0x5;
	s4 =	ssub.s32 $0x2, s4;
	s22 =	sor.u32 $0x1C0B, s20  }
0xc: {  	[dreg:$0x6] =	wrdreg s20;
	s25 =	sor.u32 $0x1C0C, s20;
	s20 =	simm.s32 $0xA  }
0xd: {  	s1 =	sadd.s32 s1, s0;
	s5 =	sor.u32 s6, s16;
	s17 =	sshrl.u32 s4, $0x1  }
0xe: {  	s19 =	sadd.s32 s7, s2;
	[dreg:$0x8] =	wrdreg s22;
	s23 =	sadd.s32 s7, s3  }
0xf: {  	s16 =	simm.s32 $0x8;
	[dreg:$0xc] =	wrdreg s25;
	s22 =	simm.s32 $0xC  }
0x10: {  	s25 =	simm.s32 $0xB000;
	s6 =	simm.s32 $0x6;
	s5 =	sshrl.u32 s5, $0x3  }
0x11: {  	s4 =	ssub.s32 s4, s17;
	s18 =	sadd.s32 $0x16C00, s1;
	s1 =	sadd.s32 $0x2C00, s1  }
0x12: {  	s8 =	sshrl.u32 s19, $0x3;
	s26 =	sshrl.u32 s23, $0x3;
	s19 =	simm.s32 $0x9  }
0x13: {  	s23 =	simm.s32 $0x80;
	s17 =	simm.s32 $0xF;
	[dreg:$0x4] =	wrdreg s18  }
0x14: {  	s0 =	sadd.s32 s5, s0;
	[dreg:$0x5] =	wrdreg s1;
	s24 =	smax.u32 s4, $0x1  }
.Ltmp0:
0x15: {  	[dreg:$0xd] =	wrdreg s26;
	s1 =	simm.s32 $0x11000;
	(pc) =	sbr.rel .LBB2_1-.Ltmp0, $4  }
0x16: {  	s26 =	simm.s32 $0x2;
	s5 =	simm.s32 $0x5;
	[dreg:$0xb] =	wrdreg s8  }
0x17: {  	s18 =	simm.s32 $0x10;
	s21 =	sadd.s32 $0x70C00, s0;
	[dreg:$0xa] =	wrdreg s24  }
0x18: {  	s0 =	sadd.s32 $0x84C00, s0;
	s24 =	simm.s32 $0xA000;
	[dreg:$0x7] =	wrdreg s21  }
0x19: {  	[dreg:$0x9] =	wrdreg s0;
	s21 =	simm.s32 $0xB;
	s0 =	simm.s32 $0xE000  }
.LBB2_4:
0x1a: {  	_ =	swait.ge [sflag:s20], $0x1000  }
0x1b: {  	[sflag:s20] =	ssyncset.done $0x0  }
0x1c: {  	[sflag:s20] =	ssyncadd.s32 $0xFFFFF000  }
0x1d: {  	_ =	swait.ge [sflag:s21], $0x1000  }
0x1e: {  	[sflag:s21] =	ssyncset.done $0x0  }
0x1f: {  	[sflag:s21] =	ssyncadd.s32 $0xFFFFF000  }
0x20: {  	_ =	swait.ge [sflag:s22], $0x1000  }
0x21: {  	[sflag:s22] =	ssyncset.done $0x0  }
0x22: {  	[sflag:s22] =	ssyncadd.s32 $0xFFFFF000  }
0x23: {  	_ =	swait.ge [sflag:s10], $0x1000  }
0x24: {  	[sflag:s10] =	ssyncset.done $0x0  }
0x25: {  	[sflag:s10] =	ssyncadd.s32 $0xFFFFF000  }
0x26: {  	_ =	swait.ge [sflag:s11], $0x1000  }
0x27: {  	[sflag:s11] =	ssyncset.done $0x0  }
0x28: {  	[sflag:s11] =	ssyncadd.s32 $0xFFFFF000  }
0x29: {  	_ =	swait.ge [sflag:s17], $0x1000  }
0x2a: {  	[sflag:s17] =	ssyncset.done $0x0  }
0x2b: {  	[sflag:s17] =	ssyncadd.s32 $0xFFFFF000  }
0x2c: {  	_ =	swait.ge [sflag:s18], $0x1000  }
0x2d: {  	[sflag:s18] =	ssyncset.done $0x0  }
0x2e: {  	[sflag:s18] =	ssyncadd.s32 $0xFFFFF000  }
0x2f: {  	[bflag:$0x0] =	sbarrier.arrive $0xFFFF  }
0x30: {  	s7 =	rddreg [dreg:$0x6]  }
0x31: {  	s8 =	rddreg [dreg:$0x9]  }
0x32: {  	s4 =	rddreg [dreg:$0xb];
	s7 =	sor.u32 $0x1C11, s7  }
0x33: {  	[hbm:s8@s16], [sflag:s7] =	dma.strided [spmem:s4@s15], $0xA00, s14, $0x4   }
0x34: {  	s8 =	smov.u32 s4;
	s4 =	simm.s32 $0x11  }
0x35: {  	_ =	swait.ge [sflag:s4], $0xA00  }
0x36: {  	s13 =	rddreg [dreg:$0xe]  }
0x37: {  	s7 =	rddreg [dreg:$0xa];
	s13 =	sadd.s32 $0x1, s13  }
0x38: {  	p0 =	sne.s32 s13, s7  }
.Ltmp1:
0x39: {  	_ = 	snop;
	(pc) =	sbr.rel @!p0 .LBB2_5-.Ltmp1, $3  }
0x3a: {  	_ =	sdelay $0x1  }
0x3b: {  	[sflag:s4] =	ssyncset.done $0x0  }
0x3c: {  	[sflag:s4] =	ssyncadd.s32 $0xFFFFF600  }
.LBB2_1:
0x3d: {  	[dreg:$0xe] =	wrdreg s13  }
0x3e: {  	s7 =	simm.s32 $0x0;
	s13 =	rddreg [dreg:$0x4]  }
0x3f: {  	[tilespmem:s7], [sflag:$0x9] =	stream.linear.gather [hbm4b:s13+s7], $0x5000, $0x38;
	[tilespmem:$0x1C000] =	vst v63  }
0x40: {  	s4 =	smov.u32 s8;
	s8 =	rddreg [dreg:$0x5];
	s13 =	simm.s32 $0x5000  }
0x41: {  	[tilespmem:s13], [sflag:$0xA] =	stream.linear.gather [hbm4b:s8+s7], $0x5000, $0x38;
	[tilespmem:$0x1C000] =	vst v63  }
0x42: {  	s8 =	rddreg [dreg:$0x7]  }
0x43: {  	s13 =	rddreg [dreg:$0x8]  }
0x44: {  	[spmem:s4@s15], [sflag:s13] =	dma.strided [hbm:s8@s16], $0xA00, s14, $0x4   }
0x45: {  	s4 =	rddreg [dreg:$0xc]  }
0x46: {  	s13 =	rddreg [dreg:$0xd]  }
0x47: {  	[spmem:s13@s15], [sflag:s4] =	dma.strided [hbm:s8@s16], $0xA00, s14, $0x4   }
0x48: {  	_ =	swait.ge [sflag:s19], $0x5000  }
0x49: {  	[sflag:s19] =	ssyncset.done $0x0  }
0x4a: {  	[sflag:s19] =	ssyncadd.s32 $0xFFFFB000  }
0x4b: {  	_ =	swait.ge [sflag:s20], $0x5000  }
0x4c: {  	[sflag:s20] =	ssyncset.done $0x0  }
0x4d: {  	[sflag:s20] =	ssyncadd.s32 $0xFFFFB000  }
0x4e: {  	_ =	swait.ge [sflag:s21], $0xA00  }
0x4f: {  	[sflag:s21] =	ssyncset.done $0x0  }
0x50: {  	[sflag:s21] =	ssyncadd.s32 $0xFFFFF600  }
0x51: {  	_ =	swait.ge [sflag:s22], $0xA00  }
0x52: {  	[sflag:s22] =	ssyncset.done $0x0  }
0x53: {  	[sflag:s22] =	ssyncadd.s32 $0xFFFFF600  }
0x54: {  	[bflag:$0x0] =	sbarrier.arrive $0xFFFF  }
0x55: {  	[tilespmem:s24], [sflag:$0x1] =	stream.indirect.gather [spmem:s3], $0x20, s7, s23, $0xb8;
	[tilespmem:$0x1C000] =	vst v63  }
0x56: {  	_ = 	snop  }
0x57: {  	[tilespmem:s25], [sflag:$0x2] =	stream.indirect.gather [spmem:s3], $0x20, s23, s23, $0xb8;
	[tilespmem:$0x1C000] =	vst v63  }
0x58: {  	s7 =	simm.s32 $0x100  }
0x59: {  	[tilespmem:s28], [sflag:$0x3] =	stream.indirect.gather [spmem:s3], $0x20, s7, s23, $0xb8;
	[tilespmem:$0x1C000] =	vst v63  }
0x5a: {  	s8 =	simm.s32 $0x180  }
0x5b: {  	[tilespmem:s30], [sflag:$0x4] =	stream.indirect.gather [spmem:s3], $0x20, s8, s23, $0xb8;
	[tilespmem:$0x1C000] =	vst v63  }
0x5c: {  	s13 =	simm.s32 $0x200  }
0x5d: {  	[tilespmem:s0], [sflag:$0x5] =	stream.indirect.gather [spmem:s3], $0x20, s13, s23, $0xb8;
	[tilespmem:$0x1C000] =	vst v63  }
0x5e: {  	s7 =	simm.s32 $0x280  }
0x5f: {  	[tilespmem:s12], [sflag:$0x6] =	stream.indirect.gather [spmem:s3], $0x20, s7, s23, $0xb8;
	[tilespmem:$0x1C000] =	vst v63  }
0x60: {  	s8 =	simm.s32 $0x300  }
0x61: {  	[tilespmem:s29], [sflag:$0x7] =	stream.indirect.gather [spmem:s3], $0x20, s8, s23, $0xb8;
	[tilespmem:$0x1C000] =	vst v63  }
0x62: {  	s13 =	simm.s32 $0x380;
	s7 =	simm.s32 $0x0  }
0x63: {  	[tilespmem:s1], [sflag:$0x8] =	stream.indirect.gather [spmem:s3], $0x20, s13, s23, $0xb8;
	[tilespmem:$0x1C000] =	vst v63  }
.LBB2_2:
0x64: {  	_ =	swait.ge [sflag:s14], $0x1000  }
0x65: {  	s8 =	sshra.s32 s7, $0x2;
	[sflag:s14] =	ssyncset.done $0x0  }
0x66: {  	s13 =	sadd.s32 $0x5000, s8;
	[sflag:s14] =	ssyncadd.s32 $0xFFFFF000  }
0x67: {  	[spmem:s2] =	stream.indirect.scatter.add.f32 [tilespmem:s24], [sflag:$0x9], $0x20, s13, s23, $0xb8;
	[tilespmem:$0x1C000] =	vst v63  }
0x68: {  	_ =	swait.ge [sflag:s26], $0x1000  }
0x69: {  	[sflag:s26] =	ssyncset.done $0x0  }
0x6a: {  	s4 =	sadd.s32 $0x5080, s8;
	[sflag:s26] =	ssyncadd.s32 $0xFFFFF000  }
0x6b: {  	[spmem:s2] =	stream.indirect.scatter.add.f32 [tilespmem:s25], [sflag:$0xA], $0x20, s4, s23, $0xb8;
	[tilespmem:$0x1C000] =	vst v63  }
0x6c: {  	_ =	swait.ge [sflag:s31], $0x1000  }
0x6d: {  	[sflag:s31] =	ssyncset.done $0x0  }
0x6e: {  	s4 =	sadd.s32 $0x5100, s8;
	[sflag:s31] =	ssyncadd.s32 $0xFFFFF000  }
0x6f: {  	[spmem:s2] =	stream.indirect.scatter.add.f32 [tilespmem:s28], [sflag:$0xB], $0x20, s4, s23, $0xb8;
	[tilespmem:$0x1C000] =	vst v63  }
0x70: {  	_ =	swait.ge [sflag:s15], $0x1000  }
0x71: {  	[sflag:s15] =	ssyncset.done $0x0  }
0x72: {  	s4 =	sadd.s32 $0x5180, s8;
	[sflag:s15] =	ssyncadd.s32 $0xFFFFF000  }
0x73: {  	[spmem:s2] =	stream.indirect.scatter.add.f32 [tilespmem:s30], [sflag:$0xC], $0x20, s4, s23, $0xb8;
	[tilespmem:$0x1C000] =	vst v63  }
0x74: {  	_ =	swait.ge [sflag:s5], $0x1000  }
0x75: {  	[sflag:s5] =	ssyncset.done $0x0  }
0x76: {  	s4 =	sadd.s32 $0x5200, s8;
	[sflag:s5] =	ssyncadd.s32 $0xFFFFF000  }
0x77: {  	[spmem:s2] =	stream.indirect.scatter.add.f32 [tilespmem:s0], [sflag:$0xD], $0x20, s4, s23, $0xb8;
	[tilespmem:$0x1C000] =	vst v63  }
0x78: {  	_ =	swait.ge [sflag:s6], $0x1000  }
0x79: {  	[sflag:s6] =	ssyncset.done $0x0  }
0x7a: {  	s4 =	sadd.s32 $0x5280, s8;
	[sflag:s6] =	ssyncadd.s32 $0xFFFFF000  }
0x7b: {  	[spmem:s2] =	stream.indirect.scatter.add.f32 [tilespmem:s12], [sflag:$0xE], $0x20, s4, s23, $0xb8;
	[tilespmem:$0x1C000] =	vst v63  }
0x7c: {  	_ =	swait.ge [sflag:s9], $0x1000  }
0x7d: {  	[sflag:s9] =	ssyncset.done $0x0  }
0x7e: {  	s4 =	sadd.s32 $0x5300, s8;
	[sflag:s9] =	ssyncadd.s32 $0xFFFFF000  }
0x7f: {  	[spmem:s2] =	stream.indirect.scatter.add.f32 [tilespmem:s29], [sflag:$0xF], $0x20, s4, s23, $0xb8;
	[tilespmem:$0x1C000] =	vst v63  }
0x80: {  	_ =	swait.ge [sflag:s16], $0x1000  }
0x81: {  	p0 =	seq.s32 s7, $0x13000;
	[sflag:s16] =	ssyncset.done $0x0  }
.Ltmp2:
0x82: {  	s4 =	sadd.s32 $0x5380, s8;
	[sflag:s16] =	ssyncadd.s32 $0xFFFFF000;
	(pc) =	sbr.rel @p0 .LBB2_4-.Ltmp2, $4  }
0x83: {  	[spmem:s2] =	stream.indirect.scatter.add.f32 [tilespmem:s1], [sflag:$0x10], $0x20, s4, s23, $0xb8;
	[tilespmem:$0x1C000] =	vst v63  }
0x84: {  	_ =	swait.ge [sflag:s19], $0x1000  }
0x85: {  	[sflag:s19] =	ssyncset.done $0x0  }
0x86: {  	[sflag:s19] =	ssyncadd.s32 $0xFFFFF000  }
0x87: {  	s13 =	sadd.s32 $0x400, s8  }
0x88: {  	[tilespmem:s24], [sflag:$0x1] =	stream.indirect.gather [spmem:s3], $0x20, s13, s23, $0xb8;
	[tilespmem:$0x1C000] =	vst v63  }
0x89: {  	_ =	swait.ge [sflag:s20], $0x1000  }
0x8a: {  	[sflag:s20] =	ssyncset.done $0x0  }
0x8b: {  	s4 =	sadd.s32 $0x480, s8;
	[sflag:s20] =	ssyncadd.s32 $0xFFFFF000  }
0x8c: {  	[tilespmem:s25], [sflag:$0x2] =	stream.indirect.gather [spmem:s3], $0x20, s4, s23, $0xb8;
	[tilespmem:$0x1C000] =	vst v63  }
0x8d: {  	_ =	swait.ge [sflag:s21], $0x1000  }
0x8e: {  	[sflag:s21] =	ssyncset.done $0x0  }
0x8f: {  	s4 =	sadd.s32 $0x500, s8;
	[sflag:s21] =	ssyncadd.s32 $0xFFFFF000  }
0x90: {  	[tilespmem:s28], [sflag:$0x3] =	stream.indirect.gather [spmem:s3], $0x20, s4, s23, $0xb8;
	[tilespmem:$0x1C000] =	vst v63  }
0x91: {  	_ =	swait.ge [sflag:s22], $0x1000  }
0x92: {  	[sflag:s22] =	ssyncset.done $0x0  }
0x93: {  	s4 =	sadd.s32 $0x580, s8;
	[sflag:s22] =	ssyncadd.s32 $0xFFFFF000  }
0x94: {  	[tilespmem:s30], [sflag:$0x4] =	stream.indirect.gather [spmem:s3], $0x20, s4, s23, $0xb8;
	[tilespmem:$0x1C000] =	vst v63  }
0x95: {  	_ =	swait.ge [sflag:s10], $0x1000  }
0x96: {  	[sflag:s10] =	ssyncset.done $0x0  }
0x97: {  	s4 =	sadd.s32 $0x600, s8;
	[sflag:s10] =	ssyncadd.s32 $0xFFFFF000  }
0x98: {  	[tilespmem:s0], [sflag:$0x5] =	stream.indirect.gather [spmem:s3], $0x20, s4, s23, $0xb8;
	[tilespmem:$0x1C000] =	vst v63  }
0x99: {  	_ =	swait.ge [sflag:s11], $0x1000  }
0x9a: {  	[sflag:s11] =	ssyncset.done $0x0  }
0x9b: {  	s4 =	sadd.s32 $0x680, s8;
	[sflag:s11] =	ssyncadd.s32 $0xFFFFF000  }
0x9c: {  	[tilespmem:s12], [sflag:$0x6] =	stream.indirect.gather [spmem:s3], $0x20, s4, s23, $0xb8;
	[tilespmem:$0x1C000] =	vst v63  }
0x9d: {  	_ =	swait.ge [sflag:s17], $0x1000  }
0x9e: {  	[sflag:s17] =	ssyncset.done $0x0  }
0x9f: {  	s4 =	sadd.s32 $0x700, s8;
	[sflag:s17] =	ssyncadd.s32 $0xFFFFF000  }
0xa0: {  	[tilespmem:s29], [sflag:$0x7] =	stream.indirect.gather [spmem:s3], $0x20, s4, s23, $0xb8;
	[tilespmem:$0x1C000] =	vst v63  }
.Ltmp3:
0xa1: {  	_ = 	snop;
	(pc) =	sbr.rel .LBB2_2-.Ltmp3, $4  }
0xa2: {  	_ =	swait.ge [sflag:s18], $0x1000  }
0xa3: {  	[sflag:s18] =	ssyncset.done $0x0  }
0xa4: {  	s7 =	sadd.s32 $0x1000, s7;
	s13 =	sadd.s32 $0x780, s8;
	[sflag:s18] =	ssyncadd.s32 $0xFFFFF000  }
0xa5: {  	[tilespmem:s1], [sflag:$0x8] =	stream.indirect.gather [spmem:s3], $0x20, s13, s23, $0xb8;
	[tilespmem:$0x1C000] =	vst v63  }
.LBB2_5:
0xa6: {  	_ =	sfence.sel $0x180000  }
0xa7: {  	[bflag:$0x0] =	sbarrier.arrive $0xFFFF  }
0xa8: {  	_ =	strace $0x9000004A  }
0xa9: {  	s0 =	stileid.u32;
	[bflag:$0x2] =	sbarrier.arrive $0xFFFF  }
0xaa: {  	p0 =	sne.s32 s0, $0x0;
	s0 =	rddreg [dreg:$0x3]  }
0xab: {  	s0 =	sadd.s32 @!p0 $0x100000, s0  }
0xac: {  	[sflag:s0] =	ssyncadd.tile.s32 @!p0 $0x1;
	_ =	shalt  }
.Lfunc_end2:
_tile_overlayer_lowered:
.L_overlay_start_2:
0xad: {  	(tag) =	ssettag $0x2  }
0xae: {  	s0 =	rddreg [dreg:$0x0];
	s2 =	stileid.u32  }
0xaf: {  	s1 =	rddreg [dreg:$0x1];
	p0 =	sne.s32 s2, $0x0  }
0xb0: {  	s3 =	rddreg [dreg:$0x2];
	[bflag:$0x3] =	sbarrier.arrive $0xFFFF;
	s2 =	simm.s32 @!p0 $0x1C11  }
0xb1: {  	[timem:s3], [sflag:s2] =	dma.local @!p0 [hbm:s0], s1  }
0xb2: {  	s0 =	simm.s32 @!p0 $0x11  }
0xb3: {  	_ =	swait.ge @!p0 [sflag:s0], s1  }
0xb4: {  	s1 =	ssub.s32 @!p0 $0x0, s1;
	[sflag:s0] =	ssyncset.done @!p0 $0x0  }
0xb5: {  	[sflag:s0] =	ssyncadd.s32 @!p0 s1  }
0xb6: {  	[bflag:$0x3] =	sbarrier.arrive $0xFFFF  }
0xb7: {  	_ =	shalt  }

// kernel: kernel.18.cloned.1.call-start
scs
__scs_entry_jumppad:
0x0: {  	(pc) =	sbr.rel $0x88, $3  }
0x1: {  	(tag) =	ssettag $0x0;
	lr =	simm.s32 $0x1  }
0x2: {  	[smem:$0x3F95] =	sst lr;
	_ =	strace $0xD0000000  }
0x3: {  	_ = 	snop  }
0x4: {  	_ = 	snop  }
0x5: {  	_ = 	snop  }
0x6: {  	_ = 	snop  }
0x7: {  	_ = 	snop  }
__scs_overlays_trampoline_lowered:
0x8: {  	[smem:$0x3FA4] =	sst s0  }
0x9: {  	[smem:$0x3FA5] =	sst s1  }
0xa: {  	[smem:$0x3FA6] =	sst s2  }
0xb: {  	[smem:$0x3FA7] =	sst s3  }
0xc: {  	[smem:$0x3FA8] =	sst s4  }
0xd: {  	[smem:$0x3FA9] =	sst s5  }
0xe: {  	[smem:$0x3FAA] =	sst s6  }
0xf: {  	[smem:$0x3FAB] =	sst s7  }
0x10: {  	[smem:$0x3FAC] =	sst s8  }
0x11: {  	[smem:$0x3FAD] =	sst s9;
	s0 =	simm.s32 @!p0 $0x0  }
0x12: {  	s1 =	sld [smem:$0x3F93];
	s0 =	simm.s32 @p0 $0x1  }
0x13: {  	[smem:$0x3FAE] =	sst s0;
	s0 =	simm.s32 @!p1 $0x0  }
0x14: {  	s2 =	sld [smem:$0x3F92];
	s0 =	simm.s32 @p1 $0x1  }
0x15: {  	[smem:$0x3FAF] =	sst s0;
	s0 =	simm.s32 @!p2 $0x0  }
0x16: {  	s3 =	sld [smem:$0x3FDB];
	s0 =	simm.s32 @p2 $0x1  }
0x17: {  	s4 =	simm.s32 $0x1BF5;
	[smem:$0x3FB1] =	sst s0  }
0x18: {  	s0 =	sld [smem:$0x3F94];
	_ =	swait.ge [sflag:s4], $0x0  }
0x19: {  	s7 =	sld [smem:$0x3F95]  }
0x1a: {  	s8 =	sadd.s32 $0xFFFFE003, lr  }
0x1b: {  	s9 =	sadd.s32 $0xFFFFFEF7, lr;
	s5 =	simm.s32 $0xFFFFFFFF;
	p2 =	slt.u32 s8, $0xFFFFF086  }
0x1c: {  	p1 =	slt.u32 s9, $0xF7A;
	s5 =	simm.s32 @!p2 $0x0  }
0x1d: {  	s5 =	simm.s32 @p1 $0x1;
	p0 =	seq.s32 s7, s2  }
0x1e: {  	s7 =	smul.u32 @!p0 $0xF7A, s2;
	p2 =	seq.s32 @!p0 s5, $0x0  }
0x1f: {  	s9 =	smul.u32 $0xF7A, s1;
	s8 =	simm.s32 @!p0 $0x1BF5;
	p2 =	por !p2, p0  }
0x20: {  	[sflag:s8] =	ssyncset.s32 @!p0 $0xFFFFF086;
	s6 =	sadd.s32 @!p0 s3, s7;
	s7 =	simm.s32 @!p0 $0x108  }
0x21: {  	s3 =	sadd.s32 s3, s9;
	s6 =	sadd.s32 @!p0 $0x88, s6;
	s7 =	simm.s32 @p2 $0x1082  }
0x22: {  	[simem:s7], [sflag:s8] =	dma.local @!p0 [hbm:s6], $0xF7A  }
0x23: {  	s9 =	sor.u32 $0xD0000000, s2;
	s6 =	simm.s32 $0x108;
	_ =	swait.ge @!p0 [sflag:s8], $0x0  }
0x24: {  	s3 =	sadd.s32 $0x88, s3;
	s6 =	simm.s32 @!p1 $0x1082;
	[sflag:s4] =	ssyncset.s32 $0xFFFFF086  }
0x25: {  	[simem:s6], [sflag:s4] =	dma.local [hbm:s3], $0xF7A  }
0x26: {  	[smem:$0x3F95] =	sst s1;
	(tag) =	ssettag s2;
	_ =	strace s9  }
0x27: {  	s1 =	sld [smem:$0x3FA5]  }
0x28: {  	s2 =	sld [smem:$0x3FA6]  }
0x29: {  	s4 =	sld [smem:$0x3FA8]  }
0x2a: {  	p0 =	seq.s32 s5, $0x0;
	s5 =	sld [smem:$0x3FA9]  }
0x2b: {  	s6 =	sld [smem:$0x3FAA]  }
0x2c: {  	s7 =	sld [smem:$0x3FAB]  }
0x2d: {  	s3 =	simm.s32 $0x108;
	s8 =	sld [smem:$0x3FAC]  }
0x2e: {  	s3 =	simm.s32 @!p0 $0x1082;
	s9 =	sld [smem:$0x3FAD]  }
0x2f: {  	lr =	sadd.s32 s0, s3;
	s0 =	sld [smem:$0x3FA4]  }
0x30: {  	s3 =	sld [smem:$0x3FA7]  }
0x31: {  	[smem:$0x3FB0] =	sst s10  }
0x32: {  	s10 =	sld [smem:$0x3FAE];
	_ =	sdelay $0x3  }
0x33: {  	p0 =	seq.s32 s10, $0x1;
	s10 =	sld [smem:$0x3FB0];
	_ =	sdelay $0x3  }
0x34: {  	[smem:$0x3FB0] =	sst s10  }
0x35: {  	s10 =	sld [smem:$0x3FAF];
	_ =	sdelay $0x3  }
0x36: {  	p1 =	seq.s32 s10, $0x1;
	s10 =	sld [smem:$0x3FB0];
	_ =	sdelay $0x3  }
0x37: {  	[smem:$0x3FB0] =	sst s10  }
0x38: {  	s10 =	sld [smem:$0x3FB1]  }
0x39: {  	_ = 	snop;
	(pc) =	sbr.ind lr, $3  }
0x3a: {  	_ = 	snop  }
0x3b: {  	_ = 	snop  }
0x3c: {  	p2 =	seq.s32 s10, $0x1;
	s10 =	sld [smem:$0x3FB0]  }
0x3d: {  	_ =	shalt  }
0x3e: {  	_ =	shalt  }
0x3f: {  	_ =	shalt  }
0x40: {  	_ =	shalt  }
0x41: {  	_ =	shalt  }
0x42: {  	_ =	shalt  }
0x43: {  	_ =	shalt  }
0x44: {  	_ =	shalt  }
0x45: {  	_ =	shalt  }
0x46: {  	_ =	shalt  }
0x47: {  	_ =	shalt  }
0x48: {  	_ =	shalt  }
0x49: {  	_ =	shalt  }
0x4a: {  	_ =	shalt  }
0x4b: {  	_ =	shalt  }
0x4c: {  	_ =	shalt  }
0x4d: {  	_ =	shalt  }
0x4e: {  	_ =	shalt  }
0x4f: {  	_ =	shalt  }
0x50: {  	_ =	shalt  }
0x51: {  	_ =	shalt  }
0x52: {  	_ =	shalt  }
0x53: {  	_ =	shalt  }
0x54: {  	_ =	shalt  }
0x55: {  	_ =	shalt  }
0x56: {  	_ =	shalt  }
0x57: {  	_ =	shalt  }
0x58: {  	_ =	shalt  }
0x59: {  	_ =	shalt  }
0x5a: {  	_ =	shalt  }
0x5b: {  	_ =	shalt  }
0x5c: {  	_ =	shalt  }
0x5d: {  	_ =	shalt  }
0x5e: {  	_ =	shalt  }
0x5f: {  	_ =	shalt  }
0x60: {  	_ =	shalt  }
0x61: {  	_ =	shalt  }
0x62: {  	_ =	shalt  }
0x63: {  	_ =	shalt  }
0x64: {  	_ =	shalt  }
0x65: {  	_ =	shalt  }
0x66: {  	_ =	shalt  }
0x67: {  	_ =	shalt  }
0x68: {  	_ =	shalt  }
0x69: {  	_ =	shalt  }
0x6a: {  	_ =	shalt  }
0x6b: {  	_ =	shalt  }
0x6c: {  	_ =	shalt  }
0x6d: {  	_ =	shalt  }
0x6e: {  	_ =	shalt  }
0x6f: {  	_ =	shalt  }
0x70: {  	_ =	shalt  }
0x71: {  	_ =	shalt  }
0x72: {  	_ =	shalt  }
0x73: {  	_ =	shalt  }
0x74: {  	_ =	shalt  }
0x75: {  	_ =	shalt  }
0x76: {  	_ =	shalt  }
0x77: {  	_ =	shalt  }
0x78: {  	_ =	shalt  }
0x79: {  	_ =	shalt  }
0x7a: {  	_ =	shalt  }
0x7b: {  	_ =	shalt  }
0x7c: {  	_ =	shalt  }
0x7d: {  	_ =	shalt  }
0x7e: {  	_ =	shalt  }
0x7f: {  	_ =	shalt  }
0x80: {  	_ =	shalt  }
0x81: {  	_ =	shalt  }
0x82: {  	_ =	shalt  }
0x83: {  	_ =	shalt  }
0x84: {  	_ =	shalt  }
0x85: {  	_ =	shalt  }
0x86: {  	_ =	shalt  }
0x87: {  	_ =	shalt  }
.Lfunc_end0:
.L_simem_size_0:
called_computation.2_lowered:
.L_overlay_start_0:
0x88: {  	s2 =	sld [smem:$0x3FD9]  }
0x89: {  	s3 =	sld [smem:$0x3FFE];
	_ =	sdelay $0x1  }
0x8a: {  	s1 =	srdreg.scid  }
0x8b: {  	s0 =	sand.u32 $0x1, s1  }
0x8c: {  	s16 =	sshll.u32 s0, $0xA;
	s2 =	sadd.s32 s3, s2  }
0x8d: {  	s2 =	sadd.s32 s2, s16  }
0x8e: {  	[smem:$0x3FBC] =	sst s2  }
0x8f: {  	_ = 	snop  }
0x90: {  	(tm) =	ssettm $0x1  }
0x91: {  	s17 =	sld [smem:$0x3FFB];
	_ =	sdelay $0x3  }
0x92: {  	_ =	strace s17  }
0x93: {  	s2 =	sld [smem:$0x3FFC];
	_ =	sdelay $0x3  }
0x94: {  	_ =	strace s2  }
0x95: {  	s2 =	sld [smem:$0x3FFD];
	_ =	sdelay $0x3  }
0x96: {  	_ =	strace s2  }
0x97: {  	_ =	strace $0x8FFFFFFF  }
0x98: {  	s18 =	sld [smem:$0x3FDB];
	_ =	sdelay $0x1  }
0x99: {  	s19 =	simm.s32 $_scs_section_size  }
0x9a: {  	s4 =	simm.s32 $_size__tile_overlayer_lowered;
	s5 =	simm.s32 $_tile_overlayer_lowered  }
0x9b: {  	s22 =	simm.s32 $0x1BFF;
	s21 =	sshll.u32 s5, $0x1;
	s2 =	sadd.s32 s19, s18  }
0x9c: {  	s6 =	simm.s32 $0x0;
	s20 =	sshll.u32 s4, $0x1;
	s4 =	sadd.s32 s21, s2  }
0x9d: {  	[timem:s6], [sflag:s22] =	dma.local [hbm:s4], s20  }
0x9e: {  	_ =	swait.ge [sflag:s22], s20  }
0x9f: {  	s3 =	ssub.s32 $0x0, s20;
	[sflag:s22] =	ssyncset.done $0x0  }
0xa0: {  	[sflag:s22] =	ssyncadd.s32 s3;
	_ =	sdelay $0x1  }
0xa1: {  	s23 =	simm.s32 $0x1B8B  }
0xa2: {  	_ =	swait.ge [sflag:s23], $0x1  }
0xa3: {  	[sflag:s23] =	ssyncset.done $0x0  }
0xa4: {  	s25 =	simm.s32 $0x1B8E;
	s24 =	sld [smem:$0x3FFE];
	[sflag:s23] =	ssyncadd.s32 $0xFFFFFFFF  }
0xa5: {  	s26 =	simm.s32 $execute0_lowered;
	[smem:$0x3FD2] =	sst s25  }
0xa6: {  	s4 =	sshll.u32 s26, $0x1;
	_ =	strace $0x8000004C;
	[dreg:$0x1] =	wrdreg $0xFFFFFFFF  }
0xa7: {  	s28 =	simm.s32 $_size_execute0_lowered;
	s2 =	sadd.s32 s2, s4;
	[dreg:$0x0] =	wrdreg $0x0  }
0xa8: {  	s4 =	sshll.u32 s28, $0x1;
	[dreg:$0x2] =	wrdreg s2  }
0xa9: {  	[dreg:$0x3] =	wrdreg s4  }
0xaa: {  	[dreg:$0x4] =	wrdreg $0xC0  }
0xab: {  	_ =	task [dreg:s6], $0x5FFFF  }
0xac: {  	[dreg:$0x1] =	wrdreg $0xFFFFFFFF  }
0xad: {  	[dreg:$0x0] =	wrdreg $0x60  }
0xae: {  	[dreg:$0x2] =	wrdreg s24  }
0xaf: {  	[dreg:$0x3] =	wrdreg $0x120000  }
0xb0: {  	[dreg:$0x4] =	wrdreg $0x170000  }
0xb1: {  	[dreg:$0x5] =	wrdreg $0x9  }
0xb2: {  	_ =	task.clear_ibuf [dreg:s6], $0x6FFFF;
	_ =	strace $0x9000004C  }
0xb3: {  	s29 =	simm.s32 $0x9;
	_ =	strace $0x8000004E  }
0xb4: {  	_ =	swait.ge [sflag:s29], $0x1  }
0xb5: {  	[sflag:s29] =	ssyncadd.s32 $0xFFFFFFFF  }
0xb6: {  	_ =	strace $0x9000004E  }
0xb7: {  	_ =	sfence  }
0xb8: {  	s30 =	sld [smem:$0x0];
	_ =	sdelay $0x2  }
0xb9: {  	s31 =	sshll.u32 s1, $0xD;
	s1 =	sshrl.u32 s1, $0x2  }
0xba: {  	s3 =	sand.u32 $0x4000, s31;
	s1 =	sadd.s32 s1, s30  }
0xbb: {  	s0 =	sor.u32 s3, s0;
	s1 =	sshll.u32 s1, $0x11  }
0xbc: {  	s0 =	sor.u32 s1, s0  }
0xbd: {  	s0 =	sadd.s32 $0x8F2B, s0  }
0xbe: {  	[sflag:s0] =	ssyncadd.remote.s32 $0x1  }
0xbf: {  	_ =	sfence.sel $0xFFFF  }
0xc0: {  	[dreg:$0x0] =	wrdreg $0xFFFFFFFF;
	(pc) =	sbr.abs _section_cstart, $3  }
0xc1: {  	[dreg:$0x1] =	wrdreg $0xFFFFFFFF  }
0xc2: {  	_ =	task.clear_ibuf [dreg:s6], $0x2FFFF;
	_ =	strace $0x9FFFFFFF  }
0xc3: {  	(tm) =	ssettm $0x7FFFFFFF  }
tec
execute0_lowered:
.L_overlay_start_1:
0x0: {  	(tag) =	ssettag $0x1  }
0x1: {  	s0 =	rddreg [dreg:$0x0]  }
0x2: {  	s2 =	rddreg [dreg:$0x1]  }
0x3: {  	s3 =	rddreg [dreg:$0x2]  }
0x4: {  	s8 =	stileid.u32;
	s5 =	simm.s32 $0x0;
	s4 =	srdreg.scid  }
0x5: {  	s14 =	simm.s32 $0x1;
	s15 =	simm.s32 $0x4;
	s28 =	simm.s32 $0xC000  }
0x6: {  	s30 =	simm.s32 $0xD000;
	s12 =	simm.s32 $0xF000;
	s29 =	simm.s32 $0x10000  }
0x7: {  	s31 =	simm.s32 $0x3;
	s9 =	simm.s32 $0x7;
	s10 =	simm.s32 $0xD  }
0x8: {  	s11 =	simm.s32 $0xE;
	s13 =	simm.s32 $0x0;
	s1 =	smul.u32 $0xA00, s8  }
0x9: {  	[smem:$0x7FF] =	sst s5;
	s4 =	sand.u32 $0x1, s4;
	s16 =	smul.u32 $0xA000, s8  }
0xa: {  	s7 =	smul.u32 $0x5000, s8;
	s20 =	sshll.u32 s8, $0x6;
	_ =	strace $0x8000004D  }
0xb: {  	s6 =	sshll.u32 s4, $0x5;
	s4 =	ssub.s32 $0x2, s4;
	s22 =	sor.u32 $0x1C0B, s20  }
0xc: {  	[dreg:$0x6] =	wrdreg s20;
	s25 =	sor.u32 $0x1C0C, s20;
	s20 =	simm.s32 $0xA  }
0xd: {  	s1 =	sadd.s32 s1, s0;
	s5 =	sor.u32 s6, s16;
	s17 =	sshrl.u32 s4, $0x1  }
0xe: {  	s19 =	sadd.s32 s7, s2;
	[dreg:$0x8] =	wrdreg s22;
	s23 =	sadd.s32 s7, s3  }
0xf: {  	s16 =	simm.s32 $0x8;
	[dreg:$0xc] =	wrdreg s25;
	s22 =	simm.s32 $0xC  }
0x10: {  	s25 =	simm.s32 $0xB000;
	s6 =	simm.s32 $0x6;
	s5 =	sshrl.u32 s5, $0x3  }
0x11: {  	s4 =	ssub.s32 s4, s17;
	s18 =	sadd.s32 $0x16C00, s1;
	s1 =	sadd.s32 $0x2C00, s1  }
0x12: {  	s8 =	sshrl.u32 s19, $0x3;
	s26 =	sshrl.u32 s23, $0x3;
	s19 =	simm.s32 $0x9  }
0x13: {  	s23 =	simm.s32 $0x80;
	s17 =	simm.s32 $0xF;
	[dreg:$0x4] =	wrdreg s18  }
0x14: {  	s0 =	sadd.s32 s5, s0;
	[dreg:$0x5] =	wrdreg s1;
	s24 =	smax.u32 s4, $0x1  }
.Ltmp0:
0x15: {  	[dreg:$0xd] =	wrdreg s26;
	s1 =	simm.s32 $0x11000;
	(pc) =	sbr.rel .LBB2_1-.Ltmp0, $4  }
0x16: {  	s26 =	simm.s32 $0x2;
	s5 =	simm.s32 $0x5;
	[dreg:$0xb] =	wrdreg s8  }
0x17: {  	s18 =	simm.s32 $0x10;
	s21 =	sadd.s32 $0x70C00, s0;
	[dreg:$0xa] =	wrdreg s24  }
0x18: {  	s0 =	sadd.s32 $0x84C00, s0;
	s24 =	simm.s32 $0xA000;
	[dreg:$0x7] =	wrdreg s21  }
0x19: {  	[dreg:$0x9] =	wrdreg s0;
	s21 =	simm.s32 $0xB;
	s0 =	simm.s32 $0xE000  }
.LBB2_4:
0x1a: {  	_ =	swait.ge [sflag:s20], $0x1000  }
0x1b: {  	[sflag:s20] =	ssyncset.done $0x0  }
0x1c: {  	[sflag:s20] =	ssyncadd.s32 $0xFFFFF000  }
0x1d: {  	_ =	swait.ge [sflag:s21], $0x1000  }
0x1e: {  	[sflag:s21] =	ssyncset.done $0x0  }
0x1f: {  	[sflag:s21] =	ssyncadd.s32 $0xFFFFF000  }
0x20: {  	_ =	swait.ge [sflag:s22], $0x1000  }
0x21: {  	[sflag:s22] =	ssyncset.done $0x0  }
0x22: {  	[sflag:s22] =	ssyncadd.s32 $0xFFFFF000  }
0x23: {  	_ =	swait.ge [sflag:s10], $0x1000  }
0x24: {  	[sflag:s10] =	ssyncset.done $0x0  }
0x25: {  	[sflag:s10] =	ssyncadd.s32 $0xFFFFF000  }
0x26: {  	_ =	swait.ge [sflag:s11], $0x1000  }
0x27: {  	[sflag:s11] =	ssyncset.done $0x0  }
0x28: {  	[sflag:s11] =	ssyncadd.s32 $0xFFFFF000  }
0x29: {  	_ =	swait.ge [sflag:s17], $0x1000  }
0x2a: {  	[sflag:s17] =	ssyncset.done $0x0  }
0x2b: {  	[sflag:s17] =	ssyncadd.s32 $0xFFFFF000  }
0x2c: {  	_ =	swait.ge [sflag:s18], $0x1000  }
0x2d: {  	[sflag:s18] =	ssyncset.done $0x0  }
0x2e: {  	[sflag:s18] =	ssyncadd.s32 $0xFFFFF000  }
0x2f: {  	[bflag:$0x0] =	sbarrier.arrive $0xFFFF  }
0x30: {  	s7 =	rddreg [dreg:$0x6]  }
0x31: {  	s8 =	rddreg [dreg:$0x9]  }
0x32: {  	s4 =	rddreg [dreg:$0xb];
	s7 =	sor.u32 $0x1C11, s7  }
0x33: {  	[hbm:s8@s16], [sflag:s7] =	dma.strided [spmem:s4@s15], $0xA00, s14, $0x4   }
0x34: {  	s8 =	smov.u32 s4;
	s4 =	simm.s32 $0x11  }
0x35: {  	_ =	swait.ge [sflag:s4], $0xA00  }
0x36: {  	s13 =	rddreg [dreg:$0xe]  }
0x37: {  	s7 =	rddreg [dreg:$0xa];
	s13 =	sadd.s32 $0x1, s13  }
0x38: {  	p0 =	sne.s32 s13, s7  }
.Ltmp1:
0x39: {  	_ = 	snop;
	(pc) =	sbr.rel @!p0 .LBB2_5-.Ltmp1, $3  }
0x3a: {  	_ =	sdelay $0x1  }
0x3b: {  	[sflag:s4] =	ssyncset.done $0x0  }
0x3c: {  	[sflag:s4] =	ssyncadd.s32 $0xFFFFF600  }
.LBB2_1:
0x3d: {  	[dreg:$0xe] =	wrdreg s13  }
0x3e: {  	s7 =	simm.s32 $0x0;
	s13 =	rddreg [dreg:$0x4]  }
0x3f: {  	[tilespmem:s7], [sflag:$0x9] =	stream.linear.gather [hbm4b:s13+s7], $0x5000, $0x38;
	[tilespmem:$0x1C000] =	vst v63  }
0x40: {  	s4 =	smov.u32 s8;
	s8 =	rddreg [dreg:$0x5];
	s13 =	simm.s32 $0x5000  }
0x41: {  	[tilespmem:s13], [sflag:$0xA] =	stream.linear.gather [hbm4b:s8+s7], $0x5000, $0x38;
	[tilespmem:$0x1C000] =	vst v63  }
0x42: {  	s8 =	rddreg [dreg:$0x7]  }
0x43: {  	s13 =	rddreg [dreg:$0x8]  }
0x44: {  	[spmem:s4@s15], [sflag:s13] =	dma.strided [hbm:s8@s16], $0xA00, s14, $0x4   }
0x45: {  	s4 =	rddreg [dreg:$0xc]  }
0x46: {  	s13 =	rddreg [dreg:$0xd]  }
0x47: {  	[spmem:s13@s15], [sflag:s4] =	dma.strided [hbm:s8@s16], $0xA00, s14, $0x4   }
0x48: {  	_ =	swait.ge [sflag:s19], $0x5000  }
0x49: {  	[sflag:s19] =	ssyncset.done $0x0  }
0x4a: {  	[sflag:s19] =	ssyncadd.s32 $0xFFFFB000  }
0x4b: {  	_ =	swait.ge [sflag:s20], $0x5000  }
0x4c: {  	[sflag:s20] =	ssyncset.done $0x0  }
0x4d: {  	[sflag:s20] =	ssyncadd.s32 $0xFFFFB000  }
0x4e: {  	_ =	swait.ge [sflag:s21], $0xA00  }
0x4f: {  	[sflag:s21] =	ssyncset.done $0x0  }
0x50: {  	[sflag:s21] =	ssyncadd.s32 $0xFFFFF600  }
0x51: {  	_ =	swait.ge [sflag:s22], $0xA00  }
0x52: {  	[sflag:s22] =	ssyncset.done $0x0  }
0x53: {  	[sflag:s22] =	ssyncadd.s32 $0xFFFFF600  }
0x54: {  	[bflag:$0x0] =	sbarrier.arrive $0xFFFF  }
0x55: {  	[tilespmem:s24], [sflag:$0x1] =	stream.indirect.gather [spmem:s3], $0x20, s7, s23, $0xb8;
	[tilespmem:$0x1C000] =	vst v63  }
0x56: {  	_ = 	snop  }
0x57: {  	[tilespmem:s25], [sflag:$0x2] =	stream.indirect.gather [spmem:s3], $0x20, s23, s23, $0xb8;
	[tilespmem:$0x1C000] =	vst v63  }
0x58: {  	s7 =	simm.s32 $0x100  }
0x59: {  	[tilespmem:s28], [sflag:$0x3] =	stream.indirect.gather [spmem:s3], $0x20, s7, s23, $0xb8;
	[tilespmem:$0x1C000] =	vst v63  }
0x5a: {  	s8 =	simm.s32 $0x180  }
0x5b: {  	[tilespmem:s30], [sflag:$0x4] =	stream.indirect.gather [spmem:s3], $0x20, s8, s23, $0xb8;
	[tilespmem:$0x1C000] =	vst v63  }
0x5c: {  	s13 =	simm.s32 $0x200  }
0x5d: {  	[tilespmem:s0], [sflag:$0x5] =	stream.indirect.gather [spmem:s3], $0x20, s13, s23, $0xb8;
	[tilespmem:$0x1C000] =	vst v63  }
0x5e: {  	s7 =	simm.s32 $0x280  }
0x5f: {  	[tilespmem:s12], [sflag:$0x6] =	stream.indirect.gather [spmem:s3], $0x20, s7, s23, $0xb8;
	[tilespmem:$0x1C000] =	vst v63  }
0x60: {  	s8 =	simm.s32 $0x300  }
0x61: {  	[tilespmem:s29], [sflag:$0x7] =	stream.indirect.gather [spmem:s3], $0x20, s8, s23, $0xb8;
	[tilespmem:$0x1C000] =	vst v63  }
0x62: {  	s13 =	simm.s32 $0x380;
	s7 =	simm.s32 $0x0  }
0x63: {  	[tilespmem:s1], [sflag:$0x8] =	stream.indirect.gather [spmem:s3], $0x20, s13, s23, $0xb8;
	[tilespmem:$0x1C000] =	vst v63  }
.LBB2_2:
0x64: {  	_ =	swait.ge [sflag:s14], $0x1000  }
0x65: {  	s8 =	sshra.s32 s7, $0x2;
	[sflag:s14] =	ssyncset.done $0x0  }
0x66: {  	s13 =	sadd.s32 $0x5000, s8;
	[sflag:s14] =	ssyncadd.s32 $0xFFFFF000  }
0x67: {  	[spmem:s2] =	stream.indirect.scatter.add.f32 [tilespmem:s24], [sflag:$0x9], $0x20, s13, s23, $0xb8;
	[tilespmem:$0x1C000] =	vst v63  }
0x68: {  	_ =	swait.ge [sflag:s26], $0x1000  }
0x69: {  	[sflag:s26] =	ssyncset.done $0x0  }
0x6a: {  	s4 =	sadd.s32 $0x5080, s8;
	[sflag:s26] =	ssyncadd.s32 $0xFFFFF000  }
0x6b: {  	[spmem:s2] =	stream.indirect.scatter.add.f32 [tilespmem:s25], [sflag:$0xA], $0x20, s4, s23, $0xb8;
	[tilespmem:$0x1C000] =	vst v63  }
0x6c: {  	_ =	swait.ge [sflag:s31], $0x1000  }
0x6d: {  	[sflag:s31] =	ssyncset.done $0x0  }
0x6e: {  	s4 =	sadd.s32 $0x5100, s8;
	[sflag:s31] =	ssyncadd.s32 $0xFFFFF000  }
0x6f: {  	[spmem:s2] =	stream.indirect.scatter.add.f32 [tilespmem:s28], [sflag:$0xB], $0x20, s4, s23, $0xb8;
	[tilespmem:$0x1C000] =	vst v63  }
0x70: {  	_ =	swait.ge [sflag:s15], $0x1000  }
0x71: {  	[sflag:s15] =	ssyncset.done $0x0  }
0x72: {  	s4 =	sadd.s32 $0x5180, s8;
	[sflag:s15] =	ssyncadd.s32 $0xFFFFF000  }
0x73: {  	[spmem:s2] =	stream.indirect.scatter.add.f32 [tilespmem:s30], [sflag:$0xC], $0x20, s4, s23, $0xb8;
	[tilespmem:$0x1C000] =	vst v63  }
0x74: {  	_ =	swait.ge [sflag:s5], $0x1000  }
0x75: {  	[sflag:s5] =	ssyncset.done $0x0  }
0x76: {  	s4 =	sadd.s32 $0x5200, s8;
	[sflag:s5] =	ssyncadd.s32 $0xFFFFF000  }
0x77: {  	[spmem:s2] =	stream.indirect.scatter.add.f32 [tilespmem:s0], [sflag:$0xD], $0x20, s4, s23, $0xb8;
	[tilespmem:$0x1C000] =	vst v63  }
0x78: {  	_ =	swait.ge [sflag:s6], $0x1000  }
0x79: {  	[sflag:s6] =	ssyncset.done $0x0  }
0x7a: {  	s4 =	sadd.s32 $0x5280, s8;
	[sflag:s6] =	ssyncadd.s32 $0xFFFFF000  }
0x7b: {  	[spmem:s2] =	stream.indirect.scatter.add.f32 [tilespmem:s12], [sflag:$0xE], $0x20, s4, s23, $0xb8;
	[tilespmem:$0x1C000] =	vst v63  }
0x7c: {  	_ =	swait.ge [sflag:s9], $0x1000  }
0x7d: {  	[sflag:s9] =	ssyncset.done $0x0  }
0x7e: {  	s4 =	sadd.s32 $0x5300, s8;
	[sflag:s9] =	ssyncadd.s32 $0xFFFFF000  }
0x7f: {  	[spmem:s2] =	stream.indirect.scatter.add.f32 [tilespmem:s29], [sflag:$0xF], $0x20, s4, s23, $0xb8;
	[tilespmem:$0x1C000] =	vst v63  }
0x80: {  	_ =	swait.ge [sflag:s16], $0x1000  }
0x81: {  	p0 =	seq.s32 s7, $0x13000;
	[sflag:s16] =	ssyncset.done $0x0  }
.Ltmp2:
0x82: {  	s4 =	sadd.s32 $0x5380, s8;
	[sflag:s16] =	ssyncadd.s32 $0xFFFFF000;
	(pc) =	sbr.rel @p0 .LBB2_4-.Ltmp2, $4  }
0x83: {  	[spmem:s2] =	stream.indirect.scatter.add.f32 [tilespmem:s1], [sflag:$0x10], $0x20, s4, s23, $0xb8;
	[tilespmem:$0x1C000] =	vst v63  }
0x84: {  	_ =	swait.ge [sflag:s19], $0x1000  }
0x85: {  	[sflag:s19] =	ssyncset.done $0x0  }
0x86: {  	[sflag:s19] =	ssyncadd.s32 $0xFFFFF000  }
0x87: {  	s13 =	sadd.s32 $0x400, s8  }
0x88: {  	[tilespmem:s24], [sflag:$0x1] =	stream.indirect.gather [spmem:s3], $0x20, s13, s23, $0xb8;
	[tilespmem:$0x1C000] =	vst v63  }
0x89: {  	_ =	swait.ge [sflag:s20], $0x1000  }
0x8a: {  	[sflag:s20] =	ssyncset.done $0x0  }
0x8b: {  	s4 =	sadd.s32 $0x480, s8;
	[sflag:s20] =	ssyncadd.s32 $0xFFFFF000  }
0x8c: {  	[tilespmem:s25], [sflag:$0x2] =	stream.indirect.gather [spmem:s3], $0x20, s4, s23, $0xb8;
	[tilespmem:$0x1C000] =	vst v63  }
0x8d: {  	_ =	swait.ge [sflag:s21], $0x1000  }
0x8e: {  	[sflag:s21] =	ssyncset.done $0x0  }
0x8f: {  	s4 =	sadd.s32 $0x500, s8;
	[sflag:s21] =	ssyncadd.s32 $0xFFFFF000  }
0x90: {  	[tilespmem:s28], [sflag:$0x3] =	stream.indirect.gather [spmem:s3], $0x20, s4, s23, $0xb8;
	[tilespmem:$0x1C000] =	vst v63  }
0x91: {  	_ =	swait.ge [sflag:s22], $0x1000  }
0x92: {  	[sflag:s22] =	ssyncset.done $0x0  }
0x93: {  	s4 =	sadd.s32 $0x580, s8;
	[sflag:s22] =	ssyncadd.s32 $0xFFFFF000  }
0x94: {  	[tilespmem:s30], [sflag:$0x4] =	stream.indirect.gather [spmem:s3], $0x20, s4, s23, $0xb8;
	[tilespmem:$0x1C000] =	vst v63  }
0x95: {  	_ =	swait.ge [sflag:s10], $0x1000  }
0x96: {  	[sflag:s10] =	ssyncset.done $0x0  }
0x97: {  	s4 =	sadd.s32 $0x600, s8;
	[sflag:s10] =	ssyncadd.s32 $0xFFFFF000  }
0x98: {  	[tilespmem:s0], [sflag:$0x5] =	stream.indirect.gather [spmem:s3], $0x20, s4, s23, $0xb8;
	[tilespmem:$0x1C000] =	vst v63  }
0x99: {  	_ =	swait.ge [sflag:s11], $0x1000  }
0x9a: {  	[sflag:s11] =	ssyncset.done $0x0  }
0x9b: {  	s4 =	sadd.s32 $0x680, s8;
	[sflag:s11] =	ssyncadd.s32 $0xFFFFF000  }
0x9c: {  	[tilespmem:s12], [sflag:$0x6] =	stream.indirect.gather [spmem:s3], $0x20, s4, s23, $0xb8;
	[tilespmem:$0x1C000] =	vst v63  }
0x9d: {  	_ =	swait.ge [sflag:s17], $0x1000  }
0x9e: {  	[sflag:s17] =	ssyncset.done $0x0  }
0x9f: {  	s4 =	sadd.s32 $0x700, s8;
	[sflag:s17] =	ssyncadd.s32 $0xFFFFF000  }
0xa0: {  	[tilespmem:s29], [sflag:$0x7] =	stream.indirect.gather [spmem:s3], $0x20, s4, s23, $0xb8;
	[tilespmem:$0x1C000] =	vst v63  }
.Ltmp3:
0xa1: {  	_ = 	snop;
	(pc) =	sbr.rel .LBB2_2-.Ltmp3, $4  }
0xa2: {  	_ =	swait.ge [sflag:s18], $0x1000  }
0xa3: {  	[sflag:s18] =	ssyncset.done $0x0  }
0xa4: {  	s7 =	sadd.s32 $0x1000, s7;
	s13 =	sadd.s32 $0x780, s8;
	[sflag:s18] =	ssyncadd.s32 $0xFFFFF000  }
0xa5: {  	[tilespmem:s1], [sflag:$0x8] =	stream.indirect.gather [spmem:s3], $0x20, s13, s23, $0xb8;
	[tilespmem:$0x1C000] =	vst v63  }
.LBB2_5:
0xa6: {  	_ =	sfence.sel $0x180000  }
0xa7: {  	[bflag:$0x0] =	sbarrier.arrive $0xFFFF  }
0xa8: {  	_ =	strace $0x9000004D  }
0xa9: {  	s0 =	stileid.u32;
	[bflag:$0x2] =	sbarrier.arrive $0xFFFF  }
0xaa: {  	p0 =	sne.s32 s0, $0x0;
	s0 =	rddreg [dreg:$0x3]  }
0xab: {  	s0 =	sadd.s32 @!p0 $0x100000, s0  }
0xac: {  	[sflag:s0] =	ssyncadd.tile.s32 @!p0 $0x1;
	_ =	shalt  }
.Lfunc_end2:
_tile_overlayer_lowered:
.L_overlay_start_2:
0xad: {  	(tag) =	ssettag $0x2  }
0xae: {  	s0 =	rddreg [dreg:$0x0];
	s2 =	stileid.u32  }
0xaf: {  	s1 =	rddreg [dreg:$0x1];
	p0 =	sne.s32 s2, $0x0  }
0xb0: {  	s3 =	rddreg [dreg:$0x2];
	[bflag:$0x3] =	sbarrier.arrive $0xFFFF;
	s2 =	simm.s32 @!p0 $0x1C11  }
0xb1: {  	[timem:s3], [sflag:s2] =	dma.local @!p0 [hbm:s0], s1  }
0xb2: {  	s0 =	simm.s32 @!p0 $0x11  }
0xb3: {  	_ =	swait.ge @!p0 [sflag:s0], s1  }
0xb4: {  	s1 =	ssub.s32 @!p0 $0x0, s1;
	[sflag:s0] =	ssyncset.done @!p0 $0x0  }
0xb5: {  	[sflag:s0] =	ssyncadd.s32 @!p0 s1  }
0xb6: {  	[bflag:$0x3] =	sbarrier.arrive $0xFFFF  }
0xb7: {  	_ =	shalt  }

// kernel: kernel.21.cloned.1.call-start
scs
__scs_entry_jumppad:
0x0: {  	(pc) =	sbr.rel $0x88, $3  }
0x1: {  	(tag) =	ssettag $0x0;
	lr =	simm.s32 $0x1  }
0x2: {  	[smem:$0x3F95] =	sst lr;
	_ =	strace $0xD0000000  }
0x3: {  	_ = 	snop  }
0x4: {  	_ = 	snop  }
0x5: {  	_ = 	snop  }
0x6: {  	_ = 	snop  }
0x7: {  	_ = 	snop  }
__scs_overlays_trampoline_lowered:
0x8: {  	[smem:$0x3FA4] =	sst s0  }
0x9: {  	[smem:$0x3FA5] =	sst s1  }
0xa: {  	[smem:$0x3FA6] =	sst s2  }
0xb: {  	[smem:$0x3FA7] =	sst s3  }
0xc: {  	[smem:$0x3FA8] =	sst s4  }
0xd: {  	[smem:$0x3FA9] =	sst s5  }
0xe: {  	[smem:$0x3FAA] =	sst s6  }
0xf: {  	[smem:$0x3FAB] =	sst s7  }
0x10: {  	[smem:$0x3FAC] =	sst s8  }
0x11: {  	[smem:$0x3FAD] =	sst s9;
	s0 =	simm.s32 @!p0 $0x0  }
0x12: {  	s1 =	sld [smem:$0x3F93];
	s0 =	simm.s32 @p0 $0x1  }
0x13: {  	[smem:$0x3FAE] =	sst s0;
	s0 =	simm.s32 @!p1 $0x0  }
0x14: {  	s2 =	sld [smem:$0x3F92];
	s0 =	simm.s32 @p1 $0x1  }
0x15: {  	[smem:$0x3FAF] =	sst s0;
	s0 =	simm.s32 @!p2 $0x0  }
0x16: {  	s3 =	sld [smem:$0x3FDB];
	s0 =	simm.s32 @p2 $0x1  }
0x17: {  	s4 =	simm.s32 $0x1BF5;
	[smem:$0x3FB1] =	sst s0  }
0x18: {  	s0 =	sld [smem:$0x3F94];
	_ =	swait.ge [sflag:s4], $0x0  }
0x19: {  	s7 =	sld [smem:$0x3F95]  }
0x1a: {  	s8 =	sadd.s32 $0xFFFFE003, lr  }
0x1b: {  	s9 =	sadd.s32 $0xFFFFFEF7, lr;
	s5 =	simm.s32 $0xFFFFFFFF;
	p2 =	slt.u32 s8, $0xFFFFF086  }
0x1c: {  	p1 =	slt.u32 s9, $0xF7A;
	s5 =	simm.s32 @!p2 $0x0  }
0x1d: {  	s5 =	simm.s32 @p1 $0x1;
	p0 =	seq.s32 s7, s2  }
0x1e: {  	s7 =	smul.u32 @!p0 $0xF7A, s2;
	p2 =	seq.s32 @!p0 s5, $0x0  }
0x1f: {  	s9 =	smul.u32 $0xF7A, s1;
	s8 =	simm.s32 @!p0 $0x1BF5;
	p2 =	por !p2, p0  }
0x20: {  	[sflag:s8] =	ssyncset.s32 @!p0 $0xFFFFF086;
	s6 =	sadd.s32 @!p0 s3, s7;
	s7 =	simm.s32 @!p0 $0x108  }
0x21: {  	s3 =	sadd.s32 s3, s9;
	s6 =	sadd.s32 @!p0 $0x88, s6;
	s7 =	simm.s32 @p2 $0x1082  }
0x22: {  	[simem:s7], [sflag:s8] =	dma.local @!p0 [hbm:s6], $0xF7A  }
0x23: {  	s9 =	sor.u32 $0xD0000000, s2;
	s6 =	simm.s32 $0x108;
	_ =	swait.ge @!p0 [sflag:s8], $0x0  }
0x24: {  	s3 =	sadd.s32 $0x88, s3;
	s6 =	simm.s32 @!p1 $0x1082;
	[sflag:s4] =	ssyncset.s32 $0xFFFFF086  }
0x25: {  	[simem:s6], [sflag:s4] =	dma.local [hbm:s3], $0xF7A  }
0x26: {  	[smem:$0x3F95] =	sst s1;
	(tag) =	ssettag s2;
	_ =	strace s9  }
0x27: {  	s1 =	sld [smem:$0x3FA5]  }
0x28: {  	s2 =	sld [smem:$0x3FA6]  }
0x29: {  	s4 =	sld [smem:$0x3FA8]  }
0x2a: {  	p0 =	seq.s32 s5, $0x0;
	s5 =	sld [smem:$0x3FA9]  }
0x2b: {  	s6 =	sld [smem:$0x3FAA]  }
0x2c: {  	s7 =	sld [smem:$0x3FAB]  }
0x2d: {  	s3 =	simm.s32 $0x108;
	s8 =	sld [smem:$0x3FAC]  }
0x2e: {  	s3 =	simm.s32 @!p0 $0x1082;
	s9 =	sld [smem:$0x3FAD]  }
0x2f: {  	lr =	sadd.s32 s0, s3;
	s0 =	sld [smem:$0x3FA4]  }
0x30: {  	s3 =	sld [smem:$0x3FA7]  }
0x31: {  	[smem:$0x3FB0] =	sst s10  }
0x32: {  	s10 =	sld [smem:$0x3FAE];
	_ =	sdelay $0x3  }
0x33: {  	p0 =	seq.s32 s10, $0x1;
	s10 =	sld [smem:$0x3FB0];
	_ =	sdelay $0x3  }
0x34: {  	[smem:$0x3FB0] =	sst s10  }
0x35: {  	s10 =	sld [smem:$0x3FAF];
	_ =	sdelay $0x3  }
0x36: {  	p1 =	seq.s32 s10, $0x1;
	s10 =	sld [smem:$0x3FB0];
	_ =	sdelay $0x3  }
0x37: {  	[smem:$0x3FB0] =	sst s10  }
0x38: {  	s10 =	sld [smem:$0x3FB1]  }
0x39: {  	_ = 	snop;
	(pc) =	sbr.ind lr, $3  }
0x3a: {  	_ = 	snop  }
0x3b: {  	_ = 	snop  }
0x3c: {  	p2 =	seq.s32 s10, $0x1;
	s10 =	sld [smem:$0x3FB0]  }
0x3d: {  	_ =	shalt  }
0x3e: {  	_ =	shalt  }
0x3f: {  	_ =	shalt  }
0x40: {  	_ =	shalt  }
0x41: {  	_ =	shalt  }
0x42: {  	_ =	shalt  }
0x43: {  	_ =	shalt  }
0x44: {  	_ =	shalt  }
0x45: {  	_ =	shalt  }
0x46: {  	_ =	shalt  }
0x47: {  	_ =	shalt  }
0x48: {  	_ =	shalt  }
0x49: {  	_ =	shalt  }
0x4a: {  	_ =	shalt  }
0x4b: {  	_ =	shalt  }
0x4c: {  	_ =	shalt  }
0x4d: {  	_ =	shalt  }
0x4e: {  	_ =	shalt  }
0x4f: {  	_ =	shalt  }
0x50: {  	_ =	shalt  }
0x51: {  	_ =	shalt  }
0x52: {  	_ =	shalt  }
0x53: {  	_ =	shalt  }
0x54: {  	_ =	shalt  }
0x55: {  	_ =	shalt  }
0x56: {  	_ =	shalt  }
0x57: {  	_ =	shalt  }
0x58: {  	_ =	shalt  }
0x59: {  	_ =	shalt  }
0x5a: {  	_ =	shalt  }
0x5b: {  	_ =	shalt  }
0x5c: {  	_ =	shalt  }
0x5d: {  	_ =	shalt  }
0x5e: {  	_ =	shalt  }
0x5f: {  	_ =	shalt  }
0x60: {  	_ =	shalt  }
0x61: {  	_ =	shalt  }
0x62: {  	_ =	shalt  }
0x63: {  	_ =	shalt  }
0x64: {  	_ =	shalt  }
0x65: {  	_ =	shalt  }
0x66: {  	_ =	shalt  }
0x67: {  	_ =	shalt  }
0x68: {  	_ =	shalt  }
0x69: {  	_ =	shalt  }
0x6a: {  	_ =	shalt  }
0x6b: {  	_ =	shalt  }
0x6c: {  	_ =	shalt  }
0x6d: {  	_ =	shalt  }
0x6e: {  	_ =	shalt  }
0x6f: {  	_ =	shalt  }
0x70: {  	_ =	shalt  }
0x71: {  	_ =	shalt  }
0x72: {  	_ =	shalt  }
0x73: {  	_ =	shalt  }
0x74: {  	_ =	shalt  }
0x75: {  	_ =	shalt  }
0x76: {  	_ =	shalt  }
0x77: {  	_ =	shalt  }
0x78: {  	_ =	shalt  }
0x79: {  	_ =	shalt  }
0x7a: {  	_ =	shalt  }
0x7b: {  	_ =	shalt  }
0x7c: {  	_ =	shalt  }
0x7d: {  	_ =	shalt  }
0x7e: {  	_ =	shalt  }
0x7f: {  	_ =	shalt  }
0x80: {  	_ =	shalt  }
0x81: {  	_ =	shalt  }
0x82: {  	_ =	shalt  }
0x83: {  	_ =	shalt  }
0x84: {  	_ =	shalt  }
0x85: {  	_ =	shalt  }
0x86: {  	_ =	shalt  }
0x87: {  	_ =	shalt  }
.Lfunc_end0:
.L_simem_size_0:
called_computation.3_lowered:
.L_overlay_start_0:
0x88: {  	s2 =	sld [smem:$0x3FD9]  }
0x89: {  	s3 =	sld [smem:$0x3FFE];
	_ =	sdelay $0x1  }
0x8a: {  	s1 =	srdreg.scid  }
0x8b: {  	s0 =	sand.u32 $0x1, s1  }
0x8c: {  	s16 =	sshll.u32 s0, $0xA;
	s2 =	sadd.s32 s3, s2  }
0x8d: {  	s2 =	sadd.s32 s2, s16  }
0x8e: {  	[smem:$0x3FBC] =	sst s2  }
0x8f: {  	_ = 	snop  }
0x90: {  	(tm) =	ssettm $0x1  }
0x91: {  	s17 =	sld [smem:$0x3FFB];
	_ =	sdelay $0x3  }
0x92: {  	_ =	strace s17  }
0x93: {  	s2 =	sld [smem:$0x3FFC];
	_ =	sdelay $0x3  }
0x94: {  	_ =	strace s2  }
0x95: {  	s2 =	sld [smem:$0x3FFD];
	_ =	sdelay $0x3  }
0x96: {  	_ =	strace s2  }
0x97: {  	_ =	strace $0x8FFFFFFF  }
0x98: {  	s18 =	sld [smem:$0x3FDB];
	_ =	sdelay $0x1  }
0x99: {  	s19 =	simm.s32 $_scs_section_size  }
0x9a: {  	s4 =	simm.s32 $_size__tile_overlayer_lowered;
	s5 =	simm.s32 $_tile_overlayer_lowered  }
0x9b: {  	s22 =	simm.s32 $0x1BFF;
	s21 =	sshll.u32 s5, $0x1;
	s2 =	sadd.s32 s19, s18  }
0x9c: {  	s6 =	simm.s32 $0x0;
	s20 =	sshll.u32 s4, $0x1;
	s4 =	sadd.s32 s21, s2  }
0x9d: {  	[timem:s6], [sflag:s22] =	dma.local [hbm:s4], s20  }
0x9e: {  	_ =	swait.ge [sflag:s22], s20  }
0x9f: {  	s3 =	ssub.s32 $0x0, s20;
	[sflag:s22] =	ssyncset.done $0x0  }
0xa0: {  	[sflag:s22] =	ssyncadd.s32 s3;
	_ =	sdelay $0x1  }
0xa1: {  	s23 =	simm.s32 $0x1B8B  }
0xa2: {  	_ =	swait.ge [sflag:s23], $0x1  }
0xa3: {  	[sflag:s23] =	ssyncset.done $0x0  }
0xa4: {  	s25 =	simm.s32 $0x1B8E;
	s24 =	sld [smem:$0x3FFE];
	[sflag:s23] =	ssyncadd.s32 $0xFFFFFFFF  }
0xa5: {  	s26 =	simm.s32 $execute0_lowered;
	[smem:$0x3FD2] =	sst s25  }
0xa6: {  	s4 =	sshll.u32 s26, $0x1;
	_ =	strace $0x8000004F;
	[dreg:$0x1] =	wrdreg $0xFFFFFFFF  }
0xa7: {  	s28 =	simm.s32 $_size_execute0_lowered;
	s2 =	sadd.s32 s2, s4;
	[dreg:$0x0] =	wrdreg $0x0  }
0xa8: {  	s4 =	sshll.u32 s28, $0x1;
	[dreg:$0x2] =	wrdreg s2  }
0xa9: {  	[dreg:$0x3] =	wrdreg s4  }
0xaa: {  	[dreg:$0x4] =	wrdreg $0xC0  }
0xab: {  	_ =	task [dreg:s6], $0x5FFFF  }
0xac: {  	[dreg:$0x1] =	wrdreg $0xFFFFFFFF  }
0xad: {  	[dreg:$0x0] =	wrdreg $0x60  }
0xae: {  	[dreg:$0x2] =	wrdreg s24  }
0xaf: {  	[dreg:$0x3] =	wrdreg $0x120000  }
0xb0: {  	[dreg:$0x4] =	wrdreg $0x170000  }
0xb1: {  	[dreg:$0x5] =	wrdreg $0x9  }
0xb2: {  	_ =	task.clear_ibuf [dreg:s6], $0x6FFFF;
	_ =	strace $0x9000004F  }
0xb3: {  	s29 =	simm.s32 $0x9;
	_ =	strace $0x80000051  }
0xb4: {  	_ =	swait.ge [sflag:s29], $0x1  }
0xb5: {  	[sflag:s29] =	ssyncadd.s32 $0xFFFFFFFF  }
0xb6: {  	_ =	strace $0x90000051  }
0xb7: {  	_ =	sfence  }
0xb8: {  	s30 =	sld [smem:$0x0];
	_ =	sdelay $0x2  }
0xb9: {  	s31 =	sshll.u32 s1, $0xD;
	s1 =	sshrl.u32 s1, $0x2  }
0xba: {  	s3 =	sand.u32 $0x4000, s31;
	s1 =	sadd.s32 s1, s30  }
0xbb: {  	s0 =	sor.u32 s3, s0;
	s1 =	sshll.u32 s1, $0x11  }
0xbc: {  	s0 =	sor.u32 s1, s0  }
0xbd: {  	s0 =	sadd.s32 $0x8F2B, s0  }
0xbe: {  	[sflag:s0] =	ssyncadd.remote.s32 $0x1  }
0xbf: {  	_ =	sfence.sel $0xFFFF  }
0xc0: {  	[dreg:$0x0] =	wrdreg $0xFFFFFFFF;
	(pc) =	sbr.abs _section_cstart, $3  }
0xc1: {  	[dreg:$0x1] =	wrdreg $0xFFFFFFFF  }
0xc2: {  	_ =	task.clear_ibuf [dreg:s6], $0x2FFFF;
	_ =	strace $0x9FFFFFFF  }
0xc3: {  	(tm) =	ssettm $0x7FFFFFFF  }
tec
execute0_lowered:
.L_overlay_start_1:
0x0: {  	(tag) =	ssettag $0x1  }
0x1: {  	s0 =	rddreg [dreg:$0x0]  }
0x2: {  	s2 =	rddreg [dreg:$0x1]  }
0x3: {  	s3 =	rddreg [dreg:$0x2]  }
0x4: {  	s8 =	stileid.u32;
	s5 =	simm.s32 $0x0;
	s4 =	srdreg.scid  }
0x5: {  	s14 =	simm.s32 $0x1;
	s15 =	simm.s32 $0x4;
	s28 =	simm.s32 $0xC000  }
0x6: {  	s30 =	simm.s32 $0xD000;
	s12 =	simm.s32 $0xF000;
	s29 =	simm.s32 $0x10000  }
0x7: {  	s31 =	simm.s32 $0x3;
	s9 =	simm.s32 $0x7;
	s10 =	simm.s32 $0xD  }
0x8: {  	s11 =	simm.s32 $0xE;
	s13 =	simm.s32 $0x0;
	s1 =	smul.u32 $0xA00, s8  }
0x9: {  	[smem:$0x7FF] =	sst s5;
	s4 =	sand.u32 $0x1, s4;
	s16 =	smul.u32 $0xA000, s8  }
0xa: {  	s7 =	smul.u32 $0x5000, s8;
	s20 =	sshll.u32 s8, $0x6;
	_ =	strace $0x80000050  }
0xb: {  	s6 =	sshll.u32 s4, $0x5;
	s4 =	ssub.s32 $0x2, s4;
	s22 =	sor.u32 $0x1C0B, s20  }
0xc: {  	[dreg:$0x6] =	wrdreg s20;
	s25 =	sor.u32 $0x1C0C, s20;
	s20 =	simm.s32 $0xA  }
0xd: {  	s1 =	sadd.s32 s1, s0;
	s5 =	sor.u32 s6, s16;
	s17 =	sshrl.u32 s4, $0x1  }
0xe: {  	s19 =	sadd.s32 s7, s2;
	[dreg:$0x8] =	wrdreg s22;
	s23 =	sadd.s32 s7, s3  }
0xf: {  	s16 =	simm.s32 $0x8;
	[dreg:$0xc] =	wrdreg s25;
	s22 =	simm.s32 $0xC  }
0x10: {  	s25 =	simm.s32 $0xB000;
	s6 =	simm.s32 $0x6;
	s5 =	sshrl.u32 s5, $0x3  }
0x11: {  	s4 =	ssub.s32 s4, s17;
	s18 =	sadd.s32 $0x16C00, s1;
	s1 =	sadd.s32 $0x2C00, s1  }
0x12: {  	s8 =	sshrl.u32 s19, $0x3;
	s26 =	sshrl.u32 s23, $0x3;
	s19 =	simm.s32 $0x9  }
0x13: {  	s23 =	simm.s32 $0x80;
	s17 =	simm.s32 $0xF;
	[dreg:$0x4] =	wrdreg s18  }
0x14: {  	s0 =	sadd.s32 s5, s0;
	[dreg:$0x5] =	wrdreg s1;
	s24 =	smax.u32 s4, $0x1  }
.Ltmp0:
0x15: {  	[dreg:$0xd] =	wrdreg s26;
	s1 =	simm.s32 $0x11000;
	(pc) =	sbr.rel .LBB2_1-.Ltmp0, $4  }
0x16: {  	s26 =	simm.s32 $0x2;
	s5 =	simm.s32 $0x5;
	[dreg:$0xb] =	wrdreg s8  }
0x17: {  	s18 =	simm.s32 $0x10;
	s21 =	sadd.s32 $0x70C00, s0;
	[dreg:$0xa] =	wrdreg s24  }
0x18: {  	s0 =	sadd.s32 $0x84C00, s0;
	s24 =	simm.s32 $0xA000;
	[dreg:$0x7] =	wrdreg s21  }
0x19: {  	[dreg:$0x9] =	wrdreg s0;
	s21 =	simm.s32 $0xB;
	s0 =	simm.s32 $0xE000  }
.LBB2_4:
0x1a: {  	_ =	swait.ge [sflag:s20], $0x1000  }
0x1b: {  	[sflag:s20] =	ssyncset.done $0x0  }
0x1c: {  	[sflag:s20] =	ssyncadd.s32 $0xFFFFF000  }
0x1d: {  	_ =	swait.ge [sflag:s21], $0x1000  }
0x1e: {  	[sflag:s21] =	ssyncset.done $0x0  }
0x1f: {  	[sflag:s21] =	ssyncadd.s32 $0xFFFFF000  }
0x20: {  	_ =	swait.ge [sflag:s22], $0x1000  }
0x21: {  	[sflag:s22] =	ssyncset.done $0x0  }
0x22: {  	[sflag:s22] =	ssyncadd.s32 $0xFFFFF000  }
0x23: {  	_ =	swait.ge [sflag:s10], $0x1000  }
0x24: {  	[sflag:s10] =	ssyncset.done $0x0  }
0x25: {  	[sflag:s10] =	ssyncadd.s32 $0xFFFFF000  }
0x26: {  	_ =	swait.ge [sflag:s11], $0x1000  }
0x27: {  	[sflag:s11] =	ssyncset.done $0x0  }
0x28: {  	[sflag:s11] =	ssyncadd.s32 $0xFFFFF000  }
0x29: {  	_ =	swait.ge [sflag:s17], $0x1000  }
0x2a: {  	[sflag:s17] =	ssyncset.done $0x0  }
0x2b: {  	[sflag:s17] =	ssyncadd.s32 $0xFFFFF000  }
0x2c: {  	_ =	swait.ge [sflag:s18], $0x1000  }
0x2d: {  	[sflag:s18] =	ssyncset.done $0x0  }
0x2e: {  	[sflag:s18] =	ssyncadd.s32 $0xFFFFF000  }
0x2f: {  	[bflag:$0x0] =	sbarrier.arrive $0xFFFF  }
0x30: {  	s7 =	rddreg [dreg:$0x6]  }
0x31: {  	s8 =	rddreg [dreg:$0x9]  }
0x32: {  	s4 =	rddreg [dreg:$0xb];
	s7 =	sor.u32 $0x1C11, s7  }
0x33: {  	[hbm:s8@s16], [sflag:s7] =	dma.strided [spmem:s4@s15], $0xA00, s14, $0x4   }
0x34: {  	s8 =	smov.u32 s4;
	s4 =	simm.s32 $0x11  }
0x35: {  	_ =	swait.ge [sflag:s4], $0xA00  }
0x36: {  	s13 =	rddreg [dreg:$0xe]  }
0x37: {  	s7 =	rddreg [dreg:$0xa];
	s13 =	sadd.s32 $0x1, s13  }
0x38: {  	p0 =	sne.s32 s13, s7  }
.Ltmp1:
0x39: {  	_ = 	snop;
	(pc) =	sbr.rel @!p0 .LBB2_5-.Ltmp1, $3  }
0x3a: {  	_ =	sdelay $0x1  }
0x3b: {  	[sflag:s4] =	ssyncset.done $0x0  }
0x3c: {  	[sflag:s4] =	ssyncadd.s32 $0xFFFFF600  }
.LBB2_1:
0x3d: {  	[dreg:$0xe] =	wrdreg s13  }
0x3e: {  	s7 =	simm.s32 $0x0;
	s13 =	rddreg [dreg:$0x4]  }
0x3f: {  	[tilespmem:s7], [sflag:$0x9] =	stream.linear.gather [hbm4b:s13+s7], $0x5000, $0x38;
	[tilespmem:$0x1C000] =	vst v63  }
0x40: {  	s4 =	smov.u32 s8;
	s8 =	rddreg [dreg:$0x5];
	s13 =	simm.s32 $0x5000  }
0x41: {  	[tilespmem:s13], [sflag:$0xA] =	stream.linear.gather [hbm4b:s8+s7], $0x5000, $0x38;
	[tilespmem:$0x1C000] =	vst v63  }
0x42: {  	s8 =	rddreg [dreg:$0x7]  }
0x43: {  	s13 =	rddreg [dreg:$0x8]  }
0x44: {  	[spmem:s4@s15], [sflag:s13] =	dma.strided [hbm:s8@s16], $0xA00, s14, $0x4   }
0x45: {  	s4 =	rddreg [dreg:$0xc]  }
0x46: {  	s13 =	rddreg [dreg:$0xd]  }
0x47: {  	[spmem:s13@s15], [sflag:s4] =	dma.strided [hbm:s8@s16], $0xA00, s14, $0x4   }
0x48: {  	_ =	swait.ge [sflag:s19], $0x5000  }
0x49: {  	[sflag:s19] =	ssyncset.done $0x0  }
0x4a: {  	[sflag:s19] =	ssyncadd.s32 $0xFFFFB000  }
0x4b: {  	_ =	swait.ge [sflag:s20], $0x5000  }
0x4c: {  	[sflag:s20] =	ssyncset.done $0x0  }
0x4d: {  	[sflag:s20] =	ssyncadd.s32 $0xFFFFB000  }
0x4e: {  	_ =	swait.ge [sflag:s21], $0xA00  }
0x4f: {  	[sflag:s21] =	ssyncset.done $0x0  }
0x50: {  	[sflag:s21] =	ssyncadd.s32 $0xFFFFF600  }
0x51: {  	_ =	swait.ge [sflag:s22], $0xA00  }
0x52: {  	[sflag:s22] =	ssyncset.done $0x0  }
0x53: {  	[sflag:s22] =	ssyncadd.s32 $0xFFFFF600  }
0x54: {  	[bflag:$0x0] =	sbarrier.arrive $0xFFFF  }
0x55: {  	[tilespmem:s24], [sflag:$0x1] =	stream.indirect.gather [spmem:s3], $0x20, s7, s23, $0xb8;
	[tilespmem:$0x1C000] =	vst v63  }
0x56: {  	_ = 	snop  }
0x57: {  	[tilespmem:s25], [sflag:$0x2] =	stream.indirect.gather [spmem:s3], $0x20, s23, s23, $0xb8;
	[tilespmem:$0x1C000] =	vst v63  }
0x58: {  	s7 =	simm.s32 $0x100  }
0x59: {  	[tilespmem:s28], [sflag:$0x3] =	stream.indirect.gather [spmem:s3], $0x20, s7, s23, $0xb8;
	[tilespmem:$0x1C000] =	vst v63  }
0x5a: {  	s8 =	simm.s32 $0x180  }
0x5b: {  	[tilespmem:s30], [sflag:$0x4] =	stream.indirect.gather [spmem:s3], $0x20, s8, s23, $0xb8;
	[tilespmem:$0x1C000] =	vst v63  }
0x5c: {  	s13 =	simm.s32 $0x200  }
0x5d: {  	[tilespmem:s0], [sflag:$0x5] =	stream.indirect.gather [spmem:s3], $0x20, s13, s23, $0xb8;
	[tilespmem:$0x1C000] =	vst v63  }
0x5e: {  	s7 =	simm.s32 $0x280  }
0x5f: {  	[tilespmem:s12], [sflag:$0x6] =	stream.indirect.gather [spmem:s3], $0x20, s7, s23, $0xb8;
	[tilespmem:$0x1C000] =	vst v63  }
0x60: {  	s8 =	simm.s32 $0x300  }
0x61: {  	[tilespmem:s29], [sflag:$0x7] =	stream.indirect.gather [spmem:s3], $0x20, s8, s23, $0xb8;
	[tilespmem:$0x1C000] =	vst v63  }
0x62: {  	s13 =	simm.s32 $0x380;
	s7 =	simm.s32 $0x0  }
0x63: {  	[tilespmem:s1], [sflag:$0x8] =	stream.indirect.gather [spmem:s3], $0x20, s13, s23, $0xb8;
	[tilespmem:$0x1C000] =	vst v63  }
.LBB2_2:
0x64: {  	_ =	swait.ge [sflag:s14], $0x1000  }
0x65: {  	s8 =	sshra.s32 s7, $0x2;
	[sflag:s14] =	ssyncset.done $0x0  }
0x66: {  	s13 =	sadd.s32 $0x5000, s8;
	[sflag:s14] =	ssyncadd.s32 $0xFFFFF000  }
0x67: {  	[spmem:s2] =	stream.indirect.scatter.add.f32 [tilespmem:s24], [sflag:$0x9], $0x20, s13, s23, $0xb8;
	[tilespmem:$0x1C000] =	vst v63  }
0x68: {  	_ =	swait.ge [sflag:s26], $0x1000  }
0x69: {  	[sflag:s26] =	ssyncset.done $0x0  }
0x6a: {  	s4 =	sadd.s32 $0x5080, s8;
	[sflag:s26] =	ssyncadd.s32 $0xFFFFF000  }
0x6b: {  	[spmem:s2] =	stream.indirect.scatter.add.f32 [tilespmem:s25], [sflag:$0xA], $0x20, s4, s23, $0xb8;
	[tilespmem:$0x1C000] =	vst v63  }
0x6c: {  	_ =	swait.ge [sflag:s31], $0x1000  }
0x6d: {  	[sflag:s31] =	ssyncset.done $0x0  }
0x6e: {  	s4 =	sadd.s32 $0x5100, s8;
	[sflag:s31] =	ssyncadd.s32 $0xFFFFF000  }
0x6f: {  	[spmem:s2] =	stream.indirect.scatter.add.f32 [tilespmem:s28], [sflag:$0xB], $0x20, s4, s23, $0xb8;
	[tilespmem:$0x1C000] =	vst v63  }
0x70: {  	_ =	swait.ge [sflag:s15], $0x1000  }
0x71: {  	[sflag:s15] =	ssyncset.done $0x0  }
0x72: {  	s4 =	sadd.s32 $0x5180, s8;
	[sflag:s15] =	ssyncadd.s32 $0xFFFFF000  }
0x73: {  	[spmem:s2] =	stream.indirect.scatter.add.f32 [tilespmem:s30], [sflag:$0xC], $0x20, s4, s23, $0xb8;
	[tilespmem:$0x1C000] =	vst v63  }
0x74: {  	_ =	swait.ge [sflag:s5], $0x1000  }
0x75: {  	[sflag:s5] =	ssyncset.done $0x0  }
0x76: {  	s4 =	sadd.s32 $0x5200, s8;
	[sflag:s5] =	ssyncadd.s32 $0xFFFFF000  }
0x77: {  	[spmem:s2] =	stream.indirect.scatter.add.f32 [tilespmem:s0], [sflag:$0xD], $0x20, s4, s23, $0xb8;
	[tilespmem:$0x1C000] =	vst v63  }
0x78: {  	_ =	swait.ge [sflag:s6], $0x1000  }
0x79: {  	[sflag:s6] =	ssyncset.done $0x0  }
0x7a: {  	s4 =	sadd.s32 $0x5280, s8;
	[sflag:s6] =	ssyncadd.s32 $0xFFFFF000  }
0x7b: {  	[spmem:s2] =	stream.indirect.scatter.add.f32 [tilespmem:s12], [sflag:$0xE], $0x20, s4, s23, $0xb8;
	[tilespmem:$0x1C000] =	vst v63  }
0x7c: {  	_ =	swait.ge [sflag:s9], $0x1000  }
0x7d: {  	[sflag:s9] =	ssyncset.done $0x0  }
0x7e: {  	s4 =	sadd.s32 $0x5300, s8;
	[sflag:s9] =	ssyncadd.s32 $0xFFFFF000  }
0x7f: {  	[spmem:s2] =	stream.indirect.scatter.add.f32 [tilespmem:s29], [sflag:$0xF], $0x20, s4, s23, $0xb8;
	[tilespmem:$0x1C000] =	vst v63  }
0x80: {  	_ =	swait.ge [sflag:s16], $0x1000  }
0x81: {  	p0 =	seq.s32 s7, $0x13000;
	[sflag:s16] =	ssyncset.done $0x0  }
.Ltmp2:
0x82: {  	s4 =	sadd.s32 $0x5380, s8;
	[sflag:s16] =	ssyncadd.s32 $0xFFFFF000;
	(pc) =	sbr.rel @p0 .LBB2_4-.Ltmp2, $4  }
0x83: {  	[spmem:s2] =	stream.indirect.scatter.add.f32 [tilespmem:s1], [sflag:$0x10], $0x20, s4, s23, $0xb8;
	[tilespmem:$0x1C000] =	vst v63  }
0x84: {  	_ =	swait.ge [sflag:s19], $0x1000  }
0x85: {  	[sflag:s19] =	ssyncset.done $0x0  }
0x86: {  	[sflag:s19] =	ssyncadd.s32 $0xFFFFF000  }
0x87: {  	s13 =	sadd.s32 $0x400, s8  }
0x88: {  	[tilespmem:s24], [sflag:$0x1] =	stream.indirect.gather [spmem:s3], $0x20, s13, s23, $0xb8;
	[tilespmem:$0x1C000] =	vst v63  }
0x89: {  	_ =	swait.ge [sflag:s20], $0x1000  }
0x8a: {  	[sflag:s20] =	ssyncset.done $0x0  }
0x8b: {  	s4 =	sadd.s32 $0x480, s8;
	[sflag:s20] =	ssyncadd.s32 $0xFFFFF000  }
0x8c: {  	[tilespmem:s25], [sflag:$0x2] =	stream.indirect.gather [spmem:s3], $0x20, s4, s23, $0xb8;
	[tilespmem:$0x1C000] =	vst v63  }
0x8d: {  	_ =	swait.ge [sflag:s21], $0x1000  }
0x8e: {  	[sflag:s21] =	ssyncset.done $0x0  }
0x8f: {  	s4 =	sadd.s32 $0x500, s8;
	[sflag:s21] =	ssyncadd.s32 $0xFFFFF000  }
0x90: {  	[tilespmem:s28], [sflag:$0x3] =	stream.indirect.gather [spmem:s3], $0x20, s4, s23, $0xb8;
	[tilespmem:$0x1C000] =	vst v63  }
0x91: {  	_ =	swait.ge [sflag:s22], $0x1000  }
0x92: {  	[sflag:s22] =	ssyncset.done $0x0  }
0x93: {  	s4 =	sadd.s32 $0x580, s8;
	[sflag:s22] =	ssyncadd.s32 $0xFFFFF000  }
0x94: {  	[tilespmem:s30], [sflag:$0x4] =	stream.indirect.gather [spmem:s3], $0x20, s4, s23, $0xb8;
	[tilespmem:$0x1C000] =	vst v63  }
0x95: {  	_ =	swait.ge [sflag:s10], $0x1000  }
0x96: {  	[sflag:s10] =	ssyncset.done $0x0  }
0x97: {  	s4 =	sadd.s32 $0x600, s8;
	[sflag:s10] =	ssyncadd.s32 $0xFFFFF000  }
0x98: {  	[tilespmem:s0], [sflag:$0x5] =	stream.indirect.gather [spmem:s3], $0x20, s4, s23, $0xb8;
	[tilespmem:$0x1C000] =	vst v63  }
0x99: {  	_ =	swait.ge [sflag:s11], $0x1000  }
0x9a: {  	[sflag:s11] =	ssyncset.done $0x0  }
0x9b: {  	s4 =	sadd.s32 $0x680, s8;
	[sflag:s11] =	ssyncadd.s32 $0xFFFFF000  }
0x9c: {  	[tilespmem:s12], [sflag:$0x6] =	stream.indirect.gather [spmem:s3], $0x20, s4, s23, $0xb8;
	[tilespmem:$0x1C000] =	vst v63  }
0x9d: {  	_ =	swait.ge [sflag:s17], $0x1000  }
0x9e: {  	[sflag:s17] =	ssyncset.done $0x0  }
0x9f: {  	s4 =	sadd.s32 $0x700, s8;
	[sflag:s17] =	ssyncadd.s32 $0xFFFFF000  }
0xa0: {  	[tilespmem:s29], [sflag:$0x7] =	stream.indirect.gather [spmem:s3], $0x20, s4, s23, $0xb8;
	[tilespmem:$0x1C000] =	vst v63  }
.Ltmp3:
0xa1: {  	_ = 	snop;
	(pc) =	sbr.rel .LBB2_2-.Ltmp3, $4  }
0xa2: {  	_ =	swait.ge [sflag:s18], $0x1000  }
0xa3: {  	[sflag:s18] =	ssyncset.done $0x0  }
0xa4: {  	s7 =	sadd.s32 $0x1000, s7;
	s13 =	sadd.s32 $0x780, s8;
	[sflag:s18] =	ssyncadd.s32 $0xFFFFF000  }
0xa5: {  	[tilespmem:s1], [sflag:$0x8] =	stream.indirect.gather [spmem:s3], $0x20, s13, s23, $0xb8;
	[tilespmem:$0x1C000] =	vst v63  }
.LBB2_5:
0xa6: {  	_ =	sfence.sel $0x180000  }
0xa7: {  	[bflag:$0x0] =	sbarrier.arrive $0xFFFF  }
0xa8: {  	_ =	strace $0x90000050  }
0xa9: {  	s0 =	stileid.u32;
	[bflag:$0x2] =	sbarrier.arrive $0xFFFF  }
0xaa: {  	p0 =	sne.s32 s0, $0x0;
	s0 =	rddreg [dreg:$0x3]  }
0xab: {  	s0 =	sadd.s32 @!p0 $0x100000, s0  }
0xac: {  	[sflag:s0] =	ssyncadd.tile.s32 @!p0 $0x1;
	_ =	shalt  }
.Lfunc_end2:
_tile_overlayer_lowered:
.L_overlay_start_2:
0xad: {  	(tag) =	ssettag $0x2  }
0xae: {  	s0 =	rddreg [dreg:$0x0];
	s2 =	stileid.u32  }
0xaf: {  	s1 =	rddreg [dreg:$0x1];
	p0 =	sne.s32 s2, $0x0  }
0xb0: {  	s3 =	rddreg [dreg:$0x2];
	[bflag:$0x3] =	sbarrier.arrive $0xFFFF;
	s2 =	simm.s32 @!p0 $0x1C11  }
0xb1: {  	[timem:s3], [sflag:s2] =	dma.local @!p0 [hbm:s0], s1  }
0xb2: {  	s0 =	simm.s32 @!p0 $0x11  }
0xb3: {  	_ =	swait.ge @!p0 [sflag:s0], s1  }
0xb4: {  	s1 =	ssub.s32 @!p0 $0x0, s1;
	[sflag:s0] =	ssyncset.done @!p0 $0x0  }
0xb5: {  	[sflag:s0] =	ssyncadd.s32 @!p0 s1  }
0xb6: {  	[bflag:$0x3] =	sbarrier.arrive $0xFFFF  }
0xb7: {  	_ =	shalt  }

// kernel: kernel.24.cloned.1.call-start
scs
__scs_entry_jumppad:
0x0: {  	(pc) =	sbr.rel $0x88, $3  }
0x1: {  	(tag) =	ssettag $0x0;
	lr =	simm.s32 $0x1  }
0x2: {  	[smem:$0x3F95] =	sst lr;
	_ =	strace $0xD0000000  }
0x3: {  	_ = 	snop  }
0x4: {  	_ = 	snop  }
0x5: {  	_ = 	snop  }
0x6: {  	_ = 	snop  }
0x7: {  	_ = 	snop  }
__scs_overlays_trampoline_lowered:
0x8: {  	[smem:$0x3FA4] =	sst s0  }
0x9: {  	[smem:$0x3FA5] =	sst s1  }
0xa: {  	[smem:$0x3FA6] =	sst s2  }
0xb: {  	[smem:$0x3FA7] =	sst s3  }
0xc: {  	[smem:$0x3FA8] =	sst s4  }
0xd: {  	[smem:$0x3FA9] =	sst s5  }
0xe: {  	[smem:$0x3FAA] =	sst s6  }
0xf: {  	[smem:$0x3FAB] =	sst s7  }
0x10: {  	[smem:$0x3FAC] =	sst s8  }
0x11: {  	[smem:$0x3FAD] =	sst s9;
	s0 =	simm.s32 @!p0 $0x0  }
0x12: {  	s1 =	sld [smem:$0x3F93];
	s0 =	simm.s32 @p0 $0x1  }
0x13: {  	[smem:$0x3FAE] =	sst s0;
	s0 =	simm.s32 @!p1 $0x0  }
0x14: {  	s2 =	sld [smem:$0x3F92];
	s0 =	simm.s32 @p1 $0x1  }
0x15: {  	[smem:$0x3FAF] =	sst s0;
	s0 =	simm.s32 @!p2 $0x0  }
0x16: {  	s3 =	sld [smem:$0x3FDB];
	s0 =	simm.s32 @p2 $0x1  }
0x17: {  	s4 =	simm.s32 $0x1BF5;
	[smem:$0x3FB1] =	sst s0  }
0x18: {  	s0 =	sld [smem:$0x3F94];
	_ =	swait.ge [sflag:s4], $0x0  }
0x19: {  	s7 =	sld [smem:$0x3F95]  }
0x1a: {  	s8 =	sadd.s32 $0xFFFFE003, lr  }
0x1b: {  	s9 =	sadd.s32 $0xFFFFFEF7, lr;
	s5 =	simm.s32 $0xFFFFFFFF;
	p2 =	slt.u32 s8, $0xFFFFF086  }
0x1c: {  	p1 =	slt.u32 s9, $0xF7A;
	s5 =	simm.s32 @!p2 $0x0  }
0x1d: {  	s5 =	simm.s32 @p1 $0x1;
	p0 =	seq.s32 s7, s2  }
0x1e: {  	s7 =	smul.u32 @!p0 $0xF7A, s2;
	p2 =	seq.s32 @!p0 s5, $0x0  }
0x1f: {  	s9 =	smul.u32 $0xF7A, s1;
	s8 =	simm.s32 @!p0 $0x1BF5;
	p2 =	por !p2, p0  }
0x20: {  	[sflag:s8] =	ssyncset.s32 @!p0 $0xFFFFF086;
	s6 =	sadd.s32 @!p0 s3, s7;
	s7 =	simm.s32 @!p0 $0x108  }
0x21: {  	s3 =	sadd.s32 s3, s9;
	s6 =	sadd.s32 @!p0 $0x88, s6;
	s7 =	simm.s32 @p2 $0x1082  }
0x22: {  	[simem:s7], [sflag:s8] =	dma.local @!p0 [hbm:s6], $0xF7A  }
0x23: {  	s9 =	sor.u32 $0xD0000000, s2;
	s6 =	simm.s32 $0x108;
	_ =	swait.ge @!p0 [sflag:s8], $0x0  }
0x24: {  	s3 =	sadd.s32 $0x88, s3;
	s6 =	simm.s32 @!p1 $0x1082;
	[sflag:s4] =	ssyncset.s32 $0xFFFFF086  }
0x25: {  	[simem:s6], [sflag:s4] =	dma.local [hbm:s3], $0xF7A  }
0x26: {  	[smem:$0x3F95] =	sst s1;
	(tag) =	ssettag s2;
	_ =	strace s9  }
0x27: {  	s1 =	sld [smem:$0x3FA5]  }
0x28: {  	s2 =	sld [smem:$0x3FA6]  }
0x29: {  	s4 =	sld [smem:$0x3FA8]  }
0x2a: {  	p0 =	seq.s32 s5, $0x0;
	s5 =	sld [smem:$0x3FA9]  }
0x2b: {  	s6 =	sld [smem:$0x3FAA]  }
0x2c: {  	s7 =	sld [smem:$0x3FAB]  }
0x2d: {  	s3 =	simm.s32 $0x108;
	s8 =	sld [smem:$0x3FAC]  }
0x2e: {  	s3 =	simm.s32 @!p0 $0x1082;
	s9 =	sld [smem:$0x3FAD]  }
0x2f: {  	lr =	sadd.s32 s0, s3;
	s0 =	sld [smem:$0x3FA4]  }
0x30: {  	s3 =	sld [smem:$0x3FA7]  }
0x31: {  	[smem:$0x3FB0] =	sst s10  }
0x32: {  	s10 =	sld [smem:$0x3FAE];
	_ =	sdelay $0x3  }
0x33: {  	p0 =	seq.s32 s10, $0x1;
	s10 =	sld [smem:$0x3FB0];
	_ =	sdelay $0x3  }
0x34: {  	[smem:$0x3FB0] =	sst s10  }
0x35: {  	s10 =	sld [smem:$0x3FAF];
	_ =	sdelay $0x3  }
0x36: {  	p1 =	seq.s32 s10, $0x1;
	s10 =	sld [smem:$0x3FB0];
	_ =	sdelay $0x3  }
0x37: {  	[smem:$0x3FB0] =	sst s10  }
0x38: {  	s10 =	sld [smem:$0x3FB1]  }
0x39: {  	_ = 	snop;
	(pc) =	sbr.ind lr, $3  }
0x3a: {  	_ = 	snop  }
0x3b: {  	_ = 	snop  }
0x3c: {  	p2 =	seq.s32 s10, $0x1;
	s10 =	sld [smem:$0x3FB0]  }
0x3d: {  	_ =	shalt  }
0x3e: {  	_ =	shalt  }
0x3f: {  	_ =	shalt  }
0x40: {  	_ =	shalt  }
0x41: {  	_ =	shalt  }
0x42: {  	_ =	shalt  }
0x43: {  	_ =	shalt  }
0x44: {  	_ =	shalt  }
0x45: {  	_ =	shalt  }
0x46: {  	_ =	shalt  }
0x47: {  	_ =	shalt  }
0x48: {  	_ =	shalt  }
0x49: {  	_ =	shalt  }
0x4a: {  	_ =	shalt  }
0x4b: {  	_ =	shalt  }
0x4c: {  	_ =	shalt  }
0x4d: {  	_ =	shalt  }
0x4e: {  	_ =	shalt  }
0x4f: {  	_ =	shalt  }
0x50: {  	_ =	shalt  }
0x51: {  	_ =	shalt  }
0x52: {  	_ =	shalt  }
0x53: {  	_ =	shalt  }
0x54: {  	_ =	shalt  }
0x55: {  	_ =	shalt  }
0x56: {  	_ =	shalt  }
0x57: {  	_ =	shalt  }
0x58: {  	_ =	shalt  }
0x59: {  	_ =	shalt  }
0x5a: {  	_ =	shalt  }
0x5b: {  	_ =	shalt  }
0x5c: {  	_ =	shalt  }
0x5d: {  	_ =	shalt  }
0x5e: {  	_ =	shalt  }
0x5f: {  	_ =	shalt  }
0x60: {  	_ =	shalt  }
0x61: {  	_ =	shalt  }
0x62: {  	_ =	shalt  }
0x63: {  	_ =	shalt  }
0x64: {  	_ =	shalt  }
0x65: {  	_ =	shalt  }
0x66: {  	_ =	shalt  }
0x67: {  	_ =	shalt  }
0x68: {  	_ =	shalt  }
0x69: {  	_ =	shalt  }
0x6a: {  	_ =	shalt  }
0x6b: {  	_ =	shalt  }
0x6c: {  	_ =	shalt  }
0x6d: {  	_ =	shalt  }
0x6e: {  	_ =	shalt  }
0x6f: {  	_ =	shalt  }
0x70: {  	_ =	shalt  }
0x71: {  	_ =	shalt  }
0x72: {  	_ =	shalt  }
0x73: {  	_ =	shalt  }
0x74: {  	_ =	shalt  }
0x75: {  	_ =	shalt  }
0x76: {  	_ =	shalt  }
0x77: {  	_ =	shalt  }
0x78: {  	_ =	shalt  }
0x79: {  	_ =	shalt  }
0x7a: {  	_ =	shalt  }
0x7b: {  	_ =	shalt  }
0x7c: {  	_ =	shalt  }
0x7d: {  	_ =	shalt  }
0x7e: {  	_ =	shalt  }
0x7f: {  	_ =	shalt  }
0x80: {  	_ =	shalt  }
0x81: {  	_ =	shalt  }
0x82: {  	_ =	shalt  }
0x83: {  	_ =	shalt  }
0x84: {  	_ =	shalt  }
0x85: {  	_ =	shalt  }
0x86: {  	_ =	shalt  }
0x87: {  	_ =	shalt  }
.Lfunc_end0:
.L_simem_size_0:
called_computation.4_lowered:
.L_overlay_start_0:
0x88: {  	s2 =	sld [smem:$0x3FD9]  }
0x89: {  	s3 =	sld [smem:$0x3FFE];
	_ =	sdelay $0x1  }
0x8a: {  	s1 =	srdreg.scid  }
0x8b: {  	s0 =	sand.u32 $0x1, s1  }
0x8c: {  	s16 =	sshll.u32 s0, $0xA;
	s2 =	sadd.s32 s3, s2  }
0x8d: {  	s2 =	sadd.s32 s2, s16  }
0x8e: {  	[smem:$0x3FBC] =	sst s2  }
0x8f: {  	_ = 	snop  }
0x90: {  	(tm) =	ssettm $0x1  }
0x91: {  	s17 =	sld [smem:$0x3FFB];
	_ =	sdelay $0x3  }
0x92: {  	_ =	strace s17  }
0x93: {  	s2 =	sld [smem:$0x3FFC];
	_ =	sdelay $0x3  }
0x94: {  	_ =	strace s2  }
0x95: {  	s2 =	sld [smem:$0x3FFD];
	_ =	sdelay $0x3  }
0x96: {  	_ =	strace s2  }
0x97: {  	_ =	strace $0x8FFFFFFF  }
0x98: {  	s18 =	sld [smem:$0x3FDB];
	_ =	sdelay $0x1  }
0x99: {  	s19 =	simm.s32 $_scs_section_size  }
0x9a: {  	s4 =	simm.s32 $_size__tile_overlayer_lowered;
	s5 =	simm.s32 $_tile_overlayer_lowered  }
0x9b: {  	s22 =	simm.s32 $0x1BFF;
	s21 =	sshll.u32 s5, $0x1;
	s2 =	sadd.s32 s19, s18  }
0x9c: {  	s6 =	simm.s32 $0x0;
	s20 =	sshll.u32 s4, $0x1;
	s4 =	sadd.s32 s21, s2  }
0x9d: {  	[timem:s6], [sflag:s22] =	dma.local [hbm:s4], s20  }
0x9e: {  	_ =	swait.ge [sflag:s22], s20  }
0x9f: {  	s3 =	ssub.s32 $0x0, s20;
	[sflag:s22] =	ssyncset.done $0x0  }
0xa0: {  	[sflag:s22] =	ssyncadd.s32 s3;
	_ =	sdelay $0x1  }
0xa1: {  	s23 =	simm.s32 $0x1B8B  }
0xa2: {  	_ =	swait.ge [sflag:s23], $0x1  }
0xa3: {  	[sflag:s23] =	ssyncset.done $0x0  }
0xa4: {  	s25 =	simm.s32 $0x1B8E;
	s24 =	sld [smem:$0x3FFE];
	[sflag:s23] =	ssyncadd.s32 $0xFFFFFFFF  }
0xa5: {  	s26 =	simm.s32 $execute0_lowered;
	[smem:$0x3FD2] =	sst s25  }
0xa6: {  	s4 =	sshll.u32 s26, $0x1;
	_ =	strace $0x80000052;
	[dreg:$0x1] =	wrdreg $0xFFFFFFFF  }
0xa7: {  	s28 =	simm.s32 $_size_execute0_lowered;
	s2 =	sadd.s32 s2, s4;
	[dreg:$0x0] =	wrdreg $0x0  }
0xa8: {  	s4 =	sshll.u32 s28, $0x1;
	[dreg:$0x2] =	wrdreg s2  }
0xa9: {  	[dreg:$0x3] =	wrdreg s4  }
0xaa: {  	[dreg:$0x4] =	wrdreg $0xC0  }
0xab: {  	_ =	task [dreg:s6], $0x5FFFF  }
0xac: {  	[dreg:$0x1] =	wrdreg $0xFFFFFFFF  }
0xad: {  	[dreg:$0x0] =	wrdreg $0x60  }
0xae: {  	[dreg:$0x2] =	wrdreg s24  }
0xaf: {  	[dreg:$0x3] =	wrdreg $0x120000  }
0xb0: {  	[dreg:$0x4] =	wrdreg $0x170000  }
0xb1: {  	[dreg:$0x5] =	wrdreg $0x9  }
0xb2: {  	_ =	task.clear_ibuf [dreg:s6], $0x6FFFF;
	_ =	strace $0x90000052  }
0xb3: {  	s29 =	simm.s32 $0x9;
	_ =	strace $0x80000054  }
0xb4: {  	_ =	swait.ge [sflag:s29], $0x1  }
0xb5: {  	[sflag:s29] =	ssyncadd.s32 $0xFFFFFFFF  }
0xb6: {  	_ =	strace $0x90000054  }
0xb7: {  	_ =	sfence  }
0xb8: {  	s30 =	sld [smem:$0x0];
	_ =	sdelay $0x2  }
0xb9: {  	s31 =	sshll.u32 s1, $0xD;
	s1 =	sshrl.u32 s1, $0x2  }
0xba: {  	s3 =	sand.u32 $0x4000, s31;
	s1 =	sadd.s32 s1, s30  }
0xbb: {  	s0 =	sor.u32 s3, s0;
	s1 =	sshll.u32 s1, $0x11  }
0xbc: {  	s0 =	sor.u32 s1, s0  }
0xbd: {  	s0 =	sadd.s32 $0x8F2B, s0  }
0xbe: {  	[sflag:s0] =	ssyncadd.remote.s32 $0x1  }
0xbf: {  	_ =	sfence.sel $0xFFFF  }
0xc0: {  	[dreg:$0x0] =	wrdreg $0xFFFFFFFF;
	(pc) =	sbr.abs _section_cstart, $3  }
0xc1: {  	[dreg:$0x1] =	wrdreg $0xFFFFFFFF  }
0xc2: {  	_ =	task.clear_ibuf [dreg:s6], $0x2FFFF;
	_ =	strace $0x9FFFFFFF  }
0xc3: {  	(tm) =	ssettm $0x7FFFFFFF  }
tec
execute0_lowered:
.L_overlay_start_1:
0x0: {  	(tag) =	ssettag $0x1  }
0x1: {  	s0 =	rddreg [dreg:$0x0]  }
0x2: {  	s2 =	rddreg [dreg:$0x1]  }
0x3: {  	s3 =	rddreg [dreg:$0x2]  }
0x4: {  	s8 =	stileid.u32;
	s5 =	simm.s32 $0x0;
	s4 =	srdreg.scid  }
0x5: {  	s14 =	simm.s32 $0x1;
	s15 =	simm.s32 $0x4;
	s28 =	simm.s32 $0xC000  }
0x6: {  	s30 =	simm.s32 $0xD000;
	s12 =	simm.s32 $0xF000;
	s29 =	simm.s32 $0x10000  }
0x7: {  	s31 =	simm.s32 $0x3;
	s9 =	simm.s32 $0x7;
	s10 =	simm.s32 $0xD  }
0x8: {  	s11 =	simm.s32 $0xE;
	s13 =	simm.s32 $0x0;
	s1 =	smul.u32 $0xA00, s8  }
0x9: {  	[smem:$0x7FF] =	sst s5;
	s4 =	sand.u32 $0x1, s4;
	s16 =	smul.u32 $0xA000, s8  }
0xa: {  	s7 =	smul.u32 $0x5000, s8;
	s20 =	sshll.u32 s8, $0x6;
	_ =	strace $0x80000053  }
0xb: {  	s6 =	sshll.u32 s4, $0x5;
	s4 =	ssub.s32 $0x2, s4;
	s22 =	sor.u32 $0x1C0B, s20  }
0xc: {  	[dreg:$0x6] =	wrdreg s20;
	s25 =	sor.u32 $0x1C0C, s20;
	s20 =	simm.s32 $0xA  }
0xd: {  	s1 =	sadd.s32 s1, s0;
	s5 =	sor.u32 s6, s16;
	s17 =	sshrl.u32 s4, $0x1  }
0xe: {  	s19 =	sadd.s32 s7, s2;
	[dreg:$0x8] =	wrdreg s22;
	s23 =	sadd.s32 s7, s3  }
0xf: {  	s16 =	simm.s32 $0x8;
	[dreg:$0xc] =	wrdreg s25;
	s22 =	simm.s32 $0xC  }
0x10: {  	s25 =	simm.s32 $0xB000;
	s6 =	simm.s32 $0x6;
	s5 =	sshrl.u32 s5, $0x3  }
0x11: {  	s4 =	ssub.s32 s4, s17;
	s18 =	sadd.s32 $0x16C00, s1;
	s1 =	sadd.s32 $0x2C00, s1  }
0x12: {  	s8 =	sshrl.u32 s19, $0x3;
	s26 =	sshrl.u32 s23, $0x3;
	s19 =	simm.s32 $0x9  }
0x13: {  	s23 =	simm.s32 $0x80;
	s17 =	simm.s32 $0xF;
	[dreg:$0x4] =	wrdreg s18  }
0x14: {  	s0 =	sadd.s32 s5, s0;
	[dreg:$0x5] =	wrdreg s1;
	s24 =	smax.u32 s4, $0x1  }
.Ltmp0:
0x15: {  	[dreg:$0xd] =	wrdreg s26;
	s1 =	simm.s32 $0x11000;
	(pc) =	sbr.rel .LBB2_1-.Ltmp0, $4  }
0x16: {  	s26 =	simm.s32 $0x2;
	s5 =	simm.s32 $0x5;
	[dreg:$0xb] =	wrdreg s8  }
0x17: {  	s18 =	simm.s32 $0x10;
	s21 =	sadd.s32 $0x70C00, s0;
	[dreg:$0xa] =	wrdreg s24  }
0x18: {  	s0 =	sadd.s32 $0x84C00, s0;
	s24 =	simm.s32 $0xA000;
	[dreg:$0x7] =	wrdreg s21  }
0x19: {  	[dreg:$0x9] =	wrdreg s0;
	s21 =	simm.s32 $0xB;
	s0 =	simm.s32 $0xE000  }
.LBB2_4:
0x1a: {  	_ =	swait.ge [sflag:s20], $0x1000  }
0x1b: {  	[sflag:s20] =	ssyncset.done $0x0  }
0x1c: {  	[sflag:s20] =	ssyncadd.s32 $0xFFFFF000  }
0x1d: {  	_ =	swait.ge [sflag:s21], $0x1000  }
0x1e: {  	[sflag:s21] =	ssyncset.done $0x0  }
0x1f: {  	[sflag:s21] =	ssyncadd.s32 $0xFFFFF000  }
0x20: {  	_ =	swait.ge [sflag:s22], $0x1000  }
0x21: {  	[sflag:s22] =	ssyncset.done $0x0  }
0x22: {  	[sflag:s22] =	ssyncadd.s32 $0xFFFFF000  }
0x23: {  	_ =	swait.ge [sflag:s10], $0x1000  }
0x24: {  	[sflag:s10] =	ssyncset.done $0x0  }
0x25: {  	[sflag:s10] =	ssyncadd.s32 $0xFFFFF000  }
0x26: {  	_ =	swait.ge [sflag:s11], $0x1000  }
0x27: {  	[sflag:s11] =	ssyncset.done $0x0  }
0x28: {  	[sflag:s11] =	ssyncadd.s32 $0xFFFFF000  }
0x29: {  	_ =	swait.ge [sflag:s17], $0x1000  }
0x2a: {  	[sflag:s17] =	ssyncset.done $0x0  }
0x2b: {  	[sflag:s17] =	ssyncadd.s32 $0xFFFFF000  }
0x2c: {  	_ =	swait.ge [sflag:s18], $0x1000  }
0x2d: {  	[sflag:s18] =	ssyncset.done $0x0  }
0x2e: {  	[sflag:s18] =	ssyncadd.s32 $0xFFFFF000  }
0x2f: {  	[bflag:$0x0] =	sbarrier.arrive $0xFFFF  }
0x30: {  	s7 =	rddreg [dreg:$0x6]  }
0x31: {  	s8 =	rddreg [dreg:$0x9]  }
0x32: {  	s4 =	rddreg [dreg:$0xb];
	s7 =	sor.u32 $0x1C11, s7  }
0x33: {  	[hbm:s8@s16], [sflag:s7] =	dma.strided [spmem:s4@s15], $0xA00, s14, $0x4   }
0x34: {  	s8 =	smov.u32 s4;
	s4 =	simm.s32 $0x11  }
0x35: {  	_ =	swait.ge [sflag:s4], $0xA00  }
0x36: {  	s13 =	rddreg [dreg:$0xe]  }
0x37: {  	s7 =	rddreg [dreg:$0xa];
	s13 =	sadd.s32 $0x1, s13  }
0x38: {  	p0 =	sne.s32 s13, s7  }
.Ltmp1:
0x39: {  	_ = 	snop;
	(pc) =	sbr.rel @!p0 .LBB2_5-.Ltmp1, $3  }
0x3a: {  	_ =	sdelay $0x1  }
0x3b: {  	[sflag:s4] =	ssyncset.done $0x0  }
0x3c: {  	[sflag:s4] =	ssyncadd.s32 $0xFFFFF600  }
.LBB2_1:
0x3d: {  	[dreg:$0xe] =	wrdreg s13  }
0x3e: {  	s7 =	simm.s32 $0x0;
	s13 =	rddreg [dreg:$0x4]  }
0x3f: {  	[tilespmem:s7], [sflag:$0x9] =	stream.linear.gather [hbm4b:s13+s7], $0x5000, $0x38;
	[tilespmem:$0x1C000] =	vst v63  }
0x40: {  	s4 =	smov.u32 s8;
	s8 =	rddreg [dreg:$0x5];
	s13 =	simm.s32 $0x5000  }
0x41: {  	[tilespmem:s13], [sflag:$0xA] =	stream.linear.gather [hbm4b:s8+s7], $0x5000, $0x38;
	[tilespmem:$0x1C000] =	vst v63  }
0x42: {  	s8 =	rddreg [dreg:$0x7]  }
0x43: {  	s13 =	rddreg [dreg:$0x8]  }
0x44: {  	[spmem:s4@s15], [sflag:s13] =	dma.strided [hbm:s8@s16], $0xA00, s14, $0x4   }
0x45: {  	s4 =	rddreg [dreg:$0xc]  }
0x46: {  	s13 =	rddreg [dreg:$0xd]  }
0x47: {  	[spmem:s13@s15], [sflag:s4] =	dma.strided [hbm:s8@s16], $0xA00, s14, $0x4   }
0x48: {  	_ =	swait.ge [sflag:s19], $0x5000  }
0x49: {  	[sflag:s19] =	ssyncset.done $0x0  }
0x4a: {  	[sflag:s19] =	ssyncadd.s32 $0xFFFFB000  }
0x4b: {  	_ =	swait.ge [sflag:s20], $0x5000  }
0x4c: {  	[sflag:s20] =	ssyncset.done $0x0  }
0x4d: {  	[sflag:s20] =	ssyncadd.s32 $0xFFFFB000  }
0x4e: {  	_ =	swait.ge [sflag:s21], $0xA00  }
0x4f: {  	[sflag:s21] =	ssyncset.done $0x0  }
0x50: {  	[sflag:s21] =	ssyncadd.s32 $0xFFFFF600  }
0x51: {  	_ =	swait.ge [sflag:s22], $0xA00  }
0x52: {  	[sflag:s22] =	ssyncset.done $0x0  }
0x53: {  	[sflag:s22] =	ssyncadd.s32 $0xFFFFF600  }
0x54: {  	[bflag:$0x0] =	sbarrier.arrive $0xFFFF  }
0x55: {  	[tilespmem:s24], [sflag:$0x1] =	stream.indirect.gather [spmem:s3], $0x20, s7, s23, $0xb8;
	[tilespmem:$0x1C000] =	vst v63  }
0x56: {  	_ = 	snop  }
0x57: {  	[tilespmem:s25], [sflag:$0x2] =	stream.indirect.gather [spmem:s3], $0x20, s23, s23, $0xb8;
	[tilespmem:$0x1C000] =	vst v63  }
0x58: {  	s7 =	simm.s32 $0x100  }
0x59: {  	[tilespmem:s28], [sflag:$0x3] =	stream.indirect.gather [spmem:s3], $0x20, s7, s23, $0xb8;
	[tilespmem:$0x1C000] =	vst v63  }
0x5a: {  	s8 =	simm.s32 $0x180  }
0x5b: {  	[tilespmem:s30], [sflag:$0x4] =	stream.indirect.gather [spmem:s3], $0x20, s8, s23, $0xb8;
	[tilespmem:$0x1C000] =	vst v63  }
0x5c: {  	s13 =	simm.s32 $0x200  }
0x5d: {  	[tilespmem:s0], [sflag:$0x5] =	stream.indirect.gather [spmem:s3], $0x20, s13, s23, $0xb8;
	[tilespmem:$0x1C000] =	vst v63  }
0x5e: {  	s7 =	simm.s32 $0x280  }
0x5f: {  	[tilespmem:s12], [sflag:$0x6] =	stream.indirect.gather [spmem:s3], $0x20, s7, s23, $0xb8;
	[tilespmem:$0x1C000] =	vst v63  }
0x60: {  	s8 =	simm.s32 $0x300  }
0x61: {  	[tilespmem:s29], [sflag:$0x7] =	stream.indirect.gather [spmem:s3], $0x20, s8, s23, $0xb8;
	[tilespmem:$0x1C000] =	vst v63  }
0x62: {  	s13 =	simm.s32 $0x380;
	s7 =	simm.s32 $0x0  }
0x63: {  	[tilespmem:s1], [sflag:$0x8] =	stream.indirect.gather [spmem:s3], $0x20, s13, s23, $0xb8;
	[tilespmem:$0x1C000] =	vst v63  }
.LBB2_2:
0x64: {  	_ =	swait.ge [sflag:s14], $0x1000  }
0x65: {  	s8 =	sshra.s32 s7, $0x2;
	[sflag:s14] =	ssyncset.done $0x0  }
0x66: {  	s13 =	sadd.s32 $0x5000, s8;
	[sflag:s14] =	ssyncadd.s32 $0xFFFFF000  }
0x67: {  	[spmem:s2] =	stream.indirect.scatter.add.f32 [tilespmem:s24], [sflag:$0x9], $0x20, s13, s23, $0xb8;
	[tilespmem:$0x1C000] =	vst v63  }
0x68: {  	_ =	swait.ge [sflag:s26], $0x1000  }
0x69: {  	[sflag:s26] =	ssyncset.done $0x0  }
0x6a: {  	s4 =	sadd.s32 $0x5080, s8;
	[sflag:s26] =	ssyncadd.s32 $0xFFFFF000  }
0x6b: {  	[spmem:s2] =	stream.indirect.scatter.add.f32 [tilespmem:s25], [sflag:$0xA], $0x20, s4, s23, $0xb8;
	[tilespmem:$0x1C000] =	vst v63  }
0x6c: {  	_ =	swait.ge [sflag:s31], $0x1000  }
0x6d: {  	[sflag:s31] =	ssyncset.done $0x0  }
0x6e: {  	s4 =	sadd.s32 $0x5100, s8;
	[sflag:s31] =	ssyncadd.s32 $0xFFFFF000  }
0x6f: {  	[spmem:s2] =	stream.indirect.scatter.add.f32 [tilespmem:s28], [sflag:$0xB], $0x20, s4, s23, $0xb8;
	[tilespmem:$0x1C000] =	vst v63  }
0x70: {  	_ =	swait.ge [sflag:s15], $0x1000  }
0x71: {  	[sflag:s15] =	ssyncset.done $0x0  }
0x72: {  	s4 =	sadd.s32 $0x5180, s8;
	[sflag:s15] =	ssyncadd.s32 $0xFFFFF000  }
0x73: {  	[spmem:s2] =	stream.indirect.scatter.add.f32 [tilespmem:s30], [sflag:$0xC], $0x20, s4, s23, $0xb8;
	[tilespmem:$0x1C000] =	vst v63  }
0x74: {  	_ =	swait.ge [sflag:s5], $0x1000  }
0x75: {  	[sflag:s5] =	ssyncset.done $0x0  }
0x76: {  	s4 =	sadd.s32 $0x5200, s8;
	[sflag:s5] =	ssyncadd.s32 $0xFFFFF000  }
0x77: {  	[spmem:s2] =	stream.indirect.scatter.add.f32 [tilespmem:s0], [sflag:$0xD], $0x20, s4, s23, $0xb8;
	[tilespmem:$0x1C000] =	vst v63  }
0x78: {  	_ =	swait.ge [sflag:s6], $0x1000  }
0x79: {  	[sflag:s6] =	ssyncset.done $0x0  }
0x7a: {  	s4 =	sadd.s32 $0x5280, s8;
	[sflag:s6] =	ssyncadd.s32 $0xFFFFF000  }
0x7b: {  	[spmem:s2] =	stream.indirect.scatter.add.f32 [tilespmem:s12], [sflag:$0xE], $0x20, s4, s23, $0xb8;
	[tilespmem:$0x1C000] =	vst v63  }
0x7c: {  	_ =	swait.ge [sflag:s9], $0x1000  }
0x7d: {  	[sflag:s9] =	ssyncset.done $0x0  }
0x7e: {  	s4 =	sadd.s32 $0x5300, s8;
	[sflag:s9] =	ssyncadd.s32 $0xFFFFF000  }
0x7f: {  	[spmem:s2] =	stream.indirect.scatter.add.f32 [tilespmem:s29], [sflag:$0xF], $0x20, s4, s23, $0xb8;
	[tilespmem:$0x1C000] =	vst v63  }
0x80: {  	_ =	swait.ge [sflag:s16], $0x1000  }
0x81: {  	p0 =	seq.s32 s7, $0x13000;
	[sflag:s16] =	ssyncset.done $0x0  }
.Ltmp2:
0x82: {  	s4 =	sadd.s32 $0x5380, s8;
	[sflag:s16] =	ssyncadd.s32 $0xFFFFF000;
	(pc) =	sbr.rel @p0 .LBB2_4-.Ltmp2, $4  }
0x83: {  	[spmem:s2] =	stream.indirect.scatter.add.f32 [tilespmem:s1], [sflag:$0x10], $0x20, s4, s23, $0xb8;
	[tilespmem:$0x1C000] =	vst v63  }
0x84: {  	_ =	swait.ge [sflag:s19], $0x1000  }
0x85: {  	[sflag:s19] =	ssyncset.done $0x0  }
0x86: {  	[sflag:s19] =	ssyncadd.s32 $0xFFFFF000  }
0x87: {  	s13 =	sadd.s32 $0x400, s8  }
0x88: {  	[tilespmem:s24], [sflag:$0x1] =	stream.indirect.gather [spmem:s3], $0x20, s13, s23, $0xb8;
	[tilespmem:$0x1C000] =	vst v63  }
0x89: {  	_ =	swait.ge [sflag:s20], $0x1000  }
0x8a: {  	[sflag:s20] =	ssyncset.done $0x0  }
0x8b: {  	s4 =	sadd.s32 $0x480, s8;
	[sflag:s20] =	ssyncadd.s32 $0xFFFFF000  }
0x8c: {  	[tilespmem:s25], [sflag:$0x2] =	stream.indirect.gather [spmem:s3], $0x20, s4, s23, $0xb8;
	[tilespmem:$0x1C000] =	vst v63  }
0x8d: {  	_ =	swait.ge [sflag:s21], $0x1000  }
0x8e: {  	[sflag:s21] =	ssyncset.done $0x0  }
0x8f: {  	s4 =	sadd.s32 $0x500, s8;
	[sflag:s21] =	ssyncadd.s32 $0xFFFFF000  }
0x90: {  	[tilespmem:s28], [sflag:$0x3] =	stream.indirect.gather [spmem:s3], $0x20, s4, s23, $0xb8;
	[tilespmem:$0x1C000] =	vst v63  }
0x91: {  	_ =	swait.ge [sflag:s22], $0x1000  }
0x92: {  	[sflag:s22] =	ssyncset.done $0x0  }
0x93: {  	s4 =	sadd.s32 $0x580, s8;
	[sflag:s22] =	ssyncadd.s32 $0xFFFFF000  }
0x94: {  	[tilespmem:s30], [sflag:$0x4] =	stream.indirect.gather [spmem:s3], $0x20, s4, s23, $0xb8;
	[tilespmem:$0x1C000] =	vst v63  }
0x95: {  	_ =	swait.ge [sflag:s10], $0x1000  }
0x96: {  	[sflag:s10] =	ssyncset.done $0x0  }
0x97: {  	s4 =	sadd.s32 $0x600, s8;
	[sflag:s10] =	ssyncadd.s32 $0xFFFFF000  }
0x98: {  	[tilespmem:s0], [sflag:$0x5] =	stream.indirect.gather [spmem:s3], $0x20, s4, s23, $0xb8;
	[tilespmem:$0x1C000] =	vst v63  }
0x99: {  	_ =	swait.ge [sflag:s11], $0x1000  }
0x9a: {  	[sflag:s11] =	ssyncset.done $0x0  }
0x9b: {  	s4 =	sadd.s32 $0x680, s8;
	[sflag:s11] =	ssyncadd.s32 $0xFFFFF000  }
0x9c: {  	[tilespmem:s12], [sflag:$0x6] =	stream.indirect.gather [spmem:s3], $0x20, s4, s23, $0xb8;
	[tilespmem:$0x1C000] =	vst v63  }
0x9d: {  	_ =	swait.ge [sflag:s17], $0x1000  }
0x9e: {  	[sflag:s17] =	ssyncset.done $0x0  }
0x9f: {  	s4 =	sadd.s32 $0x700, s8;
	[sflag:s17] =	ssyncadd.s32 $0xFFFFF000  }
0xa0: {  	[tilespmem:s29], [sflag:$0x7] =	stream.indirect.gather [spmem:s3], $0x20, s4, s23, $0xb8;
	[tilespmem:$0x1C000] =	vst v63  }
.Ltmp3:
0xa1: {  	_ = 	snop;
	(pc) =	sbr.rel .LBB2_2-.Ltmp3, $4  }
0xa2: {  	_ =	swait.ge [sflag:s18], $0x1000  }
0xa3: {  	[sflag:s18] =	ssyncset.done $0x0  }
0xa4: {  	s7 =	sadd.s32 $0x1000, s7;
	s13 =	sadd.s32 $0x780, s8;
	[sflag:s18] =	ssyncadd.s32 $0xFFFFF000  }
0xa5: {  	[tilespmem:s1], [sflag:$0x8] =	stream.indirect.gather [spmem:s3], $0x20, s13, s23, $0xb8;
	[tilespmem:$0x1C000] =	vst v63  }
.LBB2_5:
0xa6: {  	_ =	sfence.sel $0x180000  }
0xa7: {  	[bflag:$0x0] =	sbarrier.arrive $0xFFFF  }
0xa8: {  	_ =	strace $0x90000053  }
0xa9: {  	s0 =	stileid.u32;
	[bflag:$0x2] =	sbarrier.arrive $0xFFFF  }
0xaa: {  	p0 =	sne.s32 s0, $0x0;
	s0 =	rddreg [dreg:$0x3]  }
0xab: {  	s0 =	sadd.s32 @!p0 $0x100000, s0  }
0xac: {  	[sflag:s0] =	ssyncadd.tile.s32 @!p0 $0x1;
	_ =	shalt  }
.Lfunc_end2:
_tile_overlayer_lowered:
.L_overlay_start_2:
0xad: {  	(tag) =	ssettag $0x2  }
0xae: {  	s0 =	rddreg [dreg:$0x0];
	s2 =	stileid.u32  }
0xaf: {  	s1 =	rddreg [dreg:$0x1];
	p0 =	sne.s32 s2, $0x0  }
0xb0: {  	s3 =	rddreg [dreg:$0x2];
	[bflag:$0x3] =	sbarrier.arrive $0xFFFF;
	s2 =	simm.s32 @!p0 $0x1C11  }
0xb1: {  	[timem:s3], [sflag:s2] =	dma.local @!p0 [hbm:s0], s1  }
0xb2: {  	s0 =	simm.s32 @!p0 $0x11  }
0xb3: {  	_ =	swait.ge @!p0 [sflag:s0], s1  }
0xb4: {  	s1 =	ssub.s32 @!p0 $0x0, s1;
	[sflag:s0] =	ssyncset.done @!p0 $0x0  }
0xb5: {  	[sflag:s0] =	ssyncadd.s32 @!p0 s1  }
0xb6: {  	[bflag:$0x3] =	sbarrier.arrive $0xFFFF  }
0xb7: {  	_ =	shalt  }

</sc_bundles>
